<compile_context>
chip_gen: v7x
topology: tpu7x:2x2x1
jax: 0.10.2.dev20260603
libtpu: 0.0.44.dev20260713+nightly
codegen_flags: <defaults>
</compile_context>

<pallas_src>
import functools

import jax
import jax.numpy as jnp
from jax import lax
from jax.experimental import pallas as pl
from jax.experimental.pallas import tpu as pltpu
from jax.experimental.pallas import tpu_sc as plsc

NUM_CORES = 2
NUM_SUBCORES = 16
NUM_WORKERS = NUM_CORES * NUM_SUBCORES
LANES = 16

NUM_USERS = 1000
NUM_ITEMS = 1000000
BATCH = 16384
EMBED_DIM = 64
B_PER_W = BATCH // NUM_WORKERS
N_GROUPS = B_PER_W // LANES


def _body(items_hbm, uoff_hbm, utf_hbm, it_hbm, out_hbm,
          items_v, uoff_v, u_tab, i_rows, out_v, sem_a, sem_b, sem_u):
    c = lax.axis_index("c")
    s = lax.axis_index("s")
    wid = s * NUM_CORES + c
    base = wid * B_PER_W

    pltpu.sync_copy(items_hbm.at[pl.ds(base, B_PER_W)], items_v)
    pltpu.sync_copy(uoff_hbm.at[pl.ds(base, B_PER_W)], uoff_v)
    u_cp = pltpu.async_copy(utf_hbm, u_tab, sem_u)

    def issue(g, sem):
        def body(gg, _, sem=sem):
            iv = items_v[pl.ds(gg * LANES, LANES)]
            for k in range(LANES):
                r = gg * LANES + k
                pltpu.async_copy(it_hbm.at[iv[k] >> 3, pl.ds(iv[k] & 7, 1), :],
                                 i_rows.at[pl.ds(r, 1), :], sem)
            return 0
        return body

    lax.fori_loop(0, N_GROUPS // 2, issue(0, sem_a), 0)
    lax.fori_loop(N_GROUPS // 2, N_GROUPS, issue(0, sem_b), 0)
    u_cp.wait()

    last_lane = lax.iota(jnp.int32, LANES) == (LANES - 1)

    def pair_block(g, _):
        uo = uoff_v[pl.ds(g * LANES, LANES)]
        for k in range(LANES):
            r = g * LANES + k
            ub = uo[k]
            acc = (u_tab[pl.ds(ub, LANES)]
                   * i_rows[r, pl.ds(0, LANES)])
            for q in range(1, EMBED_DIM // LANES):
                acc = acc + (u_tab[pl.ds(ub + q * LANES, LANES)]
                             * i_rows[r, pl.ds(q * LANES, LANES)])
            csum = plsc.cumsum(acc)
            pos = jnp.zeros((LANES,), jnp.int32) + r
            plsc.store_scatter(out_v, [pos], csum, mask=last_lane)
        return 0

    for h, sem in ((0, sem_a), (1, sem_b)):
        for j in range(B_PER_W // 16):
            pltpu.make_async_copy(
                it_hbm.at[0, :, :],
                i_rows.at[pl.ds(h * (B_PER_W // 2) + j * 8, 8), :], sem).wait()
        lax.fori_loop(h * N_GROUPS // 2, (h + 1) * N_GROUPS // 2, pair_block, 0)

    pltpu.sync_copy(out_v, out_hbm.at[pl.ds(base, B_PER_W)])


def kernel(users, items, user_table, item_table):
    it3 = item_table.reshape(NUM_ITEMS // 8, 8, EMBED_DIM)
    utf = user_table.reshape(NUM_USERS * EMBED_DIM)
    uoff = users * EMBED_DIM
    mesh = plsc.VectorSubcoreMesh(core_axis_name="c", subcore_axis_name="s")
    run = pl.kernel(
        _body,
        out_type=jax.ShapeDtypeStruct((BATCH,), jnp.float32),
        mesh=mesh,
        scratch_types=[
            pltpu.VMEM((B_PER_W,), jnp.int32),
            pltpu.VMEM((B_PER_W,), jnp.int32),
            pltpu.VMEM((NUM_USERS * EMBED_DIM,), jnp.float32),
            pltpu.VMEM((B_PER_W, EMBED_DIM), jnp.float32),
            pltpu.VMEM((B_PER_W,), jnp.float32),
            pltpu.SemaphoreType.DMA,
            pltpu.SemaphoreType.DMA,
            pltpu.SemaphoreType.DMA,
        ],
        compiler_params=pltpu.CompilerParams(needs_layout_passes=False),
    )
    return run(items, uoff, utf, it3)

# --- scband reference (transcript-rebuilt; emitter-appended) ---
"""Pipeline reference for scband-bpr-54322746360498 (READ-ONLY COPY).

The authoritative reference and input builder live on the scoring server;
editing this copy changes nothing except your own understanding.
"""

import jax, jax.numpy as jnp
import numpy as np

NUM_USERS = 1000
NUM_ITEMS = 1000000
EMBED_DIM = 64
BATCH = 16384

def _xavier(key, shape):
    fan_in, fan_out = shape[1], shape[0]
    limit = float(np.sqrt(6.0 / (fan_in + fan_out)))
    return jax.random.uniform(key, shape, dtype=jnp.float32, minval=-limit, maxval=limit)

def setup_inputs(seed: int = 0) -> dict:
    key = jax.random.key(seed)
    k1, k2, k3, k4 = jax.random.split(key, 4)
    users = jax.random.randint(k1, (BATCH,), 0, NUM_USERS, dtype=jnp.int32)
    items = jax.random.randint(k2, (BATCH,), 0, NUM_ITEMS, dtype=jnp.int32)
    user_table = _xavier(k3, (NUM_USERS, EMBED_DIM))
    item_table = _xavier(k4, (NUM_ITEMS, EMBED_DIM))
    return {"users": users, "items": items, "user_table": user_table, "item_table": item_table}

def reference(users, items, user_table, item_table):
    # embedding lookups (gather)
    batch_user_embeddings = jnp.take(user_table, users, axis=0)   # [B, D]
    batch_item_embeddings = jnp.take(item_table, items, axis=0)   # [B, D]
    # bmm([B,1,D], [B,D,1]).squeeze() == per-row dot product
    positive_predictions = jnp.sum(batch_user_embeddings * batch_item_embeddings, axis=1)  # [B]
    # social_dict is empty -> social_influence contributes 0 for every (user, item)
    positive_predictions = positive_predictions + jnp.zeros((BATCH,), dtype=jnp.float32)
    return positive_predictions

if __name__ == "__main__":
    import jax
    _d = setup_inputs()
    print(jax.jit(kernel)(*tuple(_d.values())))

</pallas_src>

<mosaic_0001>
#map = affine_map<(d0, d1) -> (0)>
#map1 = affine_map<(d0, d1) -> (0, 0, 0)>
module attributes {stable_mosaic.version = 14 : i64} {
  func.func @_body(%arg0: i32, %arg1: i32, %arg2: memref<16384xi32, #tpu.memory_space<hbm>>, %arg3: memref<16384xi32, #tpu.memory_space<hbm>>, %arg4: memref<64000xf32, #tpu.memory_space<hbm>>, %arg5: memref<125000x8x64xf32, #tpu.memory_space<hbm>>, %arg6: memref<16384xf32, #tpu.memory_space<hbm>>, %arg7: memref<512xi32, #tpu.memory_space<vmem>>, %arg8: memref<512xi32, #tpu.memory_space<vmem>>, %arg9: memref<64000xf32, #tpu.memory_space<vmem>>, %arg10: memref<512x64xf32, #tpu.memory_space<vmem>>, %arg11: memref<512xf32, #tpu.memory_space<vmem>>, %arg12: memref<!tpu.dma_semaphore, #tpu.memory_space<semaphore_mem>>, %arg13: memref<!tpu.dma_semaphore, #tpu.memory_space<semaphore_mem>>, %arg14: memref<!tpu.dma_semaphore, #tpu.memory_space<semaphore_mem>>) attributes {dimension_semantics = [#tpu.dimension_semantics<core_parallel>, #tpu.dimension_semantics<subcore_parallel>], iteration_bounds = array<i64: 2, 16>, scalar_prefetch = 0 : i64, scratch_operands = 8 : i64, tpu.core_type = #tpu.core_type<sc_vector_subcore>, window_params = [{transform_indices = #map}, {transform_indices = #map}, {transform_indices = #map}, {transform_indices = #map1}, {transform_indices = #map}]} {
    %mul3A = arith.constant 2 : i32
    %mul3A_0 = arith.muli %arg1, %mul3A : i32
    %add3A = arith.addi %mul3A_0, %arg0 : i32
    %mul3A_1 = arith.constant 512 : i32
    %mul3A_2 = arith.muli %add3A, %mul3A_1 : i32
    "tpu.region"() ({
      %run_scoped3A = tpu.sem_alloc : memref<!tpu.dma_semaphore, #tpu.memory_space<semaphore_mem>>
      %dma_start3A = tpu.memref_slice %arg2[%mul3A_2] : memref<16384xi32, #tpu.memory_space<hbm>> -> memref<512xi32, #tpu.memory_space<hbm>>
      %dma_start3A_991 = tpu.memref_slice %arg2[%mul3A_2] : memref<16384xi32, #tpu.memory_space<hbm>> -> memref<512xi32, #tpu.memory_space<hbm>>
      tpu.enqueue_dma source(%dma_start3A_991 : memref<512xi32, #tpu.memory_space<hbm>>) target(%arg7 : memref<512xi32, #tpu.memory_space<vmem>>) target_semaphore(%run_scoped3A : memref<!tpu.dma_semaphore, #tpu.memory_space<semaphore_mem>>)
      %dma_wait3A_992 = tpu.memref_slice %arg2[%mul3A_2] : memref<16384xi32, #tpu.memory_space<hbm>> -> memref<512xi32, #tpu.memory_space<hbm>>
      %dma_wait3A_993 = tpu.memref_slice %arg2[%mul3A_2] : memref<16384xi32, #tpu.memory_space<hbm>> -> memref<512xi32, #tpu.memory_space<hbm>>
      tpu.wait_dma2 semaphore(%run_scoped3A : memref<!tpu.dma_semaphore, #tpu.memory_space<semaphore_mem>>) src(%dma_wait3A_993 : memref<512xi32, #tpu.memory_space<hbm>>) dst(%arg7 : memref<512xi32, #tpu.memory_space<vmem>>)
      tpu.yield
    }) : () -> ()
    "tpu.region"() ({
      %run_scoped3A = tpu.sem_alloc : memref<!tpu.dma_semaphore, #tpu.memory_space<semaphore_mem>>
      %dma_start3A = tpu.memref_slice %arg3[%mul3A_2] : memref<16384xi32, #tpu.memory_space<hbm>> -> memref<512xi32, #tpu.memory_space<hbm>>
      %dma_start3A_991 = tpu.memref_slice %arg3[%mul3A_2] : memref<16384xi32, #tpu.memory_space<hbm>> -> memref<512xi32, #tpu.memory_space<hbm>>
      tpu.enqueue_dma source(%dma_start3A_991 : memref<512xi32, #tpu.memory_space<hbm>>) target(%arg8 : memref<512xi32, #tpu.memory_space<vmem>>) target_semaphore(%run_scoped3A : memref<!tpu.dma_semaphore, #tpu.memory_space<semaphore_mem>>)
      %dma_wait3A_992 = tpu.memref_slice %arg3[%mul3A_2] : memref<16384xi32, #tpu.memory_space<hbm>> -> memref<512xi32, #tpu.memory_space<hbm>>
      %dma_wait3A_993 = tpu.memref_slice %arg3[%mul3A_2] : memref<16384xi32, #tpu.memory_space<hbm>> -> memref<512xi32, #tpu.memory_space<hbm>>
      tpu.wait_dma2 semaphore(%run_scoped3A : memref<!tpu.dma_semaphore, #tpu.memory_space<semaphore_mem>>) src(%dma_wait3A_993 : memref<512xi32, #tpu.memory_space<hbm>>) dst(%arg8 : memref<512xi32, #tpu.memory_space<vmem>>)
      tpu.yield
    }) : () -> ()
    tpu.enqueue_dma source(%arg4 : memref<64000xf32, #tpu.memory_space<hbm>>) target(%arg9 : memref<64000xf32, #tpu.memory_space<vmem>>) target_semaphore(%arg14 : memref<!tpu.dma_semaphore, #tpu.memory_space<semaphore_mem>>)
    %scan3A = arith.constant 0 : i32
    %scan3A_3 = arith.constant 0 : i32
    %scan3A_4 = arith.constant 16 : i32
    %scan3A_5 = arith.addi %scan3A_3, %scan3A_4 : i32
    %scan3A_6 = arith.constant 1 : i32
    %scan3A_7 = scf.for %scan3A_991 = %scan3A_3 to %scan3A_5 step %scan3A_6 iter_args(%scan3A_992 = %scan3A) -> (i32)  : i32 {
      %mul3A_993 = arith.constant 16 : i32
      %mul3A_994 = arith.muli %scan3A_991, %mul3A_993 : i32
      %get3A = arith.index_cast %mul3A_994 : i32 to index
      %get3A_995 = tpu.vector_load %arg7[%get3A] {strides = array<i32>} : memref<512xi32, #tpu.memory_space<vmem>>, vector<16xi32>,
      %mul3A_996 = arith.constant 16 : i32
      %mul3A_997 = arith.muli %scan3A_991, %mul3A_996 : i32
      %add3A_998 = arith.constant 0 : i32
      %add3A_999 = arith.addi %mul3A_997, %add3A_998 : i32
      %slice3A = vector.extract_strided_slice %get3A_995 {offsets = [0], sizes = [1], strides = [1]} : vector<16xi32> to vector<1xi32>
      %squeeze3A = vector.extract %slice3A[0] : i32 from vector<1xi32>
      %shift_right_arithmetic3A = arith.constant 3 : i32
      %shift_right_arithmetic3A_1000 = arith.shrsi %squeeze3A, %shift_right_arithmetic3A : i32
      %slice3A_1001 = vector.extract_strided_slice %get3A_995 {offsets = [0], sizes = [1], strides = [1]} : vector<16xi32> to vector<1xi32>
      %squeeze3A_1002 = vector.extract %slice3A_1001[0] : i32 from vector<1xi32>
      %and3A = arith.constant 7 : i32
      %and3A_1003 = arith.andi %squeeze3A_1002, %and3A : i32
      %dma_start3A = arith.constant 0 : i32
      %dma_start3A_1004 = tpu.memref_slice %arg10[%add3A_999, %dma_start3A] : memref<512x64xf32, #tpu.memory_space<vmem>> -> memref<1x64xf32, #tpu.memory_space<vmem>>
      %dma_start3A_1005 = arith.constant 0 : i32
      %dma_start3A_1006 = tpu.memref_slice %arg5[%shift_right_arithmetic3A_1000, %and3A_1003, %dma_start3A_1005] : memref<125000x8x64xf32, #tpu.memory_space<hbm>> -> memref<1x1x64xf32, #tpu.memory_space<hbm>>
      %dma_start3A_1007 = tpu.memref_squeeze %dma_start3A_1006 : memref<1x1x64xf32, #tpu.memory_space<hbm>> -> memref<1x64xf32, #tpu.memory_space<hbm>>
      %dma_start3A_1008 = arith.constant 0 : i32
      %dma_start3A_1009 = tpu.memref_slice %arg10[%add3A_999, %dma_start3A_1008] : memref<512x64xf32, #tpu.memory_space<vmem>> -> memref<1x64xf32, #tpu.memory_space<vmem>>
      %dma_start3A_1010 = arith.constant 0 : i32
      %dma_start3A_1011 = tpu.memref_slice %arg5[%shift_right_arithmetic3A_1000, %and3A_1003, %dma_start3A_1010] : memref<125000x8x64xf32, #tpu.memory_space<hbm>> -> memref<1x1x64xf32, #tpu.memory_space<hbm>>
      %dma_start3A_1012 = tpu.memref_squeeze %dma_start3A_1011 : memref<1x1x64xf32, #tpu.memory_space<hbm>> -> memref<1x64xf32, #tpu.memory_space<hbm>>
      tpu.enqueue_dma source(%dma_start3A_1012 : memref<1x64xf32, #tpu.memory_space<hbm>>) target(%dma_start3A_1009 : memref<1x64xf32, #tpu.memory_space<vmem>>) target_semaphore(%arg12 : memref<!tpu.dma_semaphore, #tpu.memory_space<semaphore_mem>>)
      %mul3A_1013 = arith.constant 16 : i32
      %mul3A_1014 = arith.muli %scan3A_991, %mul3A_1013 : i32
      %add3A_1015 = arith.constant 1 : i32
      %add3A_1016 = arith.addi %mul3A_1014, %add3A_1015 : i32
      %slice3A_1017 = vector.extract_strided_slice %get3A_995 {offsets = [1], sizes = [1], strides = [1]} : vector<16xi32> to vector<1xi32>
      %squeeze3A_1018 = vector.extract %slice3A_1017[0] : i32 from vector<1xi32>
      %shift_right_arithmetic3A_1019 = arith.constant 3 : i32
      %shift_right_arithmetic3A_1020 = arith.shrsi %squeeze3A_1018, %shift_right_arithmetic3A_1019 : i32
      %slice3A_1021 = vector.extract_strided_slice %get3A_995 {offsets = [1], sizes = [1], strides = [1]} : vector<16xi32> to vector<1xi32>
      %squeeze3A_1022 = vector.extract %slice3A_1021[0] : i32 from vector<1xi32>
      %and3A_1023 = arith.constant 7 : i32
      %and3A_1024 = arith.andi %squeeze3A_1022, %and3A_1023 : i32
      %dma_start3A_1025 = arith.constant 0 : i32
      %dma_start3A_1026 = tpu.memref_slice %arg10[%add3A_1016, %dma_start3A_1025] : memref<512x64xf32, #tpu.memory_space<vmem>> -> memref<1x64xf32, #tpu.memory_space<vmem>>
      %dma_start3A_1027 = arith.constant 0 : i32
      %dma_start3A_1028 = tpu.memref_slice %arg5[%shift_right_arithmetic3A_1020, %and3A_1024, %dma_start3A_1027] : memref<125000x8x64xf32, #tpu.memory_space<hbm>> -> memref<1x1x64xf32, #tpu.memory_space<hbm>>
      %dma_start3A_1029 = tpu.memref_squeeze %dma_start3A_1028 : memref<1x1x64xf32, #tpu.memory_space<hbm>> -> memref<1x64xf32, #tpu.memory_space<hbm>>
      %dma_start3A_1030 = arith.constant 0 : i32
      %dma_start3A_1031 = tpu.memref_slice %arg10[%add3A_1016, %dma_start3A_1030] : memref<512x64xf32, #tpu.memory_space<vmem>> -> memref<1x64xf32, #tpu.memory_space<vmem>>
      %dma_start3A_1032 = arith.constant 0 : i32
      %dma_start3A_1033 = tpu.memref_slice %arg5[%shift_right_arithmetic3A_1020, %and3A_1024, %dma_start3A_1032] : memref<125000x8x64xf32, #tpu.memory_space<hbm>> -> memref<1x1x64xf32, #tpu.memory_space<hbm>>
      %dma_start3A_1034 = tpu.memref_squeeze %dma_start3A_1033 : memref<1x1x64xf32, #tpu.memory_space<hbm>> -> memref<1x64xf32, #tpu.memory_space<hbm>>
      tpu.enqueue_dma source(%dma_start3A_1034 : memref<1x64xf32, #tpu.memory_space<hbm>>) target(%dma_start3A_1031 : memref<1x64xf32, #tpu.memory_space<vmem>>) target_semaphore(%arg12 : memref<!tpu.dma_semaphore, #tpu.memory_space<semaphore_mem>>)
      %mul3A_1035 = arith.constant 16 : i32
      %mul3A_1036 = arith.muli %scan3A_991, %mul3A_1035 : i32
      %add3A_1037 = arith.constant 2 : i32
      %add3A_1038 = arith.addi %mul3A_1036, %add3A_1037 : i32
      %slice3A_1039 = vector.extract_strided_slice %get3A_995 {offsets = [2], sizes = [1], strides = [1]} : vector<16xi32> to vector<1xi32>
      %squeeze3A_1040 = vector.extract %slice3A_1039[0] : i32 from vector<1xi32>
      %shift_right_arithmetic3A_1041 = arith.constant 3 : i32
      %shift_right_arithmetic3A_1042 = arith.shrsi %squeeze3A_1040, %shift_right_arithmetic3A_1041 : i32
      %slice3A_1043 = vector.extract_strided_slice %get3A_995 {offsets = [2], sizes = [1], strides = [1]} : vector<16xi32> to vector<1xi32>
      %squeeze3A_1044 = vector.extract %slice3A_1043[0] : i32 from vector<1xi32>
      %and3A_1045 = arith.constant 7 : i32
      %and3A_1046 = arith.andi %squeeze3A_1044, %and3A_1045 : i32
      %dma_start3A_1047 = arith.constant 0 : i32
      %dma_start3A_1048 = tpu.memref_slice %arg10[%add3A_1038, %dma_start3A_1047] : memref<512x64xf32, #tpu.memory_space<vmem>> -> memref<1x64xf32, #tpu.memory_space<vmem>>
      %dma_start3A_1049 = arith.constant 0 : i32
      %dma_start3A_1050 = tpu.memref_slice %arg5[%shift_right_arithmetic3A_1042, %and3A_1046, %dma_start3A_1049] : memref<125000x8x64xf32, #tpu.memory_space<hbm>> -> memref<1x1x64xf32, #tpu.memory_space<hbm>>
      %dma_start3A_1051 = tpu.memref_squeeze %dma_start3A_1050 : memref<1x1x64xf32, #tpu.memory_space<hbm>> -> memref<1x64xf32, #tpu.memory_space<hbm>>
      %dma_start3A_1052 = arith.constant 0 : i32
      %dma_start3A_1053 = tpu.memref_slice %arg10[%add3A_1038, %dma_start3A_1052] : memref<512x64xf32, #tpu.memory_space<vmem>> -> memref<1x64xf32, #tpu.memory_space<vmem>>
      %dma_start3A_1054 = arith.constant 0 : i32
      %dma_start3A_1055 = tpu.memref_slice %arg5[%shift_right_arithmetic3A_1042, %and3A_1046, %dma_start3A_1054] : memref<125000x8x64xf32, #tpu.memory_space<hbm>> -> memref<1x1x64xf32, #tpu.memory_space<hbm>>
      %dma_start3A_1056 = tpu.memref_squeeze %dma_start3A_1055 : memref<1x1x64xf32, #tpu.memory_space<hbm>> -> memref<1x64xf32, #tpu.memory_space<hbm>>
      tpu.enqueue_dma source(%dma_start3A_1056 : memref<1x64xf32, #tpu.memory_space<hbm>>) target(%dma_start3A_1053 : memref<1x64xf32, #tpu.memory_space<vmem>>) target_semaphore(%arg12 : memref<!tpu.dma_semaphore, #tpu.memory_space<semaphore_mem>>)
      %mul3A_1057 = arith.constant 16 : i32
      %mul3A_1058 = arith.muli %scan3A_991, %mul3A_1057 : i32
      %add3A_1059 = arith.constant 3 : i32
      %add3A_1060 = arith.addi %mul3A_1058, %add3A_1059 : i32
      %slice3A_1061 = vector.extract_strided_slice %get3A_995 {offsets = [3], sizes = [1], strides = [1]} : vector<16xi32> to vector<1xi32>
      %squeeze3A_1062 = vector.extract %slice3A_1061[0] : i32 from vector<1xi32>
      %shift_right_arithmetic3A_1063 = arith.constant 3 : i32
      %shift_right_arithmetic3A_1064 = arith.shrsi %squeeze3A_1062, %shift_right_arithmetic3A_1063 : i32
      %slice3A_1065 = vector.extract_strided_slice %get3A_995 {offsets = [3], sizes = [1], strides = [1]} : vector<16xi32> to vector<1xi32>
      %squeeze3A_1066 = vector.extract %slice3A_1065[0] : i32 from vector<1xi32>
      %and3A_1067 = arith.constant 7 : i32
      %and3A_1068 = arith.andi %squeeze3A_1066, %and3A_1067 : i32
      %dma_start3A_1069 = arith.constant 0 : i32
      %dma_start3A_1070 = tpu.memref_slice %arg10[%add3A_1060, %dma_start3A_1069] : memref<512x64xf32, #tpu.memory_space<vmem>> -> memref<1x64xf32, #tpu.memory_space<vmem>>
      %dma_start3A_1071 = arith.constant 0 : i32
      %dma_start3A_1072 = tpu.memref_slice %arg5[%shift_right_arithmetic3A_1064, %and3A_1068, %dma_start3A_1071] : memref<125000x8x64xf32, #tpu.memory_space<hbm>> -> memref<1x1x64xf32, #tpu.memory_space<hbm>>
      %dma_start3A_1073 = tpu.memref_squeeze %dma_start3A_1072 : memref<1x1x64xf32, #tpu.memory_space<hbm>> -> memref<1x64xf32, #tpu.memory_space<hbm>>
      %dma_start3A_1074 = arith.constant 0 : i32
      %dma_start3A_1075 = tpu.memref_slice %arg10[%add3A_1060, %dma_start3A_1074] : memref<512x64xf32, #tpu.memory_space<vmem>> -> memref<1x64xf32, #tpu.memory_space<vmem>>
      %dma_start3A_1076 = arith.constant 0 : i32
      %dma_start3A_1077 = tpu.memref_slice %arg5[%shift_right_arithmetic3A_1064, %and3A_1068, %dma_start3A_1076] : memref<125000x8x64xf32, #tpu.memory_space<hbm>> -> memref<1x1x64xf32, #tpu.memory_space<hbm>>
      %dma_start3A_1078 = tpu.memref_squeeze %dma_start3A_1077 : memref<1x1x64xf32, #tpu.memory_space<hbm>> -> memref<1x64xf32, #tpu.memory_space<hbm>>
      tpu.enqueue_dma source(%dma_start3A_1078 : memref<1x64xf32, #tpu.memory_space<hbm>>) target(%dma_start3A_1075 : memref<1x64xf32, #tpu.memory_space<vmem>>) target_semaphore(%arg12 : memref<!tpu.dma_semaphore, #tpu.memory_space<semaphore_mem>>)
      %mul3A_1079 = arith.constant 16 : i32
      %mul3A_1080 = arith.muli %scan3A_991, %mul3A_1079 : i32
      %add3A_1081 = arith.constant 4 : i32
      %add3A_1082 = arith.addi %mul3A_1080, %add3A_1081 : i32
      %slice3A_1083 = vector.extract_strided_slice %get3A_995 {offsets = [4], sizes = [1], strides = [1]} : vector<16xi32> to vector<1xi32>
      %squeeze3A_1084 = vector.extract %slice3A_1083[0] : i32 from vector<1xi32>
      %shift_right_arithmetic3A_1085 = arith.constant 3 : i32
      %shift_right_arithmetic3A_1086 = arith.shrsi %squeeze3A_1084, %shift_right_arithmetic3A_1085 : i32
      %slice3A_1087 = vector.extract_strided_slice %get3A_995 {offsets = [4], sizes = [1], strides = [1]} : vector<16xi32> to vector<1xi32>
      %squeeze3A_1088 = vector.extract %slice3A_1087[0] : i32 from vector<1xi32>
      %and3A_1089 = arith.constant 7 : i32
      %and3A_1090 = arith.andi %squeeze3A_1088, %and3A_1089 : i32
      %dma_start3A_1091 = arith.constant 0 : i32
      %dma_start3A_1092 = tpu.memref_slice %arg10[%add3A_1082, %dma_start3A_1091] : memref<512x64xf32, #tpu.memory_space<vmem>> -> memref<1x64xf32, #tpu.memory_space<vmem>>
      %dma_start3A_1093 = arith.constant 0 : i32
      %dma_start3A_1094 = tpu.memref_slice %arg5[%shift_right_arithmetic3A_1086, %and3A_1090, %dma_start3A_1093] : memref<125000x8x64xf32, #tpu.memory_space<hbm>> -> memref<1x1x64xf32, #tpu.memory_space<hbm>>
      %dma_start3A_1095 = tpu.memref_squeeze %dma_start3A_1094 : memref<1x1x64xf32, #tpu.memory_space<hbm>> -> memref<1x64xf32, #tpu.memory_space<hbm>>
      %dma_start3A_1096 = arith.constant 0 : i32
      %dma_start3A_1097 = tpu.memref_slice %arg10[%add3A_1082, %dma_start3A_1096] : memref<512x64xf32, #tpu.memory_space<vmem>> -> memref<1x64xf32, #tpu.memory_space<vmem>>
      %dma_start3A_1098 = arith.constant 0 : i32
      %dma_start3A_1099 = tpu.memref_slice %arg5[%shift_right_arithmetic3A_1086, %and3A_1090, %dma_start3A_1098] : memref<125000x8x64xf32, #tpu.memory_space<hbm>> -> memref<1x1x64xf32, #tpu.memory_space<hbm>>
      %dma_start3A_1100 = tpu.memref_squeeze %dma_start3A_1099 : memref<1x1x64xf32, #tpu.memory_space<hbm>> -> memref<1x64xf32, #tpu.memory_space<hbm>>
      tpu.enqueue_dma source(%dma_start3A_1100 : memref<1x64xf32, #tpu.memory_space<hbm>>) target(%dma_start3A_1097 : memref<1x64xf32, #tpu.memory_space<vmem>>) target_semaphore(%arg12 : memref<!tpu.dma_semaphore, #tpu.memory_space<semaphore_mem>>)
      %mul3A_1101 = arith.constant 16 : i32
      %mul3A_1102 = arith.muli %scan3A_991, %mul3A_1101 : i32
      %add3A_1103 = arith.constant 5 : i32
      %add3A_1104 = arith.addi %mul3A_1102, %add3A_1103 : i32
      %slice3A_1105 = vector.extract_strided_slice %get3A_995 {offsets = [5], sizes = [1], strides = [1]} : vector<16xi32> to vector<1xi32>
      %squeeze3A_1106 = vector.extract %slice3A_1105[0] : i32 from vector<1xi32>
      %shift_right_arithmetic3A_1107 = arith.constant 3 : i32
      %shift_right_arithmetic3A_1108 = arith.shrsi %squeeze3A_1106, %shift_right_arithmetic3A_1107 : i32
      %slice3A_1109 = vector.extract_strided_slice %get3A_995 {offsets = [5], sizes = [1], strides = [1]} : vector<16xi32> to vector<1xi32>
      %squeeze3A_1110 = vector.extract %slice3A_1109[0] : i32 from vector<1xi32>
      %and3A_1111 = arith.constant 7 : i32
      %and3A_1112 = arith.andi %squeeze3A_1110, %and3A_1111 : i32
      %dma_start3A_1113 = arith.constant 0 : i32
      %dma_start3A_1114 = tpu.memref_slice %arg10[%add3A_1104, %dma_start3A_1113] : memref<512x64xf32, #tpu.memory_space<vmem>> -> memref<1x64xf32, #tpu.memory_space<vmem>>
      %dma_start3A_1115 = arith.constant 0 : i32
      %dma_start3A_1116 = tpu.memref_slice %arg5[%shift_right_arithmetic3A_1108, %and3A_1112, %dma_start3A_1115] : memref<125000x8x64xf32, #tpu.memory_space<hbm>> -> memref<1x1x64xf32, #tpu.memory_space<hbm>>
      %dma_start3A_1117 = tpu.memref_squeeze %dma_start3A_1116 : memref<1x1x64xf32, #tpu.memory_space<hbm>> -> memref<1x64xf32, #tpu.memory_space<hbm>>
      %dma_start3A_1118 = arith.constant 0 : i32
      %dma_start3A_1119 = tpu.memref_slice %arg10[%add3A_1104, %dma_start3A_1118] : memref<512x64xf32, #tpu.memory_space<vmem>> -> memref<1x64xf32, #tpu.memory_space<vmem>>
      %dma_start3A_1120 = arith.constant 0 : i32
      %dma_start3A_1121 = tpu.memref_slice %arg5[%shift_right_arithmetic3A_1108, %and3A_1112, %dma_start3A_1120] : memref<125000x8x64xf32, #tpu.memory_space<hbm>> -> memref<1x1x64xf32, #tpu.memory_space<hbm>>
      %dma_start3A_1122 = tpu.memref_squeeze %dma_start3A_1121 : memref<1x1x64xf32, #tpu.memory_space<hbm>> -> memref<1x64xf32, #tpu.memory_space<hbm>>
      tpu.enqueue_dma source(%dma_start3A_1122 : memref<1x64xf32, #tpu.memory_space<hbm>>) target(%dma_start3A_1119 : memref<1x64xf32, #tpu.memory_space<vmem>>) target_semaphore(%arg12 : memref<!tpu.dma_semaphore, #tpu.memory_space<semaphore_mem>>)
      %mul3A_1123 = arith.constant 16 : i32
      %mul3A_1124 = arith.muli %scan3A_991, %mul3A_1123 : i32
      %add3A_1125 = arith.constant 6 : i32
      %add3A_1126 = arith.addi %mul3A_1124, %add3A_1125 : i32
      %slice3A_1127 = vector.extract_strided_slice %get3A_995 {offsets = [6], sizes = [1], strides = [1]} : vector<16xi32> to vector<1xi32>
      %squeeze3A_1128 = vector.extract %slice3A_1127[0] : i32 from vector<1xi32>
      %shift_right_arithmetic3A_1129 = arith.constant 3 : i32
      %shift_right_arithmetic3A_1130 = arith.shrsi %squeeze3A_1128, %shift_right_arithmetic3A_1129 : i32
      %slice3A_1131 = vector.extract_strided_slice %get3A_995 {offsets = [6], sizes = [1], strides = [1]} : vector<16xi32> to vector<1xi32>
      %squeeze3A_1132 = vector.extract %slice3A_1131[0] : i32 from vector<1xi32>
      %and3A_1133 = arith.constant 7 : i32
      %and3A_1134 = arith.andi %squeeze3A_1132, %and3A_1133 : i32
      %dma_start3A_1135 = arith.constant 0 : i32
      %dma_start3A_1136 = tpu.memref_slice %arg10[%add3A_1126, %dma_start3A_1135] : memref<512x64xf32, #tpu.memory_space<vmem>> -> memref<1x64xf32, #tpu.memory_space<vmem>>
      %dma_start3A_1137 = arith.constant 0 : i32
      %dma_start3A_1138 = tpu.memref_slice %arg5[%shift_right_arithmetic3A_1130, %and3A_1134, %dma_start3A_1137] : memref<125000x8x64xf32, #tpu.memory_space<hbm>> -> memref<1x1x64xf32, #tpu.memory_space<hbm>>
      %dma_start3A_1139 = tpu.memref_squeeze %dma_start3A_1138 : memref<1x1x64xf32, #tpu.memory_space<hbm>> -> memref<1x64xf32, #tpu.memory_space<hbm>>
      %dma_start3A_1140 = arith.constant 0 : i32
      %dma_start3A_1141 = tpu.memref_slice %arg10[%add3A_1126, %dma_start3A_1140] : memref<512x64xf32, #tpu.memory_space<vmem>> -> memref<1x64xf32, #tpu.memory_space<vmem>>
      %dma_start3A_1142 = arith.constant 0 : i32
      %dma_start3A_1143 = tpu.memref_slice %arg5[%shift_right_arithmetic3A_1130, %and3A_1134, %dma_start3A_1142] : memref<125000x8x64xf32, #tpu.memory_space<hbm>> -> memref<1x1x64xf32, #tpu.memory_space<hbm>>
      %dma_start3A_1144 = tpu.memref_squeeze %dma_start3A_1143 : memref<1x1x64xf32, #tpu.memory_space<hbm>> -> memref<1x64xf32, #tpu.memory_space<hbm>>
      tpu.enqueue_dma source(%dma_start3A_1144 : memref<1x64xf32, #tpu.memory_space<hbm>>) target(%dma_start3A_1141 : memref<1x64xf32, #tpu.memory_space<vmem>>) target_semaphore(%arg12 : memref<!tpu.dma_semaphore, #tpu.memory_space<semaphore_mem>>)
      %mul3A_1145 = arith.constant 16 : i32
      %mul3A_1146 = arith.muli %scan3A_991, %mul3A_1145 : i32
      %add3A_1147 = arith.constant 7 : i32
      %add3A_1148 = arith.addi %mul3A_1146, %add3A_1147 : i32
      %slice3A_1149 = vector.extract_strided_slice %get3A_995 {offsets = [7], sizes = [1], strides = [1]} : vector<16xi32> to vector<1xi32>
      %squeeze3A_1150 = vector.extract %slice3A_1149[0] : i32 from vector<1xi32>
      %shift_right_arithmetic3A_1151 = arith.constant 3 : i32
      %shift_right_arithmetic3A_1152 = arith.shrsi %squeeze3A_1150, %shift_right_arithmetic3A_1151 : i32
      %slice3A_1153 = vector.extract_strided_slice %get3A_995 {offsets = [7], sizes = [1], strides = [1]} : vector<16xi32> to vector<1xi32>
      %squeeze3A_1154 = vector.extract %slice3A_1153[0] : i32 from vector<1xi32>
      %and3A_1155 = arith.constant 7 : i32
      %and3A_1156 = arith.andi %squeeze3A_1154, %and3A_1155 : i32
      %dma_start3A_1157 = arith.constant 0 : i32
      %dma_start3A_1158 = tpu.memref_slice %arg10[%add3A_1148, %dma_start3A_1157] : memref<512x64xf32, #tpu.memory_space<vmem>> -> memref<1x64xf32, #tpu.memory_space<vmem>>
      %dma_start3A_1159 = arith.constant 0 : i32
      %dma_start3A_1160 = tpu.memref_slice %arg5[%shift_right_arithmetic3A_1152, %and3A_1156, %dma_start3A_1159] : memref<125000x8x64xf32, #tpu.memory_space<hbm>> -> memref<1x1x64xf32, #tpu.memory_space<hbm>>
      %dma_start3A_1161 = tpu.memref_squeeze %dma_start3A_1160 : memref<1x1x64xf32, #tpu.memory_space<hbm>> -> memref<1x64xf32, #tpu.memory_space<hbm>>
      %dma_start3A_1162 = arith.constant 0 : i32
      %dma_start3A_1163 = tpu.memref_slice %arg10[%add3A_1148, %dma_start3A_1162] : memref<512x64xf32, #tpu.memory_space<vmem>> -> memref<1x64xf32, #tpu.memory_space<vmem>>
      %dma_start3A_1164 = arith.constant 0 : i32
      %dma_start3A_1165 = tpu.memref_slice %arg5[%shift_right_arithmetic3A_1152, %and3A_1156, %dma_start3A_1164] : memref<125000x8x64xf32, #tpu.memory_space<hbm>> -> memref<1x1x64xf32, #tpu.memory_space<hbm>>
      %dma_start3A_1166 = tpu.memref_squeeze %dma_start3A_1165 : memref<1x1x64xf32, #tpu.memory_space<hbm>> -> memref<1x64xf32, #tpu.memory_space<hbm>>
      tpu.enqueue_dma source(%dma_start3A_1166 : memref<1x64xf32, #tpu.memory_space<hbm>>) target(%dma_start3A_1163 : memref<1x64xf32, #tpu.memory_space<vmem>>) target_semaphore(%arg12 : memref<!tpu.dma_semaphore, #tpu.memory_space<semaphore_mem>>)
      %mul3A_1167 = arith.constant 16 : i32
      %mul3A_1168 = arith.muli %scan3A_991, %mul3A_1167 : i32
      %add3A_1169 = arith.constant 8 : i32
      %add3A_1170 = arith.addi %mul3A_1168, %add3A_1169 : i32
      %slice3A_1171 = vector.extract_strided_slice %get3A_995 {offsets = [8], sizes = [1], strides = [1]} : vector<16xi32> to vector<1xi32>
      %squeeze3A_1172 = vector.extract %slice3A_1171[0] : i32 from vector<1xi32>
      %shift_right_arithmetic3A_1173 = arith.constant 3 : i32
      %shift_right_arithmetic3A_1174 = arith.shrsi %squeeze3A_1172, %shift_right_arithmetic3A_1173 : i32
      %slice3A_1175 = vector.extract_strided_slice %get3A_995 {offsets = [8], sizes = [1], strides = [1]} : vector<16xi32> to vector<1xi32>
      %squeeze3A_1176 = vector.extract %slice3A_1175[0] : i32 from vector<1xi32>
      %and3A_1177 = arith.constant 7 : i32
      %and3A_1178 = arith.andi %squeeze3A_1176, %and3A_1177 : i32
      %dma_start3A_1179 = arith.constant 0 : i32
      %dma_start3A_1180 = tpu.memref_slice %arg10[%add3A_1170, %dma_start3A_1179] : memref<512x64xf32, #tpu.memory_space<vmem>> -> memref<1x64xf32, #tpu.memory_space<vmem>>
      %dma_start3A_1181 = arith.constant 0 : i32
      %dma_start3A_1182 = tpu.memref_slice %arg5[%shift_right_arithmetic3A_1174, %and3A_1178, %dma_start3A_1181] : memref<125000x8x64xf32, #tpu.memory_space<hbm>> -> memref<1x1x64xf32, #tpu.memory_space<hbm>>
      %dma_start3A_1183 = tpu.memref_squeeze %dma_start3A_1182 : memref<1x1x64xf32, #tpu.memory_space<hbm>> -> memref<1x64xf32, #tpu.memory_space<hbm>>
      %dma_start3A_1184 = arith.constant 0 : i32
      %dma_start3A_1185 = tpu.memref_slice %arg10[%add3A_1170, %dma_start3A_1184] : memref<512x64xf32, #tpu.memory_space<vmem>> -> memref<1x64xf32, #tpu.memory_space<vmem>>
      %dma_start3A_1186 = arith.constant 0 : i32
      %dma_start3A_1187 = tpu.memref_slice %arg5[%shift_right_arithmetic3A_1174, %and3A_1178, %dma_start3A_1186] : memref<125000x8x64xf32, #tpu.memory_space<hbm>> -> memref<1x1x64xf32, #tpu.memory_space<hbm>>
      %dma_start3A_1188 = tpu.memref_squeeze %dma_start3A_1187 : memref<1x1x64xf32, #tpu.memory_space<hbm>> -> memref<1x64xf32, #tpu.memory_space<hbm>>
      tpu.enqueue_dma source(%dma_start3A_1188 : memref<1x64xf32, #tpu.memory_space<hbm>>) target(%dma_start3A_1185 : memref<1x64xf32, #tpu.memory_space<vmem>>) target_semaphore(%arg12 : memref<!tpu.dma_semaphore, #tpu.memory_space<semaphore_mem>>)
      %mul3A_1189 = arith.constant 16 : i32
      %mul3A_1190 = arith.muli %scan3A_991, %mul3A_1189 : i32
      %add3A_1191 = arith.constant 9 : i32
      %add3A_1192 = arith.addi %mul3A_1190, %add3A_1191 : i32
      %slice3A_1193 = vector.extract_strided_slice %get3A_995 {offsets = [9], sizes = [1], strides = [1]} : vector<16xi32> to vector<1xi32>
      %squeeze3A_1194 = vector.extract %slice3A_1193[0] : i32 from vector<1xi32>
      %shift_right_arithmetic3A_1195 = arith.constant 3 : i32
      %shift_right_arithmetic3A_1196 = arith.shrsi %squeeze3A_1194, %shift_right_arithmetic3A_1195 : i32
      %slice3A_1197 = vector.extract_strided_slice %get3A_995 {offsets = [9], sizes = [1], strides = [1]} : vector<16xi32> to vector<1xi32>
      %squeeze3A_1198 = vector.extract %slice3A_1197[0] : i32 from vector<1xi32>
      %and3A_1199 = arith.constant 7 : i32
      %and3A_1200 = arith.andi %squeeze3A_1198, %and3A_1199 : i32
      %dma_start3A_1201 = arith.constant 0 : i32
      %dma_start3A_1202 = tpu.memref_slice %arg10[%add3A_1192, %dma_start3A_1201] : memref<512x64xf32, #tpu.memory_space<vmem>> -> memref<1x64xf32, #tpu.memory_space<vmem>>
      %dma_start3A_1203 = arith.constant 0 : i32
      %dma_start3A_1204 = tpu.memref_slice %arg5[%shift_right_arithmetic3A_1196, %and3A_1200, %dma_start3A_1203] : memref<125000x8x64xf32, #tpu.memory_space<hbm>> -> memref<1x1x64xf32, #tpu.memory_space<hbm>>
      %dma_start3A_1205 = tpu.memref_squeeze %dma_start3A_1204 : memref<1x1x64xf32, #tpu.memory_space<hbm>> -> memref<1x64xf32, #tpu.memory_space<hbm>>
      %dma_start3A_1206 = arith.constant 0 : i32
      %dma_start3A_1207 = tpu.memref_slice %arg10[%add3A_1192, %dma_start3A_1206] : memref<512x64xf32, #tpu.memory_space<vmem>> -> memref<1x64xf32, #tpu.memory_space<vmem>>
      %dma_start3A_1208 = arith.constant 0 : i32
      %dma_start3A_1209 = tpu.memref_slice %arg5[%shift_right_arithmetic3A_1196, %and3A_1200, %dma_start3A_1208] : memref<125000x8x64xf32, #tpu.memory_space<hbm>> -> memref<1x1x64xf32, #tpu.memory_space<hbm>>
      %dma_start3A_1210 = tpu.memref_squeeze %dma_start3A_1209 : memref<1x1x64xf32, #tpu.memory_space<hbm>> -> memref<1x64xf32, #tpu.memory_space<hbm>>
      tpu.enqueue_dma source(%dma_start3A_1210 : memref<1x64xf32, #tpu.memory_space<hbm>>) target(%dma_start3A_1207 : memref<1x64xf32, #tpu.memory_space<vmem>>) target_semaphore(%arg12 : memref<!tpu.dma_semaphore, #tpu.memory_space<semaphore_mem>>)
      %mul3A_1211 = arith.constant 16 : i32
      %mul3A_1212 = arith.muli %scan3A_991, %mul3A_1211 : i32
      %add3A_1213 = arith.constant 10 : i32
      %add3A_1214 = arith.addi %mul3A_1212, %add3A_1213 : i32
      %slice3A_1215 = vector.extract_strided_slice %get3A_995 {offsets = [10], sizes = [1], strides = [1]} : vector<16xi32> to vector<1xi32>
      %squeeze3A_1216 = vector.extract %slice3A_1215[0] : i32 from vector<1xi32>
      %shift_right_arithmetic3A_1217 = arith.constant 3 : i32
      %shift_right_arithmetic3A_1218 = arith.shrsi %squeeze3A_1216, %shift_right_arithmetic3A_1217 : i32
      %slice3A_1219 = vector.extract_strided_slice %get3A_995 {offsets = [10], sizes = [1], strides = [1]} : vector<16xi32> to vector<1xi32>
      %squeeze3A_1220 = vector.extract %slice3A_1219[0] : i32 from vector<1xi32>
      %and3A_1221 = arith.constant 7 : i32
      %and3A_1222 = arith.andi %squeeze3A_1220, %and3A_1221 : i32
      %dma_start3A_1223 = arith.constant 0 : i32
      %dma_start3A_1224 = tpu.memref_slice %arg10[%add3A_1214, %dma_start3A_1223] : memref<512x64xf32, #tpu.memory_space<vmem>> -> memref<1x64xf32, #tpu.memory_space<vmem>>
      %dma_start3A_1225 = arith.constant 0 : i32
      %dma_start3A_1226 = tpu.memref_slice %arg5[%shift_right_arithmetic3A_1218, %and3A_1222, %dma_start3A_1225] : memref<125000x8x64xf32, #tpu.memory_space<hbm>> -> memref<1x1x64xf32, #tpu.memory_space<hbm>>
      %dma_start3A_1227 = tpu.memref_squeeze %dma_start3A_1226 : memref<1x1x64xf32, #tpu.memory_space<hbm>> -> memref<1x64xf32, #tpu.memory_space<hbm>>
      %dma_start3A_1228 = arith.constant 0 : i32
      %dma_start3A_1229 = tpu.memref_slice %arg10[%add3A_1214, %dma_start3A_1228] : memref<512x64xf32, #tpu.memory_space<vmem>> -> memref<1x64xf32, #tpu.memory_space<vmem>>
      %dma_start3A_1230 = arith.constant 0 : i32
      %dma_start3A_1231 = tpu.memref_slice %arg5[%shift_right_arithmetic3A_1218, %and3A_1222, %dma_start3A_1230] : memref<125000x8x64xf32, #tpu.memory_space<hbm>> -> memref<1x1x64xf32, #tpu.memory_space<hbm>>
      %dma_start3A_1232 = tpu.memref_squeeze %dma_start3A_1231 : memref<1x1x64xf32, #tpu.memory_space<hbm>> -> memref<1x64xf32, #tpu.memory_space<hbm>>
      tpu.enqueue_dma source(%dma_start3A_1232 : memref<1x64xf32, #tpu.memory_space<hbm>>) target(%dma_start3A_1229 : memref<1x64xf32, #tpu.memory_space<vmem>>) target_semaphore(%arg12 : memref<!tpu.dma_semaphore, #tpu.memory_space<semaphore_mem>>)
      %mul3A_1233 = arith.constant 16 : i32
      %mul3A_1234 = arith.muli %scan3A_991, %mul3A_1233 : i32
      %add3A_1235 = arith.constant 11 : i32
      %add3A_1236 = arith.addi %mul3A_1234, %add3A_1235 : i32
      %slice3A_1237 = vector.extract_strided_slice %get3A_995 {offsets = [11], sizes = [1], strides = [1]} : vector<16xi32> to vector<1xi32>
      %squeeze3A_1238 = vector.extract %slice3A_1237[0] : i32 from vector<1xi32>
      %shift_right_arithmetic3A_1239 = arith.constant 3 : i32
      %shift_right_arithmetic3A_1240 = arith.shrsi %squeeze3A_1238, %shift_right_arithmetic3A_1239 : i32
      %slice3A_1241 = vector.extract_strided_slice %get3A_995 {offsets = [11], sizes = [1], strides = [1]} : vector<16xi32> to vector<1xi32>
      %squeeze3A_1242 = vector.extract %slice3A_1241[0] : i32 from vector<1xi32>
      %and3A_1243 = arith.constant 7 : i32
      %and3A_1244 = arith.andi %squeeze3A_1242, %and3A_1243 : i32
      %dma_start3A_1245 = arith.constant 0 : i32
      %dma_start3A_1246 = tpu.memref_slice %arg10[%add3A_1236, %dma_start3A_1245] : memref<512x64xf32, #tpu.memory_space<vmem>> -> memref<1x64xf32, #tpu.memory_space<vmem>>
      %dma_start3A_1247 = arith.constant 0 : i32
      %dma_start3A_1248 = tpu.memref_slice %arg5[%shift_right_arithmetic3A_1240, %and3A_1244, %dma_start3A_1247] : memref<125000x8x64xf32, #tpu.memory_space<hbm>> -> memref<1x1x64xf32, #tpu.memory_space<hbm>>
      %dma_start3A_1249 = tpu.memref_squeeze %dma_start3A_1248 : memref<1x1x64xf32, #tpu.memory_space<hbm>> -> memref<1x64xf32, #tpu.memory_space<hbm>>
      %dma_start3A_1250 = arith.constant 0 : i32
      %dma_start3A_1251 = tpu.memref_slice %arg10[%add3A_1236, %dma_start3A_1250] : memref<512x64xf32, #tpu.memory_space<vmem>> -> memref<1x64xf32, #tpu.memory_space<vmem>>
      %dma_start3A_1252 = arith.constant 0 : i32
      %dma_start3A_1253 = tpu.memref_slice %arg5[%shift_right_arithmetic3A_1240, %and3A_1244, %dma_start3A_1252] : memref<125000x8x64xf32, #tpu.memory_space<hbm>> -> memref<1x1x64xf32, #tpu.memory_space<hbm>>
      %dma_start3A_1254 = tpu.memref_squeeze %dma_start3A_1253 : memref<1x1x64xf32, #tpu.memory_space<hbm>> -> memref<1x64xf32, #tpu.memory_space<hbm>>
      tpu.enqueue_dma source(%dma_start3A_1254 : memref<1x64xf32, #tpu.memory_space<hbm>>) target(%dma_start3A_1251 : memref<1x64xf32, #tpu.memory_space<vmem>>) target_semaphore(%arg12 : memref<!tpu.dma_semaphore, #tpu.memory_space<semaphore_mem>>)
      %mul3A_1255 = arith.constant 16 : i32
      %mul3A_1256 = arith.muli %scan3A_991, %mul3A_1255 : i32
      %add3A_1257 = arith.constant 12 : i32
      %add3A_1258 = arith.addi %mul3A_1256, %add3A_1257 : i32
      %slice3A_1259 = vector.extract_strided_slice %get3A_995 {offsets = [12], sizes = [1], strides = [1]} : vector<16xi32> to vector<1xi32>
      %squeeze3A_1260 = vector.extract %slice3A_1259[0] : i32 from vector<1xi32>
      %shift_right_arithmetic3A_1261 = arith.constant 3 : i32
      %shift_right_arithmetic3A_1262 = arith.shrsi %squeeze3A_1260, %shift_right_arithmetic3A_1261 : i32
      %slice3A_1263 = vector.extract_strided_slice %get3A_995 {offsets = [12], sizes = [1], strides = [1]} : vector<16xi32> to vector<1xi32>
      %squeeze3A_1264 = vector.extract %slice3A_1263[0] : i32 from vector<1xi32>
      %and3A_1265 = arith.constant 7 : i32
      %and3A_1266 = arith.andi %squeeze3A_1264, %and3A_1265 : i32
      %dma_start3A_1267 = arith.constant 0 : i32
      %dma_start3A_1268 = tpu.memref_slice %arg10[%add3A_1258, %dma_start3A_1267] : memref<512x64xf32, #tpu.memory_space<vmem>> -> memref<1x64xf32, #tpu.memory_space<vmem>>
      %dma_start3A_1269 = arith.constant 0 : i32
      %dma_start3A_1270 = tpu.memref_slice %arg5[%shift_right_arithmetic3A_1262, %and3A_1266, %dma_start3A_1269] : memref<125000x8x64xf32, #tpu.memory_space<hbm>> -> memref<1x1x64xf32, #tpu.memory_space<hbm>>
      %dma_start3A_1271 = tpu.memref_squeeze %dma_start3A_1270 : memref<1x1x64xf32, #tpu.memory_space<hbm>> -> memref<1x64xf32, #tpu.memory_space<hbm>>
      %dma_start3A_1272 = arith.constant 0 : i32
      %dma_start3A_1273 = tpu.memref_slice %arg10[%add3A_1258, %dma_start3A_1272] : memref<512x64xf32, #tpu.memory_space<vmem>> -> memref<1x64xf32, #tpu.memory_space<vmem>>
      %dma_start3A_1274 = arith.constant 0 : i32
      %dma_start3A_1275 = tpu.memref_slice %arg5[%shift_right_arithmetic3A_1262, %and3A_1266, %dma_start3A_1274] : memref<125000x8x64xf32, #tpu.memory_space<hbm>> -> memref<1x1x64xf32, #tpu.memory_space<hbm>>
      %dma_start3A_1276 = tpu.memref_squeeze %dma_start3A_1275 : memref<1x1x64xf32, #tpu.memory_space<hbm>> -> memref<1x64xf32, #tpu.memory_space<hbm>>
      tpu.enqueue_dma source(%dma_start3A_1276 : memref<1x64xf32, #tpu.memory_space<hbm>>) target(%dma_start3A_1273 : memref<1x64xf32, #tpu.memory_space<vmem>>) target_semaphore(%arg12 : memref<!tpu.dma_semaphore, #tpu.memory_space<semaphore_mem>>)
      %mul3A_1277 = arith.constant 16 : i32
      %mul3A_1278 = arith.muli %scan3A_991, %mul3A_1277 : i32
      %add3A_1279 = arith.constant 13 : i32
      %add3A_1280 = arith.addi %mul3A_1278, %add3A_1279 : i32
      %slice3A_1281 = vector.extract_strided_slice %get3A_995 {offsets = [13], sizes = [1], strides = [1]} : vector<16xi32> to vector<1xi32>
      %squeeze3A_1282 = vector.extract %slice3A_1281[0] : i32 from vector<1xi32>
      %shift_right_arithmetic3A_1283 = arith.constant 3 : i32
      %shift_right_arithmetic3A_1284 = arith.shrsi %squeeze3A_1282, %shift_right_arithmetic3A_1283 : i32
      %slice3A_1285 = vector.extract_strided_slice %get3A_995 {offsets = [13], sizes = [1], strides = [1]} : vector<16xi32> to vector<1xi32>
      %squeeze3A_1286 = vector.extract %slice3A_1285[0] : i32 from vector<1xi32>
      %and3A_1287 = arith.constant 7 : i32
      %and3A_1288 = arith.andi %squeeze3A_1286, %and3A_1287 : i32
      %dma_start3A_1289 = arith.constant 0 : i32
      %dma_start3A_1290 = tpu.memref_slice %arg10[%add3A_1280, %dma_start3A_1289] : memref<512x64xf32, #tpu.memory_space<vmem>> -> memref<1x64xf32, #tpu.memory_space<vmem>>
      %dma_start3A_1291 = arith.constant 0 : i32
      %dma_start3A_1292 = tpu.memref_slice %arg5[%shift_right_arithmetic3A_1284, %and3A_1288, %dma_start3A_1291] : memref<125000x8x64xf32, #tpu.memory_space<hbm>> -> memref<1x1x64xf32, #tpu.memory_space<hbm>>
      %dma_start3A_1293 = tpu.memref_squeeze %dma_start3A_1292 : memref<1x1x64xf32, #tpu.memory_space<hbm>> -> memref<1x64xf32, #tpu.memory_space<hbm>>
      %dma_start3A_1294 = arith.constant 0 : i32
      %dma_start3A_1295 = tpu.memref_slice %arg10[%add3A_1280, %dma_start3A_1294] : memref<512x64xf32, #tpu.memory_space<vmem>> -> memref<1x64xf32, #tpu.memory_space<vmem>>
      %dma_start3A_1296 = arith.constant 0 : i32
      %dma_start3A_1297 = tpu.memref_slice %arg5[%shift_right_arithmetic3A_1284, %and3A_1288, %dma_start3A_1296] : memref<125000x8x64xf32, #tpu.memory_space<hbm>> -> memref<1x1x64xf32, #tpu.memory_space<hbm>>
      %dma_start3A_1298 = tpu.memref_squeeze %dma_start3A_1297 : memref<1x1x64xf32, #tpu.memory_space<hbm>> -> memref<1x64xf32, #tpu.memory_space<hbm>>
      tpu.enqueue_dma source(%dma_start3A_1298 : memref<1x64xf32, #tpu.memory_space<hbm>>) target(%dma_start3A_1295 : memref<1x64xf32, #tpu.memory_space<vmem>>) target_semaphore(%arg12 : memref<!tpu.dma_semaphore, #tpu.memory_space<semaphore_mem>>)
      %mul3A_1299 = arith.constant 16 : i32
      %mul3A_1300 = arith.muli %scan3A_991, %mul3A_1299 : i32
      %add3A_1301 = arith.constant 14 : i32
      %add3A_1302 = arith.addi %mul3A_1300, %add3A_1301 : i32
      %slice3A_1303 = vector.extract_strided_slice %get3A_995 {offsets = [14], sizes = [1], strides = [1]} : vector<16xi32> to vector<1xi32>
      %squeeze3A_1304 = vector.extract %slice3A_1303[0] : i32 from vector<1xi32>
      %shift_right_arithmetic3A_1305 = arith.constant 3 : i32
      %shift_right_arithmetic3A_1306 = arith.shrsi %squeeze3A_1304, %shift_right_arithmetic3A_1305 : i32
      %slice3A_1307 = vector.extract_strided_slice %get3A_995 {offsets = [14], sizes = [1], strides = [1]} : vector<16xi32> to vector<1xi32>
      %squeeze3A_1308 = vector.extract %slice3A_1307[0] : i32 from vector<1xi32>
      %and3A_1309 = arith.constant 7 : i32
      %and3A_1310 = arith.andi %squeeze3A_1308, %and3A_1309 : i32
      %dma_start3A_1311 = arith.constant 0 : i32
      %dma_start3A_1312 = tpu.memref_slice %arg10[%add3A_1302, %dma_start3A_1311] : memref<512x64xf32, #tpu.memory_space<vmem>> -> memref<1x64xf32, #tpu.memory_space<vmem>>
      %dma_start3A_1313 = arith.constant 0 : i32
      %dma_start3A_1314 = tpu.memref_slice %arg5[%shift_right_arithmetic3A_1306, %and3A_1310, %dma_start3A_1313] : memref<125000x8x64xf32, #tpu.memory_space<hbm>> -> memref<1x1x64xf32, #tpu.memory_space<hbm>>
      %dma_start3A_1315 = tpu.memref_squeeze %dma_start3A_1314 : memref<1x1x64xf32, #tpu.memory_space<hbm>> -> memref<1x64xf32, #tpu.memory_space<hbm>>
      %dma_start3A_1316 = arith.constant 0 : i32
      %dma_start3A_1317 = tpu.memref_slice %arg10[%add3A_1302, %dma_start3A_1316] : memref<512x64xf32, #tpu.memory_space<vmem>> -> memref<1x64xf32, #tpu.memory_space<vmem>>
      %dma_start3A_1318 = arith.constant 0 : i32
      %dma_start3A_1319 = tpu.memref_slice %arg5[%shift_right_arithmetic3A_1306, %and3A_1310, %dma_start3A_1318] : memref<125000x8x64xf32, #tpu.memory_space<hbm>> -> memref<1x1x64xf32, #tpu.memory_space<hbm>>
      %dma_start3A_1320 = tpu.memref_squeeze %dma_start3A_1319 : memref<1x1x64xf32, #tpu.memory_space<hbm>> -> memref<1x64xf32, #tpu.memory_space<hbm>>
      tpu.enqueue_dma source(%dma_start3A_1320 : memref<1x64xf32, #tpu.memory_space<hbm>>) target(%dma_start3A_1317 : memref<1x64xf32, #tpu.memory_space<vmem>>) target_semaphore(%arg12 : memref<!tpu.dma_semaphore, #tpu.memory_space<semaphore_mem>>)
      %mul3A_1321 = arith.constant 16 : i32
      %mul3A_1322 = arith.muli %scan3A_991, %mul3A_1321 : i32
      %add3A_1323 = arith.constant 15 : i32
      %add3A_1324 = arith.addi %mul3A_1322, %add3A_1323 : i32
      %slice3A_1325 = vector.extract_strided_slice %get3A_995 {offsets = [15], sizes = [1], strides = [1]} : vector<16xi32> to vector<1xi32>
      %squeeze3A_1326 = vector.extract %slice3A_1325[0] : i32 from vector<1xi32>
      %shift_right_arithmetic3A_1327 = arith.constant 3 : i32
      %shift_right_arithmetic3A_1328 = arith.shrsi %squeeze3A_1326, %shift_right_arithmetic3A_1327 : i32
      %slice3A_1329 = vector.extract_strided_slice %get3A_995 {offsets = [15], sizes = [1], strides = [1]} : vector<16xi32> to vector<1xi32>
      %squeeze3A_1330 = vector.extract %slice3A_1329[0] : i32 from vector<1xi32>
      %and3A_1331 = arith.constant 7 : i32
      %and3A_1332 = arith.andi %squeeze3A_1330, %and3A_1331 : i32
      %dma_start3A_1333 = arith.constant 0 : i32
      %dma_start3A_1334 = tpu.memref_slice %arg10[%add3A_1324, %dma_start3A_1333] : memref<512x64xf32, #tpu.memory_space<vmem>> -> memref<1x64xf32, #tpu.memory_space<vmem>>
      %dma_start3A_1335 = arith.constant 0 : i32
      %dma_start3A_1336 = tpu.memref_slice %arg5[%shift_right_arithmetic3A_1328, %and3A_1332, %dma_start3A_1335] : memref<125000x8x64xf32, #tpu.memory_space<hbm>> -> memref<1x1x64xf32, #tpu.memory_space<hbm>>
      %dma_start3A_1337 = tpu.memref_squeeze %dma_start3A_1336 : memref<1x1x64xf32, #tpu.memory_space<hbm>> -> memref<1x64xf32, #tpu.memory_space<hbm>>
      %dma_start3A_1338 = arith.constant 0 : i32
      %dma_start3A_1339 = tpu.memref_slice %arg10[%add3A_1324, %dma_start3A_1338] : memref<512x64xf32, #tpu.memory_space<vmem>> -> memref<1x64xf32, #tpu.memory_space<vmem>>
      %dma_start3A_1340 = arith.constant 0 : i32
      %dma_start3A_1341 = tpu.memref_slice %arg5[%shift_right_arithmetic3A_1328, %and3A_1332, %dma_start3A_1340] : memref<125000x8x64xf32, #tpu.memory_space<hbm>> -> memref<1x1x64xf32, #tpu.memory_space<hbm>>
      %dma_start3A_1342 = tpu.memref_squeeze %dma_start3A_1341 : memref<1x1x64xf32, #tpu.memory_space<hbm>> -> memref<1x64xf32, #tpu.memory_space<hbm>>
      tpu.enqueue_dma source(%dma_start3A_1342 : memref<1x64xf32, #tpu.memory_space<hbm>>) target(%dma_start3A_1339 : memref<1x64xf32, #tpu.memory_space<vmem>>) target_semaphore(%arg12 : memref<!tpu.dma_semaphore, #tpu.memory_space<semaphore_mem>>)
      %scan3A_1343 = arith.constant 0 : i32
      scf.yield %scan3A_1343 : i32
    }
    %scan3A_8 = arith.constant 16 : i32
    %scan3A_9 = arith.constant 0 : i32
    %scan3A_10 = arith.constant 16 : i32
    %scan3A_11 = arith.constant 16 : i32
    %scan3A_12 = arith.addi %scan3A_10, %scan3A_11 : i32
    %scan3A_13 = arith.constant 1 : i32
    %scan3A_14 = scf.for %scan3A_991 = %scan3A_10 to %scan3A_12 step %scan3A_13 iter_args(%scan3A_992 = %scan3A_9) -> (i32)  : i32 {
      %mul3A_993 = arith.constant 16 : i32
      %mul3A_994 = arith.muli %scan3A_991, %mul3A_993 : i32
      %get3A = arith.index_cast %mul3A_994 : i32 to index
      %get3A_995 = tpu.vector_load %arg7[%get3A] {strides = array<i32>} : memref<512xi32, #tpu.memory_space<vmem>>, vector<16xi32>,
      %mul3A_996 = arith.constant 16 : i32
      %mul3A_997 = arith.muli %scan3A_991, %mul3A_996 : i32
      %add3A_998 = arith.constant 0 : i32
      %add3A_999 = arith.addi %mul3A_997, %add3A_998 : i32
      %slice3A = vector.extract_strided_slice %get3A_995 {offsets = [0], sizes = [1], strides = [1]} : vector<16xi32> to vector<1xi32>
      %squeeze3A = vector.extract %slice3A[0] : i32 from vector<1xi32>
      %shift_right_arithmetic3A = arith.constant 3 : i32
      %shift_right_arithmetic3A_1000 = arith.shrsi %squeeze3A, %shift_right_arithmetic3A : i32
      %slice3A_1001 = vector.extract_strided_slice %get3A_995 {offsets = [0], sizes = [1], strides = [1]} : vector<16xi32> to vector<1xi32>
      %squeeze3A_1002 = vector.extract %slice3A_1001[0] : i32 from vector<1xi32>
      %and3A = arith.constant 7 : i32
      %and3A_1003 = arith.andi %squeeze3A_1002, %and3A : i32
      %dma_start3A = arith.constant 0 : i32
      %dma_start3A_1004 = tpu.memref_slice %arg10[%add3A_999, %dma_start3A] : memref<512x64xf32, #tpu.memory_space<vmem>> -> memref<1x64xf32, #tpu.memory_space<vmem>>
      %dma_start3A_1005 = arith.constant 0 : i32
      %dma_start3A_1006 = tpu.memref_slice %arg5[%shift_right_arithmetic3A_1000, %and3A_1003, %dma_start3A_1005] : memref<125000x8x64xf32, #tpu.memory_space<hbm>> -> memref<1x1x64xf32, #tpu.memory_space<hbm>>
      %dma_start3A_1007 = tpu.memref_squeeze %dma_start3A_1006 : memref<1x1x64xf32, #tpu.memory_space<hbm>> -> memref<1x64xf32, #tpu.memory_space<hbm>>
      %dma_start3A_1008 = arith.constant 0 : i32
      %dma_start3A_1009 = tpu.memref_slice %arg10[%add3A_999, %dma_start3A_1008] : memref<512x64xf32, #tpu.memory_space<vmem>> -> memref<1x64xf32, #tpu.memory_space<vmem>>
      %dma_start3A_1010 = arith.constant 0 : i32
      %dma_start3A_1011 = tpu.memref_slice %arg5[%shift_right_arithmetic3A_1000, %and3A_1003, %dma_start3A_1010] : memref<125000x8x64xf32, #tpu.memory_space<hbm>> -> memref<1x1x64xf32, #tpu.memory_space<hbm>>
      %dma_start3A_1012 = tpu.memref_squeeze %dma_start3A_1011 : memref<1x1x64xf32, #tpu.memory_space<hbm>> -> memref<1x64xf32, #tpu.memory_space<hbm>>
      tpu.enqueue_dma source(%dma_start3A_1012 : memref<1x64xf32, #tpu.memory_space<hbm>>) target(%dma_start3A_1009 : memref<1x64xf32, #tpu.memory_space<vmem>>) target_semaphore(%arg13 : memref<!tpu.dma_semaphore, #tpu.memory_space<semaphore_mem>>)
      %mul3A_1013 = arith.constant 16 : i32
      %mul3A_1014 = arith.muli %scan3A_991, %mul3A_1013 : i32
      %add3A_1015 = arith.constant 1 : i32
      %add3A_1016 = arith.addi %mul3A_1014, %add3A_1015 : i32
      %slice3A_1017 = vector.extract_strided_slice %get3A_995 {offsets = [1], sizes = [1], strides = [1]} : vector<16xi32> to vector<1xi32>
      %squeeze3A_1018 = vector.extract %slice3A_1017[0] : i32 from vector<1xi32>
      %shift_right_arithmetic3A_1019 = arith.constant 3 : i32
      %shift_right_arithmetic3A_1020 = arith.shrsi %squeeze3A_1018, %shift_right_arithmetic3A_1019 : i32
      %slice3A_1021 = vector.extract_strided_slice %get3A_995 {offsets = [1], sizes = [1], strides = [1]} : vector<16xi32> to vector<1xi32>
      %squeeze3A_1022 = vector.extract %slice3A_1021[0] : i32 from vector<1xi32>
      %and3A_1023 = arith.constant 7 : i32
      %and3A_1024 = arith.andi %squeeze3A_1022, %and3A_1023 : i32
      %dma_start3A_1025 = arith.constant 0 : i32
      %dma_start3A_1026 = tpu.memref_slice %arg10[%add3A_1016, %dma_start3A_1025] : memref<512x64xf32, #tpu.memory_space<vmem>> -> memref<1x64xf32, #tpu.memory_space<vmem>>
      %dma_start3A_1027 = arith.constant 0 : i32
      %dma_start3A_1028 = tpu.memref_slice %arg5[%shift_right_arithmetic3A_1020, %and3A_1024, %dma_start3A_1027] : memref<125000x8x64xf32, #tpu.memory_space<hbm>> -> memref<1x1x64xf32, #tpu.memory_space<hbm>>
      %dma_start3A_1029 = tpu.memref_squeeze %dma_start3A_1028 : memref<1x1x64xf32, #tpu.memory_space<hbm>> -> memref<1x64xf32, #tpu.memory_space<hbm>>
      %dma_start3A_1030 = arith.constant 0 : i32
      %dma_start3A_1031 = tpu.memref_slice %arg10[%add3A_1016, %dma_start3A_1030] : memref<512x64xf32, #tpu.memory_space<vmem>> -> memref<1x64xf32, #tpu.memory_space<vmem>>
      %dma_start3A_1032 = arith.constant 0 : i32
      %dma_start3A_1033 = tpu.memref_slice %arg5[%shift_right_arithmetic3A_1020, %and3A_1024, %dma_start3A_1032] : memref<125000x8x64xf32, #tpu.memory_space<hbm>> -> memref<1x1x64xf32, #tpu.memory_space<hbm>>
      %dma_start3A_1034 = tpu.memref_squeeze %dma_start3A_1033 : memref<1x1x64xf32, #tpu.memory_space<hbm>> -> memref<1x64xf32, #tpu.memory_space<hbm>>
      tpu.enqueue_dma source(%dma_start3A_1034 : memref<1x64xf32, #tpu.memory_space<hbm>>) target(%dma_start3A_1031 : memref<1x64xf32, #tpu.memory_space<vmem>>) target_semaphore(%arg13 : memref<!tpu.dma_semaphore, #tpu.memory_space<semaphore_mem>>)
      %mul3A_1035 = arith.constant 16 : i32
      %mul3A_1036 = arith.muli %scan3A_991, %mul3A_1035 : i32
      %add3A_1037 = arith.constant 2 : i32
      %add3A_1038 = arith.addi %mul3A_1036, %add3A_1037 : i32
      %slice3A_1039 = vector.extract_strided_slice %get3A_995 {offsets = [2], sizes = [1], strides = [1]} : vector<16xi32> to vector<1xi32>
      %squeeze3A_1040 = vector.extract %slice3A_1039[0] : i32 from vector<1xi32>
      %shift_right_arithmetic3A_1041 = arith.constant 3 : i32
      %shift_right_arithmetic3A_1042 = arith.shrsi %squeeze3A_1040, %shift_right_arithmetic3A_1041 : i32
      %slice3A_1043 = vector.extract_strided_slice %get3A_995 {offsets = [2], sizes = [1], strides = [1]} : vector<16xi32> to vector<1xi32>
      %squeeze3A_1044 = vector.extract %slice3A_1043[0] : i32 from vector<1xi32>
      %and3A_1045 = arith.constant 7 : i32
      %and3A_1046 = arith.andi %squeeze3A_1044, %and3A_1045 : i32
      %dma_start3A_1047 = arith.constant 0 : i32
      %dma_start3A_1048 = tpu.memref_slice %arg10[%add3A_1038, %dma_start3A_1047] : memref<512x64xf32, #tpu.memory_space<vmem>> -> memref<1x64xf32, #tpu.memory_space<vmem>>
      %dma_start3A_1049 = arith.constant 0 : i32
      %dma_start3A_1050 = tpu.memref_slice %arg5[%shift_right_arithmetic3A_1042, %and3A_1046, %dma_start3A_1049] : memref<125000x8x64xf32, #tpu.memory_space<hbm>> -> memref<1x1x64xf32, #tpu.memory_space<hbm>>
      %dma_start3A_1051 = tpu.memref_squeeze %dma_start3A_1050 : memref<1x1x64xf32, #tpu.memory_space<hbm>> -> memref<1x64xf32, #tpu.memory_space<hbm>>
      %dma_start3A_1052 = arith.constant 0 : i32
      %dma_start3A_1053 = tpu.memref_slice %arg10[%add3A_1038, %dma_start3A_1052] : memref<512x64xf32, #tpu.memory_space<vmem>> -> memref<1x64xf32, #tpu.memory_space<vmem>>
      %dma_start3A_1054 = arith.constant 0 : i32
      %dma_start3A_1055 = tpu.memref_slice %arg5[%shift_right_arithmetic3A_1042, %and3A_1046, %dma_start3A_1054] : memref<125000x8x64xf32, #tpu.memory_space<hbm>> -> memref<1x1x64xf32, #tpu.memory_space<hbm>>
      %dma_start3A_1056 = tpu.memref_squeeze %dma_start3A_1055 : memref<1x1x64xf32, #tpu.memory_space<hbm>> -> memref<1x64xf32, #tpu.memory_space<hbm>>
      tpu.enqueue_dma source(%dma_start3A_1056 : memref<1x64xf32, #tpu.memory_space<hbm>>) target(%dma_start3A_1053 : memref<1x64xf32, #tpu.memory_space<vmem>>) target_semaphore(%arg13 : memref<!tpu.dma_semaphore, #tpu.memory_space<semaphore_mem>>)
      %mul3A_1057 = arith.constant 16 : i32
      %mul3A_1058 = arith.muli %scan3A_991, %mul3A_1057 : i32
      %add3A_1059 = arith.constant 3 : i32
      %add3A_1060 = arith.addi %mul3A_1058, %add3A_1059 : i32
      %slice3A_1061 = vector.extract_strided_slice %get3A_995 {offsets = [3], sizes = [1], strides = [1]} : vector<16xi32> to vector<1xi32>
      %squeeze3A_1062 = vector.extract %slice3A_1061[0] : i32 from vector<1xi32>
      %shift_right_arithmetic3A_1063 = arith.constant 3 : i32
      %shift_right_arithmetic3A_1064 = arith.shrsi %squeeze3A_1062, %shift_right_arithmetic3A_1063 : i32
      %slice3A_1065 = vector.extract_strided_slice %get3A_995 {offsets = [3], sizes = [1], strides = [1]} : vector<16xi32> to vector<1xi32>
      %squeeze3A_1066 = vector.extract %slice3A_1065[0] : i32 from vector<1xi32>
      %and3A_1067 = arith.constant 7 : i32
      %and3A_1068 = arith.andi %squeeze3A_1066, %and3A_1067 : i32
      %dma_start3A_1069 = arith.constant 0 : i32
      %dma_start3A_1070 = tpu.memref_slice %arg10[%add3A_1060, %dma_start3A_1069] : memref<512x64xf32, #tpu.memory_space<vmem>> -> memref<1x64xf32, #tpu.memory_space<vmem>>
      %dma_start3A_1071 = arith.constant 0 : i32
      %dma_start3A_1072 = tpu.memref_slice %arg5[%shift_right_arithmetic3A_1064, %and3A_1068, %dma_start3A_1071] : memref<125000x8x64xf32, #tpu.memory_space<hbm>> -> memref<1x1x64xf32, #tpu.memory_space<hbm>>
      %dma_start3A_1073 = tpu.memref_squeeze %dma_start3A_1072 : memref<1x1x64xf32, #tpu.memory_space<hbm>> -> memref<1x64xf32, #tpu.memory_space<hbm>>
      %dma_start3A_1074 = arith.constant 0 : i32
      %dma_start3A_1075 = tpu.memref_slice %arg10[%add3A_1060, %dma_start3A_1074] : memref<512x64xf32, #tpu.memory_space<vmem>> -> memref<1x64xf32, #tpu.memory_space<vmem>>
      %dma_start3A_1076 = arith.constant 0 : i32
      %dma_start3A_1077 = tpu.memref_slice %arg5[%shift_right_arithmetic3A_1064, %and3A_1068, %dma_start3A_1076] : memref<125000x8x64xf32, #tpu.memory_space<hbm>> -> memref<1x1x64xf32, #tpu.memory_space<hbm>>
      %dma_start3A_1078 = tpu.memref_squeeze %dma_start3A_1077 : memref<1x1x64xf32, #tpu.memory_space<hbm>> -> memref<1x64xf32, #tpu.memory_space<hbm>>
      tpu.enqueue_dma source(%dma_start3A_1078 : memref<1x64xf32, #tpu.memory_space<hbm>>) target(%dma_start3A_1075 : memref<1x64xf32, #tpu.memory_space<vmem>>) target_semaphore(%arg13 : memref<!tpu.dma_semaphore, #tpu.memory_space<semaphore_mem>>)
      %mul3A_1079 = arith.constant 16 : i32
      %mul3A_1080 = arith.muli %scan3A_991, %mul3A_1079 : i32
      %add3A_1081 = arith.constant 4 : i32
      %add3A_1082 = arith.addi %mul3A_1080, %add3A_1081 : i32
      %slice3A_1083 = vector.extract_strided_slice %get3A_995 {offsets = [4], sizes = [1], strides = [1]} : vector<16xi32> to vector<1xi32>
      %squeeze3A_1084 = vector.extract %slice3A_1083[0] : i32 from vector<1xi32>
      %shift_right_arithmetic3A_1085 = arith.constant 3 : i32
      %shift_right_arithmetic3A_1086 = arith.shrsi %squeeze3A_1084, %shift_right_arithmetic3A_1085 : i32
      %slice3A_1087 = vector.extract_strided_slice %get3A_995 {offsets = [4], sizes = [1], strides = [1]} : vector<16xi32> to vector<1xi32>
      %squeeze3A_1088 = vector.extract %slice3A_1087[0] : i32 from vector<1xi32>
      %and3A_1089 = arith.constant 7 : i32
      %and3A_1090 = arith.andi %squeeze3A_1088, %and3A_1089 : i32
      %dma_start3A_1091 = arith.constant 0 : i32
      %dma_start3A_1092 = tpu.memref_slice %arg10[%add3A_1082, %dma_start3A_1091] : memref<512x64xf32, #tpu.memory_space<vmem>> -> memref<1x64xf32, #tpu.memory_space<vmem>>
      %dma_start3A_1093 = arith.constant 0 : i32
      %dma_start3A_1094 = tpu.memref_slice %arg5[%shift_right_arithmetic3A_1086, %and3A_1090, %dma_start3A_1093] : memref<125000x8x64xf32, #tpu.memory_space<hbm>> -> memref<1x1x64xf32, #tpu.memory_space<hbm>>
      %dma_start3A_1095 = tpu.memref_squeeze %dma_start3A_1094 : memref<1x1x64xf32, #tpu.memory_space<hbm>> -> memref<1x64xf32, #tpu.memory_space<hbm>>
      %dma_start3A_1096 = arith.constant 0 : i32
      %dma_start3A_1097 = tpu.memref_slice %arg10[%add3A_1082, %dma_start3A_1096] : memref<512x64xf32, #tpu.memory_space<vmem>> -> memref<1x64xf32, #tpu.memory_space<vmem>>
      %dma_start3A_1098 = arith.constant 0 : i32
      %dma_start3A_1099 = tpu.memref_slice %arg5[%shift_right_arithmetic3A_1086, %and3A_1090, %dma_start3A_1098] : memref<125000x8x64xf32, #tpu.memory_space<hbm>> -> memref<1x1x64xf32, #tpu.memory_space<hbm>>
      %dma_start3A_1100 = tpu.memref_squeeze %dma_start3A_1099 : memref<1x1x64xf32, #tpu.memory_space<hbm>> -> memref<1x64xf32, #tpu.memory_space<hbm>>
      tpu.enqueue_dma source(%dma_start3A_1100 : memref<1x64xf32, #tpu.memory_space<hbm>>) target(%dma_start3A_1097 : memref<1x64xf32, #tpu.memory_space<vmem>>) target_semaphore(%arg13 : memref<!tpu.dma_semaphore, #tpu.memory_space<semaphore_mem>>)
      %mul3A_1101 = arith.constant 16 : i32
      %mul3A_1102 = arith.muli %scan3A_991, %mul3A_1101 : i32
      %add3A_1103 = arith.constant 5 : i32
      %add3A_1104 = arith.addi %mul3A_1102, %add3A_1103 : i32
      %slice3A_1105 = vector.extract_strided_slice %get3A_995 {offsets = [5], sizes = [1], strides = [1]} : vector<16xi32> to vector<1xi32>
      %squeeze3A_1106 = vector.extract %slice3A_1105[0] : i32 from vector<1xi32>
      %shift_right_arithmetic3A_1107 = arith.constant 3 : i32
      %shift_right_arithmetic3A_1108 = arith.shrsi %squeeze3A_1106, %shift_right_arithmetic3A_1107 : i32
      %slice3A_1109 = vector.extract_strided_slice %get3A_995 {offsets = [5], sizes = [1], strides = [1]} : vector<16xi32> to vector<1xi32>
      %squeeze3A_1110 = vector.extract %slice3A_1109[0] : i32 from vector<1xi32>
      %and3A_1111 = arith.constant 7 : i32
      %and3A_1112 = arith.andi %squeeze3A_1110, %and3A_1111 : i32
      %dma_start3A_1113 = arith.constant 0 : i32
      %dma_start3A_1114 = tpu.memref_slice %arg10[%add3A_1104, %dma_start3A_1113] : memref<512x64xf32, #tpu.memory_space<vmem>> -> memref<1x64xf32, #tpu.memory_space<vmem>>
      %dma_start3A_1115 = arith.constant 0 : i32
      %dma_start3A_1116 = tpu.memref_slice %arg5[%shift_right_arithmetic3A_1108, %and3A_1112, %dma_start3A_1115] : memref<125000x8x64xf32, #tpu.memory_space<hbm>> -> memref<1x1x64xf32, #tpu.memory_space<hbm>>
      %dma_start3A_1117 = tpu.memref_squeeze %dma_start3A_1116 : memref<1x1x64xf32, #tpu.memory_space<hbm>> -> memref<1x64xf32, #tpu.memory_space<hbm>>
      %dma_start3A_1118 = arith.constant 0 : i32
      %dma_start3A_1119 = tpu.memref_slice %arg10[%add3A_1104, %dma_start3A_1118] : memref<512x64xf32, #tpu.memory_space<vmem>> -> memref<1x64xf32, #tpu.memory_space<vmem>>
      %dma_start3A_1120 = arith.constant 0 : i32
      %dma_start3A_1121 = tpu.memref_slice %arg5[%shift_right_arithmetic3A_1108, %and3A_1112, %dma_start3A_1120] : memref<125000x8x64xf32, #tpu.memory_space<hbm>> -> memref<1x1x64xf32, #tpu.memory_space<hbm>>
      %dma_start3A_1122 = tpu.memref_squeeze %dma_start3A_1121 : memref<1x1x64xf32, #tpu.memory_space<hbm>> -> memref<1x64xf32, #tpu.memory_space<hbm>>
      tpu.enqueue_dma source(%dma_start3A_1122 : memref<1x64xf32, #tpu.memory_space<hbm>>) target(%dma_start3A_1119 : memref<1x64xf32, #tpu.memory_space<vmem>>) target_semaphore(%arg13 : memref<!tpu.dma_semaphore, #tpu.memory_space<semaphore_mem>>)
      %mul3A_1123 = arith.constant 16 : i32
      %mul3A_1124 = arith.muli %scan3A_991, %mul3A_1123 : i32
      %add3A_1125 = arith.constant 6 : i32
      %add3A_1126 = arith.addi %mul3A_1124, %add3A_1125 : i32
      %slice3A_1127 = vector.extract_strided_slice %get3A_995 {offsets = [6], sizes = [1], strides = [1]} : vector<16xi32> to vector<1xi32>
      %squeeze3A_1128 = vector.extract %slice3A_1127[0] : i32 from vector<1xi32>
      %shift_right_arithmetic3A_1129 = arith.constant 3 : i32
      %shift_right_arithmetic3A_1130 = arith.shrsi %squeeze3A_1128, %shift_right_arithmetic3A_1129 : i32
      %slice3A_1131 = vector.extract_strided_slice %get3A_995 {offsets = [6], sizes = [1], strides = [1]} : vector<16xi32> to vector<1xi32>
      %squeeze3A_1132 = vector.extract %slice3A_1131[0] : i32 from vector<1xi32>
      %and3A_1133 = arith.constant 7 : i32
      %and3A_1134 = arith.andi %squeeze3A_1132, %and3A_1133 : i32
      %dma_start3A_1135 = arith.constant 0 : i32
      %dma_start3A_1136 = tpu.memref_slice %arg10[%add3A_1126, %dma_start3A_1135] : memref<512x64xf32, #tpu.memory_space<vmem>> -> memref<1x64xf32, #tpu.memory_space<vmem>>
      %dma_start3A_1137 = arith.constant 0 : i32
      %dma_start3A_1138 = tpu.memref_slice %arg5[%shift_right_arithmetic3A_1130, %and3A_1134, %dma_start3A_1137] : memref<125000x8x64xf32, #tpu.memory_space<hbm>> -> memref<1x1x64xf32, #tpu.memory_space<hbm>>
      %dma_start3A_1139 = tpu.memref_squeeze %dma_start3A_1138 : memref<1x1x64xf32, #tpu.memory_space<hbm>> -> memref<1x64xf32, #tpu.memory_space<hbm>>
      %dma_start3A_1140 = arith.constant 0 : i32
      %dma_start3A_1141 = tpu.memref_slice %arg10[%add3A_1126, %dma_start3A_1140] : memref<512x64xf32, #tpu.memory_space<vmem>> -> memref<1x64xf32, #tpu.memory_space<vmem>>
      %dma_start3A_1142 = arith.constant 0 : i32
      %dma_start3A_1143 = tpu.memref_slice %arg5[%shift_right_arithmetic3A_1130, %and3A_1134, %dma_start3A_1142] : memref<125000x8x64xf32, #tpu.memory_space<hbm>> -> memref<1x1x64xf32, #tpu.memory_space<hbm>>
      %dma_start3A_1144 = tpu.memref_squeeze %dma_start3A_1143 : memref<1x1x64xf32, #tpu.memory_space<hbm>> -> memref<1x64xf32, #tpu.memory_space<hbm>>
      tpu.enqueue_dma source(%dma_start3A_1144 : memref<1x64xf32, #tpu.memory_space<hbm>>) target(%dma_start3A_1141 : memref<1x64xf32, #tpu.memory_space<vmem>>) target_semaphore(%arg13 : memref<!tpu.dma_semaphore, #tpu.memory_space<semaphore_mem>>)
      %mul3A_1145 = arith.constant 16 : i32
      %mul3A_1146 = arith.muli %scan3A_991, %mul3A_1145 : i32
      %add3A_1147 = arith.constant 7 : i32
      %add3A_1148 = arith.addi %mul3A_1146, %add3A_1147 : i32
      %slice3A_1149 = vector.extract_strided_slice %get3A_995 {offsets = [7], sizes = [1], strides = [1]} : vector<16xi32> to vector<1xi32>
      %squeeze3A_1150 = vector.extract %slice3A_1149[0] : i32 from vector<1xi32>
      %shift_right_arithmetic3A_1151 = arith.constant 3 : i32
      %shift_right_arithmetic3A_1152 = arith.shrsi %squeeze3A_1150, %shift_right_arithmetic3A_1151 : i32
      %slice3A_1153 = vector.extract_strided_slice %get3A_995 {offsets = [7], sizes = [1], strides = [1]} : vector<16xi32> to vector<1xi32>
      %squeeze3A_1154 = vector.extract %slice3A_1153[0] : i32 from vector<1xi32>
      %and3A_1155 = arith.constant 7 : i32
      %and3A_1156 = arith.andi %squeeze3A_1154, %and3A_1155 : i32
      %dma_start3A_1157 = arith.constant 0 : i32
      %dma_start3A_1158 = tpu.memref_slice %arg10[%add3A_1148, %dma_start3A_1157] : memref<512x64xf32, #tpu.memory_space<vmem>> -> memref<1x64xf32, #tpu.memory_space<vmem>>
      %dma_start3A_1159 = arith.constant 0 : i32
      %dma_start3A_1160 = tpu.memref_slice %arg5[%shift_right_arithmetic3A_1152, %and3A_1156, %dma_start3A_1159] : memref<125000x8x64xf32, #tpu.memory_space<hbm>> -> memref<1x1x64xf32, #tpu.memory_space<hbm>>
      %dma_start3A_1161 = tpu.memref_squeeze %dma_start3A_1160 : memref<1x1x64xf32, #tpu.memory_space<hbm>> -> memref<1x64xf32, #tpu.memory_space<hbm>>
      %dma_start3A_1162 = arith.constant 0 : i32
      %dma_start3A_1163 = tpu.memref_slice %arg10[%add3A_1148, %dma_start3A_1162] : memref<512x64xf32, #tpu.memory_space<vmem>> -> memref<1x64xf32, #tpu.memory_space<vmem>>
      %dma_start3A_1164 = arith.constant 0 : i32
      %dma_start3A_1165 = tpu.memref_slice %arg5[%shift_right_arithmetic3A_1152, %and3A_1156, %dma_start3A_1164] : memref<125000x8x64xf32, #tpu.memory_space<hbm>> -> memref<1x1x64xf32, #tpu.memory_space<hbm>>
      %dma_start3A_1166 = tpu.memref_squeeze %dma_start3A_1165 : memref<1x1x64xf32, #tpu.memory_space<hbm>> -> memref<1x64xf32, #tpu.memory_space<hbm>>
      tpu.enqueue_dma source(%dma_start3A_1166 : memref<1x64xf32, #tpu.memory_space<hbm>>) target(%dma_start3A_1163 : memref<1x64xf32, #tpu.memory_space<vmem>>) target_semaphore(%arg13 : memref<!tpu.dma_semaphore, #tpu.memory_space<semaphore_mem>>)
      %mul3A_1167 = arith.constant 16 : i32
      %mul3A_1168 = arith.muli %scan3A_991, %mul3A_1167 : i32
      %add3A_1169 = arith.constant 8 : i32
      %add3A_1170 = arith.addi %mul3A_1168, %add3A_1169 : i32
      %slice3A_1171 = vector.extract_strided_slice %get3A_995 {offsets = [8], sizes = [1], strides = [1]} : vector<16xi32> to vector<1xi32>
      %squeeze3A_1172 = vector.extract %slice3A_1171[0] : i32 from vector<1xi32>
      %shift_right_arithmetic3A_1173 = arith.constant 3 : i32
      %shift_right_arithmetic3A_1174 = arith.shrsi %squeeze3A_1172, %shift_right_arithmetic3A_1173 : i32
      %slice3A_1175 = vector.extract_strided_slice %get3A_995 {offsets = [8], sizes = [1], strides = [1]} : vector<16xi32> to vector<1xi32>
      %squeeze3A_1176 = vector.extract %slice3A_1175[0] : i32 from vector<1xi32>
      %and3A_1177 = arith.constant 7 : i32
      %and3A_1178 = arith.andi %squeeze3A_1176, %and3A_1177 : i32
      %dma_start3A_1179 = arith.constant 0 : i32
      %dma_start3A_1180 = tpu.memref_slice %arg10[%add3A_1170, %dma_start3A_1179] : memref<512x64xf32, #tpu.memory_space<vmem>> -> memref<1x64xf32, #tpu.memory_space<vmem>>
      %dma_start3A_1181 = arith.constant 0 : i32
      %dma_start3A_1182 = tpu.memref_slice %arg5[%shift_right_arithmetic3A_1174, %and3A_1178, %dma_start3A_1181] : memref<125000x8x64xf32, #tpu.memory_space<hbm>> -> memref<1x1x64xf32, #tpu.memory_space<hbm>>
      %dma_start3A_1183 = tpu.memref_squeeze %dma_start3A_1182 : memref<1x1x64xf32, #tpu.memory_space<hbm>> -> memref<1x64xf32, #tpu.memory_space<hbm>>
      %dma_start3A_1184 = arith.constant 0 : i32
      %dma_start3A_1185 = tpu.memref_slice %arg10[%add3A_1170, %dma_start3A_1184] : memref<512x64xf32, #tpu.memory_space<vmem>> -> memref<1x64xf32, #tpu.memory_space<vmem>>
      %dma_start3A_1186 = arith.constant 0 : i32
      %dma_start3A_1187 = tpu.memref_slice %arg5[%shift_right_arithmetic3A_1174, %and3A_1178, %dma_start3A_1186] : memref<125000x8x64xf32, #tpu.memory_space<hbm>> -> memref<1x1x64xf32, #tpu.memory_space<hbm>>
      %dma_start3A_1188 = tpu.memref_squeeze %dma_start3A_1187 : memref<1x1x64xf32, #tpu.memory_space<hbm>> -> memref<1x64xf32, #tpu.memory_space<hbm>>
      tpu.enqueue_dma source(%dma_start3A_1188 : memref<1x64xf32, #tpu.memory_space<hbm>>) target(%dma_start3A_1185 : memref<1x64xf32, #tpu.memory_space<vmem>>) target_semaphore(%arg13 : memref<!tpu.dma_semaphore, #tpu.memory_space<semaphore_mem>>)
      %mul3A_1189 = arith.constant 16 : i32
      %mul3A_1190 = arith.muli %scan3A_991, %mul3A_1189 : i32
      %add3A_1191 = arith.constant 9 : i32
      %add3A_1192 = arith.addi %mul3A_1190, %add3A_1191 : i32
      %slice3A_1193 = vector.extract_strided_slice %get3A_995 {offsets = [9], sizes = [1], strides = [1]} : vector<16xi32> to vector<1xi32>
      %squeeze3A_1194 = vector.extract %slice3A_1193[0] : i32 from vector<1xi32>
      %shift_right_arithmetic3A_1195 = arith.constant 3 : i32
      %shift_right_arithmetic3A_1196 = arith.shrsi %squeeze3A_1194, %shift_right_arithmetic3A_1195 : i32
      %slice3A_1197 = vector.extract_strided_slice %get3A_995 {offsets = [9], sizes = [1], strides = [1]} : vector<16xi32> to vector<1xi32>
      %squeeze3A_1198 = vector.extract %slice3A_1197[0] : i32 from vector<1xi32>
      %and3A_1199 = arith.constant 7 : i32
      %and3A_1200 = arith.andi %squeeze3A_1198, %and3A_1199 : i32
      %dma_start3A_1201 = arith.constant 0 : i32
      %dma_start3A_1202 = tpu.memref_slice %arg10[%add3A_1192, %dma_start3A_1201] : memref<512x64xf32, #tpu.memory_space<vmem>> -> memref<1x64xf32, #tpu.memory_space<vmem>>
      %dma_start3A_1203 = arith.constant 0 : i32
      %dma_start3A_1204 = tpu.memref_slice %arg5[%shift_right_arithmetic3A_1196, %and3A_1200, %dma_start3A_1203] : memref<125000x8x64xf32, #tpu.memory_space<hbm>> -> memref<1x1x64xf32, #tpu.memory_space<hbm>>
      %dma_start3A_1205 = tpu.memref_squeeze %dma_start3A_1204 : memref<1x1x64xf32, #tpu.memory_space<hbm>> -> memref<1x64xf32, #tpu.memory_space<hbm>>
      %dma_start3A_1206 = arith.constant 0 : i32
      %dma_start3A_1207 = tpu.memref_slice %arg10[%add3A_1192, %dma_start3A_1206] : memref<512x64xf32, #tpu.memory_space<vmem>> -> memref<1x64xf32, #tpu.memory_space<vmem>>
      %dma_start3A_1208 = arith.constant 0 : i32
      %dma_start3A_1209 = tpu.memref_slice %arg5[%shift_right_arithmetic3A_1196, %and3A_1200, %dma_start3A_1208] : memref<125000x8x64xf32, #tpu.memory_space<hbm>> -> memref<1x1x64xf32, #tpu.memory_space<hbm>>
      %dma_start3A_1210 = tpu.memref_squeeze %dma_start3A_1209 : memref<1x1x64xf32, #tpu.memory_space<hbm>> -> memref<1x64xf32, #tpu.memory_space<hbm>>
      tpu.enqueue_dma source(%dma_start3A_1210 : memref<1x64xf32, #tpu.memory_space<hbm>>) target(%dma_start3A_1207 : memref<1x64xf32, #tpu.memory_space<vmem>>) target_semaphore(%arg13 : memref<!tpu.dma_semaphore, #tpu.memory_space<semaphore_mem>>)
      %mul3A_1211 = arith.constant 16 : i32
      %mul3A_1212 = arith.muli %scan3A_991, %mul3A_1211 : i32
      %add3A_1213 = arith.constant 10 : i32
      %add3A_1214 = arith.addi %mul3A_1212, %add3A_1213 : i32
      %slice3A_1215 = vector.extract_strided_slice %get3A_995 {offsets = [10], sizes = [1], strides = [1]} : vector<16xi32> to vector<1xi32>
      %squeeze3A_1216 = vector.extract %slice3A_1215[0] : i32 from vector<1xi32>
      %shift_right_arithmetic3A_1217 = arith.constant 3 : i32
      %shift_right_arithmetic3A_1218 = arith.shrsi %squeeze3A_1216, %shift_right_arithmetic3A_1217 : i32
      %slice3A_1219 = vector.extract_strided_slice %get3A_995 {offsets = [10], sizes = [1], strides = [1]} : vector<16xi32> to vector<1xi32>
      %squeeze3A_1220 = vector.extract %slice3A_1219[0] : i32 from vector<1xi32>
      %and3A_1221 = arith.constant 7 : i32
      %and3A_1222 = arith.andi %squeeze3A_1220, %and3A_1221 : i32
      %dma_start3A_1223 = arith.constant 0 : i32
      %dma_start3A_1224 = tpu.memref_slice %arg10[%add3A_1214, %dma_start3A_1223] : memref<512x64xf32, #tpu.memory_space<vmem>> -> memref<1x64xf32, #tpu.memory_space<vmem>>
      %dma_start3A_1225 = arith.constant 0 : i32
      %dma_start3A_1226 = tpu.memref_slice %arg5[%shift_right_arithmetic3A_1218, %and3A_1222, %dma_start3A_1225] : memref<125000x8x64xf32, #tpu.memory_space<hbm>> -> memref<1x1x64xf32, #tpu.memory_space<hbm>>
      %dma_start3A_1227 = tpu.memref_squeeze %dma_start3A_1226 : memref<1x1x64xf32, #tpu.memory_space<hbm>> -> memref<1x64xf32, #tpu.memory_space<hbm>>
      %dma_start3A_1228 = arith.constant 0 : i32
      %dma_start3A_1229 = tpu.memref_slice %arg10[%add3A_1214, %dma_start3A_1228] : memref<512x64xf32, #tpu.memory_space<vmem>> -> memref<1x64xf32, #tpu.memory_space<vmem>>
      %dma_start3A_1230 = arith.constant 0 : i32
      %dma_start3A_1231 = tpu.memref_slice %arg5[%shift_right_arithmetic3A_1218, %and3A_1222, %dma_start3A_1230] : memref<125000x8x64xf32, #tpu.memory_space<hbm>> -> memref<1x1x64xf32, #tpu.memory_space<hbm>>
      %dma_start3A_1232 = tpu.memref_squeeze %dma_start3A_1231 : memref<1x1x64xf32, #tpu.memory_space<hbm>> -> memref<1x64xf32, #tpu.memory_space<hbm>>
      tpu.enqueue_dma source(%dma_start3A_1232 : memref<1x64xf32, #tpu.memory_space<hbm>>) target(%dma_start3A_1229 : memref<1x64xf32, #tpu.memory_space<vmem>>) target_semaphore(%arg13 : memref<!tpu.dma_semaphore, #tpu.memory_space<semaphore_mem>>)
      %mul3A_1233 = arith.constant 16 : i32
      %mul3A_1234 = arith.muli %scan3A_991, %mul3A_1233 : i32
      %add3A_1235 = arith.constant 11 : i32
      %add3A_1236 = arith.addi %mul3A_1234, %add3A_1235 : i32
      %slice3A_1237 = vector.extract_strided_slice %get3A_995 {offsets = [11], sizes = [1], strides = [1]} : vector<16xi32> to vector<1xi32>
      %squeeze3A_1238 = vector.extract %slice3A_1237[0] : i32 from vector<1xi32>
      %shift_right_arithmetic3A_1239 = arith.constant 3 : i32
      %shift_right_arithmetic3A_1240 = arith.shrsi %squeeze3A_1238, %shift_right_arithmetic3A_1239 : i32
      %slice3A_1241 = vector.extract_strided_slice %get3A_995 {offsets = [11], sizes = [1], strides = [1]} : vector<16xi32> to vector<1xi32>
      %squeeze3A_1242 = vector.extract %slice3A_1241[0] : i32 from vector<1xi32>
      %and3A_1243 = arith.constant 7 : i32
      %and3A_1244 = arith.andi %squeeze3A_1242, %and3A_1243 : i32
      %dma_start3A_1245 = arith.constant 0 : i32
      %dma_start3A_1246 = tpu.memref_slice %arg10[%add3A_1236, %dma_start3A_1245] : memref<512x64xf32, #tpu.memory_space<vmem>> -> memref<1x64xf32, #tpu.memory_space<vmem>>
      %dma_start3A_1247 = arith.constant 0 : i32
      %dma_start3A_1248 = tpu.memref_slice %arg5[%shift_right_arithmetic3A_1240, %and3A_1244, %dma_start3A_1247] : memref<125000x8x64xf32, #tpu.memory_space<hbm>> -> memref<1x1x64xf32, #tpu.memory_space<hbm>>
      %dma_start3A_1249 = tpu.memref_squeeze %dma_start3A_1248 : memref<1x1x64xf32, #tpu.memory_space<hbm>> -> memref<1x64xf32, #tpu.memory_space<hbm>>
      %dma_start3A_1250 = arith.constant 0 : i32
      %dma_start3A_1251 = tpu.memref_slice %arg10[%add3A_1236, %dma_start3A_1250] : memref<512x64xf32, #tpu.memory_space<vmem>> -> memref<1x64xf32, #tpu.memory_space<vmem>>
      %dma_start3A_1252 = arith.constant 0 : i32
      %dma_start3A_1253 = tpu.memref_slice %arg5[%shift_right_arithmetic3A_1240, %and3A_1244, %dma_start3A_1252] : memref<125000x8x64xf32, #tpu.memory_space<hbm>> -> memref<1x1x64xf32, #tpu.memory_space<hbm>>
      %dma_start3A_1254 = tpu.memref_squeeze %dma_start3A_1253 : memref<1x1x64xf32, #tpu.memory_space<hbm>> -> memref<1x64xf32, #tpu.memory_space<hbm>>
      tpu.enqueue_dma source(%dma_start3A_1254 : memref<1x64xf32, #tpu.memory_space<hbm>>) target(%dma_start3A_1251 : memref<1x64xf32, #tpu.memory_space<vmem>>) target_semaphore(%arg13 : memref<!tpu.dma_semaphore, #tpu.memory_space<semaphore_mem>>)
      %mul3A_1255 = arith.constant 16 : i32
      %mul3A_1256 = arith.muli %scan3A_991, %mul3A_1255 : i32
      %add3A_1257 = arith.constant 12 : i32
      %add3A_1258 = arith.addi %mul3A_1256, %add3A_1257 : i32
      %slice3A_1259 = vector.extract_strided_slice %get3A_995 {offsets = [12], sizes = [1], strides = [1]} : vector<16xi32> to vector<1xi32>
      %squeeze3A_1260 = vector.extract %slice3A_1259[0] : i32 from vector<1xi32>
      %shift_right_arithmetic3A_1261 = arith.constant 3 : i32
      %shift_right_arithmetic3A_1262 = arith.shrsi %squeeze3A_1260, %shift_right_arithmetic3A_1261 : i32
      %slice3A_1263 = vector.extract_strided_slice %get3A_995 {offsets = [12], sizes = [1], strides = [1]} : vector<16xi32> to vector<1xi32>
      %squeeze3A_1264 = vector.extract %slice3A_1263[0] : i32 from vector<1xi32>
      %and3A_1265 = arith.constant 7 : i32
      %and3A_1266 = arith.andi %squeeze3A_1264, %and3A_1265 : i32
      %dma_start3A_1267 = arith.constant 0 : i32
      %dma_start3A_1268 = tpu.memref_slice %arg10[%add3A_1258, %dma_start3A_1267] : memref<512x64xf32, #tpu.memory_space<vmem>> -> memref<1x64xf32, #tpu.memory_space<vmem>>
      %dma_start3A_1269 = arith.constant 0 : i32
      %dma_start3A_1270 = tpu.memref_slice %arg5[%shift_right_arithmetic3A_1262, %and3A_1266, %dma_start3A_1269] : memref<125000x8x64xf32, #tpu.memory_space<hbm>> -> memref<1x1x64xf32, #tpu.memory_space<hbm>>
      %dma_start3A_1271 = tpu.memref_squeeze %dma_start3A_1270 : memref<1x1x64xf32, #tpu.memory_space<hbm>> -> memref<1x64xf32, #tpu.memory_space<hbm>>
      %dma_start3A_1272 = arith.constant 0 : i32
      %dma_start3A_1273 = tpu.memref_slice %arg10[%add3A_1258, %dma_start3A_1272] : memref<512x64xf32, #tpu.memory_space<vmem>> -> memref<1x64xf32, #tpu.memory_space<vmem>>
      %dma_start3A_1274 = arith.constant 0 : i32
      %dma_start3A_1275 = tpu.memref_slice %arg5[%shift_right_arithmetic3A_1262, %and3A_1266, %dma_start3A_1274] : memref<125000x8x64xf32, #tpu.memory_space<hbm>> -> memref<1x1x64xf32, #tpu.memory_space<hbm>>
      %dma_start3A_1276 = tpu.memref_squeeze %dma_start3A_1275 : memref<1x1x64xf32, #tpu.memory_space<hbm>> -> memref<1x64xf32, #tpu.memory_space<hbm>>
      tpu.enqueue_dma source(%dma_start3A_1276 : memref<1x64xf32, #tpu.memory_space<hbm>>) target(%dma_start3A_1273 : memref<1x64xf32, #tpu.memory_space<vmem>>) target_semaphore(%arg13 : memref<!tpu.dma_semaphore, #tpu.memory_space<semaphore_mem>>)
      %mul3A_1277 = arith.constant 16 : i32
      %mul3A_1278 = arith.muli %scan3A_991, %mul3A_1277 : i32
      %add3A_1279 = arith.constant 13 : i32
      %add3A_1280 = arith.addi %mul3A_1278, %add3A_1279 : i32
      %slice3A_1281 = vector.extract_strided_slice %get3A_995 {offsets = [13], sizes = [1], strides = [1]} : vector<16xi32> to vector<1xi32>
      %squeeze3A_1282 = vector.extract %slice3A_1281[0] : i32 from vector<1xi32>
      %shift_right_arithmetic3A_1283 = arith.constant 3 : i32
      %shift_right_arithmetic3A_1284 = arith.shrsi %squeeze3A_1282, %shift_right_arithmetic3A_1283 : i32
      %slice3A_1285 = vector.extract_strided_slice %get3A_995 {offsets = [13], sizes = [1], strides = [1]} : vector<16xi32> to vector<1xi32>
      %squeeze3A_1286 = vector.extract %slice3A_1285[0] : i32 from vector<1xi32>
      %and3A_1287 = arith.constant 7 : i32
      %and3A_1288 = arith.andi %squeeze3A_1286, %and3A_1287 : i32
      %dma_start3A_1289 = arith.constant 0 : i32
      %dma_start3A_1290 = tpu.memref_slice %arg10[%add3A_1280, %dma_start3A_1289] : memref<512x64xf32, #tpu.memory_space<vmem>> -> memref<1x64xf32, #tpu.memory_space<vmem>>
      %dma_start3A_1291 = arith.constant 0 : i32
      %dma_start3A_1292 = tpu.memref_slice %arg5[%shift_right_arithmetic3A_1284, %and3A_1288, %dma_start3A_1291] : memref<125000x8x64xf32, #tpu.memory_space<hbm>> -> memref<1x1x64xf32, #tpu.memory_space<hbm>>
      %dma_start3A_1293 = tpu.memref_squeeze %dma_start3A_1292 : memref<1x1x64xf32, #tpu.memory_space<hbm>> -> memref<1x64xf32, #tpu.memory_space<hbm>>
      %dma_start3A_1294 = arith.constant 0 : i32
      %dma_start3A_1295 = tpu.memref_slice %arg10[%add3A_1280, %dma_start3A_1294] : memref<512x64xf32, #tpu.memory_space<vmem>> -> memref<1x64xf32, #tpu.memory_space<vmem>>
      %dma_start3A_1296 = arith.constant 0 : i32
      %dma_start3A_1297 = tpu.memref_slice %arg5[%shift_right_arithmetic3A_1284, %and3A_1288, %dma_start3A_1296] : memref<125000x8x64xf32, #tpu.memory_space<hbm>> -> memref<1x1x64xf32, #tpu.memory_space<hbm>>
      %dma_start3A_1298 = tpu.memref_squeeze %dma_start3A_1297 : memref<1x1x64xf32, #tpu.memory_space<hbm>> -> memref<1x64xf32, #tpu.memory_space<hbm>>
      tpu.enqueue_dma source(%dma_start3A_1298 : memref<1x64xf32, #tpu.memory_space<hbm>>) target(%dma_start3A_1295 : memref<1x64xf32, #tpu.memory_space<vmem>>) target_semaphore(%arg13 : memref<!tpu.dma_semaphore, #tpu.memory_space<semaphore_mem>>)
      %mul3A_1299 = arith.constant 16 : i32
      %mul3A_1300 = arith.muli %scan3A_991, %mul3A_1299 : i32
      %add3A_1301 = arith.constant 14 : i32
      %add3A_1302 = arith.addi %mul3A_1300, %add3A_1301 : i32
      %slice3A_1303 = vector.extract_strided_slice %get3A_995 {offsets = [14], sizes = [1], strides = [1]} : vector<16xi32> to vector<1xi32>
      %squeeze3A_1304 = vector.extract %slice3A_1303[0] : i32 from vector<1xi32>
      %shift_right_arithmetic3A_1305 = arith.constant 3 : i32
      %shift_right_arithmetic3A_1306 = arith.shrsi %squeeze3A_1304, %shift_right_arithmetic3A_1305 : i32
      %slice3A_1307 = vector.extract_strided_slice %get3A_995 {offsets = [14], sizes = [1], strides = [1]} : vector<16xi32> to vector<1xi32>
      %squeeze3A_1308 = vector.extract %slice3A_1307[0] : i32 from vector<1xi32>
      %and3A_1309 = arith.constant 7 : i32
      %and3A_1310 = arith.andi %squeeze3A_1308, %and3A_1309 : i32
      %dma_start3A_1311 = arith.constant 0 : i32
      %dma_start3A_1312 = tpu.memref_slice %arg10[%add3A_1302, %dma_start3A_1311] : memref<512x64xf32, #tpu.memory_space<vmem>> -> memref<1x64xf32, #tpu.memory_space<vmem>>
      %dma_start3A_1313 = arith.constant 0 : i32
      %dma_start3A_1314 = tpu.memref_slice %arg5[%shift_right_arithmetic3A_1306, %and3A_1310, %dma_start3A_1313] : memref<125000x8x64xf32, #tpu.memory_space<hbm>> -> memref<1x1x64xf32, #tpu.memory_space<hbm>>
      %dma_start3A_1315 = tpu.memref_squeeze %dma_start3A_1314 : memref<1x1x64xf32, #tpu.memory_space<hbm>> -> memref<1x64xf32, #tpu.memory_space<hbm>>
      %dma_start3A_1316 = arith.constant 0 : i32
      %dma_start3A_1317 = tpu.memref_slice %arg10[%add3A_1302, %dma_start3A_1316] : memref<512x64xf32, #tpu.memory_space<vmem>> -> memref<1x64xf32, #tpu.memory_space<vmem>>
      %dma_start3A_1318 = arith.constant 0 : i32
      %dma_start3A_1319 = tpu.memref_slice %arg5[%shift_right_arithmetic3A_1306, %and3A_1310, %dma_start3A_1318] : memref<125000x8x64xf32, #tpu.memory_space<hbm>> -> memref<1x1x64xf32, #tpu.memory_space<hbm>>
      %dma_start3A_1320 = tpu.memref_squeeze %dma_start3A_1319 : memref<1x1x64xf32, #tpu.memory_space<hbm>> -> memref<1x64xf32, #tpu.memory_space<hbm>>
      tpu.enqueue_dma source(%dma_start3A_1320 : memref<1x64xf32, #tpu.memory_space<hbm>>) target(%dma_start3A_1317 : memref<1x64xf32, #tpu.memory_space<vmem>>) target_semaphore(%arg13 : memref<!tpu.dma_semaphore, #tpu.memory_space<semaphore_mem>>)
      %mul3A_1321 = arith.constant 16 : i32
      %mul3A_1322 = arith.muli %scan3A_991, %mul3A_1321 : i32
      %add3A_1323 = arith.constant 15 : i32
      %add3A_1324 = arith.addi %mul3A_1322, %add3A_1323 : i32
      %slice3A_1325 = vector.extract_strided_slice %get3A_995 {offsets = [15], sizes = [1], strides = [1]} : vector<16xi32> to vector<1xi32>
      %squeeze3A_1326 = vector.extract %slice3A_1325[0] : i32 from vector<1xi32>
      %shift_right_arithmetic3A_1327 = arith.constant 3 : i32
      %shift_right_arithmetic3A_1328 = arith.shrsi %squeeze3A_1326, %shift_right_arithmetic3A_1327 : i32
      %slice3A_1329 = vector.extract_strided_slice %get3A_995 {offsets = [15], sizes = [1], strides = [1]} : vector<16xi32> to vector<1xi32>
      %squeeze3A_1330 = vector.extract %slice3A_1329[0] : i32 from vector<1xi32>
      %and3A_1331 = arith.constant 7 : i32
      %and3A_1332 = arith.andi %squeeze3A_1330, %and3A_1331 : i32
      %dma_start3A_1333 = arith.constant 0 : i32
      %dma_start3A_1334 = tpu.memref_slice %arg10[%add3A_1324, %dma_start3A_1333] : memref<512x64xf32, #tpu.memory_space<vmem>> -> memref<1x64xf32, #tpu.memory_space<vmem>>
      %dma_start3A_1335 = arith.constant 0 : i32
      %dma_start3A_1336 = tpu.memref_slice %arg5[%shift_right_arithmetic3A_1328, %and3A_1332, %dma_start3A_1335] : memref<125000x8x64xf32, #tpu.memory_space<hbm>> -> memref<1x1x64xf32, #tpu.memory_space<hbm>>
      %dma_start3A_1337 = tpu.memref_squeeze %dma_start3A_1336 : memref<1x1x64xf32, #tpu.memory_space<hbm>> -> memref<1x64xf32, #tpu.memory_space<hbm>>
      %dma_start3A_1338 = arith.constant 0 : i32
      %dma_start3A_1339 = tpu.memref_slice %arg10[%add3A_1324, %dma_start3A_1338] : memref<512x64xf32, #tpu.memory_space<vmem>> -> memref<1x64xf32, #tpu.memory_space<vmem>>
      %dma_start3A_1340 = arith.constant 0 : i32
      %dma_start3A_1341 = tpu.memref_slice %arg5[%shift_right_arithmetic3A_1328, %and3A_1332, %dma_start3A_1340] : memref<125000x8x64xf32, #tpu.memory_space<hbm>> -> memref<1x1x64xf32, #tpu.memory_space<hbm>>
      %dma_start3A_1342 = tpu.memref_squeeze %dma_start3A_1341 : memref<1x1x64xf32, #tpu.memory_space<hbm>> -> memref<1x64xf32, #tpu.memory_space<hbm>>
      tpu.enqueue_dma source(%dma_start3A_1342 : memref<1x64xf32, #tpu.memory_space<hbm>>) target(%dma_start3A_1339 : memref<1x64xf32, #tpu.memory_space<vmem>>) target_semaphore(%arg13 : memref<!tpu.dma_semaphore, #tpu.memory_space<semaphore_mem>>)
      %scan3A_1343 = arith.constant 0 : i32
      scf.yield %scan3A_1343 : i32
    }
    %scan3A_15 = arith.constant 16 : i32
    tpu.wait_dma2 semaphore(%arg14 : memref<!tpu.dma_semaphore, #tpu.memory_space<semaphore_mem>>) src(%arg4 : memref<64000xf32, #tpu.memory_space<hbm>>) dst(%arg9 : memref<64000xf32, #tpu.memory_space<vmem>>)
    %iota3A = tpu.iota {dimensions = array<i32: 0>} : vector<16xi32>
    %eq3A = arith.constant 15 : i32
    %eq3A_16 = vector.broadcast %eq3A : i32 to vector<16xi32>
    %eq3A_17 = arith.cmpi eq, %iota3A, %eq3A_16 : vector<16xi32>
    %dma_wait3A = arith.constant 0 : i32
    %dma_wait3A_18 = arith.constant 0 : i32
    %dma_wait3A_19 = arith.constant 0 : i32
    %dma_wait3A_20 = tpu.memref_slice %arg10[%dma_wait3A_18, %dma_wait3A_19] : memref<512x64xf32, #tpu.memory_space<vmem>> -> memref<8x64xf32, #tpu.memory_space<vmem>>
    %dma_wait3A_21 = arith.constant 0 : i32
    %dma_wait3A_22 = arith.constant 0 : i32
    %dma_wait3A_23 = tpu.memref_slice %arg5[%dma_wait3A, %dma_wait3A_21, %dma_wait3A_22] : memref<125000x8x64xf32, #tpu.memory_space<hbm>> -> memref<1x8x64xf32, #tpu.memory_space<hbm>>
    %dma_wait3A_24 = tpu.memref_squeeze %dma_wait3A_23 : memref<1x8x64xf32, #tpu.memory_space<hbm>> -> memref<8x64xf32, #tpu.memory_space<hbm>>
    %dma_wait3A_25 = arith.constant 0 : i32
    %dma_wait3A_26 = arith.constant 0 : i32
    %dma_wait3A_27 = tpu.memref_slice %arg10[%dma_wait3A_25, %dma_wait3A_26] : memref<512x64xf32, #tpu.memory_space<vmem>> -> memref<8x64xf32, #tpu.memory_space<vmem>>
    %dma_wait3A_28 = arith.constant 0 : i32
    %dma_wait3A_29 = arith.constant 0 : i32
    %dma_wait3A_30 = tpu.memref_slice %arg5[%dma_wait3A, %dma_wait3A_28, %dma_wait3A_29] : memref<125000x8x64xf32, #tpu.memory_space<hbm>> -> memref<1x8x64xf32, #tpu.memory_space<hbm>>
    %dma_wait3A_31 = tpu.memref_squeeze %dma_wait3A_30 : memref<1x8x64xf32, #tpu.memory_space<hbm>> -> memref<8x64xf32, #tpu.memory_space<hbm>>
    tpu.wait_dma2 semaphore(%arg12 : memref<!tpu.dma_semaphore, #tpu.memory_space<semaphore_mem>>) src(%dma_wait3A_31 : memref<8x64xf32, #tpu.memory_space<hbm>>) dst(%dma_wait3A_27 : memref<8x64xf32, #tpu.memory_space<vmem>>)
    %dma_wait3A_32 = arith.constant 0 : i32
    %dma_wait3A_33 = arith.constant 8 : i32
    %dma_wait3A_34 = arith.constant 0 : i32
    %dma_wait3A_35 = tpu.memref_slice %arg10[%dma_wait3A_33, %dma_wait3A_34] : memref<512x64xf32, #tpu.memory_space<vmem>> -> memref<8x64xf32, #tpu.memory_space<vmem>>
    %dma_wait3A_36 = arith.constant 0 : i32
    %dma_wait3A_37 = arith.constant 0 : i32
    %dma_wait3A_38 = tpu.memref_slice %arg5[%dma_wait3A_32, %dma_wait3A_36, %dma_wait3A_37] : memref<125000x8x64xf32, #tpu.memory_space<hbm>> -> memref<1x8x64xf32, #tpu.memory_space<hbm>>
    %dma_wait3A_39 = tpu.memref_squeeze %dma_wait3A_38 : memref<1x8x64xf32, #tpu.memory_space<hbm>> -> memref<8x64xf32, #tpu.memory_space<hbm>>
    %dma_wait3A_40 = arith.constant 8 : i32
    %dma_wait3A_41 = arith.constant 0 : i32
    %dma_wait3A_42 = tpu.memref_slice %arg10[%dma_wait3A_40, %dma_wait3A_41] : memref<512x64xf32, #tpu.memory_space<vmem>> -> memref<8x64xf32, #tpu.memory_space<vmem>>
    %dma_wait3A_43 = arith.constant 0 : i32
    %dma_wait3A_44 = arith.constant 0 : i32
    %dma_wait3A_45 = tpu.memref_slice %arg5[%dma_wait3A_32, %dma_wait3A_43, %dma_wait3A_44] : memref<125000x8x64xf32, #tpu.memory_space<hbm>> -> memref<1x8x64xf32, #tpu.memory_space<hbm>>
    %dma_wait3A_46 = tpu.memref_squeeze %dma_wait3A_45 : memref<1x8x64xf32, #tpu.memory_space<hbm>> -> memref<8x64xf32, #tpu.memory_space<hbm>>
    tpu.wait_dma2 semaphore(%arg12 : memref<!tpu.dma_semaphore, #tpu.memory_space<semaphore_mem>>) src(%dma_wait3A_46 : memref<8x64xf32, #tpu.memory_space<hbm>>) dst(%dma_wait3A_42 : memref<8x64xf32, #tpu.memory_space<vmem>>)
    %dma_wait3A_47 = arith.constant 0 : i32
    %dma_wait3A_48 = arith.constant 16 : i32
    %dma_wait3A_49 = arith.constant 0 : i32
    %dma_wait3A_50 = tpu.memref_slice %arg10[%dma_wait3A_48, %dma_wait3A_49] : memref<512x64xf32, #tpu.memory_space<vmem>> -> memref<8x64xf32, #tpu.memory_space<vmem>>
    %dma_wait3A_51 = arith.constant 0 : i32
    %dma_wait3A_52 = arith.constant 0 : i32
    %dma_wait3A_53 = tpu.memref_slice %arg5[%dma_wait3A_47, %dma_wait3A_51, %dma_wait3A_52] : memref<125000x8x64xf32, #tpu.memory_space<hbm>> -> memref<1x8x64xf32, #tpu.memory_space<hbm>>
    %dma_wait3A_54 = tpu.memref_squeeze %dma_wait3A_53 : memref<1x8x64xf32, #tpu.memory_space<hbm>> -> memref<8x64xf32, #tpu.memory_space<hbm>>
    %dma_wait3A_55 = arith.constant 16 : i32
    %dma_wait3A_56 = arith.constant 0 : i32
    %dma_wait3A_57 = tpu.memref_slice %arg10[%dma_wait3A_55, %dma_wait3A_56] : memref<512x64xf32, #tpu.memory_space<vmem>> -> memref<8x64xf32, #tpu.memory_space<vmem>>
    %dma_wait3A_58 = arith.constant 0 : i32
    %dma_wait3A_59 = arith.constant 0 : i32
    %dma_wait3A_60 = tpu.memref_slice %arg5[%dma_wait3A_47, %dma_wait3A_58, %dma_wait3A_59] : memref<125000x8x64xf32, #tpu.memory_space<hbm>> -> memref<1x8x64xf32, #tpu.memory_space<hbm>>
    %dma_wait3A_61 = tpu.memref_squeeze %dma_wait3A_60 : memref<1x8x64xf32, #tpu.memory_space<hbm>> -> memref<8x64xf32, #tpu.memory_space<hbm>>
    tpu.wait_dma2 semaphore(%arg12 : memref<!tpu.dma_semaphore, #tpu.memory_space<semaphore_mem>>) src(%dma_wait3A_61 : memref<8x64xf32, #tpu.memory_space<hbm>>) dst(%dma_wait3A_57 : memref<8x64xf32, #tpu.memory_space<vmem>>)
    %dma_wait3A_62 = arith.constant 0 : i32
    %dma_wait3A_63 = arith.constant 24 : i32
    %dma_wait3A_64 = arith.constant 0 : i32
    %dma_wait3A_65 = tpu.memref_slice %arg10[%dma_wait3A_63, %dma_wait3A_64] : memref<512x64xf32, #tpu.memory_space<vmem>> -> memref<8x64xf32, #tpu.memory_space<vmem>>
    %dma_wait3A_66 = arith.constant 0 : i32
    %dma_wait3A_67 = arith.constant 0 : i32
    %dma_wait3A_68 = tpu.memref_slice %arg5[%dma_wait3A_62, %dma_wait3A_66, %dma_wait3A_67] : memref<125000x8x64xf32, #tpu.memory_space<hbm>> -> memref<1x8x64xf32, #tpu.memory_space<hbm>>
    %dma_wait3A_69 = tpu.memref_squeeze %dma_wait3A_68 : memref<1x8x64xf32, #tpu.memory_space<hbm>> -> memref<8x64xf32, #tpu.memory_space<hbm>>
    %dma_wait3A_70 = arith.constant 24 : i32
    %dma_wait3A_71 = arith.constant 0 : i32
    %dma_wait3A_72 = tpu.memref_slice %arg10[%dma_wait3A_70, %dma_wait3A_71] : memref<512x64xf32, #tpu.memory_space<vmem>> -> memref<8x64xf32, #tpu.memory_space<vmem>>
    %dma_wait3A_73 = arith.constant 0 : i32
    %dma_wait3A_74 = arith.constant 0 : i32
    %dma_wait3A_75 = tpu.memref_slice %arg5[%dma_wait3A_62, %dma_wait3A_73, %dma_wait3A_74] : memref<125000x8x64xf32, #tpu.memory_space<hbm>> -> memref<1x8x64xf32, #tpu.memory_space<hbm>>
    %dma_wait3A_76 = tpu.memref_squeeze %dma_wait3A_75 : memref<1x8x64xf32, #tpu.memory_space<hbm>> -> memref<8x64xf32, #tpu.memory_space<hbm>>
    tpu.wait_dma2 semaphore(%arg12 : memref<!tpu.dma_semaphore, #tpu.memory_space<semaphore_mem>>) src(%dma_wait3A_76 : memref<8x64xf32, #tpu.memory_space<hbm>>) dst(%dma_wait3A_72 : memref<8x64xf32, #tpu.memory_space<vmem>>)
    %dma_wait3A_77 = arith.constant 0 : i32
    %dma_wait3A_78 = arith.constant 32 : i32
    %dma_wait3A_79 = arith.constant 0 : i32
    %dma_wait3A_80 = tpu.memref_slice %arg10[%dma_wait3A_78, %dma_wait3A_79] : memref<512x64xf32, #tpu.memory_space<vmem>> -> memref<8x64xf32, #tpu.memory_space<vmem>>
    %dma_wait3A_81 = arith.constant 0 : i32
    %dma_wait3A_82 = arith.constant 0 : i32
    %dma_wait3A_83 = tpu.memref_slice %arg5[%dma_wait3A_77, %dma_wait3A_81, %dma_wait3A_82] : memref<125000x8x64xf32, #tpu.memory_space<hbm>> -> memref<1x8x64xf32, #tpu.memory_space<hbm>>
    %dma_wait3A_84 = tpu.memref_squeeze %dma_wait3A_83 : memref<1x8x64xf32, #tpu.memory_space<hbm>> -> memref<8x64xf32, #tpu.memory_space<hbm>>
    %dma_wait3A_85 = arith.constant 32 : i32
    %dma_wait3A_86 = arith.constant 0 : i32
    %dma_wait3A_87 = tpu.memref_slice %arg10[%dma_wait3A_85, %dma_wait3A_86] : memref<512x64xf32, #tpu.memory_space<vmem>> -> memref<8x64xf32, #tpu.memory_space<vmem>>
    %dma_wait3A_88 = arith.constant 0 : i32
    %dma_wait3A_89 = arith.constant 0 : i32
    %dma_wait3A_90 = tpu.memref_slice %arg5[%dma_wait3A_77, %dma_wait3A_88, %dma_wait3A_89] : memref<125000x8x64xf32, #tpu.memory_space<hbm>> -> memref<1x8x64xf32, #tpu.memory_space<hbm>>
    %dma_wait3A_91 = tpu.memref_squeeze %dma_wait3A_90 : memref<1x8x64xf32, #tpu.memory_space<hbm>> -> memref<8x64xf32, #tpu.memory_space<hbm>>
    tpu.wait_dma2 semaphore(%arg12 : memref<!tpu.dma_semaphore, #tpu.memory_space<semaphore_mem>>) src(%dma_wait3A_91 : memref<8x64xf32, #tpu.memory_space<hbm>>) dst(%dma_wait3A_87 : memref<8x64xf32, #tpu.memory_space<vmem>>)
    %dma_wait3A_92 = arith.constant 0 : i32
    %dma_wait3A_93 = arith.constant 40 : i32
    %dma_wait3A_94 = arith.constant 0 : i32
    %dma_wait3A_95 = tpu.memref_slice %arg10[%dma_wait3A_93, %dma_wait3A_94] : memref<512x64xf32, #tpu.memory_space<vmem>> -> memref<8x64xf32, #tpu.memory_space<vmem>>
    %dma_wait3A_96 = arith.constant 0 : i32
    %dma_wait3A_97 = arith.constant 0 : i32
    %dma_wait3A_98 = tpu.memref_slice %arg5[%dma_wait3A_92, %dma_wait3A_96, %dma_wait3A_97] : memref<125000x8x64xf32, #tpu.memory_space<hbm>> -> memref<1x8x64xf32, #tpu.memory_space<hbm>>
    %dma_wait3A_99 = tpu.memref_squeeze %dma_wait3A_98 : memref<1x8x64xf32, #tpu.memory_space<hbm>> -> memref<8x64xf32, #tpu.memory_space<hbm>>
    %dma_wait3A_100 = arith.constant 40 : i32
    %dma_wait3A_101 = arith.constant 0 : i32
    %dma_wait3A_102 = tpu.memref_slice %arg10[%dma_wait3A_100, %dma_wait3A_101] : memref<512x64xf32, #tpu.memory_space<vmem>> -> memref<8x64xf32, #tpu.memory_space<vmem>>
    %dma_wait3A_103 = arith.constant 0 : i32
    %dma_wait3A_104 = arith.constant 0 : i32
    %dma_wait3A_105 = tpu.memref_slice %arg5[%dma_wait3A_92, %dma_wait3A_103, %dma_wait3A_104] : memref<125000x8x64xf32, #tpu.memory_space<hbm>> -> memref<1x8x64xf32, #tpu.memory_space<hbm>>
    %dma_wait3A_106 = tpu.memref_squeeze %dma_wait3A_105 : memref<1x8x64xf32, #tpu.memory_space<hbm>> -> memref<8x64xf32, #tpu.memory_space<hbm>>
    tpu.wait_dma2 semaphore(%arg12 : memref<!tpu.dma_semaphore, #tpu.memory_space<semaphore_mem>>) src(%dma_wait3A_106 : memref<8x64xf32, #tpu.memory_space<hbm>>) dst(%dma_wait3A_102 : memref<8x64xf32, #tpu.memory_space<vmem>>)
    %dma_wait3A_107 = arith.constant 0 : i32
    %dma_wait3A_108 = arith.constant 48 : i32
    %dma_wait3A_109 = arith.constant 0 : i32
    %dma_wait3A_110 = tpu.memref_slice %arg10[%dma_wait3A_108, %dma_wait3A_109] : memref<512x64xf32, #tpu.memory_space<vmem>> -> memref<8x64xf32, #tpu.memory_space<vmem>>
    %dma_wait3A_111 = arith.constant 0 : i32
    %dma_wait3A_112 = arith.constant 0 : i32
    %dma_wait3A_113 = tpu.memref_slice %arg5[%dma_wait3A_107, %dma_wait3A_111, %dma_wait3A_112] : memref<125000x8x64xf32, #tpu.memory_space<hbm>> -> memref<1x8x64xf32, #tpu.memory_space<hbm>>
    %dma_wait3A_114 = tpu.memref_squeeze %dma_wait3A_113 : memref<1x8x64xf32, #tpu.memory_space<hbm>> -> memref<8x64xf32, #tpu.memory_space<hbm>>
    %dma_wait3A_115 = arith.constant 48 : i32
    %dma_wait3A_116 = arith.constant 0 : i32
    %dma_wait3A_117 = tpu.memref_slice %arg10[%dma_wait3A_115, %dma_wait3A_116] : memref<512x64xf32, #tpu.memory_space<vmem>> -> memref<8x64xf32, #tpu.memory_space<vmem>>
    %dma_wait3A_118 = arith.constant 0 : i32
    %dma_wait3A_119 = arith.constant 0 : i32
    %dma_wait3A_120 = tpu.memref_slice %arg5[%dma_wait3A_107, %dma_wait3A_118, %dma_wait3A_119] : memref<125000x8x64xf32, #tpu.memory_space<hbm>> -> memref<1x8x64xf32, #tpu.memory_space<hbm>>
    %dma_wait3A_121 = tpu.memref_squeeze %dma_wait3A_120 : memref<1x8x64xf32, #tpu.memory_space<hbm>> -> memref<8x64xf32, #tpu.memory_space<hbm>>
    tpu.wait_dma2 semaphore(%arg12 : memref<!tpu.dma_semaphore, #tpu.memory_space<semaphore_mem>>) src(%dma_wait3A_121 : memref<8x64xf32, #tpu.memory_space<hbm>>) dst(%dma_wait3A_117 : memref<8x64xf32, #tpu.memory_space<vmem>>)
    %dma_wait3A_122 = arith.constant 0 : i32
    %dma_wait3A_123 = arith.constant 56 : i32
    %dma_wait3A_124 = arith.constant 0 : i32
    %dma_wait3A_125 = tpu.memref_slice %arg10[%dma_wait3A_123, %dma_wait3A_124] : memref<512x64xf32, #tpu.memory_space<vmem>> -> memref<8x64xf32, #tpu.memory_space<vmem>>
    %dma_wait3A_126 = arith.constant 0 : i32
    %dma_wait3A_127 = arith.constant 0 : i32
    %dma_wait3A_128 = tpu.memref_slice %arg5[%dma_wait3A_122, %dma_wait3A_126, %dma_wait3A_127] : memref<125000x8x64xf32, #tpu.memory_space<hbm>> -> memref<1x8x64xf32, #tpu.memory_space<hbm>>
    %dma_wait3A_129 = tpu.memref_squeeze %dma_wait3A_128 : memref<1x8x64xf32, #tpu.memory_space<hbm>> -> memref<8x64xf32, #tpu.memory_space<hbm>>
    %dma_wait3A_130 = arith.constant 56 : i32
    %dma_wait3A_131 = arith.constant 0 : i32
    %dma_wait3A_132 = tpu.memref_slice %arg10[%dma_wait3A_130, %dma_wait3A_131] : memref<512x64xf32, #tpu.memory_space<vmem>> -> memref<8x64xf32, #tpu.memory_space<vmem>>
    %dma_wait3A_133 = arith.constant 0 : i32
    %dma_wait3A_134 = arith.constant 0 : i32
    %dma_wait3A_135 = tpu.memref_slice %arg5[%dma_wait3A_122, %dma_wait3A_133, %dma_wait3A_134] : memref<125000x8x64xf32, #tpu.memory_space<hbm>> -> memref<1x8x64xf32, #tpu.memory_space<hbm>>
    %dma_wait3A_136 = tpu.memref_squeeze %dma_wait3A_135 : memref<1x8x64xf32, #tpu.memory_space<hbm>> -> memref<8x64xf32, #tpu.memory_space<hbm>>
    tpu.wait_dma2 semaphore(%arg12 : memref<!tpu.dma_semaphore, #tpu.memory_space<semaphore_mem>>) src(%dma_wait3A_136 : memref<8x64xf32, #tpu.memory_space<hbm>>) dst(%dma_wait3A_132 : memref<8x64xf32, #tpu.memory_space<vmem>>)
    %dma_wait3A_137 = arith.constant 0 : i32
    %dma_wait3A_138 = arith.constant 64 : i32
    %dma_wait3A_139 = arith.constant 0 : i32
    %dma_wait3A_140 = tpu.memref_slice %arg10[%dma_wait3A_138, %dma_wait3A_139] : memref<512x64xf32, #tpu.memory_space<vmem>> -> memref<8x64xf32, #tpu.memory_space<vmem>>
    %dma_wait3A_141 = arith.constant 0 : i32
    %dma_wait3A_142 = arith.constant 0 : i32
    %dma_wait3A_143 = tpu.memref_slice %arg5[%dma_wait3A_137, %dma_wait3A_141, %dma_wait3A_142] : memref<125000x8x64xf32, #tpu.memory_space<hbm>> -> memref<1x8x64xf32, #tpu.memory_space<hbm>>
    %dma_wait3A_144 = tpu.memref_squeeze %dma_wait3A_143 : memref<1x8x64xf32, #tpu.memory_space<hbm>> -> memref<8x64xf32, #tpu.memory_space<hbm>>
    %dma_wait3A_145 = arith.constant 64 : i32
    %dma_wait3A_146 = arith.constant 0 : i32
    %dma_wait3A_147 = tpu.memref_slice %arg10[%dma_wait3A_145, %dma_wait3A_146] : memref<512x64xf32, #tpu.memory_space<vmem>> -> memref<8x64xf32, #tpu.memory_space<vmem>>
    %dma_wait3A_148 = arith.constant 0 : i32
    %dma_wait3A_149 = arith.constant 0 : i32
    %dma_wait3A_150 = tpu.memref_slice %arg5[%dma_wait3A_137, %dma_wait3A_148, %dma_wait3A_149] : memref<125000x8x64xf32, #tpu.memory_space<hbm>> -> memref<1x8x64xf32, #tpu.memory_space<hbm>>
    %dma_wait3A_151 = tpu.memref_squeeze %dma_wait3A_150 : memref<1x8x64xf32, #tpu.memory_space<hbm>> -> memref<8x64xf32, #tpu.memory_space<hbm>>
    tpu.wait_dma2 semaphore(%arg12 : memref<!tpu.dma_semaphore, #tpu.memory_space<semaphore_mem>>) src(%dma_wait3A_151 : memref<8x64xf32, #tpu.memory_space<hbm>>) dst(%dma_wait3A_147 : memref<8x64xf32, #tpu.memory_space<vmem>>)
    %dma_wait3A_152 = arith.constant 0 : i32
    %dma_wait3A_153 = arith.constant 72 : i32
    %dma_wait3A_154 = arith.constant 0 : i32
    %dma_wait3A_155 = tpu.memref_slice %arg10[%dma_wait3A_153, %dma_wait3A_154] : memref<512x64xf32, #tpu.memory_space<vmem>> -> memref<8x64xf32, #tpu.memory_space<vmem>>
    %dma_wait3A_156 = arith.constant 0 : i32
    %dma_wait3A_157 = arith.constant 0 : i32
    %dma_wait3A_158 = tpu.memref_slice %arg5[%dma_wait3A_152, %dma_wait3A_156, %dma_wait3A_157] : memref<125000x8x64xf32, #tpu.memory_space<hbm>> -> memref<1x8x64xf32, #tpu.memory_space<hbm>>
    %dma_wait3A_159 = tpu.memref_squeeze %dma_wait3A_158 : memref<1x8x64xf32, #tpu.memory_space<hbm>> -> memref<8x64xf32, #tpu.memory_space<hbm>>
    %dma_wait3A_160 = arith.constant 72 : i32
    %dma_wait3A_161 = arith.constant 0 : i32
    %dma_wait3A_162 = tpu.memref_slice %arg10[%dma_wait3A_160, %dma_wait3A_161] : memref<512x64xf32, #tpu.memory_space<vmem>> -> memref<8x64xf32, #tpu.memory_space<vmem>>
    %dma_wait3A_163 = arith.constant 0 : i32
    %dma_wait3A_164 = arith.constant 0 : i32
    %dma_wait3A_165 = tpu.memref_slice %arg5[%dma_wait3A_152, %dma_wait3A_163, %dma_wait3A_164] : memref<125000x8x64xf32, #tpu.memory_space<hbm>> -> memref<1x8x64xf32, #tpu.memory_space<hbm>>
    %dma_wait3A_166 = tpu.memref_squeeze %dma_wait3A_165 : memref<1x8x64xf32, #tpu.memory_space<hbm>> -> memref<8x64xf32, #tpu.memory_space<hbm>>
    tpu.wait_dma2 semaphore(%arg12 : memref<!tpu.dma_semaphore, #tpu.memory_space<semaphore_mem>>) src(%dma_wait3A_166 : memref<8x64xf32, #tpu.memory_space<hbm>>) dst(%dma_wait3A_162 : memref<8x64xf32, #tpu.memory_space<vmem>>)
    %dma_wait3A_167 = arith.constant 0 : i32
    %dma_wait3A_168 = arith.constant 80 : i32
    %dma_wait3A_169 = arith.constant 0 : i32
    %dma_wait3A_170 = tpu.memref_slice %arg10[%dma_wait3A_168, %dma_wait3A_169] : memref<512x64xf32, #tpu.memory_space<vmem>> -> memref<8x64xf32, #tpu.memory_space<vmem>>
    %dma_wait3A_171 = arith.constant 0 : i32
    %dma_wait3A_172 = arith.constant 0 : i32
    %dma_wait3A_173 = tpu.memref_slice %arg5[%dma_wait3A_167, %dma_wait3A_171, %dma_wait3A_172] : memref<125000x8x64xf32, #tpu.memory_space<hbm>> -> memref<1x8x64xf32, #tpu.memory_space<hbm>>
    %dma_wait3A_174 = tpu.memref_squeeze %dma_wait3A_173 : memref<1x8x64xf32, #tpu.memory_space<hbm>> -> memref<8x64xf32, #tpu.memory_space<hbm>>
    %dma_wait3A_175 = arith.constant 80 : i32
    %dma_wait3A_176 = arith.constant 0 : i32
    %dma_wait3A_177 = tpu.memref_slice %arg10[%dma_wait3A_175, %dma_wait3A_176] : memref<512x64xf32, #tpu.memory_space<vmem>> -> memref<8x64xf32, #tpu.memory_space<vmem>>
    %dma_wait3A_178 = arith.constant 0 : i32
    %dma_wait3A_179 = arith.constant 0 : i32
    %dma_wait3A_180 = tpu.memref_slice %arg5[%dma_wait3A_167, %dma_wait3A_178, %dma_wait3A_179] : memref<125000x8x64xf32, #tpu.memory_space<hbm>> -> memref<1x8x64xf32, #tpu.memory_space<hbm>>
    %dma_wait3A_181 = tpu.memref_squeeze %dma_wait3A_180 : memref<1x8x64xf32, #tpu.memory_space<hbm>> -> memref<8x64xf32, #tpu.memory_space<hbm>>
    tpu.wait_dma2 semaphore(%arg12 : memref<!tpu.dma_semaphore, #tpu.memory_space<semaphore_mem>>) src(%dma_wait3A_181 : memref<8x64xf32, #tpu.memory_space<hbm>>) dst(%dma_wait3A_177 : memref<8x64xf32, #tpu.memory_space<vmem>>)
    %dma_wait3A_182 = arith.constant 0 : i32
    %dma_wait3A_183 = arith.constant 88 : i32
    %dma_wait3A_184 = arith.constant 0 : i32
    %dma_wait3A_185 = tpu.memref_slice %arg10[%dma_wait3A_183, %dma_wait3A_184] : memref<512x64xf32, #tpu.memory_space<vmem>> -> memref<8x64xf32, #tpu.memory_space<vmem>>
    %dma_wait3A_186 = arith.constant 0 : i32
    %dma_wait3A_187 = arith.constant 0 : i32
    %dma_wait3A_188 = tpu.memref_slice %arg5[%dma_wait3A_182, %dma_wait3A_186, %dma_wait3A_187] : memref<125000x8x64xf32, #tpu.memory_space<hbm>> -> memref<1x8x64xf32, #tpu.memory_space<hbm>>
    %dma_wait3A_189 = tpu.memref_squeeze %dma_wait3A_188 : memref<1x8x64xf32, #tpu.memory_space<hbm>> -> memref<8x64xf32, #tpu.memory_space<hbm>>
    %dma_wait3A_190 = arith.constant 88 : i32
    %dma_wait3A_191 = arith.constant 0 : i32
    %dma_wait3A_192 = tpu.memref_slice %arg10[%dma_wait3A_190, %dma_wait3A_191] : memref<512x64xf32, #tpu.memory_space<vmem>> -> memref<8x64xf32, #tpu.memory_space<vmem>>
    %dma_wait3A_193 = arith.constant 0 : i32
    %dma_wait3A_194 = arith.constant 0 : i32
    %dma_wait3A_195 = tpu.memref_slice %arg5[%dma_wait3A_182, %dma_wait3A_193, %dma_wait3A_194] : memref<125000x8x64xf32, #tpu.memory_space<hbm>> -> memref<1x8x64xf32, #tpu.memory_space<hbm>>
    %dma_wait3A_196 = tpu.memref_squeeze %dma_wait3A_195 : memref<1x8x64xf32, #tpu.memory_space<hbm>> -> memref<8x64xf32, #tpu.memory_space<hbm>>
    tpu.wait_dma2 semaphore(%arg12 : memref<!tpu.dma_semaphore, #tpu.memory_space<semaphore_mem>>) src(%dma_wait3A_196 : memref<8x64xf32, #tpu.memory_space<hbm>>) dst(%dma_wait3A_192 : memref<8x64xf32, #tpu.memory_space<vmem>>)
    %dma_wait3A_197 = arith.constant 0 : i32
    %dma_wait3A_198 = arith.constant 96 : i32
    %dma_wait3A_199 = arith.constant 0 : i32
    %dma_wait3A_200 = tpu.memref_slice %arg10[%dma_wait3A_198, %dma_wait3A_199] : memref<512x64xf32, #tpu.memory_space<vmem>> -> memref<8x64xf32, #tpu.memory_space<vmem>>
    %dma_wait3A_201 = arith.constant 0 : i32
    %dma_wait3A_202 = arith.constant 0 : i32
    %dma_wait3A_203 = tpu.memref_slice %arg5[%dma_wait3A_197, %dma_wait3A_201, %dma_wait3A_202] : memref<125000x8x64xf32, #tpu.memory_space<hbm>> -> memref<1x8x64xf32, #tpu.memory_space<hbm>>
    %dma_wait3A_204 = tpu.memref_squeeze %dma_wait3A_203 : memref<1x8x64xf32, #tpu.memory_space<hbm>> -> memref<8x64xf32, #tpu.memory_space<hbm>>
    %dma_wait3A_205 = arith.constant 96 : i32
    %dma_wait3A_206 = arith.constant 0 : i32
    %dma_wait3A_207 = tpu.memref_slice %arg10[%dma_wait3A_205, %dma_wait3A_206] : memref<512x64xf32, #tpu.memory_space<vmem>> -> memref<8x64xf32, #tpu.memory_space<vmem>>
    %dma_wait3A_208 = arith.constant 0 : i32
    %dma_wait3A_209 = arith.constant 0 : i32
    %dma_wait3A_210 = tpu.memref_slice %arg5[%dma_wait3A_197, %dma_wait3A_208, %dma_wait3A_209] : memref<125000x8x64xf32, #tpu.memory_space<hbm>> -> memref<1x8x64xf32, #tpu.memory_space<hbm>>
    %dma_wait3A_211 = tpu.memref_squeeze %dma_wait3A_210 : memref<1x8x64xf32, #tpu.memory_space<hbm>> -> memref<8x64xf32, #tpu.memory_space<hbm>>
    tpu.wait_dma2 semaphore(%arg12 : memref<!tpu.dma_semaphore, #tpu.memory_space<semaphore_mem>>) src(%dma_wait3A_211 : memref<8x64xf32, #tpu.memory_space<hbm>>) dst(%dma_wait3A_207 : memref<8x64xf32, #tpu.memory_space<vmem>>)
    %dma_wait3A_212 = arith.constant 0 : i32
    %dma_wait3A_213 = arith.constant 104 : i32
    %dma_wait3A_214 = arith.constant 0 : i32
    %dma_wait3A_215 = tpu.memref_slice %arg10[%dma_wait3A_213, %dma_wait3A_214] : memref<512x64xf32, #tpu.memory_space<vmem>> -> memref<8x64xf32, #tpu.memory_space<vmem>>
    %dma_wait3A_216 = arith.constant 0 : i32
    %dma_wait3A_217 = arith.constant 0 : i32
    %dma_wait3A_218 = tpu.memref_slice %arg5[%dma_wait3A_212, %dma_wait3A_216, %dma_wait3A_217] : memref<125000x8x64xf32, #tpu.memory_space<hbm>> -> memref<1x8x64xf32, #tpu.memory_space<hbm>>
    %dma_wait3A_219 = tpu.memref_squeeze %dma_wait3A_218 : memref<1x8x64xf32, #tpu.memory_space<hbm>> -> memref<8x64xf32, #tpu.memory_space<hbm>>
    %dma_wait3A_220 = arith.constant 104 : i32
    %dma_wait3A_221 = arith.constant 0 : i32
    %dma_wait3A_222 = tpu.memref_slice %arg10[%dma_wait3A_220, %dma_wait3A_221] : memref<512x64xf32, #tpu.memory_space<vmem>> -> memref<8x64xf32, #tpu.memory_space<vmem>>
    %dma_wait3A_223 = arith.constant 0 : i32
    %dma_wait3A_224 = arith.constant 0 : i32
    %dma_wait3A_225 = tpu.memref_slice %arg5[%dma_wait3A_212, %dma_wait3A_223, %dma_wait3A_224] : memref<125000x8x64xf32, #tpu.memory_space<hbm>> -> memref<1x8x64xf32, #tpu.memory_space<hbm>>
    %dma_wait3A_226 = tpu.memref_squeeze %dma_wait3A_225 : memref<1x8x64xf32, #tpu.memory_space<hbm>> -> memref<8x64xf32, #tpu.memory_space<hbm>>
    tpu.wait_dma2 semaphore(%arg12 : memref<!tpu.dma_semaphore, #tpu.memory_space<semaphore_mem>>) src(%dma_wait3A_226 : memref<8x64xf32, #tpu.memory_space<hbm>>) dst(%dma_wait3A_222 : memref<8x64xf32, #tpu.memory_space<vmem>>)
    %dma_wait3A_227 = arith.constant 0 : i32
    %dma_wait3A_228 = arith.constant 112 : i32
    %dma_wait3A_229 = arith.constant 0 : i32
    %dma_wait3A_230 = tpu.memref_slice %arg10[%dma_wait3A_228, %dma_wait3A_229] : memref<512x64xf32, #tpu.memory_space<vmem>> -> memref<8x64xf32, #tpu.memory_space<vmem>>
    %dma_wait3A_231 = arith.constant 0 : i32
    %dma_wait3A_232 = arith.constant 0 : i32
    %dma_wait3A_233 = tpu.memref_slice %arg5[%dma_wait3A_227, %dma_wait3A_231, %dma_wait3A_232] : memref<125000x8x64xf32, #tpu.memory_space<hbm>> -> memref<1x8x64xf32, #tpu.memory_space<hbm>>
    %dma_wait3A_234 = tpu.memref_squeeze %dma_wait3A_233 : memref<1x8x64xf32, #tpu.memory_space<hbm>> -> memref<8x64xf32, #tpu.memory_space<hbm>>
    %dma_wait3A_235 = arith.constant 112 : i32
    %dma_wait3A_236 = arith.constant 0 : i32
    %dma_wait3A_237 = tpu.memref_slice %arg10[%dma_wait3A_235, %dma_wait3A_236] : memref<512x64xf32, #tpu.memory_space<vmem>> -> memref<8x64xf32, #tpu.memory_space<vmem>>
    %dma_wait3A_238 = arith.constant 0 : i32
    %dma_wait3A_239 = arith.constant 0 : i32
    %dma_wait3A_240 = tpu.memref_slice %arg5[%dma_wait3A_227, %dma_wait3A_238, %dma_wait3A_239] : memref<125000x8x64xf32, #tpu.memory_space<hbm>> -> memref<1x8x64xf32, #tpu.memory_space<hbm>>
    %dma_wait3A_241 = tpu.memref_squeeze %dma_wait3A_240 : memref<1x8x64xf32, #tpu.memory_space<hbm>> -> memref<8x64xf32, #tpu.memory_space<hbm>>
    tpu.wait_dma2 semaphore(%arg12 : memref<!tpu.dma_semaphore, #tpu.memory_space<semaphore_mem>>) src(%dma_wait3A_241 : memref<8x64xf32, #tpu.memory_space<hbm>>) dst(%dma_wait3A_237 : memref<8x64xf32, #tpu.memory_space<vmem>>)
    %dma_wait3A_242 = arith.constant 0 : i32
    %dma_wait3A_243 = arith.constant 120 : i32
    %dma_wait3A_244 = arith.constant 0 : i32
    %dma_wait3A_245 = tpu.memref_slice %arg10[%dma_wait3A_243, %dma_wait3A_244] : memref<512x64xf32, #tpu.memory_space<vmem>> -> memref<8x64xf32, #tpu.memory_space<vmem>>
    %dma_wait3A_246 = arith.constant 0 : i32
    %dma_wait3A_247 = arith.constant 0 : i32
    %dma_wait3A_248 = tpu.memref_slice %arg5[%dma_wait3A_242, %dma_wait3A_246, %dma_wait3A_247] : memref<125000x8x64xf32, #tpu.memory_space<hbm>> -> memref<1x8x64xf32, #tpu.memory_space<hbm>>
    %dma_wait3A_249 = tpu.memref_squeeze %dma_wait3A_248 : memref<1x8x64xf32, #tpu.memory_space<hbm>> -> memref<8x64xf32, #tpu.memory_space<hbm>>
    %dma_wait3A_250 = arith.constant 120 : i32
    %dma_wait3A_251 = arith.constant 0 : i32
    %dma_wait3A_252 = tpu.memref_slice %arg10[%dma_wait3A_250, %dma_wait3A_251] : memref<512x64xf32, #tpu.memory_space<vmem>> -> memref<8x64xf32, #tpu.memory_space<vmem>>
    %dma_wait3A_253 = arith.constant 0 : i32
    %dma_wait3A_254 = arith.constant 0 : i32
    %dma_wait3A_255 = tpu.memref_slice %arg5[%dma_wait3A_242, %dma_wait3A_253, %dma_wait3A_254] : memref<125000x8x64xf32, #tpu.memory_space<hbm>> -> memref<1x8x64xf32, #tpu.memory_space<hbm>>
    %dma_wait3A_256 = tpu.memref_squeeze %dma_wait3A_255 : memref<1x8x64xf32, #tpu.memory_space<hbm>> -> memref<8x64xf32, #tpu.memory_space<hbm>>
    tpu.wait_dma2 semaphore(%arg12 : memref<!tpu.dma_semaphore, #tpu.memory_space<semaphore_mem>>) src(%dma_wait3A_256 : memref<8x64xf32, #tpu.memory_space<hbm>>) dst(%dma_wait3A_252 : memref<8x64xf32, #tpu.memory_space<vmem>>)
    %dma_wait3A_257 = arith.constant 0 : i32
    %dma_wait3A_258 = arith.constant 128 : i32
    %dma_wait3A_259 = arith.constant 0 : i32
    %dma_wait3A_260 = tpu.memref_slice %arg10[%dma_wait3A_258, %dma_wait3A_259] : memref<512x64xf32, #tpu.memory_space<vmem>> -> memref<8x64xf32, #tpu.memory_space<vmem>>
    %dma_wait3A_261 = arith.constant 0 : i32
    %dma_wait3A_262 = arith.constant 0 : i32
    %dma_wait3A_263 = tpu.memref_slice %arg5[%dma_wait3A_257, %dma_wait3A_261, %dma_wait3A_262] : memref<125000x8x64xf32, #tpu.memory_space<hbm>> -> memref<1x8x64xf32, #tpu.memory_space<hbm>>
    %dma_wait3A_264 = tpu.memref_squeeze %dma_wait3A_263 : memref<1x8x64xf32, #tpu.memory_space<hbm>> -> memref<8x64xf32, #tpu.memory_space<hbm>>
    %dma_wait3A_265 = arith.constant 128 : i32
    %dma_wait3A_266 = arith.constant 0 : i32
    %dma_wait3A_267 = tpu.memref_slice %arg10[%dma_wait3A_265, %dma_wait3A_266] : memref<512x64xf32, #tpu.memory_space<vmem>> -> memref<8x64xf32, #tpu.memory_space<vmem>>
    %dma_wait3A_268 = arith.constant 0 : i32
    %dma_wait3A_269 = arith.constant 0 : i32
    %dma_wait3A_270 = tpu.memref_slice %arg5[%dma_wait3A_257, %dma_wait3A_268, %dma_wait3A_269] : memref<125000x8x64xf32, #tpu.memory_space<hbm>> -> memref<1x8x64xf32, #tpu.memory_space<hbm>>
    %dma_wait3A_271 = tpu.memref_squeeze %dma_wait3A_270 : memref<1x8x64xf32, #tpu.memory_space<hbm>> -> memref<8x64xf32, #tpu.memory_space<hbm>>
    tpu.wait_dma2 semaphore(%arg12 : memref<!tpu.dma_semaphore, #tpu.memory_space<semaphore_mem>>) src(%dma_wait3A_271 : memref<8x64xf32, #tpu.memory_space<hbm>>) dst(%dma_wait3A_267 : memref<8x64xf32, #tpu.memory_space<vmem>>)
    %dma_wait3A_272 = arith.constant 0 : i32
    %dma_wait3A_273 = arith.constant 136 : i32
    %dma_wait3A_274 = arith.constant 0 : i32
    %dma_wait3A_275 = tpu.memref_slice %arg10[%dma_wait3A_273, %dma_wait3A_274] : memref<512x64xf32, #tpu.memory_space<vmem>> -> memref<8x64xf32, #tpu.memory_space<vmem>>
    %dma_wait3A_276 = arith.constant 0 : i32
    %dma_wait3A_277 = arith.constant 0 : i32
    %dma_wait3A_278 = tpu.memref_slice %arg5[%dma_wait3A_272, %dma_wait3A_276, %dma_wait3A_277] : memref<125000x8x64xf32, #tpu.memory_space<hbm>> -> memref<1x8x64xf32, #tpu.memory_space<hbm>>
    %dma_wait3A_279 = tpu.memref_squeeze %dma_wait3A_278 : memref<1x8x64xf32, #tpu.memory_space<hbm>> -> memref<8x64xf32, #tpu.memory_space<hbm>>
    %dma_wait3A_280 = arith.constant 136 : i32
    %dma_wait3A_281 = arith.constant 0 : i32
    %dma_wait3A_282 = tpu.memref_slice %arg10[%dma_wait3A_280, %dma_wait3A_281] : memref<512x64xf32, #tpu.memory_space<vmem>> -> memref<8x64xf32, #tpu.memory_space<vmem>>
    %dma_wait3A_283 = arith.constant 0 : i32
    %dma_wait3A_284 = arith.constant 0 : i32
    %dma_wait3A_285 = tpu.memref_slice %arg5[%dma_wait3A_272, %dma_wait3A_283, %dma_wait3A_284] : memref<125000x8x64xf32, #tpu.memory_space<hbm>> -> memref<1x8x64xf32, #tpu.memory_space<hbm>>
    %dma_wait3A_286 = tpu.memref_squeeze %dma_wait3A_285 : memref<1x8x64xf32, #tpu.memory_space<hbm>> -> memref<8x64xf32, #tpu.memory_space<hbm>>
    tpu.wait_dma2 semaphore(%arg12 : memref<!tpu.dma_semaphore, #tpu.memory_space<semaphore_mem>>) src(%dma_wait3A_286 : memref<8x64xf32, #tpu.memory_space<hbm>>) dst(%dma_wait3A_282 : memref<8x64xf32, #tpu.memory_space<vmem>>)
    %dma_wait3A_287 = arith.constant 0 : i32
    %dma_wait3A_288 = arith.constant 144 : i32
    %dma_wait3A_289 = arith.constant 0 : i32
    %dma_wait3A_290 = tpu.memref_slice %arg10[%dma_wait3A_288, %dma_wait3A_289] : memref<512x64xf32, #tpu.memory_space<vmem>> -> memref<8x64xf32, #tpu.memory_space<vmem>>
    %dma_wait3A_291 = arith.constant 0 : i32
    %dma_wait3A_292 = arith.constant 0 : i32
    %dma_wait3A_293 = tpu.memref_slice %arg5[%dma_wait3A_287, %dma_wait3A_291, %dma_wait3A_292] : memref<125000x8x64xf32, #tpu.memory_space<hbm>> -> memref<1x8x64xf32, #tpu.memory_space<hbm>>
    %dma_wait3A_294 = tpu.memref_squeeze %dma_wait3A_293 : memref<1x8x64xf32, #tpu.memory_space<hbm>> -> memref<8x64xf32, #tpu.memory_space<hbm>>
    %dma_wait3A_295 = arith.constant 144 : i32
    %dma_wait3A_296 = arith.constant 0 : i32
    %dma_wait3A_297 = tpu.memref_slice %arg10[%dma_wait3A_295, %dma_wait3A_296] : memref<512x64xf32, #tpu.memory_space<vmem>> -> memref<8x64xf32, #tpu.memory_space<vmem>>
    %dma_wait3A_298 = arith.constant 0 : i32
    %dma_wait3A_299 = arith.constant 0 : i32
    %dma_wait3A_300 = tpu.memref_slice %arg5[%dma_wait3A_287, %dma_wait3A_298, %dma_wait3A_299] : memref<125000x8x64xf32, #tpu.memory_space<hbm>> -> memref<1x8x64xf32, #tpu.memory_space<hbm>>
    %dma_wait3A_301 = tpu.memref_squeeze %dma_wait3A_300 : memref<1x8x64xf32, #tpu.memory_space<hbm>> -> memref<8x64xf32, #tpu.memory_space<hbm>>
    tpu.wait_dma2 semaphore(%arg12 : memref<!tpu.dma_semaphore, #tpu.memory_space<semaphore_mem>>) src(%dma_wait3A_301 : memref<8x64xf32, #tpu.memory_space<hbm>>) dst(%dma_wait3A_297 : memref<8x64xf32, #tpu.memory_space<vmem>>)
    %dma_wait3A_302 = arith.constant 0 : i32
    %dma_wait3A_303 = arith.constant 152 : i32
    %dma_wait3A_304 = arith.constant 0 : i32
    %dma_wait3A_305 = tpu.memref_slice %arg10[%dma_wait3A_303, %dma_wait3A_304] : memref<512x64xf32, #tpu.memory_space<vmem>> -> memref<8x64xf32, #tpu.memory_space<vmem>>
    %dma_wait3A_306 = arith.constant 0 : i32
    %dma_wait3A_307 = arith.constant 0 : i32
    %dma_wait3A_308 = tpu.memref_slice %arg5[%dma_wait3A_302, %dma_wait3A_306, %dma_wait3A_307] : memref<125000x8x64xf32, #tpu.memory_space<hbm>> -> memref<1x8x64xf32, #tpu.memory_space<hbm>>
    %dma_wait3A_309 = tpu.memref_squeeze %dma_wait3A_308 : memref<1x8x64xf32, #tpu.memory_space<hbm>> -> memref<8x64xf32, #tpu.memory_space<hbm>>
    %dma_wait3A_310 = arith.constant 152 : i32
    %dma_wait3A_311 = arith.constant 0 : i32
    %dma_wait3A_312 = tpu.memref_slice %arg10[%dma_wait3A_310, %dma_wait3A_311] : memref<512x64xf32, #tpu.memory_space<vmem>> -> memref<8x64xf32, #tpu.memory_space<vmem>>
    %dma_wait3A_313 = arith.constant 0 : i32
    %dma_wait3A_314 = arith.constant 0 : i32
    %dma_wait3A_315 = tpu.memref_slice %arg5[%dma_wait3A_302, %dma_wait3A_313, %dma_wait3A_314] : memref<125000x8x64xf32, #tpu.memory_space<hbm>> -> memref<1x8x64xf32, #tpu.memory_space<hbm>>
    %dma_wait3A_316 = tpu.memref_squeeze %dma_wait3A_315 : memref<1x8x64xf32, #tpu.memory_space<hbm>> -> memref<8x64xf32, #tpu.memory_space<hbm>>
    tpu.wait_dma2 semaphore(%arg12 : memref<!tpu.dma_semaphore, #tpu.memory_space<semaphore_mem>>) src(%dma_wait3A_316 : memref<8x64xf32, #tpu.memory_space<hbm>>) dst(%dma_wait3A_312 : memref<8x64xf32, #tpu.memory_space<vmem>>)
    %dma_wait3A_317 = arith.constant 0 : i32
    %dma_wait3A_318 = arith.constant 160 : i32
    %dma_wait3A_319 = arith.constant 0 : i32
    %dma_wait3A_320 = tpu.memref_slice %arg10[%dma_wait3A_318, %dma_wait3A_319] : memref<512x64xf32, #tpu.memory_space<vmem>> -> memref<8x64xf32, #tpu.memory_space<vmem>>
    %dma_wait3A_321 = arith.constant 0 : i32
    %dma_wait3A_322 = arith.constant 0 : i32
    %dma_wait3A_323 = tpu.memref_slice %arg5[%dma_wait3A_317, %dma_wait3A_321, %dma_wait3A_322] : memref<125000x8x64xf32, #tpu.memory_space<hbm>> -> memref<1x8x64xf32, #tpu.memory_space<hbm>>
    %dma_wait3A_324 = tpu.memref_squeeze %dma_wait3A_323 : memref<1x8x64xf32, #tpu.memory_space<hbm>> -> memref<8x64xf32, #tpu.memory_space<hbm>>
    %dma_wait3A_325 = arith.constant 160 : i32
    %dma_wait3A_326 = arith.constant 0 : i32
    %dma_wait3A_327 = tpu.memref_slice %arg10[%dma_wait3A_325, %dma_wait3A_326] : memref<512x64xf32, #tpu.memory_space<vmem>> -> memref<8x64xf32, #tpu.memory_space<vmem>>
    %dma_wait3A_328 = arith.constant 0 : i32
    %dma_wait3A_329 = arith.constant 0 : i32
    %dma_wait3A_330 = tpu.memref_slice %arg5[%dma_wait3A_317, %dma_wait3A_328, %dma_wait3A_329] : memref<125000x8x64xf32, #tpu.memory_space<hbm>> -> memref<1x8x64xf32, #tpu.memory_space<hbm>>
    %dma_wait3A_331 = tpu.memref_squeeze %dma_wait3A_330 : memref<1x8x64xf32, #tpu.memory_space<hbm>> -> memref<8x64xf32, #tpu.memory_space<hbm>>
    tpu.wait_dma2 semaphore(%arg12 : memref<!tpu.dma_semaphore, #tpu.memory_space<semaphore_mem>>) src(%dma_wait3A_331 : memref<8x64xf32, #tpu.memory_space<hbm>>) dst(%dma_wait3A_327 : memref<8x64xf32, #tpu.memory_space<vmem>>)
    %dma_wait3A_332 = arith.constant 0 : i32
    %dma_wait3A_333 = arith.constant 168 : i32
    %dma_wait3A_334 = arith.constant 0 : i32
    %dma_wait3A_335 = tpu.memref_slice %arg10[%dma_wait3A_333, %dma_wait3A_334] : memref<512x64xf32, #tpu.memory_space<vmem>> -> memref<8x64xf32, #tpu.memory_space<vmem>>
    %dma_wait3A_336 = arith.constant 0 : i32
    %dma_wait3A_337 = arith.constant 0 : i32
    %dma_wait3A_338 = tpu.memref_slice %arg5[%dma_wait3A_332, %dma_wait3A_336, %dma_wait3A_337] : memref<125000x8x64xf32, #tpu.memory_space<hbm>> -> memref<1x8x64xf32, #tpu.memory_space<hbm>>
    %dma_wait3A_339 = tpu.memref_squeeze %dma_wait3A_338 : memref<1x8x64xf32, #tpu.memory_space<hbm>> -> memref<8x64xf32, #tpu.memory_space<hbm>>
    %dma_wait3A_340 = arith.constant 168 : i32
    %dma_wait3A_341 = arith.constant 0 : i32
    %dma_wait3A_342 = tpu.memref_slice %arg10[%dma_wait3A_340, %dma_wait3A_341] : memref<512x64xf32, #tpu.memory_space<vmem>> -> memref<8x64xf32, #tpu.memory_space<vmem>>
    %dma_wait3A_343 = arith.constant 0 : i32
    %dma_wait3A_344 = arith.constant 0 : i32
    %dma_wait3A_345 = tpu.memref_slice %arg5[%dma_wait3A_332, %dma_wait3A_343, %dma_wait3A_344] : memref<125000x8x64xf32, #tpu.memory_space<hbm>> -> memref<1x8x64xf32, #tpu.memory_space<hbm>>
    %dma_wait3A_346 = tpu.memref_squeeze %dma_wait3A_345 : memref<1x8x64xf32, #tpu.memory_space<hbm>> -> memref<8x64xf32, #tpu.memory_space<hbm>>
    tpu.wait_dma2 semaphore(%arg12 : memref<!tpu.dma_semaphore, #tpu.memory_space<semaphore_mem>>) src(%dma_wait3A_346 : memref<8x64xf32, #tpu.memory_space<hbm>>) dst(%dma_wait3A_342 : memref<8x64xf32, #tpu.memory_space<vmem>>)
    %dma_wait3A_347 = arith.constant 0 : i32
    %dma_wait3A_348 = arith.constant 176 : i32
    %dma_wait3A_349 = arith.constant 0 : i32
    %dma_wait3A_350 = tpu.memref_slice %arg10[%dma_wait3A_348, %dma_wait3A_349] : memref<512x64xf32, #tpu.memory_space<vmem>> -> memref<8x64xf32, #tpu.memory_space<vmem>>
    %dma_wait3A_351 = arith.constant 0 : i32
    %dma_wait3A_352 = arith.constant 0 : i32
    %dma_wait3A_353 = tpu.memref_slice %arg5[%dma_wait3A_347, %dma_wait3A_351, %dma_wait3A_352] : memref<125000x8x64xf32, #tpu.memory_space<hbm>> -> memref<1x8x64xf32, #tpu.memory_space<hbm>>
    %dma_wait3A_354 = tpu.memref_squeeze %dma_wait3A_353 : memref<1x8x64xf32, #tpu.memory_space<hbm>> -> memref<8x64xf32, #tpu.memory_space<hbm>>
    %dma_wait3A_355 = arith.constant 176 : i32
    %dma_wait3A_356 = arith.constant 0 : i32
    %dma_wait3A_357 = tpu.memref_slice %arg10[%dma_wait3A_355, %dma_wait3A_356] : memref<512x64xf32, #tpu.memory_space<vmem>> -> memref<8x64xf32, #tpu.memory_space<vmem>>
    %dma_wait3A_358 = arith.constant 0 : i32
    %dma_wait3A_359 = arith.constant 0 : i32
    %dma_wait3A_360 = tpu.memref_slice %arg5[%dma_wait3A_347, %dma_wait3A_358, %dma_wait3A_359] : memref<125000x8x64xf32, #tpu.memory_space<hbm>> -> memref<1x8x64xf32, #tpu.memory_space<hbm>>
    %dma_wait3A_361 = tpu.memref_squeeze %dma_wait3A_360 : memref<1x8x64xf32, #tpu.memory_space<hbm>> -> memref<8x64xf32, #tpu.memory_space<hbm>>
    tpu.wait_dma2 semaphore(%arg12 : memref<!tpu.dma_semaphore, #tpu.memory_space<semaphore_mem>>) src(%dma_wait3A_361 : memref<8x64xf32, #tpu.memory_space<hbm>>) dst(%dma_wait3A_357 : memref<8x64xf32, #tpu.memory_space<vmem>>)
    %dma_wait3A_362 = arith.constant 0 : i32
    %dma_wait3A_363 = arith.constant 184 : i32
    %dma_wait3A_364 = arith.constant 0 : i32
    %dma_wait3A_365 = tpu.memref_slice %arg10[%dma_wait3A_363, %dma_wait3A_364] : memref<512x64xf32, #tpu.memory_space<vmem>> -> memref<8x64xf32, #tpu.memory_space<vmem>>
    %dma_wait3A_366 = arith.constant 0 : i32
    %dma_wait3A_367 = arith.constant 0 : i32
    %dma_wait3A_368 = tpu.memref_slice %arg5[%dma_wait3A_362, %dma_wait3A_366, %dma_wait3A_367] : memref<125000x8x64xf32, #tpu.memory_space<hbm>> -> memref<1x8x64xf32, #tpu.memory_space<hbm>>
    %dma_wait3A_369 = tpu.memref_squeeze %dma_wait3A_368 : memref<1x8x64xf32, #tpu.memory_space<hbm>> -> memref<8x64xf32, #tpu.memory_space<hbm>>
    %dma_wait3A_370 = arith.constant 184 : i32
    %dma_wait3A_371 = arith.constant 0 : i32
    %dma_wait3A_372 = tpu.memref_slice %arg10[%dma_wait3A_370, %dma_wait3A_371] : memref<512x64xf32, #tpu.memory_space<vmem>> -> memref<8x64xf32, #tpu.memory_space<vmem>>
    %dma_wait3A_373 = arith.constant 0 : i32
    %dma_wait3A_374 = arith.constant 0 : i32
    %dma_wait3A_375 = tpu.memref_slice %arg5[%dma_wait3A_362, %dma_wait3A_373, %dma_wait3A_374] : memref<125000x8x64xf32, #tpu.memory_space<hbm>> -> memref<1x8x64xf32, #tpu.memory_space<hbm>>
    %dma_wait3A_376 = tpu.memref_squeeze %dma_wait3A_375 : memref<1x8x64xf32, #tpu.memory_space<hbm>> -> memref<8x64xf32, #tpu.memory_space<hbm>>
    tpu.wait_dma2 semaphore(%arg12 : memref<!tpu.dma_semaphore, #tpu.memory_space<semaphore_mem>>) src(%dma_wait3A_376 : memref<8x64xf32, #tpu.memory_space<hbm>>) dst(%dma_wait3A_372 : memref<8x64xf32, #tpu.memory_space<vmem>>)
    %dma_wait3A_377 = arith.constant 0 : i32
    %dma_wait3A_378 = arith.constant 192 : i32
    %dma_wait3A_379 = arith.constant 0 : i32
    %dma_wait3A_380 = tpu.memref_slice %arg10[%dma_wait3A_378, %dma_wait3A_379] : memref<512x64xf32, #tpu.memory_space<vmem>> -> memref<8x64xf32, #tpu.memory_space<vmem>>
    %dma_wait3A_381 = arith.constant 0 : i32
    %dma_wait3A_382 = arith.constant 0 : i32
    %dma_wait3A_383 = tpu.memref_slice %arg5[%dma_wait3A_377, %dma_wait3A_381, %dma_wait3A_382] : memref<125000x8x64xf32, #tpu.memory_space<hbm>> -> memref<1x8x64xf32, #tpu.memory_space<hbm>>
    %dma_wait3A_384 = tpu.memref_squeeze %dma_wait3A_383 : memref<1x8x64xf32, #tpu.memory_space<hbm>> -> memref<8x64xf32, #tpu.memory_space<hbm>>
    %dma_wait3A_385 = arith.constant 192 : i32
    %dma_wait3A_386 = arith.constant 0 : i32
    %dma_wait3A_387 = tpu.memref_slice %arg10[%dma_wait3A_385, %dma_wait3A_386] : memref<512x64xf32, #tpu.memory_space<vmem>> -> memref<8x64xf32, #tpu.memory_space<vmem>>
    %dma_wait3A_388 = arith.constant 0 : i32
    %dma_wait3A_389 = arith.constant 0 : i32
    %dma_wait3A_390 = tpu.memref_slice %arg5[%dma_wait3A_377, %dma_wait3A_388, %dma_wait3A_389] : memref<125000x8x64xf32, #tpu.memory_space<hbm>> -> memref<1x8x64xf32, #tpu.memory_space<hbm>>
    %dma_wait3A_391 = tpu.memref_squeeze %dma_wait3A_390 : memref<1x8x64xf32, #tpu.memory_space<hbm>> -> memref<8x64xf32, #tpu.memory_space<hbm>>
    tpu.wait_dma2 semaphore(%arg12 : memref<!tpu.dma_semaphore, #tpu.memory_space<semaphore_mem>>) src(%dma_wait3A_391 : memref<8x64xf32, #tpu.memory_space<hbm>>) dst(%dma_wait3A_387 : memref<8x64xf32, #tpu.memory_space<vmem>>)
    %dma_wait3A_392 = arith.constant 0 : i32
    %dma_wait3A_393 = arith.constant 200 : i32
    %dma_wait3A_394 = arith.constant 0 : i32
    %dma_wait3A_395 = tpu.memref_slice %arg10[%dma_wait3A_393, %dma_wait3A_394] : memref<512x64xf32, #tpu.memory_space<vmem>> -> memref<8x64xf32, #tpu.memory_space<vmem>>
    %dma_wait3A_396 = arith.constant 0 : i32
    %dma_wait3A_397 = arith.constant 0 : i32
    %dma_wait3A_398 = tpu.memref_slice %arg5[%dma_wait3A_392, %dma_wait3A_396, %dma_wait3A_397] : memref<125000x8x64xf32, #tpu.memory_space<hbm>> -> memref<1x8x64xf32, #tpu.memory_space<hbm>>
    %dma_wait3A_399 = tpu.memref_squeeze %dma_wait3A_398 : memref<1x8x64xf32, #tpu.memory_space<hbm>> -> memref<8x64xf32, #tpu.memory_space<hbm>>
    %dma_wait3A_400 = arith.constant 200 : i32
    %dma_wait3A_401 = arith.constant 0 : i32
    %dma_wait3A_402 = tpu.memref_slice %arg10[%dma_wait3A_400, %dma_wait3A_401] : memref<512x64xf32, #tpu.memory_space<vmem>> -> memref<8x64xf32, #tpu.memory_space<vmem>>
    %dma_wait3A_403 = arith.constant 0 : i32
    %dma_wait3A_404 = arith.constant 0 : i32
    %dma_wait3A_405 = tpu.memref_slice %arg5[%dma_wait3A_392, %dma_wait3A_403, %dma_wait3A_404] : memref<125000x8x64xf32, #tpu.memory_space<hbm>> -> memref<1x8x64xf32, #tpu.memory_space<hbm>>
    %dma_wait3A_406 = tpu.memref_squeeze %dma_wait3A_405 : memref<1x8x64xf32, #tpu.memory_space<hbm>> -> memref<8x64xf32, #tpu.memory_space<hbm>>
    tpu.wait_dma2 semaphore(%arg12 : memref<!tpu.dma_semaphore, #tpu.memory_space<semaphore_mem>>) src(%dma_wait3A_406 : memref<8x64xf32, #tpu.memory_space<hbm>>) dst(%dma_wait3A_402 : memref<8x64xf32, #tpu.memory_space<vmem>>)
    %dma_wait3A_407 = arith.constant 0 : i32
    %dma_wait3A_408 = arith.constant 208 : i32
    %dma_wait3A_409 = arith.constant 0 : i32
    %dma_wait3A_410 = tpu.memref_slice %arg10[%dma_wait3A_408, %dma_wait3A_409] : memref<512x64xf32, #tpu.memory_space<vmem>> -> memref<8x64xf32, #tpu.memory_space<vmem>>
    %dma_wait3A_411 = arith.constant 0 : i32
    %dma_wait3A_412 = arith.constant 0 : i32
    %dma_wait3A_413 = tpu.memref_slice %arg5[%dma_wait3A_407, %dma_wait3A_411, %dma_wait3A_412] : memref<125000x8x64xf32, #tpu.memory_space<hbm>> -> memref<1x8x64xf32, #tpu.memory_space<hbm>>
    %dma_wait3A_414 = tpu.memref_squeeze %dma_wait3A_413 : memref<1x8x64xf32, #tpu.memory_space<hbm>> -> memref<8x64xf32, #tpu.memory_space<hbm>>
    %dma_wait3A_415 = arith.constant 208 : i32
    %dma_wait3A_416 = arith.constant 0 : i32
    %dma_wait3A_417 = tpu.memref_slice %arg10[%dma_wait3A_415, %dma_wait3A_416] : memref<512x64xf32, #tpu.memory_space<vmem>> -> memref<8x64xf32, #tpu.memory_space<vmem>>
    %dma_wait3A_418 = arith.constant 0 : i32
    %dma_wait3A_419 = arith.constant 0 : i32
    %dma_wait3A_420 = tpu.memref_slice %arg5[%dma_wait3A_407, %dma_wait3A_418, %dma_wait3A_419] : memref<125000x8x64xf32, #tpu.memory_space<hbm>> -> memref<1x8x64xf32, #tpu.memory_space<hbm>>
    %dma_wait3A_421 = tpu.memref_squeeze %dma_wait3A_420 : memref<1x8x64xf32, #tpu.memory_space<hbm>> -> memref<8x64xf32, #tpu.memory_space<hbm>>
    tpu.wait_dma2 semaphore(%arg12 : memref<!tpu.dma_semaphore, #tpu.memory_space<semaphore_mem>>) src(%dma_wait3A_421 : memref<8x64xf32, #tpu.memory_space<hbm>>) dst(%dma_wait3A_417 : memref<8x64xf32, #tpu.memory_space<vmem>>)
    %dma_wait3A_422 = arith.constant 0 : i32
    %dma_wait3A_423 = arith.constant 216 : i32
    %dma_wait3A_424 = arith.constant 0 : i32
    %dma_wait3A_425 = tpu.memref_slice %arg10[%dma_wait3A_423, %dma_wait3A_424] : memref<512x64xf32, #tpu.memory_space<vmem>> -> memref<8x64xf32, #tpu.memory_space<vmem>>
    %dma_wait3A_426 = arith.constant 0 : i32
    %dma_wait3A_427 = arith.constant 0 : i32
    %dma_wait3A_428 = tpu.memref_slice %arg5[%dma_wait3A_422, %dma_wait3A_426, %dma_wait3A_427] : memref<125000x8x64xf32, #tpu.memory_space<hbm>> -> memref<1x8x64xf32, #tpu.memory_space<hbm>>
    %dma_wait3A_429 = tpu.memref_squeeze %dma_wait3A_428 : memref<1x8x64xf32, #tpu.memory_space<hbm>> -> memref<8x64xf32, #tpu.memory_space<hbm>>
    %dma_wait3A_430 = arith.constant 216 : i32
    %dma_wait3A_431 = arith.constant 0 : i32
    %dma_wait3A_432 = tpu.memref_slice %arg10[%dma_wait3A_430, %dma_wait3A_431] : memref<512x64xf32, #tpu.memory_space<vmem>> -> memref<8x64xf32, #tpu.memory_space<vmem>>
    %dma_wait3A_433 = arith.constant 0 : i32
    %dma_wait3A_434 = arith.constant 0 : i32
    %dma_wait3A_435 = tpu.memref_slice %arg5[%dma_wait3A_422, %dma_wait3A_433, %dma_wait3A_434] : memref<125000x8x64xf32, #tpu.memory_space<hbm>> -> memref<1x8x64xf32, #tpu.memory_space<hbm>>
    %dma_wait3A_436 = tpu.memref_squeeze %dma_wait3A_435 : memref<1x8x64xf32, #tpu.memory_space<hbm>> -> memref<8x64xf32, #tpu.memory_space<hbm>>
    tpu.wait_dma2 semaphore(%arg12 : memref<!tpu.dma_semaphore, #tpu.memory_space<semaphore_mem>>) src(%dma_wait3A_436 : memref<8x64xf32, #tpu.memory_space<hbm>>) dst(%dma_wait3A_432 : memref<8x64xf32, #tpu.memory_space<vmem>>)
    %dma_wait3A_437 = arith.constant 0 : i32
    %dma_wait3A_438 = arith.constant 224 : i32
    %dma_wait3A_439 = arith.constant 0 : i32
    %dma_wait3A_440 = tpu.memref_slice %arg10[%dma_wait3A_438, %dma_wait3A_439] : memref<512x64xf32, #tpu.memory_space<vmem>> -> memref<8x64xf32, #tpu.memory_space<vmem>>
    %dma_wait3A_441 = arith.constant 0 : i32
    %dma_wait3A_442 = arith.constant 0 : i32
    %dma_wait3A_443 = tpu.memref_slice %arg5[%dma_wait3A_437, %dma_wait3A_441, %dma_wait3A_442] : memref<125000x8x64xf32, #tpu.memory_space<hbm>> -> memref<1x8x64xf32, #tpu.memory_space<hbm>>
    %dma_wait3A_444 = tpu.memref_squeeze %dma_wait3A_443 : memref<1x8x64xf32, #tpu.memory_space<hbm>> -> memref<8x64xf32, #tpu.memory_space<hbm>>
    %dma_wait3A_445 = arith.constant 224 : i32
    %dma_wait3A_446 = arith.constant 0 : i32
    %dma_wait3A_447 = tpu.memref_slice %arg10[%dma_wait3A_445, %dma_wait3A_446] : memref<512x64xf32, #tpu.memory_space<vmem>> -> memref<8x64xf32, #tpu.memory_space<vmem>>
    %dma_wait3A_448 = arith.constant 0 : i32
    %dma_wait3A_449 = arith.constant 0 : i32
    %dma_wait3A_450 = tpu.memref_slice %arg5[%dma_wait3A_437, %dma_wait3A_448, %dma_wait3A_449] : memref<125000x8x64xf32, #tpu.memory_space<hbm>> -> memref<1x8x64xf32, #tpu.memory_space<hbm>>
    %dma_wait3A_451 = tpu.memref_squeeze %dma_wait3A_450 : memref<1x8x64xf32, #tpu.memory_space<hbm>> -> memref<8x64xf32, #tpu.memory_space<hbm>>
    tpu.wait_dma2 semaphore(%arg12 : memref<!tpu.dma_semaphore, #tpu.memory_space<semaphore_mem>>) src(%dma_wait3A_451 : memref<8x64xf32, #tpu.memory_space<hbm>>) dst(%dma_wait3A_447 : memref<8x64xf32, #tpu.memory_space<vmem>>)
    %dma_wait3A_452 = arith.constant 0 : i32
    %dma_wait3A_453 = arith.constant 232 : i32
    %dma_wait3A_454 = arith.constant 0 : i32
    %dma_wait3A_455 = tpu.memref_slice %arg10[%dma_wait3A_453, %dma_wait3A_454] : memref<512x64xf32, #tpu.memory_space<vmem>> -> memref<8x64xf32, #tpu.memory_space<vmem>>
    %dma_wait3A_456 = arith.constant 0 : i32
    %dma_wait3A_457 = arith.constant 0 : i32
    %dma_wait3A_458 = tpu.memref_slice %arg5[%dma_wait3A_452, %dma_wait3A_456, %dma_wait3A_457] : memref<125000x8x64xf32, #tpu.memory_space<hbm>> -> memref<1x8x64xf32, #tpu.memory_space<hbm>>
    %dma_wait3A_459 = tpu.memref_squeeze %dma_wait3A_458 : memref<1x8x64xf32, #tpu.memory_space<hbm>> -> memref<8x64xf32, #tpu.memory_space<hbm>>
    %dma_wait3A_460 = arith.constant 232 : i32
    %dma_wait3A_461 = arith.constant 0 : i32
    %dma_wait3A_462 = tpu.memref_slice %arg10[%dma_wait3A_460, %dma_wait3A_461] : memref<512x64xf32, #tpu.memory_space<vmem>> -> memref<8x64xf32, #tpu.memory_space<vmem>>
    %dma_wait3A_463 = arith.constant 0 : i32
    %dma_wait3A_464 = arith.constant 0 : i32
    %dma_wait3A_465 = tpu.memref_slice %arg5[%dma_wait3A_452, %dma_wait3A_463, %dma_wait3A_464] : memref<125000x8x64xf32, #tpu.memory_space<hbm>> -> memref<1x8x64xf32, #tpu.memory_space<hbm>>
    %dma_wait3A_466 = tpu.memref_squeeze %dma_wait3A_465 : memref<1x8x64xf32, #tpu.memory_space<hbm>> -> memref<8x64xf32, #tpu.memory_space<hbm>>
    tpu.wait_dma2 semaphore(%arg12 : memref<!tpu.dma_semaphore, #tpu.memory_space<semaphore_mem>>) src(%dma_wait3A_466 : memref<8x64xf32, #tpu.memory_space<hbm>>) dst(%dma_wait3A_462 : memref<8x64xf32, #tpu.memory_space<vmem>>)
    %dma_wait3A_467 = arith.constant 0 : i32
    %dma_wait3A_468 = arith.constant 240 : i32
    %dma_wait3A_469 = arith.constant 0 : i32
    %dma_wait3A_470 = tpu.memref_slice %arg10[%dma_wait3A_468, %dma_wait3A_469] : memref<512x64xf32, #tpu.memory_space<vmem>> -> memref<8x64xf32, #tpu.memory_space<vmem>>
    %dma_wait3A_471 = arith.constant 0 : i32
    %dma_wait3A_472 = arith.constant 0 : i32
    %dma_wait3A_473 = tpu.memref_slice %arg5[%dma_wait3A_467, %dma_wait3A_471, %dma_wait3A_472] : memref<125000x8x64xf32, #tpu.memory_space<hbm>> -> memref<1x8x64xf32, #tpu.memory_space<hbm>>
    %dma_wait3A_474 = tpu.memref_squeeze %dma_wait3A_473 : memref<1x8x64xf32, #tpu.memory_space<hbm>> -> memref<8x64xf32, #tpu.memory_space<hbm>>
    %dma_wait3A_475 = arith.constant 240 : i32
    %dma_wait3A_476 = arith.constant 0 : i32
    %dma_wait3A_477 = tpu.memref_slice %arg10[%dma_wait3A_475, %dma_wait3A_476] : memref<512x64xf32, #tpu.memory_space<vmem>> -> memref<8x64xf32, #tpu.memory_space<vmem>>
    %dma_wait3A_478 = arith.constant 0 : i32
    %dma_wait3A_479 = arith.constant 0 : i32
    %dma_wait3A_480 = tpu.memref_slice %arg5[%dma_wait3A_467, %dma_wait3A_478, %dma_wait3A_479] : memref<125000x8x64xf32, #tpu.memory_space<hbm>> -> memref<1x8x64xf32, #tpu.memory_space<hbm>>
    %dma_wait3A_481 = tpu.memref_squeeze %dma_wait3A_480 : memref<1x8x64xf32, #tpu.memory_space<hbm>> -> memref<8x64xf32, #tpu.memory_space<hbm>>
    tpu.wait_dma2 semaphore(%arg12 : memref<!tpu.dma_semaphore, #tpu.memory_space<semaphore_mem>>) src(%dma_wait3A_481 : memref<8x64xf32, #tpu.memory_space<hbm>>) dst(%dma_wait3A_477 : memref<8x64xf32, #tpu.memory_space<vmem>>)
    %dma_wait3A_482 = arith.constant 0 : i32
    %dma_wait3A_483 = arith.constant 248 : i32
    %dma_wait3A_484 = arith.constant 0 : i32
    %dma_wait3A_485 = tpu.memref_slice %arg10[%dma_wait3A_483, %dma_wait3A_484] : memref<512x64xf32, #tpu.memory_space<vmem>> -> memref<8x64xf32, #tpu.memory_space<vmem>>
    %dma_wait3A_486 = arith.constant 0 : i32
    %dma_wait3A_487 = arith.constant 0 : i32
    %dma_wait3A_488 = tpu.memref_slice %arg5[%dma_wait3A_482, %dma_wait3A_486, %dma_wait3A_487] : memref<125000x8x64xf32, #tpu.memory_space<hbm>> -> memref<1x8x64xf32, #tpu.memory_space<hbm>>
    %dma_wait3A_489 = tpu.memref_squeeze %dma_wait3A_488 : memref<1x8x64xf32, #tpu.memory_space<hbm>> -> memref<8x64xf32, #tpu.memory_space<hbm>>
    %dma_wait3A_490 = arith.constant 248 : i32
    %dma_wait3A_491 = arith.constant 0 : i32
    %dma_wait3A_492 = tpu.memref_slice %arg10[%dma_wait3A_490, %dma_wait3A_491] : memref<512x64xf32, #tpu.memory_space<vmem>> -> memref<8x64xf32, #tpu.memory_space<vmem>>
    %dma_wait3A_493 = arith.constant 0 : i32
    %dma_wait3A_494 = arith.constant 0 : i32
    %dma_wait3A_495 = tpu.memref_slice %arg5[%dma_wait3A_482, %dma_wait3A_493, %dma_wait3A_494] : memref<125000x8x64xf32, #tpu.memory_space<hbm>> -> memref<1x8x64xf32, #tpu.memory_space<hbm>>
    %dma_wait3A_496 = tpu.memref_squeeze %dma_wait3A_495 : memref<1x8x64xf32, #tpu.memory_space<hbm>> -> memref<8x64xf32, #tpu.memory_space<hbm>>
    tpu.wait_dma2 semaphore(%arg12 : memref<!tpu.dma_semaphore, #tpu.memory_space<semaphore_mem>>) src(%dma_wait3A_496 : memref<8x64xf32, #tpu.memory_space<hbm>>) dst(%dma_wait3A_492 : memref<8x64xf32, #tpu.memory_space<vmem>>)
    %scan3A_497 = arith.constant 0 : i32
    %scan3A_498 = arith.constant 0 : i32
    %scan3A_499 = arith.constant 16 : i32
    %scan3A_500 = arith.addi %scan3A_498, %scan3A_499 : i32
    %scan3A_501 = arith.constant 1 : i32
    %scan3A_502 = scf.for %scan3A_991 = %scan3A_498 to %scan3A_500 step %scan3A_501 iter_args(%scan3A_992 = %scan3A_497) -> (i32)  : i32 {
      %mul3A_993 = arith.constant 16 : i32
      %mul3A_994 = arith.muli %scan3A_991, %mul3A_993 : i32
      %get3A = arith.index_cast %mul3A_994 : i32 to index
      %get3A_995 = tpu.vector_load %arg8[%get3A] {strides = array<i32>} : memref<512xi32, #tpu.memory_space<vmem>>, vector<16xi32>,
      %mul3A_996 = arith.constant 16 : i32
      %mul3A_997 = arith.muli %scan3A_991, %mul3A_996 : i32
      %add3A_998 = arith.constant 0 : i32
      %add3A_999 = arith.addi %mul3A_997, %add3A_998 : i32
      %slice3A = vector.extract_strided_slice %get3A_995 {offsets = [0], sizes = [1], strides = [1]} : vector<16xi32> to vector<1xi32>
      %squeeze3A = vector.extract %slice3A[0] : i32 from vector<1xi32>
      %get3A_1000 = arith.index_cast %squeeze3A : i32 to index
      %get3A_1001 = tpu.vector_load %arg9[%get3A_1000] {strides = array<i32>} : memref<64000xf32, #tpu.memory_space<vmem>>, vector<16xf32>,
      %get3A_1002 = arith.index_cast %add3A_999 : i32 to index
      %get3A_1003 = arith.constant 0 : index
      %get3A_1004 = tpu.vector_load %arg10[%get3A_1002, %get3A_1003] {strides = array<i32>} : memref<512x64xf32, #tpu.memory_space<vmem>>, vector<16xf32>,
      %mul3A_1005 = arith.mulf %get3A_1001, %get3A_1004 : vector<16xf32>
      %add3A_1006 = arith.constant 16 : i32
      %add3A_1007 = arith.addi %squeeze3A, %add3A_1006 : i32
      %get3A_1008 = arith.index_cast %add3A_1007 : i32 to index
      %get3A_1009 = tpu.vector_load %arg9[%get3A_1008] {strides = array<i32>} : memref<64000xf32, #tpu.memory_space<vmem>>, vector<16xf32>,
      %get3A_1010 = arith.index_cast %add3A_999 : i32 to index
      %get3A_1011 = arith.constant 16 : index
      %get3A_1012 = tpu.vector_load %arg10[%get3A_1010, %get3A_1011] {strides = array<i32>} : memref<512x64xf32, #tpu.memory_space<vmem>>, vector<16xf32>,
      %mul3A_1013 = arith.mulf %get3A_1009, %get3A_1012 : vector<16xf32>
      %add3A_1014 = arith.addf %mul3A_1005, %mul3A_1013 : vector<16xf32>
      %add3A_1015 = arith.constant 32 : i32
      %add3A_1016 = arith.addi %squeeze3A, %add3A_1015 : i32
      %get3A_1017 = arith.index_cast %add3A_1016 : i32 to index
      %get3A_1018 = tpu.vector_load %arg9[%get3A_1017] {strides = array<i32>} : memref<64000xf32, #tpu.memory_space<vmem>>, vector<16xf32>,
      %get3A_1019 = arith.index_cast %add3A_999 : i32 to index
      %get3A_1020 = arith.constant 32 : index
      %get3A_1021 = tpu.vector_load %arg10[%get3A_1019, %get3A_1020] {strides = array<i32>} : memref<512x64xf32, #tpu.memory_space<vmem>>, vector<16xf32>,
      %mul3A_1022 = arith.mulf %get3A_1018, %get3A_1021 : vector<16xf32>
      %add3A_1023 = arith.addf %add3A_1014, %mul3A_1022 : vector<16xf32>
      %add3A_1024 = arith.constant 48 : i32
      %add3A_1025 = arith.addi %squeeze3A, %add3A_1024 : i32
      %get3A_1026 = arith.index_cast %add3A_1025 : i32 to index
      %get3A_1027 = tpu.vector_load %arg9[%get3A_1026] {strides = array<i32>} : memref<64000xf32, #tpu.memory_space<vmem>>, vector<16xf32>,
      %get3A_1028 = arith.index_cast %add3A_999 : i32 to index
      %get3A_1029 = arith.constant 48 : index
      %get3A_1030 = tpu.vector_load %arg10[%get3A_1028, %get3A_1029] {strides = array<i32>} : memref<512x64xf32, #tpu.memory_space<vmem>>, vector<16xf32>,
      %mul3A_1031 = arith.mulf %get3A_1027, %get3A_1030 : vector<16xf32>
      %add3A_1032 = arith.addf %add3A_1023, %mul3A_1031 : vector<16xf32>
      %broadcast_in_dim3A = arith.constant true
      %broadcast_in_dim3A_1033 = vector.broadcast %broadcast_in_dim3A : i1 to vector<16xi1>
      %masked_cumsum3A = tpu.scan <sum>, %add3A_1032 masked %broadcast_in_dim3A_1033 : vector<16xf32>, vector<16xi1> -> vector<16xf32>
      %broadcast_in_dim3A_1034 = arith.constant 0 : i32
      %broadcast_in_dim3A_1035 = vector.broadcast %broadcast_in_dim3A_1034 : i32 to vector<16xi32>
      %add3A_1036 = vector.broadcast %add3A_999 : i32 to vector<16xi32>
      %add3A_1037 = arith.addi %broadcast_in_dim3A_1035, %add3A_1036 : vector<16xi32>
      tpu.vector_store_idx %arg11[%add3A_1037], %masked_cumsum3A masked %eq3A_17 : memref<512xf32, #tpu.memory_space<vmem>>[vector<16xi32>], vector<16xf32>, vector<16xi1>
      %mul3A_1038 = arith.constant 16 : i32
      %mul3A_1039 = arith.muli %scan3A_991, %mul3A_1038 : i32
      %add3A_1040 = arith.constant 1 : i32
      %add3A_1041 = arith.addi %mul3A_1039, %add3A_1040 : i32
      %slice3A_1042 = vector.extract_strided_slice %get3A_995 {offsets = [1], sizes = [1], strides = [1]} : vector<16xi32> to vector<1xi32>
      %squeeze3A_1043 = vector.extract %slice3A_1042[0] : i32 from vector<1xi32>
      %get3A_1044 = arith.index_cast %squeeze3A_1043 : i32 to index
      %get3A_1045 = tpu.vector_load %arg9[%get3A_1044] {strides = array<i32>} : memref<64000xf32, #tpu.memory_space<vmem>>, vector<16xf32>,
      %get3A_1046 = arith.index_cast %add3A_1041 : i32 to index
      %get3A_1047 = arith.constant 0 : index
      %get3A_1048 = tpu.vector_load %arg10[%get3A_1046, %get3A_1047] {strides = array<i32>} : memref<512x64xf32, #tpu.memory_space<vmem>>, vector<16xf32>,
      %mul3A_1049 = arith.mulf %get3A_1045, %get3A_1048 : vector<16xf32>
      %add3A_1050 = arith.constant 16 : i32
      %add3A_1051 = arith.addi %squeeze3A_1043, %add3A_1050 : i32
      %get3A_1052 = arith.index_cast %add3A_1051 : i32 to index
      %get3A_1053 = tpu.vector_load %arg9[%get3A_1052] {strides = array<i32>} : memref<64000xf32, #tpu.memory_space<vmem>>, vector<16xf32>,
      %get3A_1054 = arith.index_cast %add3A_1041 : i32 to index
      %get3A_1055 = arith.constant 16 : index
      %get3A_1056 = tpu.vector_load %arg10[%get3A_1054, %get3A_1055] {strides = array<i32>} : memref<512x64xf32, #tpu.memory_space<vmem>>, vector<16xf32>,
      %mul3A_1057 = arith.mulf %get3A_1053, %get3A_1056 : vector<16xf32>
      %add3A_1058 = arith.addf %mul3A_1049, %mul3A_1057 : vector<16xf32>
      %add3A_1059 = arith.constant 32 : i32
      %add3A_1060 = arith.addi %squeeze3A_1043, %add3A_1059 : i32
      %get3A_1061 = arith.index_cast %add3A_1060 : i32 to index
      %get3A_1062 = tpu.vector_load %arg9[%get3A_1061] {strides = array<i32>} : memref<64000xf32, #tpu.memory_space<vmem>>, vector<16xf32>,
      %get3A_1063 = arith.index_cast %add3A_1041 : i32 to index
      %get3A_1064 = arith.constant 32 : index
      %get3A_1065 = tpu.vector_load %arg10[%get3A_1063, %get3A_1064] {strides = array<i32>} : memref<512x64xf32, #tpu.memory_space<vmem>>, vector<16xf32>,
      %mul3A_1066 = arith.mulf %get3A_1062, %get3A_1065 : vector<16xf32>
      %add3A_1067 = arith.addf %add3A_1058, %mul3A_1066 : vector<16xf32>
      %add3A_1068 = arith.constant 48 : i32
      %add3A_1069 = arith.addi %squeeze3A_1043, %add3A_1068 : i32
      %get3A_1070 = arith.index_cast %add3A_1069 : i32 to index
      %get3A_1071 = tpu.vector_load %arg9[%get3A_1070] {strides = array<i32>} : memref<64000xf32, #tpu.memory_space<vmem>>, vector<16xf32>,
      %get3A_1072 = arith.index_cast %add3A_1041 : i32 to index
      %get3A_1073 = arith.constant 48 : index
      %get3A_1074 = tpu.vector_load %arg10[%get3A_1072, %get3A_1073] {strides = array<i32>} : memref<512x64xf32, #tpu.memory_space<vmem>>, vector<16xf32>,
      %mul3A_1075 = arith.mulf %get3A_1071, %get3A_1074 : vector<16xf32>
      %add3A_1076 = arith.addf %add3A_1067, %mul3A_1075 : vector<16xf32>
      %broadcast_in_dim3A_1077 = arith.constant true
      %broadcast_in_dim3A_1078 = vector.broadcast %broadcast_in_dim3A_1077 : i1 to vector<16xi1>
      %masked_cumsum3A_1079 = tpu.scan <sum>, %add3A_1076 masked %broadcast_in_dim3A_1078 : vector<16xf32>, vector<16xi1> -> vector<16xf32>
      %broadcast_in_dim3A_1080 = arith.constant 0 : i32
      %broadcast_in_dim3A_1081 = vector.broadcast %broadcast_in_dim3A_1080 : i32 to vector<16xi32>
      %add3A_1082 = vector.broadcast %add3A_1041 : i32 to vector<16xi32>
      %add3A_1083 = arith.addi %broadcast_in_dim3A_1081, %add3A_1082 : vector<16xi32>
      tpu.vector_store_idx %arg11[%add3A_1083], %masked_cumsum3A_1079 masked %eq3A_17 : memref<512xf32, #tpu.memory_space<vmem>>[vector<16xi32>], vector<16xf32>, vector<16xi1>
      %mul3A_1084 = arith.constant 16 : i32
      %mul3A_1085 = arith.muli %scan3A_991, %mul3A_1084 : i32
      %add3A_1086 = arith.constant 2 : i32
      %add3A_1087 = arith.addi %mul3A_1085, %add3A_1086 : i32
      %slice3A_1088 = vector.extract_strided_slice %get3A_995 {offsets = [2], sizes = [1], strides = [1]} : vector<16xi32> to vector<1xi32>
      %squeeze3A_1089 = vector.extract %slice3A_1088[0] : i32 from vector<1xi32>
      %get3A_1090 = arith.index_cast %squeeze3A_1089 : i32 to index
      %get3A_1091 = tpu.vector_load %arg9[%get3A_1090] {strides = array<i32>} : memref<64000xf32, #tpu.memory_space<vmem>>, vector<16xf32>,
      %get3A_1092 = arith.index_cast %add3A_1087 : i32 to index
      %get3A_1093 = arith.constant 0 : index
      %get3A_1094 = tpu.vector_load %arg10[%get3A_1092, %get3A_1093] {strides = array<i32>} : memref<512x64xf32, #tpu.memory_space<vmem>>, vector<16xf32>,
      %mul3A_1095 = arith.mulf %get3A_1091, %get3A_1094 : vector<16xf32>
      %add3A_1096 = arith.constant 16 : i32
      %add3A_1097 = arith.addi %squeeze3A_1089, %add3A_1096 : i32
      %get3A_1098 = arith.index_cast %add3A_1097 : i32 to index
      %get3A_1099 = tpu.vector_load %arg9[%get3A_1098] {strides = array<i32>} : memref<64000xf32, #tpu.memory_space<vmem>>, vector<16xf32>,
      %get3A_1100 = arith.index_cast %add3A_1087 : i32 to index
      %get3A_1101 = arith.constant 16 : index
      %get3A_1102 = tpu.vector_load %arg10[%get3A_1100, %get3A_1101] {strides = array<i32>} : memref<512x64xf32, #tpu.memory_space<vmem>>, vector<16xf32>,
      %mul3A_1103 = arith.mulf %get3A_1099, %get3A_1102 : vector<16xf32>
      %add3A_1104 = arith.addf %mul3A_1095, %mul3A_1103 : vector<16xf32>
      %add3A_1105 = arith.constant 32 : i32
      %add3A_1106 = arith.addi %squeeze3A_1089, %add3A_1105 : i32
      %get3A_1107 = arith.index_cast %add3A_1106 : i32 to index
      %get3A_1108 = tpu.vector_load %arg9[%get3A_1107] {strides = array<i32>} : memref<64000xf32, #tpu.memory_space<vmem>>, vector<16xf32>,
      %get3A_1109 = arith.index_cast %add3A_1087 : i32 to index
      %get3A_1110 = arith.constant 32 : index
      %get3A_1111 = tpu.vector_load %arg10[%get3A_1109, %get3A_1110] {strides = array<i32>} : memref<512x64xf32, #tpu.memory_space<vmem>>, vector<16xf32>,
      %mul3A_1112 = arith.mulf %get3A_1108, %get3A_1111 : vector<16xf32>
      %add3A_1113 = arith.addf %add3A_1104, %mul3A_1112 : vector<16xf32>
      %add3A_1114 = arith.constant 48 : i32
      %add3A_1115 = arith.addi %squeeze3A_1089, %add3A_1114 : i32
      %get3A_1116 = arith.index_cast %add3A_1115 : i32 to index
      %get3A_1117 = tpu.vector_load %arg9[%get3A_1116] {strides = array<i32>} : memref<64000xf32, #tpu.memory_space<vmem>>, vector<16xf32>,
      %get3A_1118 = arith.index_cast %add3A_1087 : i32 to index
      %get3A_1119 = arith.constant 48 : index
      %get3A_1120 = tpu.vector_load %arg10[%get3A_1118, %get3A_1119] {strides = array<i32>} : memref<512x64xf32, #tpu.memory_space<vmem>>, vector<16xf32>,
      %mul3A_1121 = arith.mulf %get3A_1117, %get3A_1120 : vector<16xf32>
      %add3A_1122 = arith.addf %add3A_1113, %mul3A_1121 : vector<16xf32>
      %broadcast_in_dim3A_1123 = arith.constant true
      %broadcast_in_dim3A_1124 = vector.broadcast %broadcast_in_dim3A_1123 : i1 to vector<16xi1>
      %masked_cumsum3A_1125 = tpu.scan <sum>, %add3A_1122 masked %broadcast_in_dim3A_1124 : vector<16xf32>, vector<16xi1> -> vector<16xf32>
      %broadcast_in_dim3A_1126 = arith.constant 0 : i32
      %broadcast_in_dim3A_1127 = vector.broadcast %broadcast_in_dim3A_1126 : i32 to vector<16xi32>
      %add3A_1128 = vector.broadcast %add3A_1087 : i32 to vector<16xi32>
      %add3A_1129 = arith.addi %broadcast_in_dim3A_1127, %add3A_1128 : vector<16xi32>
      tpu.vector_store_idx %arg11[%add3A_1129], %masked_cumsum3A_1125 masked %eq3A_17 : memref<512xf32, #tpu.memory_space<vmem>>[vector<16xi32>], vector<16xf32>, vector<16xi1>
      %mul3A_1130 = arith.constant 16 : i32
      %mul3A_1131 = arith.muli %scan3A_991, %mul3A_1130 : i32
      %add3A_1132 = arith.constant 3 : i32
      %add3A_1133 = arith.addi %mul3A_1131, %add3A_1132 : i32
      %slice3A_1134 = vector.extract_strided_slice %get3A_995 {offsets = [3], sizes = [1], strides = [1]} : vector<16xi32> to vector<1xi32>
      %squeeze3A_1135 = vector.extract %slice3A_1134[0] : i32 from vector<1xi32>
      %get3A_1136 = arith.index_cast %squeeze3A_1135 : i32 to index
      %get3A_1137 = tpu.vector_load %arg9[%get3A_1136] {strides = array<i32>} : memref<64000xf32, #tpu.memory_space<vmem>>, vector<16xf32>,
      %get3A_1138 = arith.index_cast %add3A_1133 : i32 to index
      %get3A_1139 = arith.constant 0 : index
      %get3A_1140 = tpu.vector_load %arg10[%get3A_1138, %get3A_1139] {strides = array<i32>} : memref<512x64xf32, #tpu.memory_space<vmem>>, vector<16xf32>,
      %mul3A_1141 = arith.mulf %get3A_1137, %get3A_1140 : vector<16xf32>
      %add3A_1142 = arith.constant 16 : i32
      %add3A_1143 = arith.addi %squeeze3A_1135, %add3A_1142 : i32
      %get3A_1144 = arith.index_cast %add3A_1143 : i32 to index
      %get3A_1145 = tpu.vector_load %arg9[%get3A_1144] {strides = array<i32>} : memref<64000xf32, #tpu.memory_space<vmem>>, vector<16xf32>,
      %get3A_1146 = arith.index_cast %add3A_1133 : i32 to index
      %get3A_1147 = arith.constant 16 : index
      %get3A_1148 = tpu.vector_load %arg10[%get3A_1146, %get3A_1147] {strides = array<i32>} : memref<512x64xf32, #tpu.memory_space<vmem>>, vector<16xf32>,
      %mul3A_1149 = arith.mulf %get3A_1145, %get3A_1148 : vector<16xf32>
      %add3A_1150 = arith.addf %mul3A_1141, %mul3A_1149 : vector<16xf32>
      %add3A_1151 = arith.constant 32 : i32
      %add3A_1152 = arith.addi %squeeze3A_1135, %add3A_1151 : i32
      %get3A_1153 = arith.index_cast %add3A_1152 : i32 to index
      %get3A_1154 = tpu.vector_load %arg9[%get3A_1153] {strides = array<i32>} : memref<64000xf32, #tpu.memory_space<vmem>>, vector<16xf32>,
      %get3A_1155 = arith.index_cast %add3A_1133 : i32 to index
      %get3A_1156 = arith.constant 32 : index
      %get3A_1157 = tpu.vector_load %arg10[%get3A_1155, %get3A_1156] {strides = array<i32>} : memref<512x64xf32, #tpu.memory_space<vmem>>, vector<16xf32>,
      %mul3A_1158 = arith.mulf %get3A_1154, %get3A_1157 : vector<16xf32>
      %add3A_1159 = arith.addf %add3A_1150, %mul3A_1158 : vector<16xf32>
      %add3A_1160 = arith.constant 48 : i32
      %add3A_1161 = arith.addi %squeeze3A_1135, %add3A_1160 : i32
      %get3A_1162 = arith.index_cast %add3A_1161 : i32 to index
      %get3A_1163 = tpu.vector_load %arg9[%get3A_1162] {strides = array<i32>} : memref<64000xf32, #tpu.memory_space<vmem>>, vector<16xf32>,
      %get3A_1164 = arith.index_cast %add3A_1133 : i32 to index
      %get3A_1165 = arith.constant 48 : index
      %get3A_1166 = tpu.vector_load %arg10[%get3A_1164, %get3A_1165] {strides = array<i32>} : memref<512x64xf32, #tpu.memory_space<vmem>>, vector<16xf32>,
      %mul3A_1167 = arith.mulf %get3A_1163, %get3A_1166 : vector<16xf32>
      %add3A_1168 = arith.addf %add3A_1159, %mul3A_1167 : vector<16xf32>
      %broadcast_in_dim3A_1169 = arith.constant true
      %broadcast_in_dim3A_1170 = vector.broadcast %broadcast_in_dim3A_1169 : i1 to vector<16xi1>
      %masked_cumsum3A_1171 = tpu.scan <sum>, %add3A_1168 masked %broadcast_in_dim3A_1170 : vector<16xf32>, vector<16xi1> -> vector<16xf32>
      %broadcast_in_dim3A_1172 = arith.constant 0 : i32
      %broadcast_in_dim3A_1173 = vector.broadcast %broadcast_in_dim3A_1172 : i32 to vector<16xi32>
      %add3A_1174 = vector.broadcast %add3A_1133 : i32 to vector<16xi32>
      %add3A_1175 = arith.addi %broadcast_in_dim3A_1173, %add3A_1174 : vector<16xi32>
      tpu.vector_store_idx %arg11[%add3A_1175], %masked_cumsum3A_1171 masked %eq3A_17 : memref<512xf32, #tpu.memory_space<vmem>>[vector<16xi32>], vector<16xf32>, vector<16xi1>
      %mul3A_1176 = arith.constant 16 : i32
      %mul3A_1177 = arith.muli %scan3A_991, %mul3A_1176 : i32
      %add3A_1178 = arith.constant 4 : i32
      %add3A_1179 = arith.addi %mul3A_1177, %add3A_1178 : i32
      %slice3A_1180 = vector.extract_strided_slice %get3A_995 {offsets = [4], sizes = [1], strides = [1]} : vector<16xi32> to vector<1xi32>
      %squeeze3A_1181 = vector.extract %slice3A_1180[0] : i32 from vector<1xi32>
      %get3A_1182 = arith.index_cast %squeeze3A_1181 : i32 to index
      %get3A_1183 = tpu.vector_load %arg9[%get3A_1182] {strides = array<i32>} : memref<64000xf32, #tpu.memory_space<vmem>>, vector<16xf32>,
      %get3A_1184 = arith.index_cast %add3A_1179 : i32 to index
      %get3A_1185 = arith.constant 0 : index
      %get3A_1186 = tpu.vector_load %arg10[%get3A_1184, %get3A_1185] {strides = array<i32>} : memref<512x64xf32, #tpu.memory_space<vmem>>, vector<16xf32>,
      %mul3A_1187 = arith.mulf %get3A_1183, %get3A_1186 : vector<16xf32>
      %add3A_1188 = arith.constant 16 : i32
      %add3A_1189 = arith.addi %squeeze3A_1181, %add3A_1188 : i32
      %get3A_1190 = arith.index_cast %add3A_1189 : i32 to index
      %get3A_1191 = tpu.vector_load %arg9[%get3A_1190] {strides = array<i32>} : memref<64000xf32, #tpu.memory_space<vmem>>, vector<16xf32>,
      %get3A_1192 = arith.index_cast %add3A_1179 : i32 to index
      %get3A_1193 = arith.constant 16 : index
      %get3A_1194 = tpu.vector_load %arg10[%get3A_1192, %get3A_1193] {strides = array<i32>} : memref<512x64xf32, #tpu.memory_space<vmem>>, vector<16xf32>,
      %mul3A_1195 = arith.mulf %get3A_1191, %get3A_1194 : vector<16xf32>
      %add3A_1196 = arith.addf %mul3A_1187, %mul3A_1195 : vector<16xf32>
      %add3A_1197 = arith.constant 32 : i32
      %add3A_1198 = arith.addi %squeeze3A_1181, %add3A_1197 : i32
      %get3A_1199 = arith.index_cast %add3A_1198 : i32 to index
      %get3A_1200 = tpu.vector_load %arg9[%get3A_1199] {strides = array<i32>} : memref<64000xf32, #tpu.memory_space<vmem>>, vector<16xf32>,
      %get3A_1201 = arith.index_cast %add3A_1179 : i32 to index
      %get3A_1202 = arith.constant 32 : index
      %get3A_1203 = tpu.vector_load %arg10[%get3A_1201, %get3A_1202] {strides = array<i32>} : memref<512x64xf32, #tpu.memory_space<vmem>>, vector<16xf32>,
      %mul3A_1204 = arith.mulf %get3A_1200, %get3A_1203 : vector<16xf32>
      %add3A_1205 = arith.addf %add3A_1196, %mul3A_1204 : vector<16xf32>
      %add3A_1206 = arith.constant 48 : i32
      %add3A_1207 = arith.addi %squeeze3A_1181, %add3A_1206 : i32
      %get3A_1208 = arith.index_cast %add3A_1207 : i32 to index
      %get3A_1209 = tpu.vector_load %arg9[%get3A_1208] {strides = array<i32>} : memref<64000xf32, #tpu.memory_space<vmem>>, vector<16xf32>,
      %get3A_1210 = arith.index_cast %add3A_1179 : i32 to index
      %get3A_1211 = arith.constant 48 : index
      %get3A_1212 = tpu.vector_load %arg10[%get3A_1210, %get3A_1211] {strides = array<i32>} : memref<512x64xf32, #tpu.memory_space<vmem>>, vector<16xf32>,
      %mul3A_1213 = arith.mulf %get3A_1209, %get3A_1212 : vector<16xf32>
      %add3A_1214 = arith.addf %add3A_1205, %mul3A_1213 : vector<16xf32>
      %broadcast_in_dim3A_1215 = arith.constant true
      %broadcast_in_dim3A_1216 = vector.broadcast %broadcast_in_dim3A_1215 : i1 to vector<16xi1>
      %masked_cumsum3A_1217 = tpu.scan <sum>, %add3A_1214 masked %broadcast_in_dim3A_1216 : vector<16xf32>, vector<16xi1> -> vector<16xf32>
      %broadcast_in_dim3A_1218 = arith.constant 0 : i32
      %broadcast_in_dim3A_1219 = vector.broadcast %broadcast_in_dim3A_1218 : i32 to vector<16xi32>
      %add3A_1220 = vector.broadcast %add3A_1179 : i32 to vector<16xi32>
      %add3A_1221 = arith.addi %broadcast_in_dim3A_1219, %add3A_1220 : vector<16xi32>
      tpu.vector_store_idx %arg11[%add3A_1221], %masked_cumsum3A_1217 masked %eq3A_17 : memref<512xf32, #tpu.memory_space<vmem>>[vector<16xi32>], vector<16xf32>, vector<16xi1>
      %mul3A_1222 = arith.constant 16 : i32
      %mul3A_1223 = arith.muli %scan3A_991, %mul3A_1222 : i32
      %add3A_1224 = arith.constant 5 : i32
      %add3A_1225 = arith.addi %mul3A_1223, %add3A_1224 : i32
      %slice3A_1226 = vector.extract_strided_slice %get3A_995 {offsets = [5], sizes = [1], strides = [1]} : vector<16xi32> to vector<1xi32>
      %squeeze3A_1227 = vector.extract %slice3A_1226[0] : i32 from vector<1xi32>
      %get3A_1228 = arith.index_cast %squeeze3A_1227 : i32 to index
      %get3A_1229 = tpu.vector_load %arg9[%get3A_1228] {strides = array<i32>} : memref<64000xf32, #tpu.memory_space<vmem>>, vector<16xf32>,
      %get3A_1230 = arith.index_cast %add3A_1225 : i32 to index
      %get3A_1231 = arith.constant 0 : index
      %get3A_1232 = tpu.vector_load %arg10[%get3A_1230, %get3A_1231] {strides = array<i32>} : memref<512x64xf32, #tpu.memory_space<vmem>>, vector<16xf32>,
      %mul3A_1233 = arith.mulf %get3A_1229, %get3A_1232 : vector<16xf32>
      %add3A_1234 = arith.constant 16 : i32
      %add3A_1235 = arith.addi %squeeze3A_1227, %add3A_1234 : i32
      %get3A_1236 = arith.index_cast %add3A_1235 : i32 to index
      %get3A_1237 = tpu.vector_load %arg9[%get3A_1236] {strides = array<i32>} : memref<64000xf32, #tpu.memory_space<vmem>>, vector<16xf32>,
      %get3A_1238 = arith.index_cast %add3A_1225 : i32 to index
      %get3A_1239 = arith.constant 16 : index
      %get3A_1240 = tpu.vector_load %arg10[%get3A_1238, %get3A_1239] {strides = array<i32>} : memref<512x64xf32, #tpu.memory_space<vmem>>, vector<16xf32>,
      %mul3A_1241 = arith.mulf %get3A_1237, %get3A_1240 : vector<16xf32>
      %add3A_1242 = arith.addf %mul3A_1233, %mul3A_1241 : vector<16xf32>
      %add3A_1243 = arith.constant 32 : i32
      %add3A_1244 = arith.addi %squeeze3A_1227, %add3A_1243 : i32
      %get3A_1245 = arith.index_cast %add3A_1244 : i32 to index
      %get3A_1246 = tpu.vector_load %arg9[%get3A_1245] {strides = array<i32>} : memref<64000xf32, #tpu.memory_space<vmem>>, vector<16xf32>,
      %get3A_1247 = arith.index_cast %add3A_1225 : i32 to index
      %get3A_1248 = arith.constant 32 : index
      %get3A_1249 = tpu.vector_load %arg10[%get3A_1247, %get3A_1248] {strides = array<i32>} : memref<512x64xf32, #tpu.memory_space<vmem>>, vector<16xf32>,
      %mul3A_1250 = arith.mulf %get3A_1246, %get3A_1249 : vector<16xf32>
      %add3A_1251 = arith.addf %add3A_1242, %mul3A_1250 : vector<16xf32>
      %add3A_1252 = arith.constant 48 : i32
      %add3A_1253 = arith.addi %squeeze3A_1227, %add3A_1252 : i32
      %get3A_1254 = arith.index_cast %add3A_1253 : i32 to index
      %get3A_1255 = tpu.vector_load %arg9[%get3A_1254] {strides = array<i32>} : memref<64000xf32, #tpu.memory_space<vmem>>, vector<16xf32>,
      %get3A_1256 = arith.index_cast %add3A_1225 : i32 to index
      %get3A_1257 = arith.constant 48 : index
      %get3A_1258 = tpu.vector_load %arg10[%get3A_1256, %get3A_1257] {strides = array<i32>} : memref<512x64xf32, #tpu.memory_space<vmem>>, vector<16xf32>,
      %mul3A_1259 = arith.mulf %get3A_1255, %get3A_1258 : vector<16xf32>
      %add3A_1260 = arith.addf %add3A_1251, %mul3A_1259 : vector<16xf32>
      %broadcast_in_dim3A_1261 = arith.constant true
      %broadcast_in_dim3A_1262 = vector.broadcast %broadcast_in_dim3A_1261 : i1 to vector<16xi1>
      %masked_cumsum3A_1263 = tpu.scan <sum>, %add3A_1260 masked %broadcast_in_dim3A_1262 : vector<16xf32>, vector<16xi1> -> vector<16xf32>
      %broadcast_in_dim3A_1264 = arith.constant 0 : i32
      %broadcast_in_dim3A_1265 = vector.broadcast %broadcast_in_dim3A_1264 : i32 to vector<16xi32>
      %add3A_1266 = vector.broadcast %add3A_1225 : i32 to vector<16xi32>
      %add3A_1267 = arith.addi %broadcast_in_dim3A_1265, %add3A_1266 : vector<16xi32>
      tpu.vector_store_idx %arg11[%add3A_1267], %masked_cumsum3A_1263 masked %eq3A_17 : memref<512xf32, #tpu.memory_space<vmem>>[vector<16xi32>], vector<16xf32>, vector<16xi1>
      %mul3A_1268 = arith.constant 16 : i32
      %mul3A_1269 = arith.muli %scan3A_991, %mul3A_1268 : i32
      %add3A_1270 = arith.constant 6 : i32
      %add3A_1271 = arith.addi %mul3A_1269, %add3A_1270 : i32
      %slice3A_1272 = vector.extract_strided_slice %get3A_995 {offsets = [6], sizes = [1], strides = [1]} : vector<16xi32> to vector<1xi32>
      %squeeze3A_1273 = vector.extract %slice3A_1272[0] : i32 from vector<1xi32>
      %get3A_1274 = arith.index_cast %squeeze3A_1273 : i32 to index
      %get3A_1275 = tpu.vector_load %arg9[%get3A_1274] {strides = array<i32>} : memref<64000xf32, #tpu.memory_space<vmem>>, vector<16xf32>,
      %get3A_1276 = arith.index_cast %add3A_1271 : i32 to index
      %get3A_1277 = arith.constant 0 : index
      %get3A_1278 = tpu.vector_load %arg10[%get3A_1276, %get3A_1277] {strides = array<i32>} : memref<512x64xf32, #tpu.memory_space<vmem>>, vector<16xf32>,
      %mul3A_1279 = arith.mulf %get3A_1275, %get3A_1278 : vector<16xf32>
      %add3A_1280 = arith.constant 16 : i32
      %add3A_1281 = arith.addi %squeeze3A_1273, %add3A_1280 : i32
      %get3A_1282 = arith.index_cast %add3A_1281 : i32 to index
      %get3A_1283 = tpu.vector_load %arg9[%get3A_1282] {strides = array<i32>} : memref<64000xf32, #tpu.memory_space<vmem>>, vector<16xf32>,
      %get3A_1284 = arith.index_cast %add3A_1271 : i32 to index
      %get3A_1285 = arith.constant 16 : index
      %get3A_1286 = tpu.vector_load %arg10[%get3A_1284, %get3A_1285] {strides = array<i32>} : memref<512x64xf32, #tpu.memory_space<vmem>>, vector<16xf32>,
      %mul3A_1287 = arith.mulf %get3A_1283, %get3A_1286 : vector<16xf32>
      %add3A_1288 = arith.addf %mul3A_1279, %mul3A_1287 : vector<16xf32>
      %add3A_1289 = arith.constant 32 : i32
      %add3A_1290 = arith.addi %squeeze3A_1273, %add3A_1289 : i32
      %get3A_1291 = arith.index_cast %add3A_1290 : i32 to index
      %get3A_1292 = tpu.vector_load %arg9[%get3A_1291] {strides = array<i32>} : memref<64000xf32, #tpu.memory_space<vmem>>, vector<16xf32>,
      %get3A_1293 = arith.index_cast %add3A_1271 : i32 to index
      %get3A_1294 = arith.constant 32 : index
      %get3A_1295 = tpu.vector_load %arg10[%get3A_1293, %get3A_1294] {strides = array<i32>} : memref<512x64xf32, #tpu.memory_space<vmem>>, vector<16xf32>,
      %mul3A_1296 = arith.mulf %get3A_1292, %get3A_1295 : vector<16xf32>
      %add3A_1297 = arith.addf %add3A_1288, %mul3A_1296 : vector<16xf32>
      %add3A_1298 = arith.constant 48 : i32
      %add3A_1299 = arith.addi %squeeze3A_1273, %add3A_1298 : i32
      %get3A_1300 = arith.index_cast %add3A_1299 : i32 to index
      %get3A_1301 = tpu.vector_load %arg9[%get3A_1300] {strides = array<i32>} : memref<64000xf32, #tpu.memory_space<vmem>>, vector<16xf32>,
      %get3A_1302 = arith.index_cast %add3A_1271 : i32 to index
      %get3A_1303 = arith.constant 48 : index
      %get3A_1304 = tpu.vector_load %arg10[%get3A_1302, %get3A_1303] {strides = array<i32>} : memref<512x64xf32, #tpu.memory_space<vmem>>, vector<16xf32>,
      %mul3A_1305 = arith.mulf %get3A_1301, %get3A_1304 : vector<16xf32>
      %add3A_1306 = arith.addf %add3A_1297, %mul3A_1305 : vector<16xf32>
      %broadcast_in_dim3A_1307 = arith.constant true
      %broadcast_in_dim3A_1308 = vector.broadcast %broadcast_in_dim3A_1307 : i1 to vector<16xi1>
      %masked_cumsum3A_1309 = tpu.scan <sum>, %add3A_1306 masked %broadcast_in_dim3A_1308 : vector<16xf32>, vector<16xi1> -> vector<16xf32>
      %broadcast_in_dim3A_1310 = arith.constant 0 : i32
      %broadcast_in_dim3A_1311 = vector.broadcast %broadcast_in_dim3A_1310 : i32 to vector<16xi32>
      %add3A_1312 = vector.broadcast %add3A_1271 : i32 to vector<16xi32>
      %add3A_1313 = arith.addi %broadcast_in_dim3A_1311, %add3A_1312 : vector<16xi32>
      tpu.vector_store_idx %arg11[%add3A_1313], %masked_cumsum3A_1309 masked %eq3A_17 : memref<512xf32, #tpu.memory_space<vmem>>[vector<16xi32>], vector<16xf32>, vector<16xi1>
      %mul3A_1314 = arith.constant 16 : i32
      %mul3A_1315 = arith.muli %scan3A_991, %mul3A_1314 : i32
      %add3A_1316 = arith.constant 7 : i32
      %add3A_1317 = arith.addi %mul3A_1315, %add3A_1316 : i32
      %slice3A_1318 = vector.extract_strided_slice %get3A_995 {offsets = [7], sizes = [1], strides = [1]} : vector<16xi32> to vector<1xi32>
      %squeeze3A_1319 = vector.extract %slice3A_1318[0] : i32 from vector<1xi32>
      %get3A_1320 = arith.index_cast %squeeze3A_1319 : i32 to index
      %get3A_1321 = tpu.vector_load %arg9[%get3A_1320] {strides = array<i32>} : memref<64000xf32, #tpu.memory_space<vmem>>, vector<16xf32>,
      %get3A_1322 = arith.index_cast %add3A_1317 : i32 to index
      %get3A_1323 = arith.constant 0 : index
      %get3A_1324 = tpu.vector_load %arg10[%get3A_1322, %get3A_1323] {strides = array<i32>} : memref<512x64xf32, #tpu.memory_space<vmem>>, vector<16xf32>,
      %mul3A_1325 = arith.mulf %get3A_1321, %get3A_1324 : vector<16xf32>
      %add3A_1326 = arith.constant 16 : i32
      %add3A_1327 = arith.addi %squeeze3A_1319, %add3A_1326 : i32
      %get3A_1328 = arith.index_cast %add3A_1327 : i32 to index
      %get3A_1329 = tpu.vector_load %arg9[%get3A_1328] {strides = array<i32>} : memref<64000xf32, #tpu.memory_space<vmem>>, vector<16xf32>,
      %get3A_1330 = arith.index_cast %add3A_1317 : i32 to index
      %get3A_1331 = arith.constant 16 : index
      %get3A_1332 = tpu.vector_load %arg10[%get3A_1330, %get3A_1331] {strides = array<i32>} : memref<512x64xf32, #tpu.memory_space<vmem>>, vector<16xf32>,
      %mul3A_1333 = arith.mulf %get3A_1329, %get3A_1332 : vector<16xf32>
      %add3A_1334 = arith.addf %mul3A_1325, %mul3A_1333 : vector<16xf32>
      %add3A_1335 = arith.constant 32 : i32
      %add3A_1336 = arith.addi %squeeze3A_1319, %add3A_1335 : i32
      %get3A_1337 = arith.index_cast %add3A_1336 : i32 to index
      %get3A_1338 = tpu.vector_load %arg9[%get3A_1337] {strides = array<i32>} : memref<64000xf32, #tpu.memory_space<vmem>>, vector<16xf32>,
      %get3A_1339 = arith.index_cast %add3A_1317 : i32 to index
      %get3A_1340 = arith.constant 32 : index
      %get3A_1341 = tpu.vector_load %arg10[%get3A_1339, %get3A_1340] {strides = array<i32>} : memref<512x64xf32, #tpu.memory_space<vmem>>, vector<16xf32>,
      %mul3A_1342 = arith.mulf %get3A_1338, %get3A_1341 : vector<16xf32>
      %add3A_1343 = arith.addf %add3A_1334, %mul3A_1342 : vector<16xf32>
      %add3A_1344 = arith.constant 48 : i32
      %add3A_1345 = arith.addi %squeeze3A_1319, %add3A_1344 : i32
      %get3A_1346 = arith.index_cast %add3A_1345 : i32 to index
      %get3A_1347 = tpu.vector_load %arg9[%get3A_1346] {strides = array<i32>} : memref<64000xf32, #tpu.memory_space<vmem>>, vector<16xf32>,
      %get3A_1348 = arith.index_cast %add3A_1317 : i32 to index
      %get3A_1349 = arith.constant 48 : index
      %get3A_1350 = tpu.vector_load %arg10[%get3A_1348, %get3A_1349] {strides = array<i32>} : memref<512x64xf32, #tpu.memory_space<vmem>>, vector<16xf32>,
      %mul3A_1351 = arith.mulf %get3A_1347, %get3A_1350 : vector<16xf32>
      %add3A_1352 = arith.addf %add3A_1343, %mul3A_1351 : vector<16xf32>
      %broadcast_in_dim3A_1353 = arith.constant true
      %broadcast_in_dim3A_1354 = vector.broadcast %broadcast_in_dim3A_1353 : i1 to vector<16xi1>
      %masked_cumsum3A_1355 = tpu.scan <sum>, %add3A_1352 masked %broadcast_in_dim3A_1354 : vector<16xf32>, vector<16xi1> -> vector<16xf32>
      %broadcast_in_dim3A_1356 = arith.constant 0 : i32
      %broadcast_in_dim3A_1357 = vector.broadcast %broadcast_in_dim3A_1356 : i32 to vector<16xi32>
      %add3A_1358 = vector.broadcast %add3A_1317 : i32 to vector<16xi32>
      %add3A_1359 = arith.addi %broadcast_in_dim3A_1357, %add3A_1358 : vector<16xi32>
      tpu.vector_store_idx %arg11[%add3A_1359], %masked_cumsum3A_1355 masked %eq3A_17 : memref<512xf32, #tpu.memory_space<vmem>>[vector<16xi32>], vector<16xf32>, vector<16xi1>
      %mul3A_1360 = arith.constant 16 : i32
      %mul3A_1361 = arith.muli %scan3A_991, %mul3A_1360 : i32
      %add3A_1362 = arith.constant 8 : i32
      %add3A_1363 = arith.addi %mul3A_1361, %add3A_1362 : i32
      %slice3A_1364 = vector.extract_strided_slice %get3A_995 {offsets = [8], sizes = [1], strides = [1]} : vector<16xi32> to vector<1xi32>
      %squeeze3A_1365 = vector.extract %slice3A_1364[0] : i32 from vector<1xi32>
      %get3A_1366 = arith.index_cast %squeeze3A_1365 : i32 to index
      %get3A_1367 = tpu.vector_load %arg9[%get3A_1366] {strides = array<i32>} : memref<64000xf32, #tpu.memory_space<vmem>>, vector<16xf32>,
      %get3A_1368 = arith.index_cast %add3A_1363 : i32 to index
      %get3A_1369 = arith.constant 0 : index
      %get3A_1370 = tpu.vector_load %arg10[%get3A_1368, %get3A_1369] {strides = array<i32>} : memref<512x64xf32, #tpu.memory_space<vmem>>, vector<16xf32>,
      %mul3A_1371 = arith.mulf %get3A_1367, %get3A_1370 : vector<16xf32>
      %add3A_1372 = arith.constant 16 : i32
      %add3A_1373 = arith.addi %squeeze3A_1365, %add3A_1372 : i32
      %get3A_1374 = arith.index_cast %add3A_1373 : i32 to index
      %get3A_1375 = tpu.vector_load %arg9[%get3A_1374] {strides = array<i32>} : memref<64000xf32, #tpu.memory_space<vmem>>, vector<16xf32>,
      %get3A_1376 = arith.index_cast %add3A_1363 : i32 to index
      %get3A_1377 = arith.constant 16 : index
      %get3A_1378 = tpu.vector_load %arg10[%get3A_1376, %get3A_1377] {strides = array<i32>} : memref<512x64xf32, #tpu.memory_space<vmem>>, vector<16xf32>,
      %mul3A_1379 = arith.mulf %get3A_1375, %get3A_1378 : vector<16xf32>
      %add3A_1380 = arith.addf %mul3A_1371, %mul3A_1379 : vector<16xf32>
      %add3A_1381 = arith.constant 32 : i32
      %add3A_1382 = arith.addi %squeeze3A_1365, %add3A_1381 : i32
      %get3A_1383 = arith.index_cast %add3A_1382 : i32 to index
      %get3A_1384 = tpu.vector_load %arg9[%get3A_1383] {strides = array<i32>} : memref<64000xf32, #tpu.memory_space<vmem>>, vector<16xf32>,
      %get3A_1385 = arith.index_cast %add3A_1363 : i32 to index
      %get3A_1386 = arith.constant 32 : index
      %get3A_1387 = tpu.vector_load %arg10[%get3A_1385, %get3A_1386] {strides = array<i32>} : memref<512x64xf32, #tpu.memory_space<vmem>>, vector<16xf32>,
      %mul3A_1388 = arith.mulf %get3A_1384, %get3A_1387 : vector<16xf32>
      %add3A_1389 = arith.addf %add3A_1380, %mul3A_1388 : vector<16xf32>
      %add3A_1390 = arith.constant 48 : i32
      %add3A_1391 = arith.addi %squeeze3A_1365, %add3A_1390 : i32
      %get3A_1392 = arith.index_cast %add3A_1391 : i32 to index
      %get3A_1393 = tpu.vector_load %arg9[%get3A_1392] {strides = array<i32>} : memref<64000xf32, #tpu.memory_space<vmem>>, vector<16xf32>,
      %get3A_1394 = arith.index_cast %add3A_1363 : i32 to index
      %get3A_1395 = arith.constant 48 : index
      %get3A_1396 = tpu.vector_load %arg10[%get3A_1394, %get3A_1395] {strides = array<i32>} : memref<512x64xf32, #tpu.memory_space<vmem>>, vector<16xf32>,
      %mul3A_1397 = arith.mulf %get3A_1393, %get3A_1396 : vector<16xf32>
      %add3A_1398 = arith.addf %add3A_1389, %mul3A_1397 : vector<16xf32>
      %broadcast_in_dim3A_1399 = arith.constant true
      %broadcast_in_dim3A_1400 = vector.broadcast %broadcast_in_dim3A_1399 : i1 to vector<16xi1>
      %masked_cumsum3A_1401 = tpu.scan <sum>, %add3A_1398 masked %broadcast_in_dim3A_1400 : vector<16xf32>, vector<16xi1> -> vector<16xf32>
      %broadcast_in_dim3A_1402 = arith.constant 0 : i32
      %broadcast_in_dim3A_1403 = vector.broadcast %broadcast_in_dim3A_1402 : i32 to vector<16xi32>
      %add3A_1404 = vector.broadcast %add3A_1363 : i32 to vector<16xi32>
      %add3A_1405 = arith.addi %broadcast_in_dim3A_1403, %add3A_1404 : vector<16xi32>
      tpu.vector_store_idx %arg11[%add3A_1405], %masked_cumsum3A_1401 masked %eq3A_17 : memref<512xf32, #tpu.memory_space<vmem>>[vector<16xi32>], vector<16xf32>, vector<16xi1>
      %mul3A_1406 = arith.constant 16 : i32
      %mul3A_1407 = arith.muli %scan3A_991, %mul3A_1406 : i32
      %add3A_1408 = arith.constant 9 : i32
      %add3A_1409 = arith.addi %mul3A_1407, %add3A_1408 : i32
      %slice3A_1410 = vector.extract_strided_slice %get3A_995 {offsets = [9], sizes = [1], strides = [1]} : vector<16xi32> to vector<1xi32>
      %squeeze3A_1411 = vector.extract %slice3A_1410[0] : i32 from vector<1xi32>
      %get3A_1412 = arith.index_cast %squeeze3A_1411 : i32 to index
      %get3A_1413 = tpu.vector_load %arg9[%get3A_1412] {strides = array<i32>} : memref<64000xf32, #tpu.memory_space<vmem>>, vector<16xf32>,
      %get3A_1414 = arith.index_cast %add3A_1409 : i32 to index
      %get3A_1415 = arith.constant 0 : index
      %get3A_1416 = tpu.vector_load %arg10[%get3A_1414, %get3A_1415] {strides = array<i32>} : memref<512x64xf32, #tpu.memory_space<vmem>>, vector<16xf32>,
      %mul3A_1417 = arith.mulf %get3A_1413, %get3A_1416 : vector<16xf32>
      %add3A_1418 = arith.constant 16 : i32
      %add3A_1419 = arith.addi %squeeze3A_1411, %add3A_1418 : i32
      %get3A_1420 = arith.index_cast %add3A_1419 : i32 to index
      %get3A_1421 = tpu.vector_load %arg9[%get3A_1420] {strides = array<i32>} : memref<64000xf32, #tpu.memory_space<vmem>>, vector<16xf32>,
      %get3A_1422 = arith.index_cast %add3A_1409 : i32 to index
      %get3A_1423 = arith.constant 16 : index
      %get3A_1424 = tpu.vector_load %arg10[%get3A_1422, %get3A_1423] {strides = array<i32>} : memref<512x64xf32, #tpu.memory_space<vmem>>, vector<16xf32>,
      %mul3A_1425 = arith.mulf %get3A_1421, %get3A_1424 : vector<16xf32>
      %add3A_1426 = arith.addf %mul3A_1417, %mul3A_1425 : vector<16xf32>
      %add3A_1427 = arith.constant 32 : i32
      %add3A_1428 = arith.addi %squeeze3A_1411, %add3A_1427 : i32
      %get3A_1429 = arith.index_cast %add3A_1428 : i32 to index
      %get3A_1430 = tpu.vector_load %arg9[%get3A_1429] {strides = array<i32>} : memref<64000xf32, #tpu.memory_space<vmem>>, vector<16xf32>,
      %get3A_1431 = arith.index_cast %add3A_1409 : i32 to index
      %get3A_1432 = arith.constant 32 : index
      %get3A_1433 = tpu.vector_load %arg10[%get3A_1431, %get3A_1432] {strides = array<i32>} : memref<512x64xf32, #tpu.memory_space<vmem>>, vector<16xf32>,
      %mul3A_1434 = arith.mulf %get3A_1430, %get3A_1433 : vector<16xf32>
      %add3A_1435 = arith.addf %add3A_1426, %mul3A_1434 : vector<16xf32>
      %add3A_1436 = arith.constant 48 : i32
      %add3A_1437 = arith.addi %squeeze3A_1411, %add3A_1436 : i32
      %get3A_1438 = arith.index_cast %add3A_1437 : i32 to index
      %get3A_1439 = tpu.vector_load %arg9[%get3A_1438] {strides = array<i32>} : memref<64000xf32, #tpu.memory_space<vmem>>, vector<16xf32>,
      %get3A_1440 = arith.index_cast %add3A_1409 : i32 to index
      %get3A_1441 = arith.constant 48 : index
      %get3A_1442 = tpu.vector_load %arg10[%get3A_1440, %get3A_1441] {strides = array<i32>} : memref<512x64xf32, #tpu.memory_space<vmem>>, vector<16xf32>,
      %mul3A_1443 = arith.mulf %get3A_1439, %get3A_1442 : vector<16xf32>
      %add3A_1444 = arith.addf %add3A_1435, %mul3A_1443 : vector<16xf32>
      %broadcast_in_dim3A_1445 = arith.constant true
      %broadcast_in_dim3A_1446 = vector.broadcast %broadcast_in_dim3A_1445 : i1 to vector<16xi1>
      %masked_cumsum3A_1447 = tpu.scan <sum>, %add3A_1444 masked %broadcast_in_dim3A_1446 : vector<16xf32>, vector<16xi1> -> vector<16xf32>
      %broadcast_in_dim3A_1448 = arith.constant 0 : i32
      %broadcast_in_dim3A_1449 = vector.broadcast %broadcast_in_dim3A_1448 : i32 to vector<16xi32>
      %add3A_1450 = vector.broadcast %add3A_1409 : i32 to vector<16xi32>
      %add3A_1451 = arith.addi %broadcast_in_dim3A_1449, %add3A_1450 : vector<16xi32>
      tpu.vector_store_idx %arg11[%add3A_1451], %masked_cumsum3A_1447 masked %eq3A_17 : memref<512xf32, #tpu.memory_space<vmem>>[vector<16xi32>], vector<16xf32>, vector<16xi1>
      %mul3A_1452 = arith.constant 16 : i32
      %mul3A_1453 = arith.muli %scan3A_991, %mul3A_1452 : i32
      %add3A_1454 = arith.constant 10 : i32
      %add3A_1455 = arith.addi %mul3A_1453, %add3A_1454 : i32
      %slice3A_1456 = vector.extract_strided_slice %get3A_995 {offsets = [10], sizes = [1], strides = [1]} : vector<16xi32> to vector<1xi32>
      %squeeze3A_1457 = vector.extract %slice3A_1456[0] : i32 from vector<1xi32>
      %get3A_1458 = arith.index_cast %squeeze3A_1457 : i32 to index
      %get3A_1459 = tpu.vector_load %arg9[%get3A_1458] {strides = array<i32>} : memref<64000xf32, #tpu.memory_space<vmem>>, vector<16xf32>,
      %get3A_1460 = arith.index_cast %add3A_1455 : i32 to index
      %get3A_1461 = arith.constant 0 : index
      %get3A_1462 = tpu.vector_load %arg10[%get3A_1460, %get3A_1461] {strides = array<i32>} : memref<512x64xf32, #tpu.memory_space<vmem>>, vector<16xf32>,
      %mul3A_1463 = arith.mulf %get3A_1459, %get3A_1462 : vector<16xf32>
      %add3A_1464 = arith.constant 16 : i32
      %add3A_1465 = arith.addi %squeeze3A_1457, %add3A_1464 : i32
      %get3A_1466 = arith.index_cast %add3A_1465 : i32 to index
      %get3A_1467 = tpu.vector_load %arg9[%get3A_1466] {strides = array<i32>} : memref<64000xf32, #tpu.memory_space<vmem>>, vector<16xf32>,
      %get3A_1468 = arith.index_cast %add3A_1455 : i32 to index
      %get3A_1469 = arith.constant 16 : index
      %get3A_1470 = tpu.vector_load %arg10[%get3A_1468, %get3A_1469] {strides = array<i32>} : memref<512x64xf32, #tpu.memory_space<vmem>>, vector<16xf32>,
      %mul3A_1471 = arith.mulf %get3A_1467, %get3A_1470 : vector<16xf32>
      %add3A_1472 = arith.addf %mul3A_1463, %mul3A_1471 : vector<16xf32>
      %add3A_1473 = arith.constant 32 : i32
      %add3A_1474 = arith.addi %squeeze3A_1457, %add3A_1473 : i32
      %get3A_1475 = arith.index_cast %add3A_1474 : i32 to index
      %get3A_1476 = tpu.vector_load %arg9[%get3A_1475] {strides = array<i32>} : memref<64000xf32, #tpu.memory_space<vmem>>, vector<16xf32>,
      %get3A_1477 = arith.index_cast %add3A_1455 : i32 to index
      %get3A_1478 = arith.constant 32 : index
      %get3A_1479 = tpu.vector_load %arg10[%get3A_1477, %get3A_1478] {strides = array<i32>} : memref<512x64xf32, #tpu.memory_space<vmem>>, vector<16xf32>,
      %mul3A_1480 = arith.mulf %get3A_1476, %get3A_1479 : vector<16xf32>
      %add3A_1481 = arith.addf %add3A_1472, %mul3A_1480 : vector<16xf32>
      %add3A_1482 = arith.constant 48 : i32
      %add3A_1483 = arith.addi %squeeze3A_1457, %add3A_1482 : i32
      %get3A_1484 = arith.index_cast %add3A_1483 : i32 to index
      %get3A_1485 = tpu.vector_load %arg9[%get3A_1484] {strides = array<i32>} : memref<64000xf32, #tpu.memory_space<vmem>>, vector<16xf32>,
      %get3A_1486 = arith.index_cast %add3A_1455 : i32 to index
      %get3A_1487 = arith.constant 48 : index
      %get3A_1488 = tpu.vector_load %arg10[%get3A_1486, %get3A_1487] {strides = array<i32>} : memref<512x64xf32, #tpu.memory_space<vmem>>, vector<16xf32>,
      %mul3A_1489 = arith.mulf %get3A_1485, %get3A_1488 : vector<16xf32>
      %add3A_1490 = arith.addf %add3A_1481, %mul3A_1489 : vector<16xf32>
      %broadcast_in_dim3A_1491 = arith.constant true
      %broadcast_in_dim3A_1492 = vector.broadcast %broadcast_in_dim3A_1491 : i1 to vector<16xi1>
      %masked_cumsum3A_1493 = tpu.scan <sum>, %add3A_1490 masked %broadcast_in_dim3A_1492 : vector<16xf32>, vector<16xi1> -> vector<16xf32>
      %broadcast_in_dim3A_1494 = arith.constant 0 : i32
      %broadcast_in_dim3A_1495 = vector.broadcast %broadcast_in_dim3A_1494 : i32 to vector<16xi32>
      %add3A_1496 = vector.broadcast %add3A_1455 : i32 to vector<16xi32>
      %add3A_1497 = arith.addi %broadcast_in_dim3A_1495, %add3A_1496 : vector<16xi32>
      tpu.vector_store_idx %arg11[%add3A_1497], %masked_cumsum3A_1493 masked %eq3A_17 : memref<512xf32, #tpu.memory_space<vmem>>[vector<16xi32>], vector<16xf32>, vector<16xi1>
      %mul3A_1498 = arith.constant 16 : i32
      %mul3A_1499 = arith.muli %scan3A_991, %mul3A_1498 : i32
      %add3A_1500 = arith.constant 11 : i32
      %add3A_1501 = arith.addi %mul3A_1499, %add3A_1500 : i32
      %slice3A_1502 = vector.extract_strided_slice %get3A_995 {offsets = [11], sizes = [1], strides = [1]} : vector<16xi32> to vector<1xi32>
      %squeeze3A_1503 = vector.extract %slice3A_1502[0] : i32 from vector<1xi32>
      %get3A_1504 = arith.index_cast %squeeze3A_1503 : i32 to index
      %get3A_1505 = tpu.vector_load %arg9[%get3A_1504] {strides = array<i32>} : memref<64000xf32, #tpu.memory_space<vmem>>, vector<16xf32>,
      %get3A_1506 = arith.index_cast %add3A_1501 : i32 to index
      %get3A_1507 = arith.constant 0 : index
      %get3A_1508 = tpu.vector_load %arg10[%get3A_1506, %get3A_1507] {strides = array<i32>} : memref<512x64xf32, #tpu.memory_space<vmem>>, vector<16xf32>,
      %mul3A_1509 = arith.mulf %get3A_1505, %get3A_1508 : vector<16xf32>
      %add3A_1510 = arith.constant 16 : i32
      %add3A_1511 = arith.addi %squeeze3A_1503, %add3A_1510 : i32
      %get3A_1512 = arith.index_cast %add3A_1511 : i32 to index
      %get3A_1513 = tpu.vector_load %arg9[%get3A_1512] {strides = array<i32>} : memref<64000xf32, #tpu.memory_space<vmem>>, vector<16xf32>,
      %get3A_1514 = arith.index_cast %add3A_1501 : i32 to index
      %get3A_1515 = arith.constant 16 : index
      %get3A_1516 = tpu.vector_load %arg10[%get3A_1514, %get3A_1515] {strides = array<i32>} : memref<512x64xf32, #tpu.memory_space<vmem>>, vector<16xf32>,
      %mul3A_1517 = arith.mulf %get3A_1513, %get3A_1516 : vector<16xf32>
      %add3A_1518 = arith.addf %mul3A_1509, %mul3A_1517 : vector<16xf32>
      %add3A_1519 = arith.constant 32 : i32
      %add3A_1520 = arith.addi %squeeze3A_1503, %add3A_1519 : i32
      %get3A_1521 = arith.index_cast %add3A_1520 : i32 to index
      %get3A_1522 = tpu.vector_load %arg9[%get3A_1521] {strides = array<i32>} : memref<64000xf32, #tpu.memory_space<vmem>>, vector<16xf32>,
      %get3A_1523 = arith.index_cast %add3A_1501 : i32 to index
      %get3A_1524 = arith.constant 32 : index
      %get3A_1525 = tpu.vector_load %arg10[%get3A_1523, %get3A_1524] {strides = array<i32>} : memref<512x64xf32, #tpu.memory_space<vmem>>, vector<16xf32>,
      %mul3A_1526 = arith.mulf %get3A_1522, %get3A_1525 : vector<16xf32>
      %add3A_1527 = arith.addf %add3A_1518, %mul3A_1526 : vector<16xf32>
      %add3A_1528 = arith.constant 48 : i32
      %add3A_1529 = arith.addi %squeeze3A_1503, %add3A_1528 : i32
      %get3A_1530 = arith.index_cast %add3A_1529 : i32 to index
      %get3A_1531 = tpu.vector_load %arg9[%get3A_1530] {strides = array<i32>} : memref<64000xf32, #tpu.memory_space<vmem>>, vector<16xf32>,
      %get3A_1532 = arith.index_cast %add3A_1501 : i32 to index
      %get3A_1533 = arith.constant 48 : index
      %get3A_1534 = tpu.vector_load %arg10[%get3A_1532, %get3A_1533] {strides = array<i32>} : memref<512x64xf32, #tpu.memory_space<vmem>>, vector<16xf32>,
      %mul3A_1535 = arith.mulf %get3A_1531, %get3A_1534 : vector<16xf32>
      %add3A_1536 = arith.addf %add3A_1527, %mul3A_1535 : vector<16xf32>
      %broadcast_in_dim3A_1537 = arith.constant true
      %broadcast_in_dim3A_1538 = vector.broadcast %broadcast_in_dim3A_1537 : i1 to vector<16xi1>
      %masked_cumsum3A_1539 = tpu.scan <sum>, %add3A_1536 masked %broadcast_in_dim3A_1538 : vector<16xf32>, vector<16xi1> -> vector<16xf32>
      %broadcast_in_dim3A_1540 = arith.constant 0 : i32
      %broadcast_in_dim3A_1541 = vector.broadcast %broadcast_in_dim3A_1540 : i32 to vector<16xi32>
      %add3A_1542 = vector.broadcast %add3A_1501 : i32 to vector<16xi32>
      %add3A_1543 = arith.addi %broadcast_in_dim3A_1541, %add3A_1542 : vector<16xi32>
      tpu.vector_store_idx %arg11[%add3A_1543], %masked_cumsum3A_1539 masked %eq3A_17 : memref<512xf32, #tpu.memory_space<vmem>>[vector<16xi32>], vector<16xf32>, vector<16xi1>
      %mul3A_1544 = arith.constant 16 : i32
      %mul3A_1545 = arith.muli %scan3A_991, %mul3A_1544 : i32
      %add3A_1546 = arith.constant 12 : i32
      %add3A_1547 = arith.addi %mul3A_1545, %add3A_1546 : i32
      %slice3A_1548 = vector.extract_strided_slice %get3A_995 {offsets = [12], sizes = [1], strides = [1]} : vector<16xi32> to vector<1xi32>
      %squeeze3A_1549 = vector.extract %slice3A_1548[0] : i32 from vector<1xi32>
      %get3A_1550 = arith.index_cast %squeeze3A_1549 : i32 to index
      %get3A_1551 = tpu.vector_load %arg9[%get3A_1550] {strides = array<i32>} : memref<64000xf32, #tpu.memory_space<vmem>>, vector<16xf32>,
      %get3A_1552 = arith.index_cast %add3A_1547 : i32 to index
      %get3A_1553 = arith.constant 0 : index
      %get3A_1554 = tpu.vector_load %arg10[%get3A_1552, %get3A_1553] {strides = array<i32>} : memref<512x64xf32, #tpu.memory_space<vmem>>, vector<16xf32>,
      %mul3A_1555 = arith.mulf %get3A_1551, %get3A_1554 : vector<16xf32>
      %add3A_1556 = arith.constant 16 : i32
      %add3A_1557 = arith.addi %squeeze3A_1549, %add3A_1556 : i32
      %get3A_1558 = arith.index_cast %add3A_1557 : i32 to index
      %get3A_1559 = tpu.vector_load %arg9[%get3A_1558] {strides = array<i32>} : memref<64000xf32, #tpu.memory_space<vmem>>, vector<16xf32>,
      %get3A_1560 = arith.index_cast %add3A_1547 : i32 to index
      %get3A_1561 = arith.constant 16 : index
      %get3A_1562 = tpu.vector_load %arg10[%get3A_1560, %get3A_1561] {strides = array<i32>} : memref<512x64xf32, #tpu.memory_space<vmem>>, vector<16xf32>,
      %mul3A_1563 = arith.mulf %get3A_1559, %get3A_1562 : vector<16xf32>
      %add3A_1564 = arith.addf %mul3A_1555, %mul3A_1563 : vector<16xf32>
      %add3A_1565 = arith.constant 32 : i32
      %add3A_1566 = arith.addi %squeeze3A_1549, %add3A_1565 : i32
      %get3A_1567 = arith.index_cast %add3A_1566 : i32 to index
      %get3A_1568 = tpu.vector_load %arg9[%get3A_1567] {strides = array<i32>} : memref<64000xf32, #tpu.memory_space<vmem>>, vector<16xf32>,
      %get3A_1569 = arith.index_cast %add3A_1547 : i32 to index
      %get3A_1570 = arith.constant 32 : index
      %get3A_1571 = tpu.vector_load %arg10[%get3A_1569, %get3A_1570] {strides = array<i32>} : memref<512x64xf32, #tpu.memory_space<vmem>>, vector<16xf32>,
      %mul3A_1572 = arith.mulf %get3A_1568, %get3A_1571 : vector<16xf32>
      %add3A_1573 = arith.addf %add3A_1564, %mul3A_1572 : vector<16xf32>
      %add3A_1574 = arith.constant 48 : i32
      %add3A_1575 = arith.addi %squeeze3A_1549, %add3A_1574 : i32
      %get3A_1576 = arith.index_cast %add3A_1575 : i32 to index
      %get3A_1577 = tpu.vector_load %arg9[%get3A_1576] {strides = array<i32>} : memref<64000xf32, #tpu.memory_space<vmem>>, vector<16xf32>,
      %get3A_1578 = arith.index_cast %add3A_1547 : i32 to index
      %get3A_1579 = arith.constant 48 : index
      %get3A_1580 = tpu.vector_load %arg10[%get3A_1578, %get3A_1579] {strides = array<i32>} : memref<512x64xf32, #tpu.memory_space<vmem>>, vector<16xf32>,
      %mul3A_1581 = arith.mulf %get3A_1577, %get3A_1580 : vector<16xf32>
      %add3A_1582 = arith.addf %add3A_1573, %mul3A_1581 : vector<16xf32>
      %broadcast_in_dim3A_1583 = arith.constant true
      %broadcast_in_dim3A_1584 = vector.broadcast %broadcast_in_dim3A_1583 : i1 to vector<16xi1>
      %masked_cumsum3A_1585 = tpu.scan <sum>, %add3A_1582 masked %broadcast_in_dim3A_1584 : vector<16xf32>, vector<16xi1> -> vector<16xf32>
      %broadcast_in_dim3A_1586 = arith.constant 0 : i32
      %broadcast_in_dim3A_1587 = vector.broadcast %broadcast_in_dim3A_1586 : i32 to vector<16xi32>
      %add3A_1588 = vector.broadcast %add3A_1547 : i32 to vector<16xi32>
      %add3A_1589 = arith.addi %broadcast_in_dim3A_1587, %add3A_1588 : vector<16xi32>
      tpu.vector_store_idx %arg11[%add3A_1589], %masked_cumsum3A_1585 masked %eq3A_17 : memref<512xf32, #tpu.memory_space<vmem>>[vector<16xi32>], vector<16xf32>, vector<16xi1>
      %mul3A_1590 = arith.constant 16 : i32
      %mul3A_1591 = arith.muli %scan3A_991, %mul3A_1590 : i32
      %add3A_1592 = arith.constant 13 : i32
      %add3A_1593 = arith.addi %mul3A_1591, %add3A_1592 : i32
      %slice3A_1594 = vector.extract_strided_slice %get3A_995 {offsets = [13], sizes = [1], strides = [1]} : vector<16xi32> to vector<1xi32>
      %squeeze3A_1595 = vector.extract %slice3A_1594[0] : i32 from vector<1xi32>
      %get3A_1596 = arith.index_cast %squeeze3A_1595 : i32 to index
      %get3A_1597 = tpu.vector_load %arg9[%get3A_1596] {strides = array<i32>} : memref<64000xf32, #tpu.memory_space<vmem>>, vector<16xf32>,
      %get3A_1598 = arith.index_cast %add3A_1593 : i32 to index
      %get3A_1599 = arith.constant 0 : index
      %get3A_1600 = tpu.vector_load %arg10[%get3A_1598, %get3A_1599] {strides = array<i32>} : memref<512x64xf32, #tpu.memory_space<vmem>>, vector<16xf32>,
      %mul3A_1601 = arith.mulf %get3A_1597, %get3A_1600 : vector<16xf32>
      %add3A_1602 = arith.constant 16 : i32
      %add3A_1603 = arith.addi %squeeze3A_1595, %add3A_1602 : i32
      %get3A_1604 = arith.index_cast %add3A_1603 : i32 to index
      %get3A_1605 = tpu.vector_load %arg9[%get3A_1604] {strides = array<i32>} : memref<64000xf32, #tpu.memory_space<vmem>>, vector<16xf32>,
      %get3A_1606 = arith.index_cast %add3A_1593 : i32 to index
      %get3A_1607 = arith.constant 16 : index
      %get3A_1608 = tpu.vector_load %arg10[%get3A_1606, %get3A_1607] {strides = array<i32>} : memref<512x64xf32, #tpu.memory_space<vmem>>, vector<16xf32>,
      %mul3A_1609 = arith.mulf %get3A_1605, %get3A_1608 : vector<16xf32>
      %add3A_1610 = arith.addf %mul3A_1601, %mul3A_1609 : vector<16xf32>
      %add3A_1611 = arith.constant 32 : i32
      %add3A_1612 = arith.addi %squeeze3A_1595, %add3A_1611 : i32
      %get3A_1613 = arith.index_cast %add3A_1612 : i32 to index
      %get3A_1614 = tpu.vector_load %arg9[%get3A_1613] {strides = array<i32>} : memref<64000xf32, #tpu.memory_space<vmem>>, vector<16xf32>,
      %get3A_1615 = arith.index_cast %add3A_1593 : i32 to index
      %get3A_1616 = arith.constant 32 : index
      %get3A_1617 = tpu.vector_load %arg10[%get3A_1615, %get3A_1616] {strides = array<i32>} : memref<512x64xf32, #tpu.memory_space<vmem>>, vector<16xf32>,
      %mul3A_1618 = arith.mulf %get3A_1614, %get3A_1617 : vector<16xf32>
      %add3A_1619 = arith.addf %add3A_1610, %mul3A_1618 : vector<16xf32>
      %add3A_1620 = arith.constant 48 : i32
      %add3A_1621 = arith.addi %squeeze3A_1595, %add3A_1620 : i32
      %get3A_1622 = arith.index_cast %add3A_1621 : i32 to index
      %get3A_1623 = tpu.vector_load %arg9[%get3A_1622] {strides = array<i32>} : memref<64000xf32, #tpu.memory_space<vmem>>, vector<16xf32>,
      %get3A_1624 = arith.index_cast %add3A_1593 : i32 to index
      %get3A_1625 = arith.constant 48 : index
      %get3A_1626 = tpu.vector_load %arg10[%get3A_1624, %get3A_1625] {strides = array<i32>} : memref<512x64xf32, #tpu.memory_space<vmem>>, vector<16xf32>,
      %mul3A_1627 = arith.mulf %get3A_1623, %get3A_1626 : vector<16xf32>
      %add3A_1628 = arith.addf %add3A_1619, %mul3A_1627 : vector<16xf32>
      %broadcast_in_dim3A_1629 = arith.constant true
      %broadcast_in_dim3A_1630 = vector.broadcast %broadcast_in_dim3A_1629 : i1 to vector<16xi1>
      %masked_cumsum3A_1631 = tpu.scan <sum>, %add3A_1628 masked %broadcast_in_dim3A_1630 : vector<16xf32>, vector<16xi1> -> vector<16xf32>
      %broadcast_in_dim3A_1632 = arith.constant 0 : i32
      %broadcast_in_dim3A_1633 = vector.broadcast %broadcast_in_dim3A_1632 : i32 to vector<16xi32>
      %add3A_1634 = vector.broadcast %add3A_1593 : i32 to vector<16xi32>
      %add3A_1635 = arith.addi %broadcast_in_dim3A_1633, %add3A_1634 : vector<16xi32>
      tpu.vector_store_idx %arg11[%add3A_1635], %masked_cumsum3A_1631 masked %eq3A_17 : memref<512xf32, #tpu.memory_space<vmem>>[vector<16xi32>], vector<16xf32>, vector<16xi1>
      %mul3A_1636 = arith.constant 16 : i32
      %mul3A_1637 = arith.muli %scan3A_991, %mul3A_1636 : i32
      %add3A_1638 = arith.constant 14 : i32
      %add3A_1639 = arith.addi %mul3A_1637, %add3A_1638 : i32
      %slice3A_1640 = vector.extract_strided_slice %get3A_995 {offsets = [14], sizes = [1], strides = [1]} : vector<16xi32> to vector<1xi32>
      %squeeze3A_1641 = vector.extract %slice3A_1640[0] : i32 from vector<1xi32>
      %get3A_1642 = arith.index_cast %squeeze3A_1641 : i32 to index
      %get3A_1643 = tpu.vector_load %arg9[%get3A_1642] {strides = array<i32>} : memref<64000xf32, #tpu.memory_space<vmem>>, vector<16xf32>,
      %get3A_1644 = arith.index_cast %add3A_1639 : i32 to index
      %get3A_1645 = arith.constant 0 : index
      %get3A_1646 = tpu.vector_load %arg10[%get3A_1644, %get3A_1645] {strides = array<i32>} : memref<512x64xf32, #tpu.memory_space<vmem>>, vector<16xf32>,
      %mul3A_1647 = arith.mulf %get3A_1643, %get3A_1646 : vector<16xf32>
      %add3A_1648 = arith.constant 16 : i32
      %add3A_1649 = arith.addi %squeeze3A_1641, %add3A_1648 : i32
      %get3A_1650 = arith.index_cast %add3A_1649 : i32 to index
      %get3A_1651 = tpu.vector_load %arg9[%get3A_1650] {strides = array<i32>} : memref<64000xf32, #tpu.memory_space<vmem>>, vector<16xf32>,
      %get3A_1652 = arith.index_cast %add3A_1639 : i32 to index
      %get3A_1653 = arith.constant 16 : index
      %get3A_1654 = tpu.vector_load %arg10[%get3A_1652, %get3A_1653] {strides = array<i32>} : memref<512x64xf32, #tpu.memory_space<vmem>>, vector<16xf32>,
      %mul3A_1655 = arith.mulf %get3A_1651, %get3A_1654 : vector<16xf32>
      %add3A_1656 = arith.addf %mul3A_1647, %mul3A_1655 : vector<16xf32>
      %add3A_1657 = arith.constant 32 : i32
      %add3A_1658 = arith.addi %squeeze3A_1641, %add3A_1657 : i32
      %get3A_1659 = arith.index_cast %add3A_1658 : i32 to index
      %get3A_1660 = tpu.vector_load %arg9[%get3A_1659] {strides = array<i32>} : memref<64000xf32, #tpu.memory_space<vmem>>, vector<16xf32>,
      %get3A_1661 = arith.index_cast %add3A_1639 : i32 to index
      %get3A_1662 = arith.constant 32 : index
      %get3A_1663 = tpu.vector_load %arg10[%get3A_1661, %get3A_1662] {strides = array<i32>} : memref<512x64xf32, #tpu.memory_space<vmem>>, vector<16xf32>,
      %mul3A_1664 = arith.mulf %get3A_1660, %get3A_1663 : vector<16xf32>
      %add3A_1665 = arith.addf %add3A_1656, %mul3A_1664 : vector<16xf32>
      %add3A_1666 = arith.constant 48 : i32
      %add3A_1667 = arith.addi %squeeze3A_1641, %add3A_1666 : i32
      %get3A_1668 = arith.index_cast %add3A_1667 : i32 to index
      %get3A_1669 = tpu.vector_load %arg9[%get3A_1668] {strides = array<i32>} : memref<64000xf32, #tpu.memory_space<vmem>>, vector<16xf32>,
      %get3A_1670 = arith.index_cast %add3A_1639 : i32 to index
      %get3A_1671 = arith.constant 48 : index
      %get3A_1672 = tpu.vector_load %arg10[%get3A_1670, %get3A_1671] {strides = array<i32>} : memref<512x64xf32, #tpu.memory_space<vmem>>, vector<16xf32>,
      %mul3A_1673 = arith.mulf %get3A_1669, %get3A_1672 : vector<16xf32>
      %add3A_1674 = arith.addf %add3A_1665, %mul3A_1673 : vector<16xf32>
      %broadcast_in_dim3A_1675 = arith.constant true
      %broadcast_in_dim3A_1676 = vector.broadcast %broadcast_in_dim3A_1675 : i1 to vector<16xi1>
      %masked_cumsum3A_1677 = tpu.scan <sum>, %add3A_1674 masked %broadcast_in_dim3A_1676 : vector<16xf32>, vector<16xi1> -> vector<16xf32>
      %broadcast_in_dim3A_1678 = arith.constant 0 : i32
      %broadcast_in_dim3A_1679 = vector.broadcast %broadcast_in_dim3A_1678 : i32 to vector<16xi32>
      %add3A_1680 = vector.broadcast %add3A_1639 : i32 to vector<16xi32>
      %add3A_1681 = arith.addi %broadcast_in_dim3A_1679, %add3A_1680 : vector<16xi32>
      tpu.vector_store_idx %arg11[%add3A_1681], %masked_cumsum3A_1677 masked %eq3A_17 : memref<512xf32, #tpu.memory_space<vmem>>[vector<16xi32>], vector<16xf32>, vector<16xi1>
      %mul3A_1682 = arith.constant 16 : i32
      %mul3A_1683 = arith.muli %scan3A_991, %mul3A_1682 : i32
      %add3A_1684 = arith.constant 15 : i32
      %add3A_1685 = arith.addi %mul3A_1683, %add3A_1684 : i32
      %slice3A_1686 = vector.extract_strided_slice %get3A_995 {offsets = [15], sizes = [1], strides = [1]} : vector<16xi32> to vector<1xi32>
      %squeeze3A_1687 = vector.extract %slice3A_1686[0] : i32 from vector<1xi32>
      %get3A_1688 = arith.index_cast %squeeze3A_1687 : i32 to index
      %get3A_1689 = tpu.vector_load %arg9[%get3A_1688] {strides = array<i32>} : memref<64000xf32, #tpu.memory_space<vmem>>, vector<16xf32>,
      %get3A_1690 = arith.index_cast %add3A_1685 : i32 to index
      %get3A_1691 = arith.constant 0 : index
      %get3A_1692 = tpu.vector_load %arg10[%get3A_1690, %get3A_1691] {strides = array<i32>} : memref<512x64xf32, #tpu.memory_space<vmem>>, vector<16xf32>,
      %mul3A_1693 = arith.mulf %get3A_1689, %get3A_1692 : vector<16xf32>
      %add3A_1694 = arith.constant 16 : i32
      %add3A_1695 = arith.addi %squeeze3A_1687, %add3A_1694 : i32
      %get3A_1696 = arith.index_cast %add3A_1695 : i32 to index
      %get3A_1697 = tpu.vector_load %arg9[%get3A_1696] {strides = array<i32>} : memref<64000xf32, #tpu.memory_space<vmem>>, vector<16xf32>,
      %get3A_1698 = arith.index_cast %add3A_1685 : i32 to index
      %get3A_1699 = arith.constant 16 : index
      %get3A_1700 = tpu.vector_load %arg10[%get3A_1698, %get3A_1699] {strides = array<i32>} : memref<512x64xf32, #tpu.memory_space<vmem>>, vector<16xf32>,
      %mul3A_1701 = arith.mulf %get3A_1697, %get3A_1700 : vector<16xf32>
      %add3A_1702 = arith.addf %mul3A_1693, %mul3A_1701 : vector<16xf32>
      %add3A_1703 = arith.constant 32 : i32
      %add3A_1704 = arith.addi %squeeze3A_1687, %add3A_1703 : i32
      %get3A_1705 = arith.index_cast %add3A_1704 : i32 to index
      %get3A_1706 = tpu.vector_load %arg9[%get3A_1705] {strides = array<i32>} : memref<64000xf32, #tpu.memory_space<vmem>>, vector<16xf32>,
      %get3A_1707 = arith.index_cast %add3A_1685 : i32 to index
      %get3A_1708 = arith.constant 32 : index
      %get3A_1709 = tpu.vector_load %arg10[%get3A_1707, %get3A_1708] {strides = array<i32>} : memref<512x64xf32, #tpu.memory_space<vmem>>, vector<16xf32>,
      %mul3A_1710 = arith.mulf %get3A_1706, %get3A_1709 : vector<16xf32>
      %add3A_1711 = arith.addf %add3A_1702, %mul3A_1710 : vector<16xf32>
      %add3A_1712 = arith.constant 48 : i32
      %add3A_1713 = arith.addi %squeeze3A_1687, %add3A_1712 : i32
      %get3A_1714 = arith.index_cast %add3A_1713 : i32 to index
      %get3A_1715 = tpu.vector_load %arg9[%get3A_1714] {strides = array<i32>} : memref<64000xf32, #tpu.memory_space<vmem>>, vector<16xf32>,
      %get3A_1716 = arith.index_cast %add3A_1685 : i32 to index
      %get3A_1717 = arith.constant 48 : index
      %get3A_1718 = tpu.vector_load %arg10[%get3A_1716, %get3A_1717] {strides = array<i32>} : memref<512x64xf32, #tpu.memory_space<vmem>>, vector<16xf32>,
      %mul3A_1719 = arith.mulf %get3A_1715, %get3A_1718 : vector<16xf32>
      %add3A_1720 = arith.addf %add3A_1711, %mul3A_1719 : vector<16xf32>
      %broadcast_in_dim3A_1721 = arith.constant true
      %broadcast_in_dim3A_1722 = vector.broadcast %broadcast_in_dim3A_1721 : i1 to vector<16xi1>
      %masked_cumsum3A_1723 = tpu.scan <sum>, %add3A_1720 masked %broadcast_in_dim3A_1722 : vector<16xf32>, vector<16xi1> -> vector<16xf32>
      %broadcast_in_dim3A_1724 = arith.constant 0 : i32
      %broadcast_in_dim3A_1725 = vector.broadcast %broadcast_in_dim3A_1724 : i32 to vector<16xi32>
      %add3A_1726 = vector.broadcast %add3A_1685 : i32 to vector<16xi32>
      %add3A_1727 = arith.addi %broadcast_in_dim3A_1725, %add3A_1726 : vector<16xi32>
      tpu.vector_store_idx %arg11[%add3A_1727], %masked_cumsum3A_1723 masked %eq3A_17 : memref<512xf32, #tpu.memory_space<vmem>>[vector<16xi32>], vector<16xf32>, vector<16xi1>
      %scan3A_1728 = arith.constant 0 : i32
      scf.yield %scan3A_1728 : i32
    }
    %scan3A_503 = arith.constant 16 : i32
    %dma_wait3A_504 = arith.constant 0 : i32
    %dma_wait3A_505 = arith.constant 256 : i32
    %dma_wait3A_506 = arith.constant 0 : i32
    %dma_wait3A_507 = tpu.memref_slice %arg10[%dma_wait3A_505, %dma_wait3A_506] : memref<512x64xf32, #tpu.memory_space<vmem>> -> memref<8x64xf32, #tpu.memory_space<vmem>>
    %dma_wait3A_508 = arith.constant 0 : i32
    %dma_wait3A_509 = arith.constant 0 : i32
    %dma_wait3A_510 = tpu.memref_slice %arg5[%dma_wait3A_504, %dma_wait3A_508, %dma_wait3A_509] : memref<125000x8x64xf32, #tpu.memory_space<hbm>> -> memref<1x8x64xf32, #tpu.memory_space<hbm>>
    %dma_wait3A_511 = tpu.memref_squeeze %dma_wait3A_510 : memref<1x8x64xf32, #tpu.memory_space<hbm>> -> memref<8x64xf32, #tpu.memory_space<hbm>>
    %dma_wait3A_512 = arith.constant 256 : i32
    %dma_wait3A_513 = arith.constant 0 : i32
    %dma_wait3A_514 = tpu.memref_slice %arg10[%dma_wait3A_512, %dma_wait3A_513] : memref<512x64xf32, #tpu.memory_space<vmem>> -> memref<8x64xf32, #tpu.memory_space<vmem>>
    %dma_wait3A_515 = arith.constant 0 : i32
    %dma_wait3A_516 = arith.constant 0 : i32
    %dma_wait3A_517 = tpu.memref_slice %arg5[%dma_wait3A_504, %dma_wait3A_515, %dma_wait3A_516] : memref<125000x8x64xf32, #tpu.memory_space<hbm>> -> memref<1x8x64xf32, #tpu.memory_space<hbm>>
    %dma_wait3A_518 = tpu.memref_squeeze %dma_wait3A_517 : memref<1x8x64xf32, #tpu.memory_space<hbm>> -> memref<8x64xf32, #tpu.memory_space<hbm>>
    tpu.wait_dma2 semaphore(%arg13 : memref<!tpu.dma_semaphore, #tpu.memory_space<semaphore_mem>>) src(%dma_wait3A_518 : memref<8x64xf32, #tpu.memory_space<hbm>>) dst(%dma_wait3A_514 : memref<8x64xf32, #tpu.memory_space<vmem>>)
    %dma_wait3A_519 = arith.constant 0 : i32
    %dma_wait3A_520 = arith.constant 264 : i32
    %dma_wait3A_521 = arith.constant 0 : i32
    %dma_wait3A_522 = tpu.memref_slice %arg10[%dma_wait3A_520, %dma_wait3A_521] : memref<512x64xf32, #tpu.memory_space<vmem>> -> memref<8x64xf32, #tpu.memory_space<vmem>>
    %dma_wait3A_523 = arith.constant 0 : i32
    %dma_wait3A_524 = arith.constant 0 : i32
    %dma_wait3A_525 = tpu.memref_slice %arg5[%dma_wait3A_519, %dma_wait3A_523, %dma_wait3A_524] : memref<125000x8x64xf32, #tpu.memory_space<hbm>> -> memref<1x8x64xf32, #tpu.memory_space<hbm>>
    %dma_wait3A_526 = tpu.memref_squeeze %dma_wait3A_525 : memref<1x8x64xf32, #tpu.memory_space<hbm>> -> memref<8x64xf32, #tpu.memory_space<hbm>>
    %dma_wait3A_527 = arith.constant 264 : i32
    %dma_wait3A_528 = arith.constant 0 : i32
    %dma_wait3A_529 = tpu.memref_slice %arg10[%dma_wait3A_527, %dma_wait3A_528] : memref<512x64xf32, #tpu.memory_space<vmem>> -> memref<8x64xf32, #tpu.memory_space<vmem>>
    %dma_wait3A_530 = arith.constant 0 : i32
    %dma_wait3A_531 = arith.constant 0 : i32
    %dma_wait3A_532 = tpu.memref_slice %arg5[%dma_wait3A_519, %dma_wait3A_530, %dma_wait3A_531] : memref<125000x8x64xf32, #tpu.memory_space<hbm>> -> memref<1x8x64xf32, #tpu.memory_space<hbm>>
    %dma_wait3A_533 = tpu.memref_squeeze %dma_wait3A_532 : memref<1x8x64xf32, #tpu.memory_space<hbm>> -> memref<8x64xf32, #tpu.memory_space<hbm>>
    tpu.wait_dma2 semaphore(%arg13 : memref<!tpu.dma_semaphore, #tpu.memory_space<semaphore_mem>>) src(%dma_wait3A_533 : memref<8x64xf32, #tpu.memory_space<hbm>>) dst(%dma_wait3A_529 : memref<8x64xf32, #tpu.memory_space<vmem>>)
    %dma_wait3A_534 = arith.constant 0 : i32
    %dma_wait3A_535 = arith.constant 272 : i32
    %dma_wait3A_536 = arith.constant 0 : i32
    %dma_wait3A_537 = tpu.memref_slice %arg10[%dma_wait3A_535, %dma_wait3A_536] : memref<512x64xf32, #tpu.memory_space<vmem>> -> memref<8x64xf32, #tpu.memory_space<vmem>>
    %dma_wait3A_538 = arith.constant 0 : i32
    %dma_wait3A_539 = arith.constant 0 : i32
    %dma_wait3A_540 = tpu.memref_slice %arg5[%dma_wait3A_534, %dma_wait3A_538, %dma_wait3A_539] : memref<125000x8x64xf32, #tpu.memory_space<hbm>> -> memref<1x8x64xf32, #tpu.memory_space<hbm>>
    %dma_wait3A_541 = tpu.memref_squeeze %dma_wait3A_540 : memref<1x8x64xf32, #tpu.memory_space<hbm>> -> memref<8x64xf32, #tpu.memory_space<hbm>>
    %dma_wait3A_542 = arith.constant 272 : i32
    %dma_wait3A_543 = arith.constant 0 : i32
    %dma_wait3A_544 = tpu.memref_slice %arg10[%dma_wait3A_542, %dma_wait3A_543] : memref<512x64xf32, #tpu.memory_space<vmem>> -> memref<8x64xf32, #tpu.memory_space<vmem>>
    %dma_wait3A_545 = arith.constant 0 : i32
    %dma_wait3A_546 = arith.constant 0 : i32
    %dma_wait3A_547 = tpu.memref_slice %arg5[%dma_wait3A_534, %dma_wait3A_545, %dma_wait3A_546] : memref<125000x8x64xf32, #tpu.memory_space<hbm>> -> memref<1x8x64xf32, #tpu.memory_space<hbm>>
    %dma_wait3A_548 = tpu.memref_squeeze %dma_wait3A_547 : memref<1x8x64xf32, #tpu.memory_space<hbm>> -> memref<8x64xf32, #tpu.memory_space<hbm>>
    tpu.wait_dma2 semaphore(%arg13 : memref<!tpu.dma_semaphore, #tpu.memory_space<semaphore_mem>>) src(%dma_wait3A_548 : memref<8x64xf32, #tpu.memory_space<hbm>>) dst(%dma_wait3A_544 : memref<8x64xf32, #tpu.memory_space<vmem>>)
    %dma_wait3A_549 = arith.constant 0 : i32
    %dma_wait3A_550 = arith.constant 280 : i32
    %dma_wait3A_551 = arith.constant 0 : i32
    %dma_wait3A_552 = tpu.memref_slice %arg10[%dma_wait3A_550, %dma_wait3A_551] : memref<512x64xf32, #tpu.memory_space<vmem>> -> memref<8x64xf32, #tpu.memory_space<vmem>>
    %dma_wait3A_553 = arith.constant 0 : i32
    %dma_wait3A_554 = arith.constant 0 : i32
    %dma_wait3A_555 = tpu.memref_slice %arg5[%dma_wait3A_549, %dma_wait3A_553, %dma_wait3A_554] : memref<125000x8x64xf32, #tpu.memory_space<hbm>> -> memref<1x8x64xf32, #tpu.memory_space<hbm>>
    %dma_wait3A_556 = tpu.memref_squeeze %dma_wait3A_555 : memref<1x8x64xf32, #tpu.memory_space<hbm>> -> memref<8x64xf32, #tpu.memory_space<hbm>>
    %dma_wait3A_557 = arith.constant 280 : i32
    %dma_wait3A_558 = arith.constant 0 : i32
    %dma_wait3A_559 = tpu.memref_slice %arg10[%dma_wait3A_557, %dma_wait3A_558] : memref<512x64xf32, #tpu.memory_space<vmem>> -> memref<8x64xf32, #tpu.memory_space<vmem>>
    %dma_wait3A_560 = arith.constant 0 : i32
    %dma_wait3A_561 = arith.constant 0 : i32
    %dma_wait3A_562 = tpu.memref_slice %arg5[%dma_wait3A_549, %dma_wait3A_560, %dma_wait3A_561] : memref<125000x8x64xf32, #tpu.memory_space<hbm>> -> memref<1x8x64xf32, #tpu.memory_space<hbm>>
    %dma_wait3A_563 = tpu.memref_squeeze %dma_wait3A_562 : memref<1x8x64xf32, #tpu.memory_space<hbm>> -> memref<8x64xf32, #tpu.memory_space<hbm>>
    tpu.wait_dma2 semaphore(%arg13 : memref<!tpu.dma_semaphore, #tpu.memory_space<semaphore_mem>>) src(%dma_wait3A_563 : memref<8x64xf32, #tpu.memory_space<hbm>>) dst(%dma_wait3A_559 : memref<8x64xf32, #tpu.memory_space<vmem>>)
    %dma_wait3A_564 = arith.constant 0 : i32
    %dma_wait3A_565 = arith.constant 288 : i32
    %dma_wait3A_566 = arith.constant 0 : i32
    %dma_wait3A_567 = tpu.memref_slice %arg10[%dma_wait3A_565, %dma_wait3A_566] : memref<512x64xf32, #tpu.memory_space<vmem>> -> memref<8x64xf32, #tpu.memory_space<vmem>>
    %dma_wait3A_568 = arith.constant 0 : i32
    %dma_wait3A_569 = arith.constant 0 : i32
    %dma_wait3A_570 = tpu.memref_slice %arg5[%dma_wait3A_564, %dma_wait3A_568, %dma_wait3A_569] : memref<125000x8x64xf32, #tpu.memory_space<hbm>> -> memref<1x8x64xf32, #tpu.memory_space<hbm>>
    %dma_wait3A_571 = tpu.memref_squeeze %dma_wait3A_570 : memref<1x8x64xf32, #tpu.memory_space<hbm>> -> memref<8x64xf32, #tpu.memory_space<hbm>>
    %dma_wait3A_572 = arith.constant 288 : i32
    %dma_wait3A_573 = arith.constant 0 : i32
    %dma_wait3A_574 = tpu.memref_slice %arg10[%dma_wait3A_572, %dma_wait3A_573] : memref<512x64xf32, #tpu.memory_space<vmem>> -> memref<8x64xf32, #tpu.memory_space<vmem>>
    %dma_wait3A_575 = arith.constant 0 : i32
    %dma_wait3A_576 = arith.constant 0 : i32
    %dma_wait3A_577 = tpu.memref_slice %arg5[%dma_wait3A_564, %dma_wait3A_575, %dma_wait3A_576] : memref<125000x8x64xf32, #tpu.memory_space<hbm>> -> memref<1x8x64xf32, #tpu.memory_space<hbm>>
    %dma_wait3A_578 = tpu.memref_squeeze %dma_wait3A_577 : memref<1x8x64xf32, #tpu.memory_space<hbm>> -> memref<8x64xf32, #tpu.memory_space<hbm>>
    tpu.wait_dma2 semaphore(%arg13 : memref<!tpu.dma_semaphore, #tpu.memory_space<semaphore_mem>>) src(%dma_wait3A_578 : memref<8x64xf32, #tpu.memory_space<hbm>>) dst(%dma_wait3A_574 : memref<8x64xf32, #tpu.memory_space<vmem>>)
    %dma_wait3A_579 = arith.constant 0 : i32
    %dma_wait3A_580 = arith.constant 296 : i32
    %dma_wait3A_581 = arith.constant 0 : i32
    %dma_wait3A_582 = tpu.memref_slice %arg10[%dma_wait3A_580, %dma_wait3A_581] : memref<512x64xf32, #tpu.memory_space<vmem>> -> memref<8x64xf32, #tpu.memory_space<vmem>>
    %dma_wait3A_583 = arith.constant 0 : i32
    %dma_wait3A_584 = arith.constant 0 : i32
    %dma_wait3A_585 = tpu.memref_slice %arg5[%dma_wait3A_579, %dma_wait3A_583, %dma_wait3A_584] : memref<125000x8x64xf32, #tpu.memory_space<hbm>> -> memref<1x8x64xf32, #tpu.memory_space<hbm>>
    %dma_wait3A_586 = tpu.memref_squeeze %dma_wait3A_585 : memref<1x8x64xf32, #tpu.memory_space<hbm>> -> memref<8x64xf32, #tpu.memory_space<hbm>>
    %dma_wait3A_587 = arith.constant 296 : i32
    %dma_wait3A_588 = arith.constant 0 : i32
    %dma_wait3A_589 = tpu.memref_slice %arg10[%dma_wait3A_587, %dma_wait3A_588] : memref<512x64xf32, #tpu.memory_space<vmem>> -> memref<8x64xf32, #tpu.memory_space<vmem>>
    %dma_wait3A_590 = arith.constant 0 : i32
    %dma_wait3A_591 = arith.constant 0 : i32
    %dma_wait3A_592 = tpu.memref_slice %arg5[%dma_wait3A_579, %dma_wait3A_590, %dma_wait3A_591] : memref<125000x8x64xf32, #tpu.memory_space<hbm>> -> memref<1x8x64xf32, #tpu.memory_space<hbm>>
    %dma_wait3A_593 = tpu.memref_squeeze %dma_wait3A_592 : memref<1x8x64xf32, #tpu.memory_space<hbm>> -> memref<8x64xf32, #tpu.memory_space<hbm>>
    tpu.wait_dma2 semaphore(%arg13 : memref<!tpu.dma_semaphore, #tpu.memory_space<semaphore_mem>>) src(%dma_wait3A_593 : memref<8x64xf32, #tpu.memory_space<hbm>>) dst(%dma_wait3A_589 : memref<8x64xf32, #tpu.memory_space<vmem>>)
    %dma_wait3A_594 = arith.constant 0 : i32
    %dma_wait3A_595 = arith.constant 304 : i32
    %dma_wait3A_596 = arith.constant 0 : i32
    %dma_wait3A_597 = tpu.memref_slice %arg10[%dma_wait3A_595, %dma_wait3A_596] : memref<512x64xf32, #tpu.memory_space<vmem>> -> memref<8x64xf32, #tpu.memory_space<vmem>>
    %dma_wait3A_598 = arith.constant 0 : i32
    %dma_wait3A_599 = arith.constant 0 : i32
    %dma_wait3A_600 = tpu.memref_slice %arg5[%dma_wait3A_594, %dma_wait3A_598, %dma_wait3A_599] : memref<125000x8x64xf32, #tpu.memory_space<hbm>> -> memref<1x8x64xf32, #tpu.memory_space<hbm>>
    %dma_wait3A_601 = tpu.memref_squeeze %dma_wait3A_600 : memref<1x8x64xf32, #tpu.memory_space<hbm>> -> memref<8x64xf32, #tpu.memory_space<hbm>>
    %dma_wait3A_602 = arith.constant 304 : i32
    %dma_wait3A_603 = arith.constant 0 : i32
    %dma_wait3A_604 = tpu.memref_slice %arg10[%dma_wait3A_602, %dma_wait3A_603] : memref<512x64xf32, #tpu.memory_space<vmem>> -> memref<8x64xf32, #tpu.memory_space<vmem>>
    %dma_wait3A_605 = arith.constant 0 : i32
    %dma_wait3A_606 = arith.constant 0 : i32
    %dma_wait3A_607 = tpu.memref_slice %arg5[%dma_wait3A_594, %dma_wait3A_605, %dma_wait3A_606] : memref<125000x8x64xf32, #tpu.memory_space<hbm>> -> memref<1x8x64xf32, #tpu.memory_space<hbm>>
    %dma_wait3A_608 = tpu.memref_squeeze %dma_wait3A_607 : memref<1x8x64xf32, #tpu.memory_space<hbm>> -> memref<8x64xf32, #tpu.memory_space<hbm>>
    tpu.wait_dma2 semaphore(%arg13 : memref<!tpu.dma_semaphore, #tpu.memory_space<semaphore_mem>>) src(%dma_wait3A_608 : memref<8x64xf32, #tpu.memory_space<hbm>>) dst(%dma_wait3A_604 : memref<8x64xf32, #tpu.memory_space<vmem>>)
    %dma_wait3A_609 = arith.constant 0 : i32
    %dma_wait3A_610 = arith.constant 312 : i32
    %dma_wait3A_611 = arith.constant 0 : i32
    %dma_wait3A_612 = tpu.memref_slice %arg10[%dma_wait3A_610, %dma_wait3A_611] : memref<512x64xf32, #tpu.memory_space<vmem>> -> memref<8x64xf32, #tpu.memory_space<vmem>>
    %dma_wait3A_613 = arith.constant 0 : i32
    %dma_wait3A_614 = arith.constant 0 : i32
    %dma_wait3A_615 = tpu.memref_slice %arg5[%dma_wait3A_609, %dma_wait3A_613, %dma_wait3A_614] : memref<125000x8x64xf32, #tpu.memory_space<hbm>> -> memref<1x8x64xf32, #tpu.memory_space<hbm>>
    %dma_wait3A_616 = tpu.memref_squeeze %dma_wait3A_615 : memref<1x8x64xf32, #tpu.memory_space<hbm>> -> memref<8x64xf32, #tpu.memory_space<hbm>>
    %dma_wait3A_617 = arith.constant 312 : i32
    %dma_wait3A_618 = arith.constant 0 : i32
    %dma_wait3A_619 = tpu.memref_slice %arg10[%dma_wait3A_617, %dma_wait3A_618] : memref<512x64xf32, #tpu.memory_space<vmem>> -> memref<8x64xf32, #tpu.memory_space<vmem>>
    %dma_wait3A_620 = arith.constant 0 : i32
    %dma_wait3A_621 = arith.constant 0 : i32
    %dma_wait3A_622 = tpu.memref_slice %arg5[%dma_wait3A_609, %dma_wait3A_620, %dma_wait3A_621] : memref<125000x8x64xf32, #tpu.memory_space<hbm>> -> memref<1x8x64xf32, #tpu.memory_space<hbm>>
    %dma_wait3A_623 = tpu.memref_squeeze %dma_wait3A_622 : memref<1x8x64xf32, #tpu.memory_space<hbm>> -> memref<8x64xf32, #tpu.memory_space<hbm>>
    tpu.wait_dma2 semaphore(%arg13 : memref<!tpu.dma_semaphore, #tpu.memory_space<semaphore_mem>>) src(%dma_wait3A_623 : memref<8x64xf32, #tpu.memory_space<hbm>>) dst(%dma_wait3A_619 : memref<8x64xf32, #tpu.memory_space<vmem>>)
    %dma_wait3A_624 = arith.constant 0 : i32
    %dma_wait3A_625 = arith.constant 320 : i32
    %dma_wait3A_626 = arith.constant 0 : i32
    %dma_wait3A_627 = tpu.memref_slice %arg10[%dma_wait3A_625, %dma_wait3A_626] : memref<512x64xf32, #tpu.memory_space<vmem>> -> memref<8x64xf32, #tpu.memory_space<vmem>>
    %dma_wait3A_628 = arith.constant 0 : i32
    %dma_wait3A_629 = arith.constant 0 : i32
    %dma_wait3A_630 = tpu.memref_slice %arg5[%dma_wait3A_624, %dma_wait3A_628, %dma_wait3A_629] : memref<125000x8x64xf32, #tpu.memory_space<hbm>> -> memref<1x8x64xf32, #tpu.memory_space<hbm>>
    %dma_wait3A_631 = tpu.memref_squeeze %dma_wait3A_630 : memref<1x8x64xf32, #tpu.memory_space<hbm>> -> memref<8x64xf32, #tpu.memory_space<hbm>>
    %dma_wait3A_632 = arith.constant 320 : i32
    %dma_wait3A_633 = arith.constant 0 : i32
    %dma_wait3A_634 = tpu.memref_slice %arg10[%dma_wait3A_632, %dma_wait3A_633] : memref<512x64xf32, #tpu.memory_space<vmem>> -> memref<8x64xf32, #tpu.memory_space<vmem>>
    %dma_wait3A_635 = arith.constant 0 : i32
    %dma_wait3A_636 = arith.constant 0 : i32
    %dma_wait3A_637 = tpu.memref_slice %arg5[%dma_wait3A_624, %dma_wait3A_635, %dma_wait3A_636] : memref<125000x8x64xf32, #tpu.memory_space<hbm>> -> memref<1x8x64xf32, #tpu.memory_space<hbm>>
    %dma_wait3A_638 = tpu.memref_squeeze %dma_wait3A_637 : memref<1x8x64xf32, #tpu.memory_space<hbm>> -> memref<8x64xf32, #tpu.memory_space<hbm>>
    tpu.wait_dma2 semaphore(%arg13 : memref<!tpu.dma_semaphore, #tpu.memory_space<semaphore_mem>>) src(%dma_wait3A_638 : memref<8x64xf32, #tpu.memory_space<hbm>>) dst(%dma_wait3A_634 : memref<8x64xf32, #tpu.memory_space<vmem>>)
    %dma_wait3A_639 = arith.constant 0 : i32
    %dma_wait3A_640 = arith.constant 328 : i32
    %dma_wait3A_641 = arith.constant 0 : i32
    %dma_wait3A_642 = tpu.memref_slice %arg10[%dma_wait3A_640, %dma_wait3A_641] : memref<512x64xf32, #tpu.memory_space<vmem>> -> memref<8x64xf32, #tpu.memory_space<vmem>>
    %dma_wait3A_643 = arith.constant 0 : i32
    %dma_wait3A_644 = arith.constant 0 : i32
    %dma_wait3A_645 = tpu.memref_slice %arg5[%dma_wait3A_639, %dma_wait3A_643, %dma_wait3A_644] : memref<125000x8x64xf32, #tpu.memory_space<hbm>> -> memref<1x8x64xf32, #tpu.memory_space<hbm>>
    %dma_wait3A_646 = tpu.memref_squeeze %dma_wait3A_645 : memref<1x8x64xf32, #tpu.memory_space<hbm>> -> memref<8x64xf32, #tpu.memory_space<hbm>>
    %dma_wait3A_647 = arith.constant 328 : i32
    %dma_wait3A_648 = arith.constant 0 : i32
    %dma_wait3A_649 = tpu.memref_slice %arg10[%dma_wait3A_647, %dma_wait3A_648] : memref<512x64xf32, #tpu.memory_space<vmem>> -> memref<8x64xf32, #tpu.memory_space<vmem>>
    %dma_wait3A_650 = arith.constant 0 : i32
    %dma_wait3A_651 = arith.constant 0 : i32
    %dma_wait3A_652 = tpu.memref_slice %arg5[%dma_wait3A_639, %dma_wait3A_650, %dma_wait3A_651] : memref<125000x8x64xf32, #tpu.memory_space<hbm>> -> memref<1x8x64xf32, #tpu.memory_space<hbm>>
    %dma_wait3A_653 = tpu.memref_squeeze %dma_wait3A_652 : memref<1x8x64xf32, #tpu.memory_space<hbm>> -> memref<8x64xf32, #tpu.memory_space<hbm>>
    tpu.wait_dma2 semaphore(%arg13 : memref<!tpu.dma_semaphore, #tpu.memory_space<semaphore_mem>>) src(%dma_wait3A_653 : memref<8x64xf32, #tpu.memory_space<hbm>>) dst(%dma_wait3A_649 : memref<8x64xf32, #tpu.memory_space<vmem>>)
    %dma_wait3A_654 = arith.constant 0 : i32
    %dma_wait3A_655 = arith.constant 336 : i32
    %dma_wait3A_656 = arith.constant 0 : i32
    %dma_wait3A_657 = tpu.memref_slice %arg10[%dma_wait3A_655, %dma_wait3A_656] : memref<512x64xf32, #tpu.memory_space<vmem>> -> memref<8x64xf32, #tpu.memory_space<vmem>>
    %dma_wait3A_658 = arith.constant 0 : i32
    %dma_wait3A_659 = arith.constant 0 : i32
    %dma_wait3A_660 = tpu.memref_slice %arg5[%dma_wait3A_654, %dma_wait3A_658, %dma_wait3A_659] : memref<125000x8x64xf32, #tpu.memory_space<hbm>> -> memref<1x8x64xf32, #tpu.memory_space<hbm>>
    %dma_wait3A_661 = tpu.memref_squeeze %dma_wait3A_660 : memref<1x8x64xf32, #tpu.memory_space<hbm>> -> memref<8x64xf32, #tpu.memory_space<hbm>>
    %dma_wait3A_662 = arith.constant 336 : i32
    %dma_wait3A_663 = arith.constant 0 : i32
    %dma_wait3A_664 = tpu.memref_slice %arg10[%dma_wait3A_662, %dma_wait3A_663] : memref<512x64xf32, #tpu.memory_space<vmem>> -> memref<8x64xf32, #tpu.memory_space<vmem>>
    %dma_wait3A_665 = arith.constant 0 : i32
    %dma_wait3A_666 = arith.constant 0 : i32
    %dma_wait3A_667 = tpu.memref_slice %arg5[%dma_wait3A_654, %dma_wait3A_665, %dma_wait3A_666] : memref<125000x8x64xf32, #tpu.memory_space<hbm>> -> memref<1x8x64xf32, #tpu.memory_space<hbm>>
    %dma_wait3A_668 = tpu.memref_squeeze %dma_wait3A_667 : memref<1x8x64xf32, #tpu.memory_space<hbm>> -> memref<8x64xf32, #tpu.memory_space<hbm>>
    tpu.wait_dma2 semaphore(%arg13 : memref<!tpu.dma_semaphore, #tpu.memory_space<semaphore_mem>>) src(%dma_wait3A_668 : memref<8x64xf32, #tpu.memory_space<hbm>>) dst(%dma_wait3A_664 : memref<8x64xf32, #tpu.memory_space<vmem>>)
    %dma_wait3A_669 = arith.constant 0 : i32
    %dma_wait3A_670 = arith.constant 344 : i32
    %dma_wait3A_671 = arith.constant 0 : i32
    %dma_wait3A_672 = tpu.memref_slice %arg10[%dma_wait3A_670, %dma_wait3A_671] : memref<512x64xf32, #tpu.memory_space<vmem>> -> memref<8x64xf32, #tpu.memory_space<vmem>>
    %dma_wait3A_673 = arith.constant 0 : i32
    %dma_wait3A_674 = arith.constant 0 : i32
    %dma_wait3A_675 = tpu.memref_slice %arg5[%dma_wait3A_669, %dma_wait3A_673, %dma_wait3A_674] : memref<125000x8x64xf32, #tpu.memory_space<hbm>> -> memref<1x8x64xf32, #tpu.memory_space<hbm>>
    %dma_wait3A_676 = tpu.memref_squeeze %dma_wait3A_675 : memref<1x8x64xf32, #tpu.memory_space<hbm>> -> memref<8x64xf32, #tpu.memory_space<hbm>>
    %dma_wait3A_677 = arith.constant 344 : i32
    %dma_wait3A_678 = arith.constant 0 : i32
    %dma_wait3A_679 = tpu.memref_slice %arg10[%dma_wait3A_677, %dma_wait3A_678] : memref<512x64xf32, #tpu.memory_space<vmem>> -> memref<8x64xf32, #tpu.memory_space<vmem>>
    %dma_wait3A_680 = arith.constant 0 : i32
    %dma_wait3A_681 = arith.constant 0 : i32
    %dma_wait3A_682 = tpu.memref_slice %arg5[%dma_wait3A_669, %dma_wait3A_680, %dma_wait3A_681] : memref<125000x8x64xf32, #tpu.memory_space<hbm>> -> memref<1x8x64xf32, #tpu.memory_space<hbm>>
    %dma_wait3A_683 = tpu.memref_squeeze %dma_wait3A_682 : memref<1x8x64xf32, #tpu.memory_space<hbm>> -> memref<8x64xf32, #tpu.memory_space<hbm>>
    tpu.wait_dma2 semaphore(%arg13 : memref<!tpu.dma_semaphore, #tpu.memory_space<semaphore_mem>>) src(%dma_wait3A_683 : memref<8x64xf32, #tpu.memory_space<hbm>>) dst(%dma_wait3A_679 : memref<8x64xf32, #tpu.memory_space<vmem>>)
    %dma_wait3A_684 = arith.constant 0 : i32
    %dma_wait3A_685 = arith.constant 352 : i32
    %dma_wait3A_686 = arith.constant 0 : i32
    %dma_wait3A_687 = tpu.memref_slice %arg10[%dma_wait3A_685, %dma_wait3A_686] : memref<512x64xf32, #tpu.memory_space<vmem>> -> memref<8x64xf32, #tpu.memory_space<vmem>>
    %dma_wait3A_688 = arith.constant 0 : i32
    %dma_wait3A_689 = arith.constant 0 : i32
    %dma_wait3A_690 = tpu.memref_slice %arg5[%dma_wait3A_684, %dma_wait3A_688, %dma_wait3A_689] : memref<125000x8x64xf32, #tpu.memory_space<hbm>> -> memref<1x8x64xf32, #tpu.memory_space<hbm>>
    %dma_wait3A_691 = tpu.memref_squeeze %dma_wait3A_690 : memref<1x8x64xf32, #tpu.memory_space<hbm>> -> memref<8x64xf32, #tpu.memory_space<hbm>>
    %dma_wait3A_692 = arith.constant 352 : i32
    %dma_wait3A_693 = arith.constant 0 : i32
    %dma_wait3A_694 = tpu.memref_slice %arg10[%dma_wait3A_692, %dma_wait3A_693] : memref<512x64xf32, #tpu.memory_space<vmem>> -> memref<8x64xf32, #tpu.memory_space<vmem>>
    %dma_wait3A_695 = arith.constant 0 : i32
    %dma_wait3A_696 = arith.constant 0 : i32
    %dma_wait3A_697 = tpu.memref_slice %arg5[%dma_wait3A_684, %dma_wait3A_695, %dma_wait3A_696] : memref<125000x8x64xf32, #tpu.memory_space<hbm>> -> memref<1x8x64xf32, #tpu.memory_space<hbm>>
    %dma_wait3A_698 = tpu.memref_squeeze %dma_wait3A_697 : memref<1x8x64xf32, #tpu.memory_space<hbm>> -> memref<8x64xf32, #tpu.memory_space<hbm>>
    tpu.wait_dma2 semaphore(%arg13 : memref<!tpu.dma_semaphore, #tpu.memory_space<semaphore_mem>>) src(%dma_wait3A_698 : memref<8x64xf32, #tpu.memory_space<hbm>>) dst(%dma_wait3A_694 : memref<8x64xf32, #tpu.memory_space<vmem>>)
    %dma_wait3A_699 = arith.constant 0 : i32
    %dma_wait3A_700 = arith.constant 360 : i32
    %dma_wait3A_701 = arith.constant 0 : i32
    %dma_wait3A_702 = tpu.memref_slice %arg10[%dma_wait3A_700, %dma_wait3A_701] : memref<512x64xf32, #tpu.memory_space<vmem>> -> memref<8x64xf32, #tpu.memory_space<vmem>>
    %dma_wait3A_703 = arith.constant 0 : i32
    %dma_wait3A_704 = arith.constant 0 : i32
    %dma_wait3A_705 = tpu.memref_slice %arg5[%dma_wait3A_699, %dma_wait3A_703, %dma_wait3A_704] : memref<125000x8x64xf32, #tpu.memory_space<hbm>> -> memref<1x8x64xf32, #tpu.memory_space<hbm>>
    %dma_wait3A_706 = tpu.memref_squeeze %dma_wait3A_705 : memref<1x8x64xf32, #tpu.memory_space<hbm>> -> memref<8x64xf32, #tpu.memory_space<hbm>>
    %dma_wait3A_707 = arith.constant 360 : i32
    %dma_wait3A_708 = arith.constant 0 : i32
    %dma_wait3A_709 = tpu.memref_slice %arg10[%dma_wait3A_707, %dma_wait3A_708] : memref<512x64xf32, #tpu.memory_space<vmem>> -> memref<8x64xf32, #tpu.memory_space<vmem>>
    %dma_wait3A_710 = arith.constant 0 : i32
    %dma_wait3A_711 = arith.constant 0 : i32
    %dma_wait3A_712 = tpu.memref_slice %arg5[%dma_wait3A_699, %dma_wait3A_710, %dma_wait3A_711] : memref<125000x8x64xf32, #tpu.memory_space<hbm>> -> memref<1x8x64xf32, #tpu.memory_space<hbm>>
    %dma_wait3A_713 = tpu.memref_squeeze %dma_wait3A_712 : memref<1x8x64xf32, #tpu.memory_space<hbm>> -> memref<8x64xf32, #tpu.memory_space<hbm>>
    tpu.wait_dma2 semaphore(%arg13 : memref<!tpu.dma_semaphore, #tpu.memory_space<semaphore_mem>>) src(%dma_wait3A_713 : memref<8x64xf32, #tpu.memory_space<hbm>>) dst(%dma_wait3A_709 : memref<8x64xf32, #tpu.memory_space<vmem>>)
    %dma_wait3A_714 = arith.constant 0 : i32
    %dma_wait3A_715 = arith.constant 368 : i32
    %dma_wait3A_716 = arith.constant 0 : i32
    %dma_wait3A_717 = tpu.memref_slice %arg10[%dma_wait3A_715, %dma_wait3A_716] : memref<512x64xf32, #tpu.memory_space<vmem>> -> memref<8x64xf32, #tpu.memory_space<vmem>>
    %dma_wait3A_718 = arith.constant 0 : i32
    %dma_wait3A_719 = arith.constant 0 : i32
    %dma_wait3A_720 = tpu.memref_slice %arg5[%dma_wait3A_714, %dma_wait3A_718, %dma_wait3A_719] : memref<125000x8x64xf32, #tpu.memory_space<hbm>> -> memref<1x8x64xf32, #tpu.memory_space<hbm>>
    %dma_wait3A_721 = tpu.memref_squeeze %dma_wait3A_720 : memref<1x8x64xf32, #tpu.memory_space<hbm>> -> memref<8x64xf32, #tpu.memory_space<hbm>>
    %dma_wait3A_722 = arith.constant 368 : i32
    %dma_wait3A_723 = arith.constant 0 : i32
    %dma_wait3A_724 = tpu.memref_slice %arg10[%dma_wait3A_722, %dma_wait3A_723] : memref<512x64xf32, #tpu.memory_space<vmem>> -> memref<8x64xf32, #tpu.memory_space<vmem>>
    %dma_wait3A_725 = arith.constant 0 : i32
    %dma_wait3A_726 = arith.constant 0 : i32
    %dma_wait3A_727 = tpu.memref_slice %arg5[%dma_wait3A_714, %dma_wait3A_725, %dma_wait3A_726] : memref<125000x8x64xf32, #tpu.memory_space<hbm>> -> memref<1x8x64xf32, #tpu.memory_space<hbm>>
    %dma_wait3A_728 = tpu.memref_squeeze %dma_wait3A_727 : memref<1x8x64xf32, #tpu.memory_space<hbm>> -> memref<8x64xf32, #tpu.memory_space<hbm>>
    tpu.wait_dma2 semaphore(%arg13 : memref<!tpu.dma_semaphore, #tpu.memory_space<semaphore_mem>>) src(%dma_wait3A_728 : memref<8x64xf32, #tpu.memory_space<hbm>>) dst(%dma_wait3A_724 : memref<8x64xf32, #tpu.memory_space<vmem>>)
    %dma_wait3A_729 = arith.constant 0 : i32
    %dma_wait3A_730 = arith.constant 376 : i32
    %dma_wait3A_731 = arith.constant 0 : i32
    %dma_wait3A_732 = tpu.memref_slice %arg10[%dma_wait3A_730, %dma_wait3A_731] : memref<512x64xf32, #tpu.memory_space<vmem>> -> memref<8x64xf32, #tpu.memory_space<vmem>>
    %dma_wait3A_733 = arith.constant 0 : i32
    %dma_wait3A_734 = arith.constant 0 : i32
    %dma_wait3A_735 = tpu.memref_slice %arg5[%dma_wait3A_729, %dma_wait3A_733, %dma_wait3A_734] : memref<125000x8x64xf32, #tpu.memory_space<hbm>> -> memref<1x8x64xf32, #tpu.memory_space<hbm>>
    %dma_wait3A_736 = tpu.memref_squeeze %dma_wait3A_735 : memref<1x8x64xf32, #tpu.memory_space<hbm>> -> memref<8x64xf32, #tpu.memory_space<hbm>>
    %dma_wait3A_737 = arith.constant 376 : i32
    %dma_wait3A_738 = arith.constant 0 : i32
    %dma_wait3A_739 = tpu.memref_slice %arg10[%dma_wait3A_737, %dma_wait3A_738] : memref<512x64xf32, #tpu.memory_space<vmem>> -> memref<8x64xf32, #tpu.memory_space<vmem>>
    %dma_wait3A_740 = arith.constant 0 : i32
    %dma_wait3A_741 = arith.constant 0 : i32
    %dma_wait3A_742 = tpu.memref_slice %arg5[%dma_wait3A_729, %dma_wait3A_740, %dma_wait3A_741] : memref<125000x8x64xf32, #tpu.memory_space<hbm>> -> memref<1x8x64xf32, #tpu.memory_space<hbm>>
    %dma_wait3A_743 = tpu.memref_squeeze %dma_wait3A_742 : memref<1x8x64xf32, #tpu.memory_space<hbm>> -> memref<8x64xf32, #tpu.memory_space<hbm>>
    tpu.wait_dma2 semaphore(%arg13 : memref<!tpu.dma_semaphore, #tpu.memory_space<semaphore_mem>>) src(%dma_wait3A_743 : memref<8x64xf32, #tpu.memory_space<hbm>>) dst(%dma_wait3A_739 : memref<8x64xf32, #tpu.memory_space<vmem>>)
    %dma_wait3A_744 = arith.constant 0 : i32
    %dma_wait3A_745 = arith.constant 384 : i32
    %dma_wait3A_746 = arith.constant 0 : i32
    %dma_wait3A_747 = tpu.memref_slice %arg10[%dma_wait3A_745, %dma_wait3A_746] : memref<512x64xf32, #tpu.memory_space<vmem>> -> memref<8x64xf32, #tpu.memory_space<vmem>>
    %dma_wait3A_748 = arith.constant 0 : i32
    %dma_wait3A_749 = arith.constant 0 : i32
    %dma_wait3A_750 = tpu.memref_slice %arg5[%dma_wait3A_744, %dma_wait3A_748, %dma_wait3A_749] : memref<125000x8x64xf32, #tpu.memory_space<hbm>> -> memref<1x8x64xf32, #tpu.memory_space<hbm>>
    %dma_wait3A_751 = tpu.memref_squeeze %dma_wait3A_750 : memref<1x8x64xf32, #tpu.memory_space<hbm>> -> memref<8x64xf32, #tpu.memory_space<hbm>>
    %dma_wait3A_752 = arith.constant 384 : i32
    %dma_wait3A_753 = arith.constant 0 : i32
    %dma_wait3A_754 = tpu.memref_slice %arg10[%dma_wait3A_752, %dma_wait3A_753] : memref<512x64xf32, #tpu.memory_space<vmem>> -> memref<8x64xf32, #tpu.memory_space<vmem>>
    %dma_wait3A_755 = arith.constant 0 : i32
    %dma_wait3A_756 = arith.constant 0 : i32
    %dma_wait3A_757 = tpu.memref_slice %arg5[%dma_wait3A_744, %dma_wait3A_755, %dma_wait3A_756] : memref<125000x8x64xf32, #tpu.memory_space<hbm>> -> memref<1x8x64xf32, #tpu.memory_space<hbm>>
    %dma_wait3A_758 = tpu.memref_squeeze %dma_wait3A_757 : memref<1x8x64xf32, #tpu.memory_space<hbm>> -> memref<8x64xf32, #tpu.memory_space<hbm>>
    tpu.wait_dma2 semaphore(%arg13 : memref<!tpu.dma_semaphore, #tpu.memory_space<semaphore_mem>>) src(%dma_wait3A_758 : memref<8x64xf32, #tpu.memory_space<hbm>>) dst(%dma_wait3A_754 : memref<8x64xf32, #tpu.memory_space<vmem>>)
    %dma_wait3A_759 = arith.constant 0 : i32
    %dma_wait3A_760 = arith.constant 392 : i32
    %dma_wait3A_761 = arith.constant 0 : i32
    %dma_wait3A_762 = tpu.memref_slice %arg10[%dma_wait3A_760, %dma_wait3A_761] : memref<512x64xf32, #tpu.memory_space<vmem>> -> memref<8x64xf32, #tpu.memory_space<vmem>>
    %dma_wait3A_763 = arith.constant 0 : i32
    %dma_wait3A_764 = arith.constant 0 : i32
    %dma_wait3A_765 = tpu.memref_slice %arg5[%dma_wait3A_759, %dma_wait3A_763, %dma_wait3A_764] : memref<125000x8x64xf32, #tpu.memory_space<hbm>> -> memref<1x8x64xf32, #tpu.memory_space<hbm>>
    %dma_wait3A_766 = tpu.memref_squeeze %dma_wait3A_765 : memref<1x8x64xf32, #tpu.memory_space<hbm>> -> memref<8x64xf32, #tpu.memory_space<hbm>>
    %dma_wait3A_767 = arith.constant 392 : i32
    %dma_wait3A_768 = arith.constant 0 : i32
    %dma_wait3A_769 = tpu.memref_slice %arg10[%dma_wait3A_767, %dma_wait3A_768] : memref<512x64xf32, #tpu.memory_space<vmem>> -> memref<8x64xf32, #tpu.memory_space<vmem>>
    %dma_wait3A_770 = arith.constant 0 : i32
    %dma_wait3A_771 = arith.constant 0 : i32
    %dma_wait3A_772 = tpu.memref_slice %arg5[%dma_wait3A_759, %dma_wait3A_770, %dma_wait3A_771] : memref<125000x8x64xf32, #tpu.memory_space<hbm>> -> memref<1x8x64xf32, #tpu.memory_space<hbm>>
    %dma_wait3A_773 = tpu.memref_squeeze %dma_wait3A_772 : memref<1x8x64xf32, #tpu.memory_space<hbm>> -> memref<8x64xf32, #tpu.memory_space<hbm>>
    tpu.wait_dma2 semaphore(%arg13 : memref<!tpu.dma_semaphore, #tpu.memory_space<semaphore_mem>>) src(%dma_wait3A_773 : memref<8x64xf32, #tpu.memory_space<hbm>>) dst(%dma_wait3A_769 : memref<8x64xf32, #tpu.memory_space<vmem>>)
    %dma_wait3A_774 = arith.constant 0 : i32
    %dma_wait3A_775 = arith.constant 400 : i32
    %dma_wait3A_776 = arith.constant 0 : i32
    %dma_wait3A_777 = tpu.memref_slice %arg10[%dma_wait3A_775, %dma_wait3A_776] : memref<512x64xf32, #tpu.memory_space<vmem>> -> memref<8x64xf32, #tpu.memory_space<vmem>>
    %dma_wait3A_778 = arith.constant 0 : i32
    %dma_wait3A_779 = arith.constant 0 : i32
    %dma_wait3A_780 = tpu.memref_slice %arg5[%dma_wait3A_774, %dma_wait3A_778, %dma_wait3A_779] : memref<125000x8x64xf32, #tpu.memory_space<hbm>> -> memref<1x8x64xf32, #tpu.memory_space<hbm>>
    %dma_wait3A_781 = tpu.memref_squeeze %dma_wait3A_780 : memref<1x8x64xf32, #tpu.memory_space<hbm>> -> memref<8x64xf32, #tpu.memory_space<hbm>>
    %dma_wait3A_782 = arith.constant 400 : i32
    %dma_wait3A_783 = arith.constant 0 : i32
    %dma_wait3A_784 = tpu.memref_slice %arg10[%dma_wait3A_782, %dma_wait3A_783] : memref<512x64xf32, #tpu.memory_space<vmem>> -> memref<8x64xf32, #tpu.memory_space<vmem>>
    %dma_wait3A_785 = arith.constant 0 : i32
    %dma_wait3A_786 = arith.constant 0 : i32
    %dma_wait3A_787 = tpu.memref_slice %arg5[%dma_wait3A_774, %dma_wait3A_785, %dma_wait3A_786] : memref<125000x8x64xf32, #tpu.memory_space<hbm>> -> memref<1x8x64xf32, #tpu.memory_space<hbm>>
    %dma_wait3A_788 = tpu.memref_squeeze %dma_wait3A_787 : memref<1x8x64xf32, #tpu.memory_space<hbm>> -> memref<8x64xf32, #tpu.memory_space<hbm>>
    tpu.wait_dma2 semaphore(%arg13 : memref<!tpu.dma_semaphore, #tpu.memory_space<semaphore_mem>>) src(%dma_wait3A_788 : memref<8x64xf32, #tpu.memory_space<hbm>>) dst(%dma_wait3A_784 : memref<8x64xf32, #tpu.memory_space<vmem>>)
    %dma_wait3A_789 = arith.constant 0 : i32
    %dma_wait3A_790 = arith.constant 408 : i32
    %dma_wait3A_791 = arith.constant 0 : i32
    %dma_wait3A_792 = tpu.memref_slice %arg10[%dma_wait3A_790, %dma_wait3A_791] : memref<512x64xf32, #tpu.memory_space<vmem>> -> memref<8x64xf32, #tpu.memory_space<vmem>>
    %dma_wait3A_793 = arith.constant 0 : i32
    %dma_wait3A_794 = arith.constant 0 : i32
    %dma_wait3A_795 = tpu.memref_slice %arg5[%dma_wait3A_789, %dma_wait3A_793, %dma_wait3A_794] : memref<125000x8x64xf32, #tpu.memory_space<hbm>> -> memref<1x8x64xf32, #tpu.memory_space<hbm>>
    %dma_wait3A_796 = tpu.memref_squeeze %dma_wait3A_795 : memref<1x8x64xf32, #tpu.memory_space<hbm>> -> memref<8x64xf32, #tpu.memory_space<hbm>>
    %dma_wait3A_797 = arith.constant 408 : i32
    %dma_wait3A_798 = arith.constant 0 : i32
    %dma_wait3A_799 = tpu.memref_slice %arg10[%dma_wait3A_797, %dma_wait3A_798] : memref<512x64xf32, #tpu.memory_space<vmem>> -> memref<8x64xf32, #tpu.memory_space<vmem>>
    %dma_wait3A_800 = arith.constant 0 : i32
    %dma_wait3A_801 = arith.constant 0 : i32
    %dma_wait3A_802 = tpu.memref_slice %arg5[%dma_wait3A_789, %dma_wait3A_800, %dma_wait3A_801] : memref<125000x8x64xf32, #tpu.memory_space<hbm>> -> memref<1x8x64xf32, #tpu.memory_space<hbm>>
    %dma_wait3A_803 = tpu.memref_squeeze %dma_wait3A_802 : memref<1x8x64xf32, #tpu.memory_space<hbm>> -> memref<8x64xf32, #tpu.memory_space<hbm>>
    tpu.wait_dma2 semaphore(%arg13 : memref<!tpu.dma_semaphore, #tpu.memory_space<semaphore_mem>>) src(%dma_wait3A_803 : memref<8x64xf32, #tpu.memory_space<hbm>>) dst(%dma_wait3A_799 : memref<8x64xf32, #tpu.memory_space<vmem>>)
    %dma_wait3A_804 = arith.constant 0 : i32
    %dma_wait3A_805 = arith.constant 416 : i32
    %dma_wait3A_806 = arith.constant 0 : i32
    %dma_wait3A_807 = tpu.memref_slice %arg10[%dma_wait3A_805, %dma_wait3A_806] : memref<512x64xf32, #tpu.memory_space<vmem>> -> memref<8x64xf32, #tpu.memory_space<vmem>>
    %dma_wait3A_808 = arith.constant 0 : i32
    %dma_wait3A_809 = arith.constant 0 : i32
    %dma_wait3A_810 = tpu.memref_slice %arg5[%dma_wait3A_804, %dma_wait3A_808, %dma_wait3A_809] : memref<125000x8x64xf32, #tpu.memory_space<hbm>> -> memref<1x8x64xf32, #tpu.memory_space<hbm>>
    %dma_wait3A_811 = tpu.memref_squeeze %dma_wait3A_810 : memref<1x8x64xf32, #tpu.memory_space<hbm>> -> memref<8x64xf32, #tpu.memory_space<hbm>>
    %dma_wait3A_812 = arith.constant 416 : i32
    %dma_wait3A_813 = arith.constant 0 : i32
    %dma_wait3A_814 = tpu.memref_slice %arg10[%dma_wait3A_812, %dma_wait3A_813] : memref<512x64xf32, #tpu.memory_space<vmem>> -> memref<8x64xf32, #tpu.memory_space<vmem>>
    %dma_wait3A_815 = arith.constant 0 : i32
    %dma_wait3A_816 = arith.constant 0 : i32
    %dma_wait3A_817 = tpu.memref_slice %arg5[%dma_wait3A_804, %dma_wait3A_815, %dma_wait3A_816] : memref<125000x8x64xf32, #tpu.memory_space<hbm>> -> memref<1x8x64xf32, #tpu.memory_space<hbm>>
    %dma_wait3A_818 = tpu.memref_squeeze %dma_wait3A_817 : memref<1x8x64xf32, #tpu.memory_space<hbm>> -> memref<8x64xf32, #tpu.memory_space<hbm>>
    tpu.wait_dma2 semaphore(%arg13 : memref<!tpu.dma_semaphore, #tpu.memory_space<semaphore_mem>>) src(%dma_wait3A_818 : memref<8x64xf32, #tpu.memory_space<hbm>>) dst(%dma_wait3A_814 : memref<8x64xf32, #tpu.memory_space<vmem>>)
    %dma_wait3A_819 = arith.constant 0 : i32
    %dma_wait3A_820 = arith.constant 424 : i32
    %dma_wait3A_821 = arith.constant 0 : i32
    %dma_wait3A_822 = tpu.memref_slice %arg10[%dma_wait3A_820, %dma_wait3A_821] : memref<512x64xf32, #tpu.memory_space<vmem>> -> memref<8x64xf32, #tpu.memory_space<vmem>>
    %dma_wait3A_823 = arith.constant 0 : i32
    %dma_wait3A_824 = arith.constant 0 : i32
    %dma_wait3A_825 = tpu.memref_slice %arg5[%dma_wait3A_819, %dma_wait3A_823, %dma_wait3A_824] : memref<125000x8x64xf32, #tpu.memory_space<hbm>> -> memref<1x8x64xf32, #tpu.memory_space<hbm>>
    %dma_wait3A_826 = tpu.memref_squeeze %dma_wait3A_825 : memref<1x8x64xf32, #tpu.memory_space<hbm>> -> memref<8x64xf32, #tpu.memory_space<hbm>>
    %dma_wait3A_827 = arith.constant 424 : i32
    %dma_wait3A_828 = arith.constant 0 : i32
    %dma_wait3A_829 = tpu.memref_slice %arg10[%dma_wait3A_827, %dma_wait3A_828] : memref<512x64xf32, #tpu.memory_space<vmem>> -> memref<8x64xf32, #tpu.memory_space<vmem>>
    %dma_wait3A_830 = arith.constant 0 : i32
    %dma_wait3A_831 = arith.constant 0 : i32
    %dma_wait3A_832 = tpu.memref_slice %arg5[%dma_wait3A_819, %dma_wait3A_830, %dma_wait3A_831] : memref<125000x8x64xf32, #tpu.memory_space<hbm>> -> memref<1x8x64xf32, #tpu.memory_space<hbm>>
    %dma_wait3A_833 = tpu.memref_squeeze %dma_wait3A_832 : memref<1x8x64xf32, #tpu.memory_space<hbm>> -> memref<8x64xf32, #tpu.memory_space<hbm>>
    tpu.wait_dma2 semaphore(%arg13 : memref<!tpu.dma_semaphore, #tpu.memory_space<semaphore_mem>>) src(%dma_wait3A_833 : memref<8x64xf32, #tpu.memory_space<hbm>>) dst(%dma_wait3A_829 : memref<8x64xf32, #tpu.memory_space<vmem>>)
    %dma_wait3A_834 = arith.constant 0 : i32
    %dma_wait3A_835 = arith.constant 432 : i32
    %dma_wait3A_836 = arith.constant 0 : i32
    %dma_wait3A_837 = tpu.memref_slice %arg10[%dma_wait3A_835, %dma_wait3A_836] : memref<512x64xf32, #tpu.memory_space<vmem>> -> memref<8x64xf32, #tpu.memory_space<vmem>>
    %dma_wait3A_838 = arith.constant 0 : i32
    %dma_wait3A_839 = arith.constant 0 : i32
    %dma_wait3A_840 = tpu.memref_slice %arg5[%dma_wait3A_834, %dma_wait3A_838, %dma_wait3A_839] : memref<125000x8x64xf32, #tpu.memory_space<hbm>> -> memref<1x8x64xf32, #tpu.memory_space<hbm>>
    %dma_wait3A_841 = tpu.memref_squeeze %dma_wait3A_840 : memref<1x8x64xf32, #tpu.memory_space<hbm>> -> memref<8x64xf32, #tpu.memory_space<hbm>>
    %dma_wait3A_842 = arith.constant 432 : i32
    %dma_wait3A_843 = arith.constant 0 : i32
    %dma_wait3A_844 = tpu.memref_slice %arg10[%dma_wait3A_842, %dma_wait3A_843] : memref<512x64xf32, #tpu.memory_space<vmem>> -> memref<8x64xf32, #tpu.memory_space<vmem>>
    %dma_wait3A_845 = arith.constant 0 : i32
    %dma_wait3A_846 = arith.constant 0 : i32
    %dma_wait3A_847 = tpu.memref_slice %arg5[%dma_wait3A_834, %dma_wait3A_845, %dma_wait3A_846] : memref<125000x8x64xf32, #tpu.memory_space<hbm>> -> memref<1x8x64xf32, #tpu.memory_space<hbm>>
    %dma_wait3A_848 = tpu.memref_squeeze %dma_wait3A_847 : memref<1x8x64xf32, #tpu.memory_space<hbm>> -> memref<8x64xf32, #tpu.memory_space<hbm>>
    tpu.wait_dma2 semaphore(%arg13 : memref<!tpu.dma_semaphore, #tpu.memory_space<semaphore_mem>>) src(%dma_wait3A_848 : memref<8x64xf32, #tpu.memory_space<hbm>>) dst(%dma_wait3A_844 : memref<8x64xf32, #tpu.memory_space<vmem>>)
    %dma_wait3A_849 = arith.constant 0 : i32
    %dma_wait3A_850 = arith.constant 440 : i32
    %dma_wait3A_851 = arith.constant 0 : i32
    %dma_wait3A_852 = tpu.memref_slice %arg10[%dma_wait3A_850, %dma_wait3A_851] : memref<512x64xf32, #tpu.memory_space<vmem>> -> memref<8x64xf32, #tpu.memory_space<vmem>>
    %dma_wait3A_853 = arith.constant 0 : i32
    %dma_wait3A_854 = arith.constant 0 : i32
    %dma_wait3A_855 = tpu.memref_slice %arg5[%dma_wait3A_849, %dma_wait3A_853, %dma_wait3A_854] : memref<125000x8x64xf32, #tpu.memory_space<hbm>> -> memref<1x8x64xf32, #tpu.memory_space<hbm>>
    %dma_wait3A_856 = tpu.memref_squeeze %dma_wait3A_855 : memref<1x8x64xf32, #tpu.memory_space<hbm>> -> memref<8x64xf32, #tpu.memory_space<hbm>>
    %dma_wait3A_857 = arith.constant 440 : i32
    %dma_wait3A_858 = arith.constant 0 : i32
    %dma_wait3A_859 = tpu.memref_slice %arg10[%dma_wait3A_857, %dma_wait3A_858] : memref<512x64xf32, #tpu.memory_space<vmem>> -> memref<8x64xf32, #tpu.memory_space<vmem>>
    %dma_wait3A_860 = arith.constant 0 : i32
    %dma_wait3A_861 = arith.constant 0 : i32
    %dma_wait3A_862 = tpu.memref_slice %arg5[%dma_wait3A_849, %dma_wait3A_860, %dma_wait3A_861] : memref<125000x8x64xf32, #tpu.memory_space<hbm>> -> memref<1x8x64xf32, #tpu.memory_space<hbm>>
    %dma_wait3A_863 = tpu.memref_squeeze %dma_wait3A_862 : memref<1x8x64xf32, #tpu.memory_space<hbm>> -> memref<8x64xf32, #tpu.memory_space<hbm>>
    tpu.wait_dma2 semaphore(%arg13 : memref<!tpu.dma_semaphore, #tpu.memory_space<semaphore_mem>>) src(%dma_wait3A_863 : memref<8x64xf32, #tpu.memory_space<hbm>>) dst(%dma_wait3A_859 : memref<8x64xf32, #tpu.memory_space<vmem>>)
    %dma_wait3A_864 = arith.constant 0 : i32
    %dma_wait3A_865 = arith.constant 448 : i32
    %dma_wait3A_866 = arith.constant 0 : i32
    %dma_wait3A_867 = tpu.memref_slice %arg10[%dma_wait3A_865, %dma_wait3A_866] : memref<512x64xf32, #tpu.memory_space<vmem>> -> memref<8x64xf32, #tpu.memory_space<vmem>>
    %dma_wait3A_868 = arith.constant 0 : i32
    %dma_wait3A_869 = arith.constant 0 : i32
    %dma_wait3A_870 = tpu.memref_slice %arg5[%dma_wait3A_864, %dma_wait3A_868, %dma_wait3A_869] : memref<125000x8x64xf32, #tpu.memory_space<hbm>> -> memref<1x8x64xf32, #tpu.memory_space<hbm>>
    %dma_wait3A_871 = tpu.memref_squeeze %dma_wait3A_870 : memref<1x8x64xf32, #tpu.memory_space<hbm>> -> memref<8x64xf32, #tpu.memory_space<hbm>>
    %dma_wait3A_872 = arith.constant 448 : i32
    %dma_wait3A_873 = arith.constant 0 : i32
    %dma_wait3A_874 = tpu.memref_slice %arg10[%dma_wait3A_872, %dma_wait3A_873] : memref<512x64xf32, #tpu.memory_space<vmem>> -> memref<8x64xf32, #tpu.memory_space<vmem>>
    %dma_wait3A_875 = arith.constant 0 : i32
    %dma_wait3A_876 = arith.constant 0 : i32
    %dma_wait3A_877 = tpu.memref_slice %arg5[%dma_wait3A_864, %dma_wait3A_875, %dma_wait3A_876] : memref<125000x8x64xf32, #tpu.memory_space<hbm>> -> memref<1x8x64xf32, #tpu.memory_space<hbm>>
    %dma_wait3A_878 = tpu.memref_squeeze %dma_wait3A_877 : memref<1x8x64xf32, #tpu.memory_space<hbm>> -> memref<8x64xf32, #tpu.memory_space<hbm>>
    tpu.wait_dma2 semaphore(%arg13 : memref<!tpu.dma_semaphore, #tpu.memory_space<semaphore_mem>>) src(%dma_wait3A_878 : memref<8x64xf32, #tpu.memory_space<hbm>>) dst(%dma_wait3A_874 : memref<8x64xf32, #tpu.memory_space<vmem>>)
    %dma_wait3A_879 = arith.constant 0 : i32
    %dma_wait3A_880 = arith.constant 456 : i32
    %dma_wait3A_881 = arith.constant 0 : i32
    %dma_wait3A_882 = tpu.memref_slice %arg10[%dma_wait3A_880, %dma_wait3A_881] : memref<512x64xf32, #tpu.memory_space<vmem>> -> memref<8x64xf32, #tpu.memory_space<vmem>>
    %dma_wait3A_883 = arith.constant 0 : i32
    %dma_wait3A_884 = arith.constant 0 : i32
    %dma_wait3A_885 = tpu.memref_slice %arg5[%dma_wait3A_879, %dma_wait3A_883, %dma_wait3A_884] : memref<125000x8x64xf32, #tpu.memory_space<hbm>> -> memref<1x8x64xf32, #tpu.memory_space<hbm>>
    %dma_wait3A_886 = tpu.memref_squeeze %dma_wait3A_885 : memref<1x8x64xf32, #tpu.memory_space<hbm>> -> memref<8x64xf32, #tpu.memory_space<hbm>>
    %dma_wait3A_887 = arith.constant 456 : i32
    %dma_wait3A_888 = arith.constant 0 : i32
    %dma_wait3A_889 = tpu.memref_slice %arg10[%dma_wait3A_887, %dma_wait3A_888] : memref<512x64xf32, #tpu.memory_space<vmem>> -> memref<8x64xf32, #tpu.memory_space<vmem>>
    %dma_wait3A_890 = arith.constant 0 : i32
    %dma_wait3A_891 = arith.constant 0 : i32
    %dma_wait3A_892 = tpu.memref_slice %arg5[%dma_wait3A_879, %dma_wait3A_890, %dma_wait3A_891] : memref<125000x8x64xf32, #tpu.memory_space<hbm>> -> memref<1x8x64xf32, #tpu.memory_space<hbm>>
    %dma_wait3A_893 = tpu.memref_squeeze %dma_wait3A_892 : memref<1x8x64xf32, #tpu.memory_space<hbm>> -> memref<8x64xf32, #tpu.memory_space<hbm>>
    tpu.wait_dma2 semaphore(%arg13 : memref<!tpu.dma_semaphore, #tpu.memory_space<semaphore_mem>>) src(%dma_wait3A_893 : memref<8x64xf32, #tpu.memory_space<hbm>>) dst(%dma_wait3A_889 : memref<8x64xf32, #tpu.memory_space<vmem>>)
    %dma_wait3A_894 = arith.constant 0 : i32
    %dma_wait3A_895 = arith.constant 464 : i32
    %dma_wait3A_896 = arith.constant 0 : i32
    %dma_wait3A_897 = tpu.memref_slice %arg10[%dma_wait3A_895, %dma_wait3A_896] : memref<512x64xf32, #tpu.memory_space<vmem>> -> memref<8x64xf32, #tpu.memory_space<vmem>>
    %dma_wait3A_898 = arith.constant 0 : i32
    %dma_wait3A_899 = arith.constant 0 : i32
    %dma_wait3A_900 = tpu.memref_slice %arg5[%dma_wait3A_894, %dma_wait3A_898, %dma_wait3A_899] : memref<125000x8x64xf32, #tpu.memory_space<hbm>> -> memref<1x8x64xf32, #tpu.memory_space<hbm>>
    %dma_wait3A_901 = tpu.memref_squeeze %dma_wait3A_900 : memref<1x8x64xf32, #tpu.memory_space<hbm>> -> memref<8x64xf32, #tpu.memory_space<hbm>>
    %dma_wait3A_902 = arith.constant 464 : i32
    %dma_wait3A_903 = arith.constant 0 : i32
    %dma_wait3A_904 = tpu.memref_slice %arg10[%dma_wait3A_902, %dma_wait3A_903] : memref<512x64xf32, #tpu.memory_space<vmem>> -> memref<8x64xf32, #tpu.memory_space<vmem>>
    %dma_wait3A_905 = arith.constant 0 : i32
    %dma_wait3A_906 = arith.constant 0 : i32
    %dma_wait3A_907 = tpu.memref_slice %arg5[%dma_wait3A_894, %dma_wait3A_905, %dma_wait3A_906] : memref<125000x8x64xf32, #tpu.memory_space<hbm>> -> memref<1x8x64xf32, #tpu.memory_space<hbm>>
    %dma_wait3A_908 = tpu.memref_squeeze %dma_wait3A_907 : memref<1x8x64xf32, #tpu.memory_space<hbm>> -> memref<8x64xf32, #tpu.memory_space<hbm>>
    tpu.wait_dma2 semaphore(%arg13 : memref<!tpu.dma_semaphore, #tpu.memory_space<semaphore_mem>>) src(%dma_wait3A_908 : memref<8x64xf32, #tpu.memory_space<hbm>>) dst(%dma_wait3A_904 : memref<8x64xf32, #tpu.memory_space<vmem>>)
    %dma_wait3A_909 = arith.constant 0 : i32
    %dma_wait3A_910 = arith.constant 472 : i32
    %dma_wait3A_911 = arith.constant 0 : i32
    %dma_wait3A_912 = tpu.memref_slice %arg10[%dma_wait3A_910, %dma_wait3A_911] : memref<512x64xf32, #tpu.memory_space<vmem>> -> memref<8x64xf32, #tpu.memory_space<vmem>>
    %dma_wait3A_913 = arith.constant 0 : i32
    %dma_wait3A_914 = arith.constant 0 : i32
    %dma_wait3A_915 = tpu.memref_slice %arg5[%dma_wait3A_909, %dma_wait3A_913, %dma_wait3A_914] : memref<125000x8x64xf32, #tpu.memory_space<hbm>> -> memref<1x8x64xf32, #tpu.memory_space<hbm>>
    %dma_wait3A_916 = tpu.memref_squeeze %dma_wait3A_915 : memref<1x8x64xf32, #tpu.memory_space<hbm>> -> memref<8x64xf32, #tpu.memory_space<hbm>>
    %dma_wait3A_917 = arith.constant 472 : i32
    %dma_wait3A_918 = arith.constant 0 : i32
    %dma_wait3A_919 = tpu.memref_slice %arg10[%dma_wait3A_917, %dma_wait3A_918] : memref<512x64xf32, #tpu.memory_space<vmem>> -> memref<8x64xf32, #tpu.memory_space<vmem>>
    %dma_wait3A_920 = arith.constant 0 : i32
    %dma_wait3A_921 = arith.constant 0 : i32
    %dma_wait3A_922 = tpu.memref_slice %arg5[%dma_wait3A_909, %dma_wait3A_920, %dma_wait3A_921] : memref<125000x8x64xf32, #tpu.memory_space<hbm>> -> memref<1x8x64xf32, #tpu.memory_space<hbm>>
    %dma_wait3A_923 = tpu.memref_squeeze %dma_wait3A_922 : memref<1x8x64xf32, #tpu.memory_space<hbm>> -> memref<8x64xf32, #tpu.memory_space<hbm>>
    tpu.wait_dma2 semaphore(%arg13 : memref<!tpu.dma_semaphore, #tpu.memory_space<semaphore_mem>>) src(%dma_wait3A_923 : memref<8x64xf32, #tpu.memory_space<hbm>>) dst(%dma_wait3A_919 : memref<8x64xf32, #tpu.memory_space<vmem>>)
    %dma_wait3A_924 = arith.constant 0 : i32
    %dma_wait3A_925 = arith.constant 480 : i32
    %dma_wait3A_926 = arith.constant 0 : i32
    %dma_wait3A_927 = tpu.memref_slice %arg10[%dma_wait3A_925, %dma_wait3A_926] : memref<512x64xf32, #tpu.memory_space<vmem>> -> memref<8x64xf32, #tpu.memory_space<vmem>>
    %dma_wait3A_928 = arith.constant 0 : i32
    %dma_wait3A_929 = arith.constant 0 : i32
    %dma_wait3A_930 = tpu.memref_slice %arg5[%dma_wait3A_924, %dma_wait3A_928, %dma_wait3A_929] : memref<125000x8x64xf32, #tpu.memory_space<hbm>> -> memref<1x8x64xf32, #tpu.memory_space<hbm>>
    %dma_wait3A_931 = tpu.memref_squeeze %dma_wait3A_930 : memref<1x8x64xf32, #tpu.memory_space<hbm>> -> memref<8x64xf32, #tpu.memory_space<hbm>>
    %dma_wait3A_932 = arith.constant 480 : i32
    %dma_wait3A_933 = arith.constant 0 : i32
    %dma_wait3A_934 = tpu.memref_slice %arg10[%dma_wait3A_932, %dma_wait3A_933] : memref<512x64xf32, #tpu.memory_space<vmem>> -> memref<8x64xf32, #tpu.memory_space<vmem>>
    %dma_wait3A_935 = arith.constant 0 : i32
    %dma_wait3A_936 = arith.constant 0 : i32
    %dma_wait3A_937 = tpu.memref_slice %arg5[%dma_wait3A_924, %dma_wait3A_935, %dma_wait3A_936] : memref<125000x8x64xf32, #tpu.memory_space<hbm>> -> memref<1x8x64xf32, #tpu.memory_space<hbm>>
    %dma_wait3A_938 = tpu.memref_squeeze %dma_wait3A_937 : memref<1x8x64xf32, #tpu.memory_space<hbm>> -> memref<8x64xf32, #tpu.memory_space<hbm>>
    tpu.wait_dma2 semaphore(%arg13 : memref<!tpu.dma_semaphore, #tpu.memory_space<semaphore_mem>>) src(%dma_wait3A_938 : memref<8x64xf32, #tpu.memory_space<hbm>>) dst(%dma_wait3A_934 : memref<8x64xf32, #tpu.memory_space<vmem>>)
    %dma_wait3A_939 = arith.constant 0 : i32
    %dma_wait3A_940 = arith.constant 488 : i32
    %dma_wait3A_941 = arith.constant 0 : i32
    %dma_wait3A_942 = tpu.memref_slice %arg10[%dma_wait3A_940, %dma_wait3A_941] : memref<512x64xf32, #tpu.memory_space<vmem>> -> memref<8x64xf32, #tpu.memory_space<vmem>>
    %dma_wait3A_943 = arith.constant 0 : i32
    %dma_wait3A_944 = arith.constant 0 : i32
    %dma_wait3A_945 = tpu.memref_slice %arg5[%dma_wait3A_939, %dma_wait3A_943, %dma_wait3A_944] : memref<125000x8x64xf32, #tpu.memory_space<hbm>> -> memref<1x8x64xf32, #tpu.memory_space<hbm>>
    %dma_wait3A_946 = tpu.memref_squeeze %dma_wait3A_945 : memref<1x8x64xf32, #tpu.memory_space<hbm>> -> memref<8x64xf32, #tpu.memory_space<hbm>>
    %dma_wait3A_947 = arith.constant 488 : i32
    %dma_wait3A_948 = arith.constant 0 : i32
    %dma_wait3A_949 = tpu.memref_slice %arg10[%dma_wait3A_947, %dma_wait3A_948] : memref<512x64xf32, #tpu.memory_space<vmem>> -> memref<8x64xf32, #tpu.memory_space<vmem>>
    %dma_wait3A_950 = arith.constant 0 : i32
    %dma_wait3A_951 = arith.constant 0 : i32
    %dma_wait3A_952 = tpu.memref_slice %arg5[%dma_wait3A_939, %dma_wait3A_950, %dma_wait3A_951] : memref<125000x8x64xf32, #tpu.memory_space<hbm>> -> memref<1x8x64xf32, #tpu.memory_space<hbm>>
    %dma_wait3A_953 = tpu.memref_squeeze %dma_wait3A_952 : memref<1x8x64xf32, #tpu.memory_space<hbm>> -> memref<8x64xf32, #tpu.memory_space<hbm>>
    tpu.wait_dma2 semaphore(%arg13 : memref<!tpu.dma_semaphore, #tpu.memory_space<semaphore_mem>>) src(%dma_wait3A_953 : memref<8x64xf32, #tpu.memory_space<hbm>>) dst(%dma_wait3A_949 : memref<8x64xf32, #tpu.memory_space<vmem>>)
    %dma_wait3A_954 = arith.constant 0 : i32
    %dma_wait3A_955 = arith.constant 496 : i32
    %dma_wait3A_956 = arith.constant 0 : i32
    %dma_wait3A_957 = tpu.memref_slice %arg10[%dma_wait3A_955, %dma_wait3A_956] : memref<512x64xf32, #tpu.memory_space<vmem>> -> memref<8x64xf32, #tpu.memory_space<vmem>>
    %dma_wait3A_958 = arith.constant 0 : i32
    %dma_wait3A_959 = arith.constant 0 : i32
    %dma_wait3A_960 = tpu.memref_slice %arg5[%dma_wait3A_954, %dma_wait3A_958, %dma_wait3A_959] : memref<125000x8x64xf32, #tpu.memory_space<hbm>> -> memref<1x8x64xf32, #tpu.memory_space<hbm>>
    %dma_wait3A_961 = tpu.memref_squeeze %dma_wait3A_960 : memref<1x8x64xf32, #tpu.memory_space<hbm>> -> memref<8x64xf32, #tpu.memory_space<hbm>>
    %dma_wait3A_962 = arith.constant 496 : i32
    %dma_wait3A_963 = arith.constant 0 : i32
    %dma_wait3A_964 = tpu.memref_slice %arg10[%dma_wait3A_962, %dma_wait3A_963] : memref<512x64xf32, #tpu.memory_space<vmem>> -> memref<8x64xf32, #tpu.memory_space<vmem>>
    %dma_wait3A_965 = arith.constant 0 : i32
    %dma_wait3A_966 = arith.constant 0 : i32
    %dma_wait3A_967 = tpu.memref_slice %arg5[%dma_wait3A_954, %dma_wait3A_965, %dma_wait3A_966] : memref<125000x8x64xf32, #tpu.memory_space<hbm>> -> memref<1x8x64xf32, #tpu.memory_space<hbm>>
    %dma_wait3A_968 = tpu.memref_squeeze %dma_wait3A_967 : memref<1x8x64xf32, #tpu.memory_space<hbm>> -> memref<8x64xf32, #tpu.memory_space<hbm>>
    tpu.wait_dma2 semaphore(%arg13 : memref<!tpu.dma_semaphore, #tpu.memory_space<semaphore_mem>>) src(%dma_wait3A_968 : memref<8x64xf32, #tpu.memory_space<hbm>>) dst(%dma_wait3A_964 : memref<8x64xf32, #tpu.memory_space<vmem>>)
    %dma_wait3A_969 = arith.constant 0 : i32
    %dma_wait3A_970 = arith.constant 504 : i32
    %dma_wait3A_971 = arith.constant 0 : i32
    %dma_wait3A_972 = tpu.memref_slice %arg10[%dma_wait3A_970, %dma_wait3A_971] : memref<512x64xf32, #tpu.memory_space<vmem>> -> memref<8x64xf32, #tpu.memory_space<vmem>>
    %dma_wait3A_973 = arith.constant 0 : i32
    %dma_wait3A_974 = arith.constant 0 : i32
    %dma_wait3A_975 = tpu.memref_slice %arg5[%dma_wait3A_969, %dma_wait3A_973, %dma_wait3A_974] : memref<125000x8x64xf32, #tpu.memory_space<hbm>> -> memref<1x8x64xf32, #tpu.memory_space<hbm>>
    %dma_wait3A_976 = tpu.memref_squeeze %dma_wait3A_975 : memref<1x8x64xf32, #tpu.memory_space<hbm>> -> memref<8x64xf32, #tpu.memory_space<hbm>>
    %dma_wait3A_977 = arith.constant 504 : i32
    %dma_wait3A_978 = arith.constant 0 : i32
    %dma_wait3A_979 = tpu.memref_slice %arg10[%dma_wait3A_977, %dma_wait3A_978] : memref<512x64xf32, #tpu.memory_space<vmem>> -> memref<8x64xf32, #tpu.memory_space<vmem>>
    %dma_wait3A_980 = arith.constant 0 : i32
    %dma_wait3A_981 = arith.constant 0 : i32
    %dma_wait3A_982 = tpu.memref_slice %arg5[%dma_wait3A_969, %dma_wait3A_980, %dma_wait3A_981] : memref<125000x8x64xf32, #tpu.memory_space<hbm>> -> memref<1x8x64xf32, #tpu.memory_space<hbm>>
    %dma_wait3A_983 = tpu.memref_squeeze %dma_wait3A_982 : memref<1x8x64xf32, #tpu.memory_space<hbm>> -> memref<8x64xf32, #tpu.memory_space<hbm>>
    tpu.wait_dma2 semaphore(%arg13 : memref<!tpu.dma_semaphore, #tpu.memory_space<semaphore_mem>>) src(%dma_wait3A_983 : memref<8x64xf32, #tpu.memory_space<hbm>>) dst(%dma_wait3A_979 : memref<8x64xf32, #tpu.memory_space<vmem>>)
    %scan3A_984 = arith.constant 0 : i32
    %scan3A_985 = arith.constant 16 : i32
    %scan3A_986 = arith.constant 16 : i32
    %scan3A_987 = arith.addi %scan3A_985, %scan3A_986 : i32
    %scan3A_988 = arith.constant 1 : i32
    %scan3A_989 = scf.for %scan3A_991 = %scan3A_985 to %scan3A_987 step %scan3A_988 iter_args(%scan3A_992 = %scan3A_984) -> (i32)  : i32 {
      %mul3A_993 = arith.constant 16 : i32
      %mul3A_994 = arith.muli %scan3A_991, %mul3A_993 : i32
      %get3A = arith.index_cast %mul3A_994 : i32 to index
      %get3A_995 = tpu.vector_load %arg8[%get3A] {strides = array<i32>} : memref<512xi32, #tpu.memory_space<vmem>>, vector<16xi32>,
      %mul3A_996 = arith.constant 16 : i32
      %mul3A_997 = arith.muli %scan3A_991, %mul3A_996 : i32
      %add3A_998 = arith.constant 0 : i32
      %add3A_999 = arith.addi %mul3A_997, %add3A_998 : i32
      %slice3A = vector.extract_strided_slice %get3A_995 {offsets = [0], sizes = [1], strides = [1]} : vector<16xi32> to vector<1xi32>
      %squeeze3A = vector.extract %slice3A[0] : i32 from vector<1xi32>
      %get3A_1000 = arith.index_cast %squeeze3A : i32 to index
      %get3A_1001 = tpu.vector_load %arg9[%get3A_1000] {strides = array<i32>} : memref<64000xf32, #tpu.memory_space<vmem>>, vector<16xf32>,
      %get3A_1002 = arith.index_cast %add3A_999 : i32 to index
      %get3A_1003 = arith.constant 0 : index
      %get3A_1004 = tpu.vector_load %arg10[%get3A_1002, %get3A_1003] {strides = array<i32>} : memref<512x64xf32, #tpu.memory_space<vmem>>, vector<16xf32>,
      %mul3A_1005 = arith.mulf %get3A_1001, %get3A_1004 : vector<16xf32>
      %add3A_1006 = arith.constant 16 : i32
      %add3A_1007 = arith.addi %squeeze3A, %add3A_1006 : i32
      %get3A_1008 = arith.index_cast %add3A_1007 : i32 to index
      %get3A_1009 = tpu.vector_load %arg9[%get3A_1008] {strides = array<i32>} : memref<64000xf32, #tpu.memory_space<vmem>>, vector<16xf32>,
      %get3A_1010 = arith.index_cast %add3A_999 : i32 to index
      %get3A_1011 = arith.constant 16 : index
      %get3A_1012 = tpu.vector_load %arg10[%get3A_1010, %get3A_1011] {strides = array<i32>} : memref<512x64xf32, #tpu.memory_space<vmem>>, vector<16xf32>,
      %mul3A_1013 = arith.mulf %get3A_1009, %get3A_1012 : vector<16xf32>
      %add3A_1014 = arith.addf %mul3A_1005, %mul3A_1013 : vector<16xf32>
      %add3A_1015 = arith.constant 32 : i32
      %add3A_1016 = arith.addi %squeeze3A, %add3A_1015 : i32
      %get3A_1017 = arith.index_cast %add3A_1016 : i32 to index
      %get3A_1018 = tpu.vector_load %arg9[%get3A_1017] {strides = array<i32>} : memref<64000xf32, #tpu.memory_space<vmem>>, vector<16xf32>,
      %get3A_1019 = arith.index_cast %add3A_999 : i32 to index
      %get3A_1020 = arith.constant 32 : index
      %get3A_1021 = tpu.vector_load %arg10[%get3A_1019, %get3A_1020] {strides = array<i32>} : memref<512x64xf32, #tpu.memory_space<vmem>>, vector<16xf32>,
      %mul3A_1022 = arith.mulf %get3A_1018, %get3A_1021 : vector<16xf32>
      %add3A_1023 = arith.addf %add3A_1014, %mul3A_1022 : vector<16xf32>
      %add3A_1024 = arith.constant 48 : i32
      %add3A_1025 = arith.addi %squeeze3A, %add3A_1024 : i32
      %get3A_1026 = arith.index_cast %add3A_1025 : i32 to index
      %get3A_1027 = tpu.vector_load %arg9[%get3A_1026] {strides = array<i32>} : memref<64000xf32, #tpu.memory_space<vmem>>, vector<16xf32>,
      %get3A_1028 = arith.index_cast %add3A_999 : i32 to index
      %get3A_1029 = arith.constant 48 : index
      %get3A_1030 = tpu.vector_load %arg10[%get3A_1028, %get3A_1029] {strides = array<i32>} : memref<512x64xf32, #tpu.memory_space<vmem>>, vector<16xf32>,
      %mul3A_1031 = arith.mulf %get3A_1027, %get3A_1030 : vector<16xf32>
      %add3A_1032 = arith.addf %add3A_1023, %mul3A_1031 : vector<16xf32>
      %broadcast_in_dim3A = arith.constant true
      %broadcast_in_dim3A_1033 = vector.broadcast %broadcast_in_dim3A : i1 to vector<16xi1>
      %masked_cumsum3A = tpu.scan <sum>, %add3A_1032 masked %broadcast_in_dim3A_1033 : vector<16xf32>, vector<16xi1> -> vector<16xf32>
      %broadcast_in_dim3A_1034 = arith.constant 0 : i32
      %broadcast_in_dim3A_1035 = vector.broadcast %broadcast_in_dim3A_1034 : i32 to vector<16xi32>
      %add3A_1036 = vector.broadcast %add3A_999 : i32 to vector<16xi32>
      %add3A_1037 = arith.addi %broadcast_in_dim3A_1035, %add3A_1036 : vector<16xi32>
      tpu.vector_store_idx %arg11[%add3A_1037], %masked_cumsum3A masked %eq3A_17 : memref<512xf32, #tpu.memory_space<vmem>>[vector<16xi32>], vector<16xf32>, vector<16xi1>
      %mul3A_1038 = arith.constant 16 : i32
      %mul3A_1039 = arith.muli %scan3A_991, %mul3A_1038 : i32
      %add3A_1040 = arith.constant 1 : i32
      %add3A_1041 = arith.addi %mul3A_1039, %add3A_1040 : i32
      %slice3A_1042 = vector.extract_strided_slice %get3A_995 {offsets = [1], sizes = [1], strides = [1]} : vector<16xi32> to vector<1xi32>
      %squeeze3A_1043 = vector.extract %slice3A_1042[0] : i32 from vector<1xi32>
      %get3A_1044 = arith.index_cast %squeeze3A_1043 : i32 to index
      %get3A_1045 = tpu.vector_load %arg9[%get3A_1044] {strides = array<i32>} : memref<64000xf32, #tpu.memory_space<vmem>>, vector<16xf32>,
      %get3A_1046 = arith.index_cast %add3A_1041 : i32 to index
      %get3A_1047 = arith.constant 0 : index
      %get3A_1048 = tpu.vector_load %arg10[%get3A_1046, %get3A_1047] {strides = array<i32>} : memref<512x64xf32, #tpu.memory_space<vmem>>, vector<16xf32>,
      %mul3A_1049 = arith.mulf %get3A_1045, %get3A_1048 : vector<16xf32>
      %add3A_1050 = arith.constant 16 : i32
      %add3A_1051 = arith.addi %squeeze3A_1043, %add3A_1050 : i32
      %get3A_1052 = arith.index_cast %add3A_1051 : i32 to index
      %get3A_1053 = tpu.vector_load %arg9[%get3A_1052] {strides = array<i32>} : memref<64000xf32, #tpu.memory_space<vmem>>, vector<16xf32>,
      %get3A_1054 = arith.index_cast %add3A_1041 : i32 to index
      %get3A_1055 = arith.constant 16 : index
      %get3A_1056 = tpu.vector_load %arg10[%get3A_1054, %get3A_1055] {strides = array<i32>} : memref<512x64xf32, #tpu.memory_space<vmem>>, vector<16xf32>,
      %mul3A_1057 = arith.mulf %get3A_1053, %get3A_1056 : vector<16xf32>
      %add3A_1058 = arith.addf %mul3A_1049, %mul3A_1057 : vector<16xf32>
      %add3A_1059 = arith.constant 32 : i32
      %add3A_1060 = arith.addi %squeeze3A_1043, %add3A_1059 : i32
      %get3A_1061 = arith.index_cast %add3A_1060 : i32 to index
      %get3A_1062 = tpu.vector_load %arg9[%get3A_1061] {strides = array<i32>} : memref<64000xf32, #tpu.memory_space<vmem>>, vector<16xf32>,
      %get3A_1063 = arith.index_cast %add3A_1041 : i32 to index
      %get3A_1064 = arith.constant 32 : index
      %get3A_1065 = tpu.vector_load %arg10[%get3A_1063, %get3A_1064] {strides = array<i32>} : memref<512x64xf32, #tpu.memory_space<vmem>>, vector<16xf32>,
      %mul3A_1066 = arith.mulf %get3A_1062, %get3A_1065 : vector<16xf32>
      %add3A_1067 = arith.addf %add3A_1058, %mul3A_1066 : vector<16xf32>
      %add3A_1068 = arith.constant 48 : i32
      %add3A_1069 = arith.addi %squeeze3A_1043, %add3A_1068 : i32
      %get3A_1070 = arith.index_cast %add3A_1069 : i32 to index
      %get3A_1071 = tpu.vector_load %arg9[%get3A_1070] {strides = array<i32>} : memref<64000xf32, #tpu.memory_space<vmem>>, vector<16xf32>,
      %get3A_1072 = arith.index_cast %add3A_1041 : i32 to index
      %get3A_1073 = arith.constant 48 : index
      %get3A_1074 = tpu.vector_load %arg10[%get3A_1072, %get3A_1073] {strides = array<i32>} : memref<512x64xf32, #tpu.memory_space<vmem>>, vector<16xf32>,
      %mul3A_1075 = arith.mulf %get3A_1071, %get3A_1074 : vector<16xf32>
      %add3A_1076 = arith.addf %add3A_1067, %mul3A_1075 : vector<16xf32>
      %broadcast_in_dim3A_1077 = arith.constant true
      %broadcast_in_dim3A_1078 = vector.broadcast %broadcast_in_dim3A_1077 : i1 to vector<16xi1>
      %masked_cumsum3A_1079 = tpu.scan <sum>, %add3A_1076 masked %broadcast_in_dim3A_1078 : vector<16xf32>, vector<16xi1> -> vector<16xf32>
      %broadcast_in_dim3A_1080 = arith.constant 0 : i32
      %broadcast_in_dim3A_1081 = vector.broadcast %broadcast_in_dim3A_1080 : i32 to vector<16xi32>
      %add3A_1082 = vector.broadcast %add3A_1041 : i32 to vector<16xi32>
      %add3A_1083 = arith.addi %broadcast_in_dim3A_1081, %add3A_1082 : vector<16xi32>
      tpu.vector_store_idx %arg11[%add3A_1083], %masked_cumsum3A_1079 masked %eq3A_17 : memref<512xf32, #tpu.memory_space<vmem>>[vector<16xi32>], vector<16xf32>, vector<16xi1>
      %mul3A_1084 = arith.constant 16 : i32
      %mul3A_1085 = arith.muli %scan3A_991, %mul3A_1084 : i32
      %add3A_1086 = arith.constant 2 : i32
      %add3A_1087 = arith.addi %mul3A_1085, %add3A_1086 : i32
      %slice3A_1088 = vector.extract_strided_slice %get3A_995 {offsets = [2], sizes = [1], strides = [1]} : vector<16xi32> to vector<1xi32>
      %squeeze3A_1089 = vector.extract %slice3A_1088[0] : i32 from vector<1xi32>
      %get3A_1090 = arith.index_cast %squeeze3A_1089 : i32 to index
      %get3A_1091 = tpu.vector_load %arg9[%get3A_1090] {strides = array<i32>} : memref<64000xf32, #tpu.memory_space<vmem>>, vector<16xf32>,
      %get3A_1092 = arith.index_cast %add3A_1087 : i32 to index
      %get3A_1093 = arith.constant 0 : index
      %get3A_1094 = tpu.vector_load %arg10[%get3A_1092, %get3A_1093] {strides = array<i32>} : memref<512x64xf32, #tpu.memory_space<vmem>>, vector<16xf32>,
      %mul3A_1095 = arith.mulf %get3A_1091, %get3A_1094 : vector<16xf32>
      %add3A_1096 = arith.constant 16 : i32
      %add3A_1097 = arith.addi %squeeze3A_1089, %add3A_1096 : i32
      %get3A_1098 = arith.index_cast %add3A_1097 : i32 to index
      %get3A_1099 = tpu.vector_load %arg9[%get3A_1098] {strides = array<i32>} : memref<64000xf32, #tpu.memory_space<vmem>>, vector<16xf32>,
      %get3A_1100 = arith.index_cast %add3A_1087 : i32 to index
      %get3A_1101 = arith.constant 16 : index
      %get3A_1102 = tpu.vector_load %arg10[%get3A_1100, %get3A_1101] {strides = array<i32>} : memref<512x64xf32, #tpu.memory_space<vmem>>, vector<16xf32>,
      %mul3A_1103 = arith.mulf %get3A_1099, %get3A_1102 : vector<16xf32>
      %add3A_1104 = arith.addf %mul3A_1095, %mul3A_1103 : vector<16xf32>
      %add3A_1105 = arith.constant 32 : i32
      %add3A_1106 = arith.addi %squeeze3A_1089, %add3A_1105 : i32
      %get3A_1107 = arith.index_cast %add3A_1106 : i32 to index
      %get3A_1108 = tpu.vector_load %arg9[%get3A_1107] {strides = array<i32>} : memref<64000xf32, #tpu.memory_space<vmem>>, vector<16xf32>,
      %get3A_1109 = arith.index_cast %add3A_1087 : i32 to index
      %get3A_1110 = arith.constant 32 : index
      %get3A_1111 = tpu.vector_load %arg10[%get3A_1109, %get3A_1110] {strides = array<i32>} : memref<512x64xf32, #tpu.memory_space<vmem>>, vector<16xf32>,
      %mul3A_1112 = arith.mulf %get3A_1108, %get3A_1111 : vector<16xf32>
      %add3A_1113 = arith.addf %add3A_1104, %mul3A_1112 : vector<16xf32>
      %add3A_1114 = arith.constant 48 : i32
      %add3A_1115 = arith.addi %squeeze3A_1089, %add3A_1114 : i32
      %get3A_1116 = arith.index_cast %add3A_1115 : i32 to index
      %get3A_1117 = tpu.vector_load %arg9[%get3A_1116] {strides = array<i32>} : memref<64000xf32, #tpu.memory_space<vmem>>, vector<16xf32>,
      %get3A_1118 = arith.index_cast %add3A_1087 : i32 to index
      %get3A_1119 = arith.constant 48 : index
      %get3A_1120 = tpu.vector_load %arg10[%get3A_1118, %get3A_1119] {strides = array<i32>} : memref<512x64xf32, #tpu.memory_space<vmem>>, vector<16xf32>,
      %mul3A_1121 = arith.mulf %get3A_1117, %get3A_1120 : vector<16xf32>
      %add3A_1122 = arith.addf %add3A_1113, %mul3A_1121 : vector<16xf32>
      %broadcast_in_dim3A_1123 = arith.constant true
      %broadcast_in_dim3A_1124 = vector.broadcast %broadcast_in_dim3A_1123 : i1 to vector<16xi1>
      %masked_cumsum3A_1125 = tpu.scan <sum>, %add3A_1122 masked %broadcast_in_dim3A_1124 : vector<16xf32>, vector<16xi1> -> vector<16xf32>
      %broadcast_in_dim3A_1126 = arith.constant 0 : i32
      %broadcast_in_dim3A_1127 = vector.broadcast %broadcast_in_dim3A_1126 : i32 to vector<16xi32>
      %add3A_1128 = vector.broadcast %add3A_1087 : i32 to vector<16xi32>
      %add3A_1129 = arith.addi %broadcast_in_dim3A_1127, %add3A_1128 : vector<16xi32>
      tpu.vector_store_idx %arg11[%add3A_1129], %masked_cumsum3A_1125 masked %eq3A_17 : memref<512xf32, #tpu.memory_space<vmem>>[vector<16xi32>], vector<16xf32>, vector<16xi1>
      %mul3A_1130 = arith.constant 16 : i32
      %mul3A_1131 = arith.muli %scan3A_991, %mul3A_1130 : i32
      %add3A_1132 = arith.constant 3 : i32
      %add3A_1133 = arith.addi %mul3A_1131, %add3A_1132 : i32
      %slice3A_1134 = vector.extract_strided_slice %get3A_995 {offsets = [3], sizes = [1], strides = [1]} : vector<16xi32> to vector<1xi32>
      %squeeze3A_1135 = vector.extract %slice3A_1134[0] : i32 from vector<1xi32>
      %get3A_1136 = arith.index_cast %squeeze3A_1135 : i32 to index
      %get3A_1137 = tpu.vector_load %arg9[%get3A_1136] {strides = array<i32>} : memref<64000xf32, #tpu.memory_space<vmem>>, vector<16xf32>,
      %get3A_1138 = arith.index_cast %add3A_1133 : i32 to index
      %get3A_1139 = arith.constant 0 : index
      %get3A_1140 = tpu.vector_load %arg10[%get3A_1138, %get3A_1139] {strides = array<i32>} : memref<512x64xf32, #tpu.memory_space<vmem>>, vector<16xf32>,
      %mul3A_1141 = arith.mulf %get3A_1137, %get3A_1140 : vector<16xf32>
      %add3A_1142 = arith.constant 16 : i32
      %add3A_1143 = arith.addi %squeeze3A_1135, %add3A_1142 : i32
      %get3A_1144 = arith.index_cast %add3A_1143 : i32 to index
      %get3A_1145 = tpu.vector_load %arg9[%get3A_1144] {strides = array<i32>} : memref<64000xf32, #tpu.memory_space<vmem>>, vector<16xf32>,
      %get3A_1146 = arith.index_cast %add3A_1133 : i32 to index
      %get3A_1147 = arith.constant 16 : index
      %get3A_1148 = tpu.vector_load %arg10[%get3A_1146, %get3A_1147] {strides = array<i32>} : memref<512x64xf32, #tpu.memory_space<vmem>>, vector<16xf32>,
      %mul3A_1149 = arith.mulf %get3A_1145, %get3A_1148 : vector<16xf32>
      %add3A_1150 = arith.addf %mul3A_1141, %mul3A_1149 : vector<16xf32>
      %add3A_1151 = arith.constant 32 : i32
      %add3A_1152 = arith.addi %squeeze3A_1135, %add3A_1151 : i32
      %get3A_1153 = arith.index_cast %add3A_1152 : i32 to index
      %get3A_1154 = tpu.vector_load %arg9[%get3A_1153] {strides = array<i32>} : memref<64000xf32, #tpu.memory_space<vmem>>, vector<16xf32>,
      %get3A_1155 = arith.index_cast %add3A_1133 : i32 to index
      %get3A_1156 = arith.constant 32 : index
      %get3A_1157 = tpu.vector_load %arg10[%get3A_1155, %get3A_1156] {strides = array<i32>} : memref<512x64xf32, #tpu.memory_space<vmem>>, vector<16xf32>,
      %mul3A_1158 = arith.mulf %get3A_1154, %get3A_1157 : vector<16xf32>
      %add3A_1159 = arith.addf %add3A_1150, %mul3A_1158 : vector<16xf32>
      %add3A_1160 = arith.constant 48 : i32
      %add3A_1161 = arith.addi %squeeze3A_1135, %add3A_1160 : i32
      %get3A_1162 = arith.index_cast %add3A_1161 : i32 to index
      %get3A_1163 = tpu.vector_load %arg9[%get3A_1162] {strides = array<i32>} : memref<64000xf32, #tpu.memory_space<vmem>>, vector<16xf32>,
      %get3A_1164 = arith.index_cast %add3A_1133 : i32 to index
      %get3A_1165 = arith.constant 48 : index
      %get3A_1166 = tpu.vector_load %arg10[%get3A_1164, %get3A_1165] {strides = array<i32>} : memref<512x64xf32, #tpu.memory_space<vmem>>, vector<16xf32>,
      %mul3A_1167 = arith.mulf %get3A_1163, %get3A_1166 : vector<16xf32>
      %add3A_1168 = arith.addf %add3A_1159, %mul3A_1167 : vector<16xf32>
      %broadcast_in_dim3A_1169 = arith.constant true
      %broadcast_in_dim3A_1170 = vector.broadcast %broadcast_in_dim3A_1169 : i1 to vector<16xi1>
      %masked_cumsum3A_1171 = tpu.scan <sum>, %add3A_1168 masked %broadcast_in_dim3A_1170 : vector<16xf32>, vector<16xi1> -> vector<16xf32>
      %broadcast_in_dim3A_1172 = arith.constant 0 : i32
      %broadcast_in_dim3A_1173 = vector.broadcast %broadcast_in_dim3A_1172 : i32 to vector<16xi32>
      %add3A_1174 = vector.broadcast %add3A_1133 : i32 to vector<16xi32>
      %add3A_1175 = arith.addi %broadcast_in_dim3A_1173, %add3A_1174 : vector<16xi32>
      tpu.vector_store_idx %arg11[%add3A_1175], %masked_cumsum3A_1171 masked %eq3A_17 : memref<512xf32, #tpu.memory_space<vmem>>[vector<16xi32>], vector<16xf32>, vector<16xi1>
      %mul3A_1176 = arith.constant 16 : i32
      %mul3A_1177 = arith.muli %scan3A_991, %mul3A_1176 : i32
      %add3A_1178 = arith.constant 4 : i32
      %add3A_1179 = arith.addi %mul3A_1177, %add3A_1178 : i32
      %slice3A_1180 = vector.extract_strided_slice %get3A_995 {offsets = [4], sizes = [1], strides = [1]} : vector<16xi32> to vector<1xi32>
      %squeeze3A_1181 = vector.extract %slice3A_1180[0] : i32 from vector<1xi32>
      %get3A_1182 = arith.index_cast %squeeze3A_1181 : i32 to index
      %get3A_1183 = tpu.vector_load %arg9[%get3A_1182] {strides = array<i32>} : memref<64000xf32, #tpu.memory_space<vmem>>, vector<16xf32>,
      %get3A_1184 = arith.index_cast %add3A_1179 : i32 to index
      %get3A_1185 = arith.constant 0 : index
      %get3A_1186 = tpu.vector_load %arg10[%get3A_1184, %get3A_1185] {strides = array<i32>} : memref<512x64xf32, #tpu.memory_space<vmem>>, vector<16xf32>,
      %mul3A_1187 = arith.mulf %get3A_1183, %get3A_1186 : vector<16xf32>
      %add3A_1188 = arith.constant 16 : i32
      %add3A_1189 = arith.addi %squeeze3A_1181, %add3A_1188 : i32
      %get3A_1190 = arith.index_cast %add3A_1189 : i32 to index
      %get3A_1191 = tpu.vector_load %arg9[%get3A_1190] {strides = array<i32>} : memref<64000xf32, #tpu.memory_space<vmem>>, vector<16xf32>,
      %get3A_1192 = arith.index_cast %add3A_1179 : i32 to index
      %get3A_1193 = arith.constant 16 : index
      %get3A_1194 = tpu.vector_load %arg10[%get3A_1192, %get3A_1193] {strides = array<i32>} : memref<512x64xf32, #tpu.memory_space<vmem>>, vector<16xf32>,
      %mul3A_1195 = arith.mulf %get3A_1191, %get3A_1194 : vector<16xf32>
      %add3A_1196 = arith.addf %mul3A_1187, %mul3A_1195 : vector<16xf32>
      %add3A_1197 = arith.constant 32 : i32
      %add3A_1198 = arith.addi %squeeze3A_1181, %add3A_1197 : i32
      %get3A_1199 = arith.index_cast %add3A_1198 : i32 to index
      %get3A_1200 = tpu.vector_load %arg9[%get3A_1199] {strides = array<i32>} : memref<64000xf32, #tpu.memory_space<vmem>>, vector<16xf32>,
      %get3A_1201 = arith.index_cast %add3A_1179 : i32 to index
      %get3A_1202 = arith.constant 32 : index
      %get3A_1203 = tpu.vector_load %arg10[%get3A_1201, %get3A_1202] {strides = array<i32>} : memref<512x64xf32, #tpu.memory_space<vmem>>, vector<16xf32>,
      %mul3A_1204 = arith.mulf %get3A_1200, %get3A_1203 : vector<16xf32>
      %add3A_1205 = arith.addf %add3A_1196, %mul3A_1204 : vector<16xf32>
      %add3A_1206 = arith.constant 48 : i32
      %add3A_1207 = arith.addi %squeeze3A_1181, %add3A_1206 : i32
      %get3A_1208 = arith.index_cast %add3A_1207 : i32 to index
      %get3A_1209 = tpu.vector_load %arg9[%get3A_1208] {strides = array<i32>} : memref<64000xf32, #tpu.memory_space<vmem>>, vector<16xf32>,
      %get3A_1210 = arith.index_cast %add3A_1179 : i32 to index
      %get3A_1211 = arith.constant 48 : index
      %get3A_1212 = tpu.vector_load %arg10[%get3A_1210, %get3A_1211] {strides = array<i32>} : memref<512x64xf32, #tpu.memory_space<vmem>>, vector<16xf32>,
      %mul3A_1213 = arith.mulf %get3A_1209, %get3A_1212 : vector<16xf32>
      %add3A_1214 = arith.addf %add3A_1205, %mul3A_1213 : vector<16xf32>
      %broadcast_in_dim3A_1215 = arith.constant true
      %broadcast_in_dim3A_1216 = vector.broadcast %broadcast_in_dim3A_1215 : i1 to vector<16xi1>
      %masked_cumsum3A_1217 = tpu.scan <sum>, %add3A_1214 masked %broadcast_in_dim3A_1216 : vector<16xf32>, vector<16xi1> -> vector<16xf32>
      %broadcast_in_dim3A_1218 = arith.constant 0 : i32
      %broadcast_in_dim3A_1219 = vector.broadcast %broadcast_in_dim3A_1218 : i32 to vector<16xi32>
      %add3A_1220 = vector.broadcast %add3A_1179 : i32 to vector<16xi32>
      %add3A_1221 = arith.addi %broadcast_in_dim3A_1219, %add3A_1220 : vector<16xi32>
      tpu.vector_store_idx %arg11[%add3A_1221], %masked_cumsum3A_1217 masked %eq3A_17 : memref<512xf32, #tpu.memory_space<vmem>>[vector<16xi32>], vector<16xf32>, vector<16xi1>
      %mul3A_1222 = arith.constant 16 : i32
      %mul3A_1223 = arith.muli %scan3A_991, %mul3A_1222 : i32
      %add3A_1224 = arith.constant 5 : i32
      %add3A_1225 = arith.addi %mul3A_1223, %add3A_1224 : i32
      %slice3A_1226 = vector.extract_strided_slice %get3A_995 {offsets = [5], sizes = [1], strides = [1]} : vector<16xi32> to vector<1xi32>
      %squeeze3A_1227 = vector.extract %slice3A_1226[0] : i32 from vector<1xi32>
      %get3A_1228 = arith.index_cast %squeeze3A_1227 : i32 to index
      %get3A_1229 = tpu.vector_load %arg9[%get3A_1228] {strides = array<i32>} : memref<64000xf32, #tpu.memory_space<vmem>>, vector<16xf32>,
      %get3A_1230 = arith.index_cast %add3A_1225 : i32 to index
      %get3A_1231 = arith.constant 0 : index
      %get3A_1232 = tpu.vector_load %arg10[%get3A_1230, %get3A_1231] {strides = array<i32>} : memref<512x64xf32, #tpu.memory_space<vmem>>, vector<16xf32>,
      %mul3A_1233 = arith.mulf %get3A_1229, %get3A_1232 : vector<16xf32>
      %add3A_1234 = arith.constant 16 : i32
      %add3A_1235 = arith.addi %squeeze3A_1227, %add3A_1234 : i32
      %get3A_1236 = arith.index_cast %add3A_1235 : i32 to index
      %get3A_1237 = tpu.vector_load %arg9[%get3A_1236] {strides = array<i32>} : memref<64000xf32, #tpu.memory_space<vmem>>, vector<16xf32>,
      %get3A_1238 = arith.index_cast %add3A_1225 : i32 to index
      %get3A_1239 = arith.constant 16 : index
      %get3A_1240 = tpu.vector_load %arg10[%get3A_1238, %get3A_1239] {strides = array<i32>} : memref<512x64xf32, #tpu.memory_space<vmem>>, vector<16xf32>,
      %mul3A_1241 = arith.mulf %get3A_1237, %get3A_1240 : vector<16xf32>
      %add3A_1242 = arith.addf %mul3A_1233, %mul3A_1241 : vector<16xf32>
      %add3A_1243 = arith.constant 32 : i32
      %add3A_1244 = arith.addi %squeeze3A_1227, %add3A_1243 : i32
      %get3A_1245 = arith.index_cast %add3A_1244 : i32 to index
      %get3A_1246 = tpu.vector_load %arg9[%get3A_1245] {strides = array<i32>} : memref<64000xf32, #tpu.memory_space<vmem>>, vector<16xf32>,
      %get3A_1247 = arith.index_cast %add3A_1225 : i32 to index
      %get3A_1248 = arith.constant 32 : index
      %get3A_1249 = tpu.vector_load %arg10[%get3A_1247, %get3A_1248] {strides = array<i32>} : memref<512x64xf32, #tpu.memory_space<vmem>>, vector<16xf32>,
      %mul3A_1250 = arith.mulf %get3A_1246, %get3A_1249 : vector<16xf32>
      %add3A_1251 = arith.addf %add3A_1242, %mul3A_1250 : vector<16xf32>
      %add3A_1252 = arith.constant 48 : i32
      %add3A_1253 = arith.addi %squeeze3A_1227, %add3A_1252 : i32
      %get3A_1254 = arith.index_cast %add3A_1253 : i32 to index
      %get3A_1255 = tpu.vector_load %arg9[%get3A_1254] {strides = array<i32>} : memref<64000xf32, #tpu.memory_space<vmem>>, vector<16xf32>,
      %get3A_1256 = arith.index_cast %add3A_1225 : i32 to index
      %get3A_1257 = arith.constant 48 : index
      %get3A_1258 = tpu.vector_load %arg10[%get3A_1256, %get3A_1257] {strides = array<i32>} : memref<512x64xf32, #tpu.memory_space<vmem>>, vector<16xf32>,
      %mul3A_1259 = arith.mulf %get3A_1255, %get3A_1258 : vector<16xf32>
      %add3A_1260 = arith.addf %add3A_1251, %mul3A_1259 : vector<16xf32>
      %broadcast_in_dim3A_1261 = arith.constant true
      %broadcast_in_dim3A_1262 = vector.broadcast %broadcast_in_dim3A_1261 : i1 to vector<16xi1>
      %masked_cumsum3A_1263 = tpu.scan <sum>, %add3A_1260 masked %broadcast_in_dim3A_1262 : vector<16xf32>, vector<16xi1> -> vector<16xf32>
      %broadcast_in_dim3A_1264 = arith.constant 0 : i32
      %broadcast_in_dim3A_1265 = vector.broadcast %broadcast_in_dim3A_1264 : i32 to vector<16xi32>
      %add3A_1266 = vector.broadcast %add3A_1225 : i32 to vector<16xi32>
      %add3A_1267 = arith.addi %broadcast_in_dim3A_1265, %add3A_1266 : vector<16xi32>
      tpu.vector_store_idx %arg11[%add3A_1267], %masked_cumsum3A_1263 masked %eq3A_17 : memref<512xf32, #tpu.memory_space<vmem>>[vector<16xi32>], vector<16xf32>, vector<16xi1>
      %mul3A_1268 = arith.constant 16 : i32
      %mul3A_1269 = arith.muli %scan3A_991, %mul3A_1268 : i32
      %add3A_1270 = arith.constant 6 : i32
      %add3A_1271 = arith.addi %mul3A_1269, %add3A_1270 : i32
      %slice3A_1272 = vector.extract_strided_slice %get3A_995 {offsets = [6], sizes = [1], strides = [1]} : vector<16xi32> to vector<1xi32>
      %squeeze3A_1273 = vector.extract %slice3A_1272[0] : i32 from vector<1xi32>
      %get3A_1274 = arith.index_cast %squeeze3A_1273 : i32 to index
      %get3A_1275 = tpu.vector_load %arg9[%get3A_1274] {strides = array<i32>} : memref<64000xf32, #tpu.memory_space<vmem>>, vector<16xf32>,
      %get3A_1276 = arith.index_cast %add3A_1271 : i32 to index
      %get3A_1277 = arith.constant 0 : index
      %get3A_1278 = tpu.vector_load %arg10[%get3A_1276, %get3A_1277] {strides = array<i32>} : memref<512x64xf32, #tpu.memory_space<vmem>>, vector<16xf32>,
      %mul3A_1279 = arith.mulf %get3A_1275, %get3A_1278 : vector<16xf32>
      %add3A_1280 = arith.constant 16 : i32
      %add3A_1281 = arith.addi %squeeze3A_1273, %add3A_1280 : i32
      %get3A_1282 = arith.index_cast %add3A_1281 : i32 to index
      %get3A_1283 = tpu.vector_load %arg9[%get3A_1282] {strides = array<i32>} : memref<64000xf32, #tpu.memory_space<vmem>>, vector<16xf32>,
      %get3A_1284 = arith.index_cast %add3A_1271 : i32 to index
      %get3A_1285 = arith.constant 16 : index
      %get3A_1286 = tpu.vector_load %arg10[%get3A_1284, %get3A_1285] {strides = array<i32>} : memref<512x64xf32, #tpu.memory_space<vmem>>, vector<16xf32>,
      %mul3A_1287 = arith.mulf %get3A_1283, %get3A_1286 : vector<16xf32>
      %add3A_1288 = arith.addf %mul3A_1279, %mul3A_1287 : vector<16xf32>
      %add3A_1289 = arith.constant 32 : i32
      %add3A_1290 = arith.addi %squeeze3A_1273, %add3A_1289 : i32
      %get3A_1291 = arith.index_cast %add3A_1290 : i32 to index
      %get3A_1292 = tpu.vector_load %arg9[%get3A_1291] {strides = array<i32>} : memref<64000xf32, #tpu.memory_space<vmem>>, vector<16xf32>,
      %get3A_1293 = arith.index_cast %add3A_1271 : i32 to index
      %get3A_1294 = arith.constant 32 : index
      %get3A_1295 = tpu.vector_load %arg10[%get3A_1293, %get3A_1294] {strides = array<i32>} : memref<512x64xf32, #tpu.memory_space<vmem>>, vector<16xf32>,
      %mul3A_1296 = arith.mulf %get3A_1292, %get3A_1295 : vector<16xf32>
      %add3A_1297 = arith.addf %add3A_1288, %mul3A_1296 : vector<16xf32>
      %add3A_1298 = arith.constant 48 : i32
      %add3A_1299 = arith.addi %squeeze3A_1273, %add3A_1298 : i32
      %get3A_1300 = arith.index_cast %add3A_1299 : i32 to index
      %get3A_1301 = tpu.vector_load %arg9[%get3A_1300] {strides = array<i32>} : memref<64000xf32, #tpu.memory_space<vmem>>, vector<16xf32>,
      %get3A_1302 = arith.index_cast %add3A_1271 : i32 to index
      %get3A_1303 = arith.constant 48 : index
      %get3A_1304 = tpu.vector_load %arg10[%get3A_1302, %get3A_1303] {strides = array<i32>} : memref<512x64xf32, #tpu.memory_space<vmem>>, vector<16xf32>,
      %mul3A_1305 = arith.mulf %get3A_1301, %get3A_1304 : vector<16xf32>
      %add3A_1306 = arith.addf %add3A_1297, %mul3A_1305 : vector<16xf32>
      %broadcast_in_dim3A_1307 = arith.constant true
      %broadcast_in_dim3A_1308 = vector.broadcast %broadcast_in_dim3A_1307 : i1 to vector<16xi1>
      %masked_cumsum3A_1309 = tpu.scan <sum>, %add3A_1306 masked %broadcast_in_dim3A_1308 : vector<16xf32>, vector<16xi1> -> vector<16xf32>
      %broadcast_in_dim3A_1310 = arith.constant 0 : i32
      %broadcast_in_dim3A_1311 = vector.broadcast %broadcast_in_dim3A_1310 : i32 to vector<16xi32>
      %add3A_1312 = vector.broadcast %add3A_1271 : i32 to vector<16xi32>
      %add3A_1313 = arith.addi %broadcast_in_dim3A_1311, %add3A_1312 : vector<16xi32>
      tpu.vector_store_idx %arg11[%add3A_1313], %masked_cumsum3A_1309 masked %eq3A_17 : memref<512xf32, #tpu.memory_space<vmem>>[vector<16xi32>], vector<16xf32>, vector<16xi1>
      %mul3A_1314 = arith.constant 16 : i32
      %mul3A_1315 = arith.muli %scan3A_991, %mul3A_1314 : i32
      %add3A_1316 = arith.constant 7 : i32
      %add3A_1317 = arith.addi %mul3A_1315, %add3A_1316 : i32
      %slice3A_1318 = vector.extract_strided_slice %get3A_995 {offsets = [7], sizes = [1], strides = [1]} : vector<16xi32> to vector<1xi32>
      %squeeze3A_1319 = vector.extract %slice3A_1318[0] : i32 from vector<1xi32>
      %get3A_1320 = arith.index_cast %squeeze3A_1319 : i32 to index
      %get3A_1321 = tpu.vector_load %arg9[%get3A_1320] {strides = array<i32>} : memref<64000xf32, #tpu.memory_space<vmem>>, vector<16xf32>,
      %get3A_1322 = arith.index_cast %add3A_1317 : i32 to index
      %get3A_1323 = arith.constant 0 : index
      %get3A_1324 = tpu.vector_load %arg10[%get3A_1322, %get3A_1323] {strides = array<i32>} : memref<512x64xf32, #tpu.memory_space<vmem>>, vector<16xf32>,
      %mul3A_1325 = arith.mulf %get3A_1321, %get3A_1324 : vector<16xf32>
      %add3A_1326 = arith.constant 16 : i32
      %add3A_1327 = arith.addi %squeeze3A_1319, %add3A_1326 : i32
      %get3A_1328 = arith.index_cast %add3A_1327 : i32 to index
      %get3A_1329 = tpu.vector_load %arg9[%get3A_1328] {strides = array<i32>} : memref<64000xf32, #tpu.memory_space<vmem>>, vector<16xf32>,
      %get3A_1330 = arith.index_cast %add3A_1317 : i32 to index
      %get3A_1331 = arith.constant 16 : index
      %get3A_1332 = tpu.vector_load %arg10[%get3A_1330, %get3A_1331] {strides = array<i32>} : memref<512x64xf32, #tpu.memory_space<vmem>>, vector<16xf32>,
      %mul3A_1333 = arith.mulf %get3A_1329, %get3A_1332 : vector<16xf32>
      %add3A_1334 = arith.addf %mul3A_1325, %mul3A_1333 : vector<16xf32>
      %add3A_1335 = arith.constant 32 : i32
      %add3A_1336 = arith.addi %squeeze3A_1319, %add3A_1335 : i32
      %get3A_1337 = arith.index_cast %add3A_1336 : i32 to index
      %get3A_1338 = tpu.vector_load %arg9[%get3A_1337] {strides = array<i32>} : memref<64000xf32, #tpu.memory_space<vmem>>, vector<16xf32>,
      %get3A_1339 = arith.index_cast %add3A_1317 : i32 to index
      %get3A_1340 = arith.constant 32 : index
      %get3A_1341 = tpu.vector_load %arg10[%get3A_1339, %get3A_1340] {strides = array<i32>} : memref<512x64xf32, #tpu.memory_space<vmem>>, vector<16xf32>,
      %mul3A_1342 = arith.mulf %get3A_1338, %get3A_1341 : vector<16xf32>
      %add3A_1343 = arith.addf %add3A_1334, %mul3A_1342 : vector<16xf32>
      %add3A_1344 = arith.constant 48 : i32
      %add3A_1345 = arith.addi %squeeze3A_1319, %add3A_1344 : i32
      %get3A_1346 = arith.index_cast %add3A_1345 : i32 to index
      %get3A_1347 = tpu.vector_load %arg9[%get3A_1346] {strides = array<i32>} : memref<64000xf32, #tpu.memory_space<vmem>>, vector<16xf32>,
      %get3A_1348 = arith.index_cast %add3A_1317 : i32 to index
      %get3A_1349 = arith.constant 48 : index
      %get3A_1350 = tpu.vector_load %arg10[%get3A_1348, %get3A_1349] {strides = array<i32>} : memref<512x64xf32, #tpu.memory_space<vmem>>, vector<16xf32>,
      %mul3A_1351 = arith.mulf %get3A_1347, %get3A_1350 : vector<16xf32>
      %add3A_1352 = arith.addf %add3A_1343, %mul3A_1351 : vector<16xf32>
      %broadcast_in_dim3A_1353 = arith.constant true
      %broadcast_in_dim3A_1354 = vector.broadcast %broadcast_in_dim3A_1353 : i1 to vector<16xi1>
      %masked_cumsum3A_1355 = tpu.scan <sum>, %add3A_1352 masked %broadcast_in_dim3A_1354 : vector<16xf32>, vector<16xi1> -> vector<16xf32>
      %broadcast_in_dim3A_1356 = arith.constant 0 : i32
      %broadcast_in_dim3A_1357 = vector.broadcast %broadcast_in_dim3A_1356 : i32 to vector<16xi32>
      %add3A_1358 = vector.broadcast %add3A_1317 : i32 to vector<16xi32>
      %add3A_1359 = arith.addi %broadcast_in_dim3A_1357, %add3A_1358 : vector<16xi32>
      tpu.vector_store_idx %arg11[%add3A_1359], %masked_cumsum3A_1355 masked %eq3A_17 : memref<512xf32, #tpu.memory_space<vmem>>[vector<16xi32>], vector<16xf32>, vector<16xi1>
      %mul3A_1360 = arith.constant 16 : i32
      %mul3A_1361 = arith.muli %scan3A_991, %mul3A_1360 : i32
      %add3A_1362 = arith.constant 8 : i32
      %add3A_1363 = arith.addi %mul3A_1361, %add3A_1362 : i32
      %slice3A_1364 = vector.extract_strided_slice %get3A_995 {offsets = [8], sizes = [1], strides = [1]} : vector<16xi32> to vector<1xi32>
      %squeeze3A_1365 = vector.extract %slice3A_1364[0] : i32 from vector<1xi32>
      %get3A_1366 = arith.index_cast %squeeze3A_1365 : i32 to index
      %get3A_1367 = tpu.vector_load %arg9[%get3A_1366] {strides = array<i32>} : memref<64000xf32, #tpu.memory_space<vmem>>, vector<16xf32>,
      %get3A_1368 = arith.index_cast %add3A_1363 : i32 to index
      %get3A_1369 = arith.constant 0 : index
      %get3A_1370 = tpu.vector_load %arg10[%get3A_1368, %get3A_1369] {strides = array<i32>} : memref<512x64xf32, #tpu.memory_space<vmem>>, vector<16xf32>,
      %mul3A_1371 = arith.mulf %get3A_1367, %get3A_1370 : vector<16xf32>
      %add3A_1372 = arith.constant 16 : i32
      %add3A_1373 = arith.addi %squeeze3A_1365, %add3A_1372 : i32
      %get3A_1374 = arith.index_cast %add3A_1373 : i32 to index
      %get3A_1375 = tpu.vector_load %arg9[%get3A_1374] {strides = array<i32>} : memref<64000xf32, #tpu.memory_space<vmem>>, vector<16xf32>,
      %get3A_1376 = arith.index_cast %add3A_1363 : i32 to index
      %get3A_1377 = arith.constant 16 : index
      %get3A_1378 = tpu.vector_load %arg10[%get3A_1376, %get3A_1377] {strides = array<i32>} : memref<512x64xf32, #tpu.memory_space<vmem>>, vector<16xf32>,
      %mul3A_1379 = arith.mulf %get3A_1375, %get3A_1378 : vector<16xf32>
      %add3A_1380 = arith.addf %mul3A_1371, %mul3A_1379 : vector<16xf32>
      %add3A_1381 = arith.constant 32 : i32
      %add3A_1382 = arith.addi %squeeze3A_1365, %add3A_1381 : i32
      %get3A_1383 = arith.index_cast %add3A_1382 : i32 to index
      %get3A_1384 = tpu.vector_load %arg9[%get3A_1383] {strides = array<i32>} : memref<64000xf32, #tpu.memory_space<vmem>>, vector<16xf32>,
      %get3A_1385 = arith.index_cast %add3A_1363 : i32 to index
      %get3A_1386 = arith.constant 32 : index
      %get3A_1387 = tpu.vector_load %arg10[%get3A_1385, %get3A_1386] {strides = array<i32>} : memref<512x64xf32, #tpu.memory_space<vmem>>, vector<16xf32>,
      %mul3A_1388 = arith.mulf %get3A_1384, %get3A_1387 : vector<16xf32>
      %add3A_1389 = arith.addf %add3A_1380, %mul3A_1388 : vector<16xf32>
      %add3A_1390 = arith.constant 48 : i32
      %add3A_1391 = arith.addi %squeeze3A_1365, %add3A_1390 : i32
      %get3A_1392 = arith.index_cast %add3A_1391 : i32 to index
      %get3A_1393 = tpu.vector_load %arg9[%get3A_1392] {strides = array<i32>} : memref<64000xf32, #tpu.memory_space<vmem>>, vector<16xf32>,
      %get3A_1394 = arith.index_cast %add3A_1363 : i32 to index
      %get3A_1395 = arith.constant 48 : index
      %get3A_1396 = tpu.vector_load %arg10[%get3A_1394, %get3A_1395] {strides = array<i32>} : memref<512x64xf32, #tpu.memory_space<vmem>>, vector<16xf32>,
      %mul3A_1397 = arith.mulf %get3A_1393, %get3A_1396 : vector<16xf32>
      %add3A_1398 = arith.addf %add3A_1389, %mul3A_1397 : vector<16xf32>
      %broadcast_in_dim3A_1399 = arith.constant true
      %broadcast_in_dim3A_1400 = vector.broadcast %broadcast_in_dim3A_1399 : i1 to vector<16xi1>
      %masked_cumsum3A_1401 = tpu.scan <sum>, %add3A_1398 masked %broadcast_in_dim3A_1400 : vector<16xf32>, vector<16xi1> -> vector<16xf32>
      %broadcast_in_dim3A_1402 = arith.constant 0 : i32
      %broadcast_in_dim3A_1403 = vector.broadcast %broadcast_in_dim3A_1402 : i32 to vector<16xi32>
      %add3A_1404 = vector.broadcast %add3A_1363 : i32 to vector<16xi32>
      %add3A_1405 = arith.addi %broadcast_in_dim3A_1403, %add3A_1404 : vector<16xi32>
      tpu.vector_store_idx %arg11[%add3A_1405], %masked_cumsum3A_1401 masked %eq3A_17 : memref<512xf32, #tpu.memory_space<vmem>>[vector<16xi32>], vector<16xf32>, vector<16xi1>
      %mul3A_1406 = arith.constant 16 : i32
      %mul3A_1407 = arith.muli %scan3A_991, %mul3A_1406 : i32
      %add3A_1408 = arith.constant 9 : i32
      %add3A_1409 = arith.addi %mul3A_1407, %add3A_1408 : i32
      %slice3A_1410 = vector.extract_strided_slice %get3A_995 {offsets = [9], sizes = [1], strides = [1]} : vector<16xi32> to vector<1xi32>
      %squeeze3A_1411 = vector.extract %slice3A_1410[0] : i32 from vector<1xi32>
      %get3A_1412 = arith.index_cast %squeeze3A_1411 : i32 to index
      %get3A_1413 = tpu.vector_load %arg9[%get3A_1412] {strides = array<i32>} : memref<64000xf32, #tpu.memory_space<vmem>>, vector<16xf32>,
      %get3A_1414 = arith.index_cast %add3A_1409 : i32 to index
      %get3A_1415 = arith.constant 0 : index
      %get3A_1416 = tpu.vector_load %arg10[%get3A_1414, %get3A_1415] {strides = array<i32>} : memref<512x64xf32, #tpu.memory_space<vmem>>, vector<16xf32>,
      %mul3A_1417 = arith.mulf %get3A_1413, %get3A_1416 : vector<16xf32>
      %add3A_1418 = arith.constant 16 : i32
      %add3A_1419 = arith.addi %squeeze3A_1411, %add3A_1418 : i32
      %get3A_1420 = arith.index_cast %add3A_1419 : i32 to index
      %get3A_1421 = tpu.vector_load %arg9[%get3A_1420] {strides = array<i32>} : memref<64000xf32, #tpu.memory_space<vmem>>, vector<16xf32>,
      %get3A_1422 = arith.index_cast %add3A_1409 : i32 to index
      %get3A_1423 = arith.constant 16 : index
      %get3A_1424 = tpu.vector_load %arg10[%get3A_1422, %get3A_1423] {strides = array<i32>} : memref<512x64xf32, #tpu.memory_space<vmem>>, vector<16xf32>,
      %mul3A_1425 = arith.mulf %get3A_1421, %get3A_1424 : vector<16xf32>
      %add3A_1426 = arith.addf %mul3A_1417, %mul3A_1425 : vector<16xf32>
      %add3A_1427 = arith.constant 32 : i32
      %add3A_1428 = arith.addi %squeeze3A_1411, %add3A_1427 : i32
      %get3A_1429 = arith.index_cast %add3A_1428 : i32 to index
      %get3A_1430 = tpu.vector_load %arg9[%get3A_1429] {strides = array<i32>} : memref<64000xf32, #tpu.memory_space<vmem>>, vector<16xf32>,
      %get3A_1431 = arith.index_cast %add3A_1409 : i32 to index
      %get3A_1432 = arith.constant 32 : index
      %get3A_1433 = tpu.vector_load %arg10[%get3A_1431, %get3A_1432] {strides = array<i32>} : memref<512x64xf32, #tpu.memory_space<vmem>>, vector<16xf32>,
      %mul3A_1434 = arith.mulf %get3A_1430, %get3A_1433 : vector<16xf32>
      %add3A_1435 = arith.addf %add3A_1426, %mul3A_1434 : vector<16xf32>
      %add3A_1436 = arith.constant 48 : i32
      %add3A_1437 = arith.addi %squeeze3A_1411, %add3A_1436 : i32
      %get3A_1438 = arith.index_cast %add3A_1437 : i32 to index
      %get3A_1439 = tpu.vector_load %arg9[%get3A_1438] {strides = array<i32>} : memref<64000xf32, #tpu.memory_space<vmem>>, vector<16xf32>,
      %get3A_1440 = arith.index_cast %add3A_1409 : i32 to index
      %get3A_1441 = arith.constant 48 : index
      %get3A_1442 = tpu.vector_load %arg10[%get3A_1440, %get3A_1441] {strides = array<i32>} : memref<512x64xf32, #tpu.memory_space<vmem>>, vector<16xf32>,
      %mul3A_1443 = arith.mulf %get3A_1439, %get3A_1442 : vector<16xf32>
      %add3A_1444 = arith.addf %add3A_1435, %mul3A_1443 : vector<16xf32>
      %broadcast_in_dim3A_1445 = arith.constant true
      %broadcast_in_dim3A_1446 = vector.broadcast %broadcast_in_dim3A_1445 : i1 to vector<16xi1>
      %masked_cumsum3A_1447 = tpu.scan <sum>, %add3A_1444 masked %broadcast_in_dim3A_1446 : vector<16xf32>, vector<16xi1> -> vector<16xf32>
      %broadcast_in_dim3A_1448 = arith.constant 0 : i32
      %broadcast_in_dim3A_1449 = vector.broadcast %broadcast_in_dim3A_1448 : i32 to vector<16xi32>
      %add3A_1450 = vector.broadcast %add3A_1409 : i32 to vector<16xi32>
      %add3A_1451 = arith.addi %broadcast_in_dim3A_1449, %add3A_1450 : vector<16xi32>
      tpu.vector_store_idx %arg11[%add3A_1451], %masked_cumsum3A_1447 masked %eq3A_17 : memref<512xf32, #tpu.memory_space<vmem>>[vector<16xi32>], vector<16xf32>, vector<16xi1>
      %mul3A_1452 = arith.constant 16 : i32
      %mul3A_1453 = arith.muli %scan3A_991, %mul3A_1452 : i32
      %add3A_1454 = arith.constant 10 : i32
      %add3A_1455 = arith.addi %mul3A_1453, %add3A_1454 : i32
      %slice3A_1456 = vector.extract_strided_slice %get3A_995 {offsets = [10], sizes = [1], strides = [1]} : vector<16xi32> to vector<1xi32>
      %squeeze3A_1457 = vector.extract %slice3A_1456[0] : i32 from vector<1xi32>
      %get3A_1458 = arith.index_cast %squeeze3A_1457 : i32 to index
      %get3A_1459 = tpu.vector_load %arg9[%get3A_1458] {strides = array<i32>} : memref<64000xf32, #tpu.memory_space<vmem>>, vector<16xf32>,
      %get3A_1460 = arith.index_cast %add3A_1455 : i32 to index
      %get3A_1461 = arith.constant 0 : index
      %get3A_1462 = tpu.vector_load %arg10[%get3A_1460, %get3A_1461] {strides = array<i32>} : memref<512x64xf32, #tpu.memory_space<vmem>>, vector<16xf32>,
      %mul3A_1463 = arith.mulf %get3A_1459, %get3A_1462 : vector<16xf32>
      %add3A_1464 = arith.constant 16 : i32
      %add3A_1465 = arith.addi %squeeze3A_1457, %add3A_1464 : i32
      %get3A_1466 = arith.index_cast %add3A_1465 : i32 to index
      %get3A_1467 = tpu.vector_load %arg9[%get3A_1466] {strides = array<i32>} : memref<64000xf32, #tpu.memory_space<vmem>>, vector<16xf32>,
      %get3A_1468 = arith.index_cast %add3A_1455 : i32 to index
      %get3A_1469 = arith.constant 16 : index
      %get3A_1470 = tpu.vector_load %arg10[%get3A_1468, %get3A_1469] {strides = array<i32>} : memref<512x64xf32, #tpu.memory_space<vmem>>, vector<16xf32>,
      %mul3A_1471 = arith.mulf %get3A_1467, %get3A_1470 : vector<16xf32>
      %add3A_1472 = arith.addf %mul3A_1463, %mul3A_1471 : vector<16xf32>
      %add3A_1473 = arith.constant 32 : i32
      %add3A_1474 = arith.addi %squeeze3A_1457, %add3A_1473 : i32
      %get3A_1475 = arith.index_cast %add3A_1474 : i32 to index
      %get3A_1476 = tpu.vector_load %arg9[%get3A_1475] {strides = array<i32>} : memref<64000xf32, #tpu.memory_space<vmem>>, vector<16xf32>,
      %get3A_1477 = arith.index_cast %add3A_1455 : i32 to index
      %get3A_1478 = arith.constant 32 : index
      %get3A_1479 = tpu.vector_load %arg10[%get3A_1477, %get3A_1478] {strides = array<i32>} : memref<512x64xf32, #tpu.memory_space<vmem>>, vector<16xf32>,
      %mul3A_1480 = arith.mulf %get3A_1476, %get3A_1479 : vector<16xf32>
      %add3A_1481 = arith.addf %add3A_1472, %mul3A_1480 : vector<16xf32>
      %add3A_1482 = arith.constant 48 : i32
      %add3A_1483 = arith.addi %squeeze3A_1457, %add3A_1482 : i32
      %get3A_1484 = arith.index_cast %add3A_1483 : i32 to index
      %get3A_1485 = tpu.vector_load %arg9[%get3A_1484] {strides = array<i32>} : memref<64000xf32, #tpu.memory_space<vmem>>, vector<16xf32>,
      %get3A_1486 = arith.index_cast %add3A_1455 : i32 to index
      %get3A_1487 = arith.constant 48 : index
      %get3A_1488 = tpu.vector_load %arg10[%get3A_1486, %get3A_1487] {strides = array<i32>} : memref<512x64xf32, #tpu.memory_space<vmem>>, vector<16xf32>,
      %mul3A_1489 = arith.mulf %get3A_1485, %get3A_1488 : vector<16xf32>
      %add3A_1490 = arith.addf %add3A_1481, %mul3A_1489 : vector<16xf32>
      %broadcast_in_dim3A_1491 = arith.constant true
      %broadcast_in_dim3A_1492 = vector.broadcast %broadcast_in_dim3A_1491 : i1 to vector<16xi1>
      %masked_cumsum3A_1493 = tpu.scan <sum>, %add3A_1490 masked %broadcast_in_dim3A_1492 : vector<16xf32>, vector<16xi1> -> vector<16xf32>
      %broadcast_in_dim3A_1494 = arith.constant 0 : i32
      %broadcast_in_dim3A_1495 = vector.broadcast %broadcast_in_dim3A_1494 : i32 to vector<16xi32>
      %add3A_1496 = vector.broadcast %add3A_1455 : i32 to vector<16xi32>
      %add3A_1497 = arith.addi %broadcast_in_dim3A_1495, %add3A_1496 : vector<16xi32>
      tpu.vector_store_idx %arg11[%add3A_1497], %masked_cumsum3A_1493 masked %eq3A_17 : memref<512xf32, #tpu.memory_space<vmem>>[vector<16xi32>], vector<16xf32>, vector<16xi1>
      %mul3A_1498 = arith.constant 16 : i32
      %mul3A_1499 = arith.muli %scan3A_991, %mul3A_1498 : i32
      %add3A_1500 = arith.constant 11 : i32
      %add3A_1501 = arith.addi %mul3A_1499, %add3A_1500 : i32
      %slice3A_1502 = vector.extract_strided_slice %get3A_995 {offsets = [11], sizes = [1], strides = [1]} : vector<16xi32> to vector<1xi32>
      %squeeze3A_1503 = vector.extract %slice3A_1502[0] : i32 from vector<1xi32>
      %get3A_1504 = arith.index_cast %squeeze3A_1503 : i32 to index
      %get3A_1505 = tpu.vector_load %arg9[%get3A_1504] {strides = array<i32>} : memref<64000xf32, #tpu.memory_space<vmem>>, vector<16xf32>,
      %get3A_1506 = arith.index_cast %add3A_1501 : i32 to index
      %get3A_1507 = arith.constant 0 : index
      %get3A_1508 = tpu.vector_load %arg10[%get3A_1506, %get3A_1507] {strides = array<i32>} : memref<512x64xf32, #tpu.memory_space<vmem>>, vector<16xf32>,
      %mul3A_1509 = arith.mulf %get3A_1505, %get3A_1508 : vector<16xf32>
      %add3A_1510 = arith.constant 16 : i32
      %add3A_1511 = arith.addi %squeeze3A_1503, %add3A_1510 : i32
      %get3A_1512 = arith.index_cast %add3A_1511 : i32 to index
      %get3A_1513 = tpu.vector_load %arg9[%get3A_1512] {strides = array<i32>} : memref<64000xf32, #tpu.memory_space<vmem>>, vector<16xf32>,
      %get3A_1514 = arith.index_cast %add3A_1501 : i32 to index
      %get3A_1515 = arith.constant 16 : index
      %get3A_1516 = tpu.vector_load %arg10[%get3A_1514, %get3A_1515] {strides = array<i32>} : memref<512x64xf32, #tpu.memory_space<vmem>>, vector<16xf32>,
      %mul3A_1517 = arith.mulf %get3A_1513, %get3A_1516 : vector<16xf32>
      %add3A_1518 = arith.addf %mul3A_1509, %mul3A_1517 : vector<16xf32>
      %add3A_1519 = arith.constant 32 : i32
      %add3A_1520 = arith.addi %squeeze3A_1503, %add3A_1519 : i32
      %get3A_1521 = arith.index_cast %add3A_1520 : i32 to index
      %get3A_1522 = tpu.vector_load %arg9[%get3A_1521] {strides = array<i32>} : memref<64000xf32, #tpu.memory_space<vmem>>, vector<16xf32>,
      %get3A_1523 = arith.index_cast %add3A_1501 : i32 to index
      %get3A_1524 = arith.constant 32 : index
      %get3A_1525 = tpu.vector_load %arg10[%get3A_1523, %get3A_1524] {strides = array<i32>} : memref<512x64xf32, #tpu.memory_space<vmem>>, vector<16xf32>,
      %mul3A_1526 = arith.mulf %get3A_1522, %get3A_1525 : vector<16xf32>
      %add3A_1527 = arith.addf %add3A_1518, %mul3A_1526 : vector<16xf32>
      %add3A_1528 = arith.constant 48 : i32
      %add3A_1529 = arith.addi %squeeze3A_1503, %add3A_1528 : i32
      %get3A_1530 = arith.index_cast %add3A_1529 : i32 to index
      %get3A_1531 = tpu.vector_load %arg9[%get3A_1530] {strides = array<i32>} : memref<64000xf32, #tpu.memory_space<vmem>>, vector<16xf32>,
      %get3A_1532 = arith.index_cast %add3A_1501 : i32 to index
      %get3A_1533 = arith.constant 48 : index
      %get3A_1534 = tpu.vector_load %arg10[%get3A_1532, %get3A_1533] {strides = array<i32>} : memref<512x64xf32, #tpu.memory_space<vmem>>, vector<16xf32>,
      %mul3A_1535 = arith.mulf %get3A_1531, %get3A_1534 : vector<16xf32>
      %add3A_1536 = arith.addf %add3A_1527, %mul3A_1535 : vector<16xf32>
      %broadcast_in_dim3A_1537 = arith.constant true
      %broadcast_in_dim3A_1538 = vector.broadcast %broadcast_in_dim3A_1537 : i1 to vector<16xi1>
      %masked_cumsum3A_1539 = tpu.scan <sum>, %add3A_1536 masked %broadcast_in_dim3A_1538 : vector<16xf32>, vector<16xi1> -> vector<16xf32>
      %broadcast_in_dim3A_1540 = arith.constant 0 : i32
      %broadcast_in_dim3A_1541 = vector.broadcast %broadcast_in_dim3A_1540 : i32 to vector<16xi32>
      %add3A_1542 = vector.broadcast %add3A_1501 : i32 to vector<16xi32>
      %add3A_1543 = arith.addi %broadcast_in_dim3A_1541, %add3A_1542 : vector<16xi32>
      tpu.vector_store_idx %arg11[%add3A_1543], %masked_cumsum3A_1539 masked %eq3A_17 : memref<512xf32, #tpu.memory_space<vmem>>[vector<16xi32>], vector<16xf32>, vector<16xi1>
      %mul3A_1544 = arith.constant 16 : i32
      %mul3A_1545 = arith.muli %scan3A_991, %mul3A_1544 : i32
      %add3A_1546 = arith.constant 12 : i32
      %add3A_1547 = arith.addi %mul3A_1545, %add3A_1546 : i32
      %slice3A_1548 = vector.extract_strided_slice %get3A_995 {offsets = [12], sizes = [1], strides = [1]} : vector<16xi32> to vector<1xi32>
      %squeeze3A_1549 = vector.extract %slice3A_1548[0] : i32 from vector<1xi32>
      %get3A_1550 = arith.index_cast %squeeze3A_1549 : i32 to index
      %get3A_1551 = tpu.vector_load %arg9[%get3A_1550] {strides = array<i32>} : memref<64000xf32, #tpu.memory_space<vmem>>, vector<16xf32>,
      %get3A_1552 = arith.index_cast %add3A_1547 : i32 to index
      %get3A_1553 = arith.constant 0 : index
      %get3A_1554 = tpu.vector_load %arg10[%get3A_1552, %get3A_1553] {strides = array<i32>} : memref<512x64xf32, #tpu.memory_space<vmem>>, vector<16xf32>,
      %mul3A_1555 = arith.mulf %get3A_1551, %get3A_1554 : vector<16xf32>
      %add3A_1556 = arith.constant 16 : i32
      %add3A_1557 = arith.addi %squeeze3A_1549, %add3A_1556 : i32
      %get3A_1558 = arith.index_cast %add3A_1557 : i32 to index
      %get3A_1559 = tpu.vector_load %arg9[%get3A_1558] {strides = array<i32>} : memref<64000xf32, #tpu.memory_space<vmem>>, vector<16xf32>,
      %get3A_1560 = arith.index_cast %add3A_1547 : i32 to index
      %get3A_1561 = arith.constant 16 : index
      %get3A_1562 = tpu.vector_load %arg10[%get3A_1560, %get3A_1561] {strides = array<i32>} : memref<512x64xf32, #tpu.memory_space<vmem>>, vector<16xf32>,
      %mul3A_1563 = arith.mulf %get3A_1559, %get3A_1562 : vector<16xf32>
      %add3A_1564 = arith.addf %mul3A_1555, %mul3A_1563 : vector<16xf32>
      %add3A_1565 = arith.constant 32 : i32
      %add3A_1566 = arith.addi %squeeze3A_1549, %add3A_1565 : i32
      %get3A_1567 = arith.index_cast %add3A_1566 : i32 to index
      %get3A_1568 = tpu.vector_load %arg9[%get3A_1567] {strides = array<i32>} : memref<64000xf32, #tpu.memory_space<vmem>>, vector<16xf32>,
      %get3A_1569 = arith.index_cast %add3A_1547 : i32 to index
      %get3A_1570 = arith.constant 32 : index
      %get3A_1571 = tpu.vector_load %arg10[%get3A_1569, %get3A_1570] {strides = array<i32>} : memref<512x64xf32, #tpu.memory_space<vmem>>, vector<16xf32>,
      %mul3A_1572 = arith.mulf %get3A_1568, %get3A_1571 : vector<16xf32>
      %add3A_1573 = arith.addf %add3A_1564, %mul3A_1572 : vector<16xf32>
      %add3A_1574 = arith.constant 48 : i32
      %add3A_1575 = arith.addi %squeeze3A_1549, %add3A_1574 : i32
      %get3A_1576 = arith.index_cast %add3A_1575 : i32 to index
      %get3A_1577 = tpu.vector_load %arg9[%get3A_1576] {strides = array<i32>} : memref<64000xf32, #tpu.memory_space<vmem>>, vector<16xf32>,
      %get3A_1578 = arith.index_cast %add3A_1547 : i32 to index
      %get3A_1579 = arith.constant 48 : index
      %get3A_1580 = tpu.vector_load %arg10[%get3A_1578, %get3A_1579] {strides = array<i32>} : memref<512x64xf32, #tpu.memory_space<vmem>>, vector<16xf32>,
      %mul3A_1581 = arith.mulf %get3A_1577, %get3A_1580 : vector<16xf32>
      %add3A_1582 = arith.addf %add3A_1573, %mul3A_1581 : vector<16xf32>
      %broadcast_in_dim3A_1583 = arith.constant true
      %broadcast_in_dim3A_1584 = vector.broadcast %broadcast_in_dim3A_1583 : i1 to vector<16xi1>
      %masked_cumsum3A_1585 = tpu.scan <sum>, %add3A_1582 masked %broadcast_in_dim3A_1584 : vector<16xf32>, vector<16xi1> -> vector<16xf32>
      %broadcast_in_dim3A_1586 = arith.constant 0 : i32
      %broadcast_in_dim3A_1587 = vector.broadcast %broadcast_in_dim3A_1586 : i32 to vector<16xi32>
      %add3A_1588 = vector.broadcast %add3A_1547 : i32 to vector<16xi32>
      %add3A_1589 = arith.addi %broadcast_in_dim3A_1587, %add3A_1588 : vector<16xi32>
      tpu.vector_store_idx %arg11[%add3A_1589], %masked_cumsum3A_1585 masked %eq3A_17 : memref<512xf32, #tpu.memory_space<vmem>>[vector<16xi32>], vector<16xf32>, vector<16xi1>
      %mul3A_1590 = arith.constant 16 : i32
      %mul3A_1591 = arith.muli %scan3A_991, %mul3A_1590 : i32
      %add3A_1592 = arith.constant 13 : i32
      %add3A_1593 = arith.addi %mul3A_1591, %add3A_1592 : i32
      %slice3A_1594 = vector.extract_strided_slice %get3A_995 {offsets = [13], sizes = [1], strides = [1]} : vector<16xi32> to vector<1xi32>
      %squeeze3A_1595 = vector.extract %slice3A_1594[0] : i32 from vector<1xi32>
      %get3A_1596 = arith.index_cast %squeeze3A_1595 : i32 to index
      %get3A_1597 = tpu.vector_load %arg9[%get3A_1596] {strides = array<i32>} : memref<64000xf32, #tpu.memory_space<vmem>>, vector<16xf32>,
      %get3A_1598 = arith.index_cast %add3A_1593 : i32 to index
      %get3A_1599 = arith.constant 0 : index
      %get3A_1600 = tpu.vector_load %arg10[%get3A_1598, %get3A_1599] {strides = array<i32>} : memref<512x64xf32, #tpu.memory_space<vmem>>, vector<16xf32>,
      %mul3A_1601 = arith.mulf %get3A_1597, %get3A_1600 : vector<16xf32>
      %add3A_1602 = arith.constant 16 : i32
      %add3A_1603 = arith.addi %squeeze3A_1595, %add3A_1602 : i32
      %get3A_1604 = arith.index_cast %add3A_1603 : i32 to index
      %get3A_1605 = tpu.vector_load %arg9[%get3A_1604] {strides = array<i32>} : memref<64000xf32, #tpu.memory_space<vmem>>, vector<16xf32>,
      %get3A_1606 = arith.index_cast %add3A_1593 : i32 to index
      %get3A_1607 = arith.constant 16 : index
      %get3A_1608 = tpu.vector_load %arg10[%get3A_1606, %get3A_1607] {strides = array<i32>} : memref<512x64xf32, #tpu.memory_space<vmem>>, vector<16xf32>,
      %mul3A_1609 = arith.mulf %get3A_1605, %get3A_1608 : vector<16xf32>
      %add3A_1610 = arith.addf %mul3A_1601, %mul3A_1609 : vector<16xf32>
      %add3A_1611 = arith.constant 32 : i32
      %add3A_1612 = arith.addi %squeeze3A_1595, %add3A_1611 : i32
      %get3A_1613 = arith.index_cast %add3A_1612 : i32 to index
      %get3A_1614 = tpu.vector_load %arg9[%get3A_1613] {strides = array<i32>} : memref<64000xf32, #tpu.memory_space<vmem>>, vector<16xf32>,
      %get3A_1615 = arith.index_cast %add3A_1593 : i32 to index
      %get3A_1616 = arith.constant 32 : index
      %get3A_1617 = tpu.vector_load %arg10[%get3A_1615, %get3A_1616] {strides = array<i32>} : memref<512x64xf32, #tpu.memory_space<vmem>>, vector<16xf32>,
      %mul3A_1618 = arith.mulf %get3A_1614, %get3A_1617 : vector<16xf32>
      %add3A_1619 = arith.addf %add3A_1610, %mul3A_1618 : vector<16xf32>
      %add3A_1620 = arith.constant 48 : i32
      %add3A_1621 = arith.addi %squeeze3A_1595, %add3A_1620 : i32
      %get3A_1622 = arith.index_cast %add3A_1621 : i32 to index
      %get3A_1623 = tpu.vector_load %arg9[%get3A_1622] {strides = array<i32>} : memref<64000xf32, #tpu.memory_space<vmem>>, vector<16xf32>,
      %get3A_1624 = arith.index_cast %add3A_1593 : i32 to index
      %get3A_1625 = arith.constant 48 : index
      %get3A_1626 = tpu.vector_load %arg10[%get3A_1624, %get3A_1625] {strides = array<i32>} : memref<512x64xf32, #tpu.memory_space<vmem>>, vector<16xf32>,
      %mul3A_1627 = arith.mulf %get3A_1623, %get3A_1626 : vector<16xf32>
      %add3A_1628 = arith.addf %add3A_1619, %mul3A_1627 : vector<16xf32>
      %broadcast_in_dim3A_1629 = arith.constant true
      %broadcast_in_dim3A_1630 = vector.broadcast %broadcast_in_dim3A_1629 : i1 to vector<16xi1>
      %masked_cumsum3A_1631 = tpu.scan <sum>, %add3A_1628 masked %broadcast_in_dim3A_1630 : vector<16xf32>, vector<16xi1> -> vector<16xf32>
      %broadcast_in_dim3A_1632 = arith.constant 0 : i32
      %broadcast_in_dim3A_1633 = vector.broadcast %broadcast_in_dim3A_1632 : i32 to vector<16xi32>
      %add3A_1634 = vector.broadcast %add3A_1593 : i32 to vector<16xi32>
      %add3A_1635 = arith.addi %broadcast_in_dim3A_1633, %add3A_1634 : vector<16xi32>
      tpu.vector_store_idx %arg11[%add3A_1635], %masked_cumsum3A_1631 masked %eq3A_17 : memref<512xf32, #tpu.memory_space<vmem>>[vector<16xi32>], vector<16xf32>, vector<16xi1>
      %mul3A_1636 = arith.constant 16 : i32
      %mul3A_1637 = arith.muli %scan3A_991, %mul3A_1636 : i32
      %add3A_1638 = arith.constant 14 : i32
      %add3A_1639 = arith.addi %mul3A_1637, %add3A_1638 : i32
      %slice3A_1640 = vector.extract_strided_slice %get3A_995 {offsets = [14], sizes = [1], strides = [1]} : vector<16xi32> to vector<1xi32>
      %squeeze3A_1641 = vector.extract %slice3A_1640[0] : i32 from vector<1xi32>
      %get3A_1642 = arith.index_cast %squeeze3A_1641 : i32 to index
      %get3A_1643 = tpu.vector_load %arg9[%get3A_1642] {strides = array<i32>} : memref<64000xf32, #tpu.memory_space<vmem>>, vector<16xf32>,
      %get3A_1644 = arith.index_cast %add3A_1639 : i32 to index
      %get3A_1645 = arith.constant 0 : index
      %get3A_1646 = tpu.vector_load %arg10[%get3A_1644, %get3A_1645] {strides = array<i32>} : memref<512x64xf32, #tpu.memory_space<vmem>>, vector<16xf32>,
      %mul3A_1647 = arith.mulf %get3A_1643, %get3A_1646 : vector<16xf32>
      %add3A_1648 = arith.constant 16 : i32
      %add3A_1649 = arith.addi %squeeze3A_1641, %add3A_1648 : i32
      %get3A_1650 = arith.index_cast %add3A_1649 : i32 to index
      %get3A_1651 = tpu.vector_load %arg9[%get3A_1650] {strides = array<i32>} : memref<64000xf32, #tpu.memory_space<vmem>>, vector<16xf32>,
      %get3A_1652 = arith.index_cast %add3A_1639 : i32 to index
      %get3A_1653 = arith.constant 16 : index
      %get3A_1654 = tpu.vector_load %arg10[%get3A_1652, %get3A_1653] {strides = array<i32>} : memref<512x64xf32, #tpu.memory_space<vmem>>, vector<16xf32>,
      %mul3A_1655 = arith.mulf %get3A_1651, %get3A_1654 : vector<16xf32>
      %add3A_1656 = arith.addf %mul3A_1647, %mul3A_1655 : vector<16xf32>
      %add3A_1657 = arith.constant 32 : i32
      %add3A_1658 = arith.addi %squeeze3A_1641, %add3A_1657 : i32
      %get3A_1659 = arith.index_cast %add3A_1658 : i32 to index
      %get3A_1660 = tpu.vector_load %arg9[%get3A_1659] {strides = array<i32>} : memref<64000xf32, #tpu.memory_space<vmem>>, vector<16xf32>,
      %get3A_1661 = arith.index_cast %add3A_1639 : i32 to index
      %get3A_1662 = arith.constant 32 : index
      %get3A_1663 = tpu.vector_load %arg10[%get3A_1661, %get3A_1662] {strides = array<i32>} : memref<512x64xf32, #tpu.memory_space<vmem>>, vector<16xf32>,
      %mul3A_1664 = arith.mulf %get3A_1660, %get3A_1663 : vector<16xf32>
      %add3A_1665 = arith.addf %add3A_1656, %mul3A_1664 : vector<16xf32>
      %add3A_1666 = arith.constant 48 : i32
      %add3A_1667 = arith.addi %squeeze3A_1641, %add3A_1666 : i32
      %get3A_1668 = arith.index_cast %add3A_1667 : i32 to index
      %get3A_1669 = tpu.vector_load %arg9[%get3A_1668] {strides = array<i32>} : memref<64000xf32, #tpu.memory_space<vmem>>, vector<16xf32>,
      %get3A_1670 = arith.index_cast %add3A_1639 : i32 to index
      %get3A_1671 = arith.constant 48 : index
      %get3A_1672 = tpu.vector_load %arg10[%get3A_1670, %get3A_1671] {strides = array<i32>} : memref<512x64xf32, #tpu.memory_space<vmem>>, vector<16xf32>,
      %mul3A_1673 = arith.mulf %get3A_1669, %get3A_1672 : vector<16xf32>
      %add3A_1674 = arith.addf %add3A_1665, %mul3A_1673 : vector<16xf32>
      %broadcast_in_dim3A_1675 = arith.constant true
      %broadcast_in_dim3A_1676 = vector.broadcast %broadcast_in_dim3A_1675 : i1 to vector<16xi1>
      %masked_cumsum3A_1677 = tpu.scan <sum>, %add3A_1674 masked %broadcast_in_dim3A_1676 : vector<16xf32>, vector<16xi1> -> vector<16xf32>
      %broadcast_in_dim3A_1678 = arith.constant 0 : i32
      %broadcast_in_dim3A_1679 = vector.broadcast %broadcast_in_dim3A_1678 : i32 to vector<16xi32>
      %add3A_1680 = vector.broadcast %add3A_1639 : i32 to vector<16xi32>
      %add3A_1681 = arith.addi %broadcast_in_dim3A_1679, %add3A_1680 : vector<16xi32>
      tpu.vector_store_idx %arg11[%add3A_1681], %masked_cumsum3A_1677 masked %eq3A_17 : memref<512xf32, #tpu.memory_space<vmem>>[vector<16xi32>], vector<16xf32>, vector<16xi1>
      %mul3A_1682 = arith.constant 16 : i32
      %mul3A_1683 = arith.muli %scan3A_991, %mul3A_1682 : i32
      %add3A_1684 = arith.constant 15 : i32
      %add3A_1685 = arith.addi %mul3A_1683, %add3A_1684 : i32
      %slice3A_1686 = vector.extract_strided_slice %get3A_995 {offsets = [15], sizes = [1], strides = [1]} : vector<16xi32> to vector<1xi32>
      %squeeze3A_1687 = vector.extract %slice3A_1686[0] : i32 from vector<1xi32>
      %get3A_1688 = arith.index_cast %squeeze3A_1687 : i32 to index
      %get3A_1689 = tpu.vector_load %arg9[%get3A_1688] {strides = array<i32>} : memref<64000xf32, #tpu.memory_space<vmem>>, vector<16xf32>,
      %get3A_1690 = arith.index_cast %add3A_1685 : i32 to index
      %get3A_1691 = arith.constant 0 : index
      %get3A_1692 = tpu.vector_load %arg10[%get3A_1690, %get3A_1691] {strides = array<i32>} : memref<512x64xf32, #tpu.memory_space<vmem>>, vector<16xf32>,
      %mul3A_1693 = arith.mulf %get3A_1689, %get3A_1692 : vector<16xf32>
      %add3A_1694 = arith.constant 16 : i32
      %add3A_1695 = arith.addi %squeeze3A_1687, %add3A_1694 : i32
      %get3A_1696 = arith.index_cast %add3A_1695 : i32 to index
      %get3A_1697 = tpu.vector_load %arg9[%get3A_1696] {strides = array<i32>} : memref<64000xf32, #tpu.memory_space<vmem>>, vector<16xf32>,
      %get3A_1698 = arith.index_cast %add3A_1685 : i32 to index
      %get3A_1699 = arith.constant 16 : index
      %get3A_1700 = tpu.vector_load %arg10[%get3A_1698, %get3A_1699] {strides = array<i32>} : memref<512x64xf32, #tpu.memory_space<vmem>>, vector<16xf32>,
      %mul3A_1701 = arith.mulf %get3A_1697, %get3A_1700 : vector<16xf32>
      %add3A_1702 = arith.addf %mul3A_1693, %mul3A_1701 : vector<16xf32>
      %add3A_1703 = arith.constant 32 : i32
      %add3A_1704 = arith.addi %squeeze3A_1687, %add3A_1703 : i32
      %get3A_1705 = arith.index_cast %add3A_1704 : i32 to index
      %get3A_1706 = tpu.vector_load %arg9[%get3A_1705] {strides = array<i32>} : memref<64000xf32, #tpu.memory_space<vmem>>, vector<16xf32>,
      %get3A_1707 = arith.index_cast %add3A_1685 : i32 to index
      %get3A_1708 = arith.constant 32 : index
      %get3A_1709 = tpu.vector_load %arg10[%get3A_1707, %get3A_1708] {strides = array<i32>} : memref<512x64xf32, #tpu.memory_space<vmem>>, vector<16xf32>,
      %mul3A_1710 = arith.mulf %get3A_1706, %get3A_1709 : vector<16xf32>
      %add3A_1711 = arith.addf %add3A_1702, %mul3A_1710 : vector<16xf32>
      %add3A_1712 = arith.constant 48 : i32
      %add3A_1713 = arith.addi %squeeze3A_1687, %add3A_1712 : i32
      %get3A_1714 = arith.index_cast %add3A_1713 : i32 to index
      %get3A_1715 = tpu.vector_load %arg9[%get3A_1714] {strides = array<i32>} : memref<64000xf32, #tpu.memory_space<vmem>>, vector<16xf32>,
      %get3A_1716 = arith.index_cast %add3A_1685 : i32 to index
      %get3A_1717 = arith.constant 48 : index
      %get3A_1718 = tpu.vector_load %arg10[%get3A_1716, %get3A_1717] {strides = array<i32>} : memref<512x64xf32, #tpu.memory_space<vmem>>, vector<16xf32>,
      %mul3A_1719 = arith.mulf %get3A_1715, %get3A_1718 : vector<16xf32>
      %add3A_1720 = arith.addf %add3A_1711, %mul3A_1719 : vector<16xf32>
      %broadcast_in_dim3A_1721 = arith.constant true
      %broadcast_in_dim3A_1722 = vector.broadcast %broadcast_in_dim3A_1721 : i1 to vector<16xi1>
      %masked_cumsum3A_1723 = tpu.scan <sum>, %add3A_1720 masked %broadcast_in_dim3A_1722 : vector<16xf32>, vector<16xi1> -> vector<16xf32>
      %broadcast_in_dim3A_1724 = arith.constant 0 : i32
      %broadcast_in_dim3A_1725 = vector.broadcast %broadcast_in_dim3A_1724 : i32 to vector<16xi32>
      %add3A_1726 = vector.broadcast %add3A_1685 : i32 to vector<16xi32>
      %add3A_1727 = arith.addi %broadcast_in_dim3A_1725, %add3A_1726 : vector<16xi32>
      tpu.vector_store_idx %arg11[%add3A_1727], %masked_cumsum3A_1723 masked %eq3A_17 : memref<512xf32, #tpu.memory_space<vmem>>[vector<16xi32>], vector<16xf32>, vector<16xi1>
      %scan3A_1728 = arith.constant 0 : i32
      scf.yield %scan3A_1728 : i32
    }
    %scan3A_990 = arith.constant 16 : i32
    "tpu.region"() ({
      %run_scoped3A = tpu.sem_alloc : memref<!tpu.dma_semaphore, #tpu.memory_space<semaphore_mem>>
      %dma_start3A = tpu.memref_slice %arg6[%mul3A_2] : memref<16384xf32, #tpu.memory_space<hbm>> -> memref<512xf32, #tpu.memory_space<hbm>>
      %dma_start3A_991 = tpu.memref_slice %arg6[%mul3A_2] : memref<16384xf32, #tpu.memory_space<hbm>> -> memref<512xf32, #tpu.memory_space<hbm>>
      tpu.enqueue_dma source(%arg11 : memref<512xf32, #tpu.memory_space<vmem>>) target(%dma_start3A_991 : memref<512xf32, #tpu.memory_space<hbm>>) target_semaphore(%run_scoped3A : memref<!tpu.dma_semaphore, #tpu.memory_space<semaphore_mem>>)
      %dma_wait3A_992 = tpu.memref_slice %arg6[%mul3A_2] : memref<16384xf32, #tpu.memory_space<hbm>> -> memref<512xf32, #tpu.memory_space<hbm>>
      %dma_wait3A_993 = tpu.memref_slice %arg6[%mul3A_2] : memref<16384xf32, #tpu.memory_space<hbm>> -> memref<512xf32, #tpu.memory_space<hbm>>
      tpu.wait_dma2 semaphore(%run_scoped3A : memref<!tpu.dma_semaphore, #tpu.memory_space<semaphore_mem>>) src(%arg11 : memref<512xf32, #tpu.memory_space<vmem>>) dst(%dma_wait3A_993 : memref<512xf32, #tpu.memory_space<hbm>>)
      tpu.yield
    }) : () -> ()
    return
  }
}

</mosaic_0001>

<sc_bundles>
// kernel: kernel.3.cloned.1.call-start
scs
__scs_entry_jumppad:
0x0: {  	(pc) =	sbr.rel $0x88, $3  }
0x1: {  	(tag) =	ssettag $0x0;
	lr =	simm.s32 $0x1  }
0x2: {  	[smem:$0x3F9D] =	sst lr;
	_ =	strace $0xD0000000  }
0x3: {  	_ = 	snop  }
0x4: {  	_ = 	snop  }
0x5: {  	_ = 	snop  }
0x6: {  	_ = 	snop  }
0x7: {  	_ = 	snop  }
__scs_overlays_trampoline_lowered:
0x8: {  	[smem:$0x3FAC] =	sst s0  }
0x9: {  	[smem:$0x3FAD] =	sst s1  }
0xa: {  	[smem:$0x3FAE] =	sst s2  }
0xb: {  	[smem:$0x3FAF] =	sst s3  }
0xc: {  	[smem:$0x3FB0] =	sst s4  }
0xd: {  	[smem:$0x3FB1] =	sst s5  }
0xe: {  	[smem:$0x3FB2] =	sst s6  }
0xf: {  	[smem:$0x3FB3] =	sst s7  }
0x10: {  	[smem:$0x3FB4] =	sst s8  }
0x11: {  	[smem:$0x3FB5] =	sst s9;
	s0 =	simm.s32 @!p0 $0x0  }
0x12: {  	s1 =	sld [smem:$0x3F9B];
	s0 =	simm.s32 @p0 $0x1  }
0x13: {  	[smem:$0x3FB6] =	sst s0;
	s0 =	simm.s32 @!p1 $0x0  }
0x14: {  	s2 =	sld [smem:$0x3F9A];
	s0 =	simm.s32 @p1 $0x1  }
0x15: {  	[smem:$0x3FB7] =	sst s0;
	s0 =	simm.s32 @!p2 $0x0  }
0x16: {  	s3 =	sld [smem:$0x3FDB];
	s0 =	simm.s32 @p2 $0x1  }
0x17: {  	s4 =	simm.s32 $0x1BF5;
	[smem:$0x3FB9] =	sst s0  }
0x18: {  	s0 =	sld [smem:$0x3F9C];
	_ =	swait.ge [sflag:s4], $0x0  }
0x19: {  	s7 =	sld [smem:$0x3F9D]  }
0x1a: {  	s8 =	sadd.s32 $0xFFFFE003, lr  }
0x1b: {  	s9 =	sadd.s32 $0xFFFFFEF7, lr;
	s5 =	simm.s32 $0xFFFFFFFF;
	p2 =	slt.u32 s8, $0xFFFFF086  }
0x1c: {  	p1 =	slt.u32 s9, $0xF7A;
	s5 =	simm.s32 @!p2 $0x0  }
0x1d: {  	s5 =	simm.s32 @p1 $0x1;
	p0 =	seq.s32 s7, s2  }
0x1e: {  	s7 =	smul.u32 @!p0 $0xF7A, s2;
	p2 =	seq.s32 @!p0 s5, $0x0  }
0x1f: {  	s9 =	smul.u32 $0xF7A, s1;
	s8 =	simm.s32 @!p0 $0x1BF5;
	p2 =	por !p2, p0  }
0x20: {  	[sflag:s8] =	ssyncset.s32 @!p0 $0xFFFFF086;
	s6 =	sadd.s32 @!p0 s3, s7;
	s7 =	simm.s32 @!p0 $0x108  }
0x21: {  	s3 =	sadd.s32 s3, s9;
	s6 =	sadd.s32 @!p0 $0x88, s6;
	s7 =	simm.s32 @p2 $0x1082  }
0x22: {  	[simem:s7], [sflag:s8] =	dma.local @!p0 [hbm:s6], $0xF7A  }
0x23: {  	s9 =	sor.u32 $0xD0000000, s2;
	s6 =	simm.s32 $0x108;
	_ =	swait.ge @!p0 [sflag:s8], $0x0  }
0x24: {  	s3 =	sadd.s32 $0x88, s3;
	s6 =	simm.s32 @!p1 $0x1082;
	[sflag:s4] =	ssyncset.s32 $0xFFFFF086  }
0x25: {  	[simem:s6], [sflag:s4] =	dma.local [hbm:s3], $0xF7A  }
0x26: {  	[smem:$0x3F9D] =	sst s1;
	(tag) =	ssettag s2;
	_ =	strace s9  }
0x27: {  	s1 =	sld [smem:$0x3FAD]  }
0x28: {  	s2 =	sld [smem:$0x3FAE]  }
0x29: {  	s4 =	sld [smem:$0x3FB0]  }
0x2a: {  	p0 =	seq.s32 s5, $0x0;
	s5 =	sld [smem:$0x3FB1]  }
0x2b: {  	s6 =	sld [smem:$0x3FB2]  }
0x2c: {  	s7 =	sld [smem:$0x3FB3]  }
0x2d: {  	s3 =	simm.s32 $0x108;
	s8 =	sld [smem:$0x3FB4]  }
0x2e: {  	s3 =	simm.s32 @!p0 $0x1082;
	s9 =	sld [smem:$0x3FB5]  }
0x2f: {  	lr =	sadd.s32 s0, s3;
	s0 =	sld [smem:$0x3FAC]  }
0x30: {  	s3 =	sld [smem:$0x3FAF]  }
0x31: {  	[smem:$0x3FB8] =	sst s10  }
0x32: {  	s10 =	sld [smem:$0x3FB6];
	_ =	sdelay $0x3  }
0x33: {  	p0 =	seq.s32 s10, $0x1;
	s10 =	sld [smem:$0x3FB8];
	_ =	sdelay $0x3  }
0x34: {  	[smem:$0x3FB8] =	sst s10  }
0x35: {  	s10 =	sld [smem:$0x3FB7];
	_ =	sdelay $0x3  }
0x36: {  	p1 =	seq.s32 s10, $0x1;
	s10 =	sld [smem:$0x3FB8];
	_ =	sdelay $0x3  }
0x37: {  	[smem:$0x3FB8] =	sst s10  }
0x38: {  	s10 =	sld [smem:$0x3FB9]  }
0x39: {  	_ = 	snop;
	(pc) =	sbr.ind lr, $3  }
0x3a: {  	_ = 	snop  }
0x3b: {  	_ = 	snop  }
0x3c: {  	p2 =	seq.s32 s10, $0x1;
	s10 =	sld [smem:$0x3FB8]  }
0x3d: {  	_ =	shalt  }
0x3e: {  	_ =	shalt  }
0x3f: {  	_ =	shalt  }
0x40: {  	_ =	shalt  }
0x41: {  	_ =	shalt  }
0x42: {  	_ =	shalt  }
0x43: {  	_ =	shalt  }
0x44: {  	_ =	shalt  }
0x45: {  	_ =	shalt  }
0x46: {  	_ =	shalt  }
0x47: {  	_ =	shalt  }
0x48: {  	_ =	shalt  }
0x49: {  	_ =	shalt  }
0x4a: {  	_ =	shalt  }
0x4b: {  	_ =	shalt  }
0x4c: {  	_ =	shalt  }
0x4d: {  	_ =	shalt  }
0x4e: {  	_ =	shalt  }
0x4f: {  	_ =	shalt  }
0x50: {  	_ =	shalt  }
0x51: {  	_ =	shalt  }
0x52: {  	_ =	shalt  }
0x53: {  	_ =	shalt  }
0x54: {  	_ =	shalt  }
0x55: {  	_ =	shalt  }
0x56: {  	_ =	shalt  }
0x57: {  	_ =	shalt  }
0x58: {  	_ =	shalt  }
0x59: {  	_ =	shalt  }
0x5a: {  	_ =	shalt  }
0x5b: {  	_ =	shalt  }
0x5c: {  	_ =	shalt  }
0x5d: {  	_ =	shalt  }
0x5e: {  	_ =	shalt  }
0x5f: {  	_ =	shalt  }
0x60: {  	_ =	shalt  }
0x61: {  	_ =	shalt  }
0x62: {  	_ =	shalt  }
0x63: {  	_ =	shalt  }
0x64: {  	_ =	shalt  }
0x65: {  	_ =	shalt  }
0x66: {  	_ =	shalt  }
0x67: {  	_ =	shalt  }
0x68: {  	_ =	shalt  }
0x69: {  	_ =	shalt  }
0x6a: {  	_ =	shalt  }
0x6b: {  	_ =	shalt  }
0x6c: {  	_ =	shalt  }
0x6d: {  	_ =	shalt  }
0x6e: {  	_ =	shalt  }
0x6f: {  	_ =	shalt  }
0x70: {  	_ =	shalt  }
0x71: {  	_ =	shalt  }
0x72: {  	_ =	shalt  }
0x73: {  	_ =	shalt  }
0x74: {  	_ =	shalt  }
0x75: {  	_ =	shalt  }
0x76: {  	_ =	shalt  }
0x77: {  	_ =	shalt  }
0x78: {  	_ =	shalt  }
0x79: {  	_ =	shalt  }
0x7a: {  	_ =	shalt  }
0x7b: {  	_ =	shalt  }
0x7c: {  	_ =	shalt  }
0x7d: {  	_ =	shalt  }
0x7e: {  	_ =	shalt  }
0x7f: {  	_ =	shalt  }
0x80: {  	_ =	shalt  }
0x81: {  	_ =	shalt  }
0x82: {  	_ =	shalt  }
0x83: {  	_ =	shalt  }
0x84: {  	_ =	shalt  }
0x85: {  	_ =	shalt  }
0x86: {  	_ =	shalt  }
0x87: {  	_ =	shalt  }
.Lfunc_end0:
.L_simem_size_0:
called_computation_lowered:
.L_overlay_start_0:
0x88: {  	s2 =	sld [smem:$0x3FD9]  }
0x89: {  	s3 =	sld [smem:$0x3FFE];
	_ =	sdelay $0x1  }
0x8a: {  	s1 =	srdreg.scid  }
0x8b: {  	s0 =	sand.u32 $0x1, s1  }
0x8c: {  	s17 =	sshll.u32 s0, $0xA;
	s2 =	sadd.s32 s3, s2  }
0x8d: {  	s2 =	sadd.s32 s2, s17  }
0x8e: {  	[smem:$0x3FC4] =	sst s2  }
0x8f: {  	_ = 	snop  }
0x90: {  	s2 =	sld [smem:$0x3FC8]  }
0x91: {  	s18 =	sld [smem:$0x3FD0];
	(tm) =	ssettm $0x1  }
0x92: {  	s4 =	sld [smem:$0x3FFB];
	_ =	sdelay $0x3  }
0x93: {  	_ =	strace s4  }
0x94: {  	s4 =	sld [smem:$0x3FFC];
	_ =	sdelay $0x3  }
0x95: {  	_ =	strace s4  }
0x96: {  	s4 =	sld [smem:$0x3FFD];
	_ =	sdelay $0x3  }
0x97: {  	_ =	strace s4  }
0x98: {  	_ =	strace $0x8FFFFFFF  }
0x99: {  	s19 =	sld [smem:$0x3FDB];
	_ =	sdelay $0x1  }
0x9a: {  	s5 =	simm.s32 $_scs_section_size  }
0x9b: {  	s6 =	simm.s32 $_size__tile_overlayer_lowered;
	s7 =	simm.s32 $_tile_overlayer_lowered  }
0x9c: {  	s22 =	simm.s32 $0x1BFF;
	s21 =	sshll.u32 s7, $0x1;
	s4 =	sadd.s32 s5, s19  }
0x9d: {  	s8 =	simm.s32 $0x0;
	s20 =	sshll.u32 s6, $0x1;
	s6 =	sadd.s32 s21, s4  }
0x9e: {  	[timem:s8], [sflag:s22] =	dma.local [hbm:s6], s20  }
0x9f: {  	_ =	swait.ge [sflag:s22], s20  }
0xa0: {  	s5 =	ssub.s32 $0x0, s20;
	[sflag:s22] =	ssyncset.done $0x0  }
0xa1: {  	[sflag:s22] =	ssyncadd.s32 s5;
	_ =	sdelay $0x1  }
0xa2: {  	s23 =	simm.s32 $0x1B8B  }
0xa3: {  	_ =	swait.ge [sflag:s23], $0x1  }
0xa4: {  	[sflag:s23] =	ssyncset.done $0x0  }
0xa5: {  	s25 =	simm.s32 $0x1B8E;
	s24 =	sld [smem:$0x3FFE];
	[sflag:s23] =	ssyncadd.s32 $0xFFFFFFFF  }
0xa6: {  	s26 =	simm.s32 $execute0_lowered;
	[smem:$0x3FD2] =	sst s25  }
0xa7: {  	s6 =	sshll.u32 s26, $0x1;
	_ =	strace $0x80000046;
	[dreg:$0x1] =	wrdreg $0xFFFFFFFF  }
0xa8: {  	s28 =	simm.s32 $_size_execute0_lowered;
	s4 =	sadd.s32 s4, s6;
	[dreg:$0x0] =	wrdreg $0x0  }
0xa9: {  	s6 =	sshll.u32 s28, $0x1;
	[dreg:$0x2] =	wrdreg s4  }
0xaa: {  	[dreg:$0x3] =	wrdreg s6  }
0xab: {  	[dreg:$0x4] =	wrdreg $0xC0  }
0xac: {  	_ =	task [dreg:s8], $0x5FFFF  }
0xad: {  	[dreg:$0x1] =	wrdreg $0xFFFFFFFF  }
0xae: {  	[dreg:$0x0] =	wrdreg $0x60  }
0xaf: {  	[dreg:$0x2] =	wrdreg s2  }
0xb0: {  	[dreg:$0x3] =	wrdreg s24  }
0xb1: {  	[dreg:$0x4] =	wrdreg s18  }
0xb2: {  	[dreg:$0x5] =	wrdreg $0x9  }
0xb3: {  	_ =	task.clear_ibuf [dreg:s8], $0x6FFFF;
	_ =	strace $0x90000046  }
0xb4: {  	s29 =	simm.s32 $0x9;
	_ =	strace $0x80000048  }
0xb5: {  	_ =	swait.ge [sflag:s29], $0x1  }
0xb6: {  	[sflag:s29] =	ssyncadd.s32 $0xFFFFFFFF  }
0xb7: {  	_ =	strace $0x90000048  }
0xb8: {  	_ =	sfence  }
0xb9: {  	s30 =	sld [smem:$0x0];
	_ =	sdelay $0x2  }
0xba: {  	s31 =	sshll.u32 s1, $0xD;
	s1 =	sshrl.u32 s1, $0x2  }
0xbb: {  	s3 =	sand.u32 $0x4000, s31;
	s1 =	sadd.s32 s1, s30  }
0xbc: {  	s0 =	sor.u32 s3, s0;
	s1 =	sshll.u32 s1, $0x11  }
0xbd: {  	s0 =	sor.u32 s1, s0  }
0xbe: {  	s0 =	sadd.s32 $0x8F2B, s0  }
0xbf: {  	[sflag:s0] =	ssyncadd.remote.s32 $0x1  }
0xc0: {  	_ =	sfence.sel $0xFFFF  }
0xc1: {  	[dreg:$0x0] =	wrdreg $0xFFFFFFFF;
	(pc) =	sbr.abs _section_cstart, $3  }
0xc2: {  	[dreg:$0x1] =	wrdreg $0xFFFFFFFF  }
0xc3: {  	_ =	task.clear_ibuf [dreg:s8], $0x2FFFF;
	_ =	strace $0x9FFFFFFF  }
0xc4: {  	(tm) =	ssettm $0x7FFFFFFF  }
0xc5: {  	_ =	shalt  }
tec
execute0_lowered:
.L_overlay_start_1:
0x0: {  	(tag) =	ssettag $0x1  }
0x1: {  	s5 =	rddreg [dreg:$0x0]  }
0x2: {  	s4 =	rddreg [dreg:$0x1]  }
0x3: {  	s7 =	rddreg [dreg:$0x2];
	s2 =	srdreg.scid  }
0x4: {  	s0 =	stileid.u32;
	s12 =	simm.s32 $0x3;
	s13 =	simm.s32 $0x1  }
0x5: {  	s14 =	simm.s32 $0x1FE00;
	s15 =	simm.s32 $0x2;
	s16 =	simm.s32 $0x0  }
0x6: {  	s3 =	sand.u32 $0x1, s2;
	s2 =	simm.s32 $0x0;
	s6 =	sshll.u32 s0, $0x7  }
0x7: {  	s29 =	sadd.s32 $0xC00, s4;
	s8 =	sshll.u32 s3, $0x6;
	[smem:$0x7FF] =	sst s2  }
0x8: {  	s28 =	ssub.s32 $0x2, s3;
	s8 =	sor.u32 s8, s6;
	_ =	strace $0x80000047  }
0x9: {  	s10 =	sshrl.u32 s28, $0x1;
	[dreg:$0x4] =	wrdreg s29;
	s9 =	sadd.s32 s8, s4  }
0xa: {  	s4 =	sadd.s32 $0x2C00, s4;
	s10 =	ssub.s32 s28, s10;
	s30 =	sadd.s32 s5, s8  }
0xb: {  	s7 =	sadd.s32 s7, s8;
	[dreg:$0x5] =	wrdreg s30;
	s31 =	sadd.s32 $0x400, s9  }
0xc: {  	vm0 =	vcmask $0x3F3C;
	s8 =	smax.u32 s10, $0x1;
	s9 =	simm.s32 $0x4;
	[dreg:$0x6] =	wrdreg s31  }
.LBB2_1:
0xd: {  	s0 =	rddreg [dreg:$0x5]  }
0xe: {  	[tilespmem:s2], [sflag:$0x4] =	stream.linear.gather [hbm4b:s0+s2], $0x200, $0x38;
	v63 =	vld [tilespmem:$0x0]  }
0xf: {  	_ =	swait.ge [sflag:s9], $0x200  }
0x10: {  	[sflag:s9] =	ssyncset.done $0x0  }
0x11: {  	s1 =	simm.s32 $0x200;
	s29 =	rddreg [dreg:$0x6];
	[sflag:s9] =	ssyncadd.s32 $0xFFFFFE00  }
0x12: {  	[tilespmem:s1], [sflag:$0x4] =	stream.linear.gather [hbm4b:s29+s2], $0x200, $0x38;
	v63 =	vld [tilespmem:$0x0]  }
0x13: {  	_ =	swait.ge [sflag:s9], $0x200  }
0x14: {  	[sflag:s9] =	ssyncset.done $0x0  }
0x15: {  	s31 =	simm.s32 $0x400;
	s30 =	rddreg [dreg:$0x4];
	[sflag:s9] =	ssyncadd.s32 $0xFFFFFE00  }
0x16: {  	[tilespmem:s31], [sflag:$0x3] =	stream.linear.gather [hbm4b:s30+s2], $0xFA00, $0x38;
	v63 =	vld [tilespmem:$0x0]  }
0x17: {  	v0 =	vld [tilespmem:s2+$0x0];
	_ =	sdelay $0x4  }
0x18: {  	v0 =	vshll.u32 v0, $0x4  }
0x19: {  	(v2sf) =	vpush v0, $0x0  }
0x1a: {  	(v2sf) =	vpush v0, $0x1  }
0x1b: {  	(v2sf) =	vpush v0, $0x2;
	_ =	sdelay $0x1  }
0x1c: {  	(v2sf) =	vpush v0, $0x4;
	_ =	sdelay $0x1  }
0x1d: {  	(v2sf) =	vpush v0, $0x3  }
0x1e: {  	(v2sf) =	vpush v0, $0x5  }
0x1f: {  	s19 =	simm.s32 $0x2000;
	s18 =	simm.s32 $0x0;
	s20 =	simm.s32 $0x0;
	(v2sf) =	vpush v0, $0x6  }
.LBB2_2:
0x20: {  	p0 =	sne.s32 s19, $0x1E000  }
0x21: {  	s31 =	sadd.s32 $0xFE80, s18;
	s24 =	sadd.s32 $0x10380, s18;
	s21 =	smov.u32 s19  }
0x22: {  	s19 =	sadd.s32 $0x2000, s19;
	s28 =	sadd.s32 $0x10180, s18;
	s22 =	sadd.s32 $0x10400, s18;
	(v2sf) =	vpush v0, $0x7  }
0x23: {  	s30 =	sadd.s32 $0x10080, s18;
	s25 =	sadd.s32 $0x10200, s18;
	s23 =	sadd.s32 $0x10480, s18  }
0x24: {  	s0 =	sadd.s32 $0xFE00, s18;
	s1 =	sadd.s32 $0x10000, s18;
	(v2sf) =	vpush v0, $0x8  }
0x25: {  	s17 =	simm.s32 $0x0;
	s10 =	sadd.s32 $0x10100, s18;
	s20 =	sadd.s32 $0x10, s20  }
0x26: {  	s11 =	sadd.s32 $0xFF00, s18;
	s26 =	sadd.s32 $0x10300, s18;
	s29 =	spop (v2sf);
	(v2sf) =	vpush v0, $0x9  }
0x27: {  	s3 =	sand.u32 $0x1FFFFFF0, s29;
	s29 =	sadd.s32 $0x10280, s18;
	s5 =	spop (v2sf)  }
0x28: {  	s3 =	sadd.s32 s4, s3;
	s5 =	sand.u32 $0x1FFFFFF0, s5;
	s6 =	spop (v2sf);
	(v2sf) =	vpush v0, $0xA  }
0x29: {  	[tilespmem:s0], [sflag:$0x1] =	stream.linear.gather [hbm4b:s3+s17], $0x80, $0x38;
	v63 =	vld [tilespmem:$0x0]  }
0x2a: {  	s0 =	sadd.s32 s4, s5;
	s3 =	sadd.s32 $0xFF80, s18;
	s5 =	spop (v2sf);
	(v2sf) =	vpush v0, $0xB  }
0x2b: {  	[tilespmem:s31], [sflag:$0x1] =	stream.linear.gather [hbm4b:s0+s17], $0x80, $0x38;
	v63 =	vld [tilespmem:$0x0]  }
0x2c: {  	s0 =	sand.u32 $0x1FFFFFF0, s6;
	s5 =	sand.u32 $0x1FFFFFF0, s5;
	s6 =	spop (v2sf);
	(v2sf) =	vpush v0, $0xC  }
0x2d: {  	s0 =	sadd.s32 s4, s0;
	s6 =	sand.u32 $0x1FFFFFF0, s6;
	s31 =	spop (v2sf)  }
0x2e: {  	[tilespmem:s11], [sflag:$0x1] =	stream.linear.gather [hbm4b:s0+s17], $0x80, $0x38;
	(v2sf) =	vpush v0, $0xD;
	v63 =	vld [tilespmem:$0x0]  }
0x2f: {  	s0 =	sadd.s32 s4, s6;
	s6 =	sand.u32 $0x1FFFFFF0, s31;
	s11 =	spop (v2sf)  }
0x30: {  	[tilespmem:s3], [sflag:$0x1] =	stream.linear.gather [hbm4b:s0+s17], $0x80, $0x38;
	(v2sf) =	vpush v0, $0xE;
	v63 =	vld [tilespmem:$0x0]  }
0x31: {  	s0 =	sadd.s32 s4, s5;
	s3 =	sand.u32 $0x1FFFFFF0, s11;
	s5 =	spop (v2sf)  }
0x32: {  	[tilespmem:s1], [sflag:$0x1] =	stream.linear.gather [hbm4b:s0+s17], $0x80, $0x38;
	(v2sf) =	vpush v0, $0xF;
	v63 =	vld [tilespmem:$0x0]  }
0x33: {  	s0 =	sadd.s32 s4, s6;
	s1 =	sand.u32 $0x1FFFFFF0, s5;
	s5 =	spop (v2sf)  }
0x34: {  	[tilespmem:s30], [sflag:$0x1] =	stream.linear.gather [hbm4b:s0+s17], $0x80, $0x38;
	v63 =	vld [tilespmem:$0x0]  }
0x35: {  	s0 =	sadd.s32 s4, s3;
	s3 =	sand.u32 $0x1FFFFFF0, s5;
	s5 =	spop (v2sf)  }
0x36: {  	[tilespmem:s10], [sflag:$0x1] =	stream.linear.gather [hbm4b:s0+s17], $0x80, $0x38;
	v63 =	vld [tilespmem:$0x0]  }
0x37: {  	s0 =	sadd.s32 s4, s1;
	s1 =	sand.u32 $0x1FFFFFF0, s5;
	s5 =	spop (v2sf)  }
0x38: {  	[tilespmem:s28], [sflag:$0x1] =	stream.linear.gather [hbm4b:s0+s17], $0x80, $0x38;
	v63 =	vld [tilespmem:$0x0]  }
0x39: {  	s0 =	sadd.s32 s4, s3;
	s3 =	sand.u32 $0x1FFFFFF0, s5;
	s5 =	spop (v2sf)  }
0x3a: {  	[tilespmem:s25], [sflag:$0x1] =	stream.linear.gather [hbm4b:s0+s17], $0x80, $0x38;
	v63 =	vld [tilespmem:$0x0]  }
0x3b: {  	s0 =	sadd.s32 s4, s1;
	s1 =	sand.u32 $0x1FFFFFF0, s5;
	s5 =	spop (v2sf)  }
0x3c: {  	[tilespmem:s29], [sflag:$0x1] =	stream.linear.gather [hbm4b:s0+s17], $0x80, $0x38;
	v63 =	vld [tilespmem:$0x0]  }
0x3d: {  	s0 =	sadd.s32 s4, s3;
	s3 =	sand.u32 $0x1FFFFFF0, s5;
	s5 =	spop (v2sf)  }
0x3e: {  	[tilespmem:s26], [sflag:$0x1] =	stream.linear.gather [hbm4b:s0+s17], $0x80, $0x38;
	v63 =	vld [tilespmem:$0x0]  }
0x3f: {  	s0 =	sadd.s32 s4, s1;
	s1 =	sand.u32 $0x1FFFFFF0, s5;
	s5 =	spop (v2sf)  }
0x40: {  	[tilespmem:s24], [sflag:$0x1] =	stream.linear.gather [hbm4b:s0+s17], $0x80, $0x38;
	v63 =	vld [tilespmem:$0x0]  }
0x41: {  	s0 =	sadd.s32 s4, s3;
	s3 =	sand.u32 $0x1FFFFFF0, s5;
	s5 =	spop (v2sf)  }
0x42: {  	[tilespmem:s22], [sflag:$0x1] =	stream.linear.gather [hbm4b:s0+s17], $0x80, $0x38;
	v63 =	vld [tilespmem:$0x0]  }
0x43: {  	s0 =	sadd.s32 s4, s1;
	s1 =	sand.u32 $0x1FFFFFF0, s5  }
0x44: {  	[tilespmem:s23], [sflag:$0x1] =	stream.linear.gather [hbm4b:s0+s17], $0x80, $0x38;
	v63 =	vld [tilespmem:$0x0]  }
0x45: {  	s3 =	sadd.s32 s4, s3;
	s0 =	sadd.s32 $0x10500, s18  }
0x46: {  	[tilespmem:s0], [sflag:$0x1] =	stream.linear.gather [hbm4b:s3+s17], $0x80, $0x38;
	v63 =	vld [tilespmem:$0x0]  }
0x47: {  	s1 =	sadd.s32 s4, s1;
	s0 =	sadd.s32 $0x10580, s18  }
0x48: {  	[tilespmem:s0], [sflag:$0x1] =	stream.linear.gather [hbm4b:s1+s17], $0x80, $0x38;
	v63 =	vld [tilespmem:$0x0]  }
0x49: {  	v0 =	vld [tilespmem:s20+$0x0];
	_ =	sdelay $0x4  }
0x4a: {  	v0 =	vshll.u32 v0, $0x4  }
0x4b: {  	(v2sf) =	vpush v0, $0x0  }
0x4c: {  	(v2sf) =	vpush v0, $0x1  }
0x4d: {  	(v2sf) =	vpush v0, $0x2;
	_ =	sdelay $0x1  }
0x4e: {  	(v2sf) =	vpush v0, $0x4  }
.Ltmp0:
0x4f: {  	(pc) =	sbr.rel @p0 .LBB2_2-.Ltmp0, $3  }
0x50: {  	(v2sf) =	vpush v0, $0x3  }
0x51: {  	(v2sf) =	vpush v0, $0x5;
	_ =	sdelay $0x1  }
0x52: {  	s18 =	sshra.s32 s21, $0x2;
	(v2sf) =	vpush v0, $0x6  }
0x53: {  	_ =	sdelay $0x1  }
0x54: {  	s0 =	sadd.s32 $0xFE80, s18;
	s21 =	sadd.s32 $0x10380, s18  }
0x55: {  	s1 =	sadd.s32 $0x10180, s18;
	s19 =	sadd.s32 $0x10400, s18;
	(v2sf) =	vpush v0, $0x7;
	s3 =	sadd.s32 $0x10080, s18  }
0x56: {  	s5 =	sadd.s32 $0x10200, s18;
	s20 =	sadd.s32 $0x10480, s18;
	s6 =	sadd.s32 $0xFE00, s18  }
0x57: {  	s10 =	sadd.s32 $0x10000, s18;
	s11 =	sadd.s32 $0x10100, s18;
	(v2sf) =	vpush v0, $0x8;
	s22 =	spop (v2sf)  }
0x58: {  	s23 =	sadd.s32 $0xFF00, s18;
	s22 =	sand.u32 $0x1FFFFFF0, s22;
	s24 =	spop (v2sf)  }
0x59: {  	(v2sf) =	vpush v0, $0x9;
	s22 =	sadd.s32 s4, s22;
	s24 =	sand.u32 $0x1FFFFFF0, s24;
	s25 =	spop (v2sf)  }
0x5a: {  	[tilespmem:s6], [sflag:$0x1] =	stream.linear.gather [hbm4b:s22+s17], $0x80, $0x38;
	v63 =	vld [tilespmem:$0x0]  }
0x5b: {  	(v2sf) =	vpush v0, $0xA;
	s26 =	sadd.s32 s4, s24;
	s29 =	sand.u32 $0x1FFFFFF0, s25;
	s28 =	spop (v2sf)  }
0x5c: {  	[tilespmem:s0], [sflag:$0x1] =	stream.linear.gather [hbm4b:s26+s17], $0x80, $0x38;
	v63 =	vld [tilespmem:$0x0]  }
0x5d: {  	s6 =	sadd.s32 $0x10300, s18;
	(v2sf) =	vpush v0, $0xB;
	s22 =	sadd.s32 s4, s29;
	s30 =	spop (v2sf)  }
0x5e: {  	s0 =	sadd.s32 $0x10280, s18;
	s26 =	sadd.s32 $0xFF80, s18;
	s25 =	sand.u32 $0x1FFFFFF0, s30  }
0x5f: {  	(v2sf) =	vpush v0, $0xC;
	[tilespmem:s23], [sflag:$0x1] =	stream.linear.gather [hbm4b:s22+s17], $0x80, $0x38;
	v63 =	vld [tilespmem:$0x0]  }
0x60: {  	s31 =	sand.u32 $0x1FFFFFF0, s28;
	s28 =	spop (v2sf);
	s29 =	sadd.s32 s4, s25  }
0x61: {  	(v2sf) =	vpush v0, $0xD;
	[tilespmem:s26], [sflag:$0x1] =	stream.linear.gather [hbm4b:s29+s17], $0x80, $0x38;
	v63 =	vld [tilespmem:$0x0]  }
0x62: {  	s22 =	sadd.s32 s4, s31;
	s23 =	sand.u32 $0x1FFFFFF0, s28;
	s30 =	spop (v2sf)  }
0x63: {  	(v2sf) =	vpush v0, $0xE;
	[tilespmem:s10], [sflag:$0x1] =	stream.linear.gather [hbm4b:s22+s17], $0x80, $0x38;
	v63 =	vld [tilespmem:$0x0]  }
0x64: {  	s23 =	sadd.s32 s4, s23;
	s31 =	sand.u32 $0x1FFFFFF0, s30;
	s24 =	spop (v2sf)  }
0x65: {  	(v2sf) =	vpush v0, $0xF;
	[tilespmem:s3], [sflag:$0x1] =	stream.linear.gather [hbm4b:s23+s17], $0x80, $0x38;
	v63 =	vld [tilespmem:$0x0]  }
0x66: {  	s25 =	sand.u32 $0x1FFFFFF0, s24;
	s26 =	spop (v2sf);
	s10 =	sadd.s32 s4, s31  }
0x67: {  	[tilespmem:s11], [sflag:$0x1] =	stream.linear.gather [hbm4b:s10+s17], $0x80, $0x38;
	v63 =	vld [tilespmem:$0x0]  }
0x68: {  	s28 =	sand.u32 $0x1FFFFFF0, s26;
	s3 =	sadd.s32 s4, s25;
	s29 =	spop (v2sf)  }
0x69: {  	[tilespmem:s1], [sflag:$0x1] =	stream.linear.gather [hbm4b:s3+s17], $0x80, $0x38;
	v63 =	vld [tilespmem:$0x0]  }
0x6a: {  	s10 =	sadd.s32 s4, s28;
	s30 =	sand.u32 $0x1FFFFFF0, s29;
	s31 =	spop (v2sf)  }
0x6b: {  	[tilespmem:s5], [sflag:$0x1] =	stream.linear.gather [hbm4b:s10+s17], $0x80, $0x38;
	v63 =	vld [tilespmem:$0x0]  }
0x6c: {  	s3 =	sand.u32 $0x1FFFFFF0, s31;
	s1 =	sadd.s32 s4, s30;
	s10 =	spop (v2sf)  }
0x6d: {  	[tilespmem:s0], [sflag:$0x1] =	stream.linear.gather [hbm4b:s1+s17], $0x80, $0x38;
	v63 =	vld [tilespmem:$0x0]  }
0x6e: {  	s3 =	sadd.s32 s4, s3;
	s11 =	sand.u32 $0x1FFFFFF0, s10;
	s22 =	spop (v2sf)  }
0x6f: {  	[tilespmem:s6], [sflag:$0x1] =	stream.linear.gather [hbm4b:s3+s17], $0x80, $0x38;
	v63 =	vld [tilespmem:$0x0]  }
0x70: {  	s0 =	sadd.s32 s4, s11;
	s1 =	sand.u32 $0x1FFFFFF0, s22;
	s23 =	spop (v2sf)  }
0x71: {  	[tilespmem:s21], [sflag:$0x1] =	stream.linear.gather [hbm4b:s0+s17], $0x80, $0x38;
	v63 =	vld [tilespmem:$0x0]  }
0x72: {  	s24 =	sand.u32 $0x1FFFFFF0, s23;
	s1 =	sadd.s32 s4, s1;
	s25 =	spop (v2sf)  }
0x73: {  	[tilespmem:s19], [sflag:$0x1] =	stream.linear.gather [hbm4b:s1+s17], $0x80, $0x38;
	v63 =	vld [tilespmem:$0x0]  }
0x74: {  	s26 =	sand.u32 $0x1FFFFFF0, s25;
	s28 =	spop (v2sf);
	s0 =	sadd.s32 s4, s24  }
0x75: {  	[tilespmem:s20], [sflag:$0x1] =	stream.linear.gather [hbm4b:s0+s17], $0x80, $0x38;
	v63 =	vld [tilespmem:$0x0]  }
0x76: {  	s30 =	sadd.s32 $0x10500, s18;
	s29 =	sand.u32 $0x1FFFFFF0, s28;
	s1 =	sadd.s32 s4, s26  }
0x77: {  	[tilespmem:s30], [sflag:$0x1] =	stream.linear.gather [hbm4b:s1+s17], $0x80, $0x38;
	v63 =	vld [tilespmem:$0x0]  }
0x78: {  	s31 =	sadd.s32 $0x10580, s18;
	s18 =	simm.s32 $0x100;
	s0 =	sadd.s32 s4, s29  }
0x79: {  	[tilespmem:s31], [sflag:$0x1] =	stream.linear.gather [hbm4b:s0+s17], $0x80, $0x38;
	v63 =	vld [tilespmem:$0x0]  }
0x7a: {  	v0 =	vld [tilespmem:s18+$0x0];
	_ =	sdelay $0x4  }
0x7b: {  	v0 =	vshll.u32 v0, $0x4  }
0x7c: {  	(v2sf) =	vpush v0, $0x0  }
0x7d: {  	(v2sf) =	vpush v0, $0x1  }
0x7e: {  	(v2sf) =	vpush v0, $0x2;
	_ =	sdelay $0x1  }
0x7f: {  	(v2sf) =	vpush v0, $0x4;
	_ =	sdelay $0x1  }
0x80: {  	(v2sf) =	vpush v0, $0x3  }
0x81: {  	(v2sf) =	vpush v0, $0x5  }
0x82: {  	s19 =	simm.s32 $0x2000;
	s17 =	simm.s32 $0x0;
	(v2sf) =	vpush v0, $0x6  }
.LBB2_4:
0x83: {  	p0 =	sne.s32 s19, $0x1E000  }
0x84: {  	s0 =	sadd.s32 $0x17E80, s17;
	s23 =	sadd.s32 $0x18380, s17;
	s20 =	smov.u32 s19  }
0x85: {  	s19 =	sadd.s32 $0x2000, s19;
	s26 =	sadd.s32 $0x18180, s17;
	s21 =	sadd.s32 $0x18400, s17;
	(v2sf) =	vpush v0, $0x7  }
0x86: {  	s29 =	sadd.s32 $0x18080, s17;
	s25 =	sadd.s32 $0x18200, s17;
	s22 =	sadd.s32 $0x18480, s17  }
0x87: {  	s1 =	sadd.s32 $0x17E00, s17;
	s3 =	sadd.s32 $0x18000, s17;
	(v2sf) =	vpush v0, $0x8  }
0x88: {  	s5 =	sadd.s32 $0x18100, s17;
	s18 =	sadd.s32 $0x10, s18  }
0x89: {  	s6 =	sadd.s32 $0x17F00, s17;
	s24 =	sadd.s32 $0x18300, s17;
	s10 =	spop (v2sf);
	(v2sf) =	vpush v0, $0x9  }
0x8a: {  	s28 =	sadd.s32 $0x18280, s17;
	s10 =	sand.u32 $0x1FFFFFF0, s10;
	s11 =	spop (v2sf)  }
0x8b: {  	s10 =	sadd.s32 s4, s10;
	s11 =	sand.u32 $0x1FFFFFF0, s11;
	s30 =	spop (v2sf);
	(v2sf) =	vpush v0, $0xA  }
0x8c: {  	[tilespmem:s1], [sflag:$0x2] =	stream.linear.gather [hbm4b:s10+s2], $0x80, $0x38;
	v63 =	vld [tilespmem:$0x0]  }
0x8d: {  	s1 =	sadd.s32 s4, s11;
	s10 =	sadd.s32 $0x17F80, s17;
	s11 =	spop (v2sf);
	(v2sf) =	vpush v0, $0xB  }
0x8e: {  	[tilespmem:s0], [sflag:$0x2] =	stream.linear.gather [hbm4b:s1+s2], $0x80, $0x38;
	v63 =	vld [tilespmem:$0x0]  }
0x8f: {  	s0 =	sand.u32 $0x1FFFFFF0, s30;
	s1 =	sand.u32 $0x1FFFFFF0, s11;
	s11 =	spop (v2sf);
	(v2sf) =	vpush v0, $0xC  }
0x90: {  	s0 =	sadd.s32 s4, s0;
	s11 =	sand.u32 $0x1FFFFFF0, s11;
	s30 =	spop (v2sf)  }
0x91: {  	[tilespmem:s6], [sflag:$0x2] =	stream.linear.gather [hbm4b:s0+s2], $0x80, $0x38;
	(v2sf) =	vpush v0, $0xD;
	v63 =	vld [tilespmem:$0x0]  }
0x92: {  	s0 =	sadd.s32 s4, s11;
	s6 =	sand.u32 $0x1FFFFFF0, s30;
	s11 =	spop (v2sf)  }
0x93: {  	[tilespmem:s10], [sflag:$0x2] =	stream.linear.gather [hbm4b:s0+s2], $0x80, $0x38;
	(v2sf) =	vpush v0, $0xE;
	v63 =	vld [tilespmem:$0x0]  }
0x94: {  	s0 =	sadd.s32 s4, s1;
	s1 =	sand.u32 $0x1FFFFFF0, s11;
	s10 =	spop (v2sf)  }
0x95: {  	[tilespmem:s3], [sflag:$0x2] =	stream.linear.gather [hbm4b:s0+s2], $0x80, $0x38;
	(v2sf) =	vpush v0, $0xF;
	v63 =	vld [tilespmem:$0x0]  }
0x96: {  	s0 =	sadd.s32 s4, s6;
	s3 =	sand.u32 $0x1FFFFFF0, s10;
	s6 =	spop (v2sf)  }
0x97: {  	[tilespmem:s29], [sflag:$0x2] =	stream.linear.gather [hbm4b:s0+s2], $0x80, $0x38;
	v63 =	vld [tilespmem:$0x0]  }
0x98: {  	s0 =	sadd.s32 s4, s1;
	s1 =	sand.u32 $0x1FFFFFF0, s6;
	s6 =	spop (v2sf)  }
0x99: {  	[tilespmem:s5], [sflag:$0x2] =	stream.linear.gather [hbm4b:s0+s2], $0x80, $0x38;
	v63 =	vld [tilespmem:$0x0]  }
0x9a: {  	s0 =	sadd.s32 s4, s3;
	s3 =	sand.u32 $0x1FFFFFF0, s6;
	s5 =	spop (v2sf)  }
0x9b: {  	[tilespmem:s26], [sflag:$0x2] =	stream.linear.gather [hbm4b:s0+s2], $0x80, $0x38;
	v63 =	vld [tilespmem:$0x0]  }
0x9c: {  	s0 =	sadd.s32 s4, s1;
	s1 =	sand.u32 $0x1FFFFFF0, s5;
	s5 =	spop (v2sf)  }
0x9d: {  	[tilespmem:s25], [sflag:$0x2] =	stream.linear.gather [hbm4b:s0+s2], $0x80, $0x38;
	v63 =	vld [tilespmem:$0x0]  }
0x9e: {  	s0 =	sadd.s32 s4, s3;
	s3 =	sand.u32 $0x1FFFFFF0, s5;
	s5 =	spop (v2sf)  }
0x9f: {  	[tilespmem:s28], [sflag:$0x2] =	stream.linear.gather [hbm4b:s0+s2], $0x80, $0x38;
	v63 =	vld [tilespmem:$0x0]  }
0xa0: {  	s0 =	sadd.s32 s4, s1;
	s1 =	sand.u32 $0x1FFFFFF0, s5;
	s5 =	spop (v2sf)  }
0xa1: {  	[tilespmem:s24], [sflag:$0x2] =	stream.linear.gather [hbm4b:s0+s2], $0x80, $0x38;
	v63 =	vld [tilespmem:$0x0]  }
0xa2: {  	s0 =	sadd.s32 s4, s3;
	s3 =	sand.u32 $0x1FFFFFF0, s5;
	s5 =	spop (v2sf)  }
0xa3: {  	[tilespmem:s23], [sflag:$0x2] =	stream.linear.gather [hbm4b:s0+s2], $0x80, $0x38;
	v63 =	vld [tilespmem:$0x0]  }
0xa4: {  	s0 =	sadd.s32 s4, s1;
	s1 =	sand.u32 $0x1FFFFFF0, s5;
	s5 =	spop (v2sf)  }
0xa5: {  	[tilespmem:s21], [sflag:$0x2] =	stream.linear.gather [hbm4b:s0+s2], $0x80, $0x38;
	v63 =	vld [tilespmem:$0x0]  }
0xa6: {  	s0 =	sadd.s32 s4, s3;
	s3 =	sand.u32 $0x1FFFFFF0, s5  }
0xa7: {  	[tilespmem:s22], [sflag:$0x2] =	stream.linear.gather [hbm4b:s0+s2], $0x80, $0x38;
	v63 =	vld [tilespmem:$0x0]  }
0xa8: {  	s1 =	sadd.s32 s4, s1;
	s0 =	sadd.s32 $0x18500, s17  }
0xa9: {  	[tilespmem:s0], [sflag:$0x2] =	stream.linear.gather [hbm4b:s1+s2], $0x80, $0x38;
	v63 =	vld [tilespmem:$0x0]  }
0xaa: {  	s0 =	sadd.s32 $0x18580, s17;
	s1 =	sadd.s32 s4, s3  }
0xab: {  	[tilespmem:s0], [sflag:$0x2] =	stream.linear.gather [hbm4b:s1+s2], $0x80, $0x38;
	v63 =	vld [tilespmem:$0x0]  }
0xac: {  	v0 =	vld [tilespmem:s18+$0x0];
	_ =	sdelay $0x4  }
0xad: {  	v0 =	vshll.u32 v0, $0x4  }
0xae: {  	(v2sf) =	vpush v0, $0x0  }
0xaf: {  	(v2sf) =	vpush v0, $0x1  }
0xb0: {  	(v2sf) =	vpush v0, $0x2;
	_ =	sdelay $0x1  }
0xb1: {  	(v2sf) =	vpush v0, $0x4  }
.Ltmp1:
0xb2: {  	(pc) =	sbr.rel @p0 .LBB2_4-.Ltmp1, $3  }
0xb3: {  	(v2sf) =	vpush v0, $0x3  }
0xb4: {  	(v2sf) =	vpush v0, $0x5;
	_ =	sdelay $0x1  }
0xb5: {  	s17 =	sshra.s32 s20, $0x2;
	(v2sf) =	vpush v0, $0x6  }
0xb6: {  	_ =	sdelay $0x1  }
0xb7: {  	s0 =	sadd.s32 $0x17E80, s17;
	s20 =	sadd.s32 $0x18380, s17  }
0xb8: {  	s1 =	sadd.s32 $0x18180, s17;
	s18 =	sadd.s32 $0x18400, s17;
	(v2sf) =	vpush v0, $0x7;
	s3 =	sadd.s32 $0x18080, s17  }
0xb9: {  	s5 =	sadd.s32 $0x18200, s17;
	s19 =	sadd.s32 $0x18480, s17;
	s6 =	sadd.s32 $0x17E00, s17  }
0xba: {  	s10 =	sadd.s32 $0x18000, s17;
	s11 =	sadd.s32 $0x18100, s17;
	(v2sf) =	vpush v0, $0x8;
	s21 =	spop (v2sf)  }
0xbb: {  	s22 =	sadd.s32 $0x17F00, s17;
	s21 =	sand.u32 $0x1FFFFFF0, s21;
	s23 =	spop (v2sf)  }
0xbc: {  	(v2sf) =	vpush v0, $0x9;
	s21 =	sadd.s32 s4, s21;
	s23 =	sand.u32 $0x1FFFFFF0, s23;
	s24 =	spop (v2sf)  }
0xbd: {  	[tilespmem:s6], [sflag:$0x2] =	stream.linear.gather [hbm4b:s21+s2], $0x80, $0x38;
	v63 =	vld [tilespmem:$0x0]  }
0xbe: {  	s25 =	sadd.s32 $0x17F80, s17;
	(v2sf) =	vpush v0, $0xA;
	s30 =	sadd.s32 s4, s23;
	s31 =	spop (v2sf)  }
0xbf: {  	[tilespmem:s0], [sflag:$0x2] =	stream.linear.gather [hbm4b:s30+s2], $0x80, $0x38;
	v63 =	vld [tilespmem:$0x0]  }
0xc0: {  	s6 =	sadd.s32 $0x18300, s17;
	s24 =	sand.u32 $0x1FFFFFF0, s24;
	(v2sf) =	vpush v0, $0xB;
	s26 =	spop (v2sf)  }
0xc1: {  	s21 =	sadd.s32 s4, s24;
	s0 =	sadd.s32 $0x18280, s17;
	s24 =	sand.u32 $0x1FFFFFF0, s26  }
0xc2: {  	(v2sf) =	vpush v0, $0xC;
	[tilespmem:s22], [sflag:$0x2] =	stream.linear.gather [hbm4b:s21+s2], $0x80, $0x38;
	v63 =	vld [tilespmem:$0x0]  }
0xc3: {  	s28 =	sand.u32 $0x1FFFFFF0, s31;
	s29 =	spop (v2sf);
	s30 =	sadd.s32 s4, s24  }
0xc4: {  	(v2sf) =	vpush v0, $0xD;
	[tilespmem:s25], [sflag:$0x2] =	stream.linear.gather [hbm4b:s30+s2], $0x80, $0x38;
	v63 =	vld [tilespmem:$0x0]  }
0xc5: {  	s21 =	sadd.s32 s4, s28;
	s22 =	sand.u32 $0x1FFFFFF0, s29;
	s31 =	spop (v2sf)  }
0xc6: {  	(v2sf) =	vpush v0, $0xE;
	[tilespmem:s10], [sflag:$0x2] =	stream.linear.gather [hbm4b:s21+s2], $0x80, $0x38;
	v63 =	vld [tilespmem:$0x0]  }
0xc7: {  	s22 =	sadd.s32 s4, s22;
	s23 =	sand.u32 $0x1FFFFFF0, s31;
	s24 =	spop (v2sf)  }
0xc8: {  	(v2sf) =	vpush v0, $0xF;
	[tilespmem:s3], [sflag:$0x2] =	stream.linear.gather [hbm4b:s22+s2], $0x80, $0x38;
	v63 =	vld [tilespmem:$0x0]  }
0xc9: {  	s25 =	sand.u32 $0x1FFFFFF0, s24;
	s26 =	spop (v2sf);
	s10 =	sadd.s32 s4, s23  }
0xca: {  	[tilespmem:s11], [sflag:$0x2] =	stream.linear.gather [hbm4b:s10+s2], $0x80, $0x38;
	v63 =	vld [tilespmem:$0x0]  }
0xcb: {  	s28 =	sand.u32 $0x1FFFFFF0, s26;
	s3 =	sadd.s32 s4, s25;
	s29 =	spop (v2sf)  }
0xcc: {  	[tilespmem:s1], [sflag:$0x2] =	stream.linear.gather [hbm4b:s3+s2], $0x80, $0x38;
	v63 =	vld [tilespmem:$0x0]  }
0xcd: {  	s10 =	sadd.s32 s4, s28;
	s30 =	sand.u32 $0x1FFFFFF0, s29;
	s31 =	spop (v2sf)  }
0xce: {  	[tilespmem:s5], [sflag:$0x2] =	stream.linear.gather [hbm4b:s10+s2], $0x80, $0x38;
	v63 =	vld [tilespmem:$0x0]  }
0xcf: {  	s3 =	sand.u32 $0x1FFFFFF0, s31;
	s1 =	sadd.s32 s4, s30;
	s11 =	spop (v2sf)  }
0xd0: {  	[tilespmem:s0], [sflag:$0x2] =	stream.linear.gather [hbm4b:s1+s2], $0x80, $0x38;
	v63 =	vld [tilespmem:$0x0]  }
0xd1: {  	s3 =	sadd.s32 s4, s3;
	s21 =	sand.u32 $0x1FFFFFF0, s11;
	s22 =	spop (v2sf)  }
0xd2: {  	[tilespmem:s6], [sflag:$0x2] =	stream.linear.gather [hbm4b:s3+s2], $0x80, $0x38;
	v63 =	vld [tilespmem:$0x0]  }
0xd3: {  	s0 =	sadd.s32 s4, s21;
	s1 =	sand.u32 $0x1FFFFFF0, s22;
	s23 =	spop (v2sf)  }
0xd4: {  	[tilespmem:s20], [sflag:$0x2] =	stream.linear.gather [hbm4b:s0+s2], $0x80, $0x38;
	v63 =	vld [tilespmem:$0x0]  }
0xd5: {  	s24 =	sand.u32 $0x1FFFFFF0, s23;
	s1 =	sadd.s32 s4, s1;
	s25 =	spop (v2sf)  }
0xd6: {  	[tilespmem:s18], [sflag:$0x2] =	stream.linear.gather [hbm4b:s1+s2], $0x80, $0x38;
	v63 =	vld [tilespmem:$0x0]  }
0xd7: {  	s26 =	sand.u32 $0x1FFFFFF0, s25;
	s28 =	spop (v2sf);
	s0 =	sadd.s32 s4, s24  }
0xd8: {  	[tilespmem:s19], [sflag:$0x2] =	stream.linear.gather [hbm4b:s0+s2], $0x80, $0x38;
	v63 =	vld [tilespmem:$0x0]  }
0xd9: {  	s30 =	sadd.s32 $0x18500, s17;
	s29 =	sand.u32 $0x1FFFFFF0, s28;
	s1 =	sadd.s32 s4, s26  }
0xda: {  	[tilespmem:s30], [sflag:$0x2] =	stream.linear.gather [hbm4b:s1+s2], $0x80, $0x38;
	v63 =	vld [tilespmem:$0x0]  }
0xdb: {  	s31 =	sadd.s32 $0x18580, s17;
	s0 =	sadd.s32 s4, s29  }
0xdc: {  	[tilespmem:s31], [sflag:$0x2] =	stream.linear.gather [hbm4b:s0+s2], $0x80, $0x38;
	v63 =	vld [tilespmem:$0x0]  }
0xdd: {  	_ =	swait.ge [sflag:s12], $0xFA00  }
0xde: {  	[sflag:s12] =	ssyncset.done $0x0  }
0xdf: {  	[sflag:s12] =	ssyncadd.s32 $0xFFFF0600  }
0xe0: {  	_ =	swait.ge [sflag:s13], $0x400  }
0xe1: {  	[sflag:s13] =	ssyncset.done $0x0  }
0xe2: {  	[sflag:s13] =	ssyncadd.s32 $0xFFFFFC00  }
0xe3: {  	_ =	swait.ge [sflag:s13], $0x400  }
0xe4: {  	[sflag:s13] =	ssyncset.done $0x0  }
0xe5: {  	[sflag:s13] =	ssyncadd.s32 $0xFFFFFC00  }
0xe6: {  	_ =	swait.ge [sflag:s13], $0x400  }
0xe7: {  	[sflag:s13] =	ssyncset.done $0x0  }
0xe8: {  	[sflag:s13] =	ssyncadd.s32 $0xFFFFFC00  }
0xe9: {  	_ =	swait.ge [sflag:s13], $0x400  }
0xea: {  	[sflag:s13] =	ssyncset.done $0x0  }
0xeb: {  	[sflag:s13] =	ssyncadd.s32 $0xFFFFFC00  }
0xec: {  	_ =	swait.ge [sflag:s13], $0x400  }
0xed: {  	[sflag:s13] =	ssyncset.done $0x0  }
0xee: {  	[sflag:s13] =	ssyncadd.s32 $0xFFFFFC00  }
0xef: {  	_ =	swait.ge [sflag:s13], $0x400  }
0xf0: {  	[sflag:s13] =	ssyncset.done $0x0  }
0xf1: {  	[sflag:s13] =	ssyncadd.s32 $0xFFFFFC00  }
0xf2: {  	_ =	swait.ge [sflag:s13], $0x400  }
0xf3: {  	[sflag:s13] =	ssyncset.done $0x0  }
0xf4: {  	[sflag:s13] =	ssyncadd.s32 $0xFFFFFC00  }
0xf5: {  	_ =	swait.ge [sflag:s13], $0x400  }
0xf6: {  	[sflag:s13] =	ssyncset.done $0x0  }
0xf7: {  	[sflag:s13] =	ssyncadd.s32 $0xFFFFFC00  }
0xf8: {  	_ =	swait.ge [sflag:s13], $0x400  }
0xf9: {  	[sflag:s13] =	ssyncset.done $0x0  }
0xfa: {  	[sflag:s13] =	ssyncadd.s32 $0xFFFFFC00  }
0xfb: {  	_ =	swait.ge [sflag:s13], $0x400  }
0xfc: {  	[sflag:s13] =	ssyncset.done $0x0  }
0xfd: {  	[sflag:s13] =	ssyncadd.s32 $0xFFFFFC00  }
0xfe: {  	_ =	swait.ge [sflag:s13], $0x400  }
0xff: {  	[sflag:s13] =	ssyncset.done $0x0  }
0x100: {  	[sflag:s13] =	ssyncadd.s32 $0xFFFFFC00  }
0x101: {  	_ =	swait.ge [sflag:s13], $0x400  }
0x102: {  	[sflag:s13] =	ssyncset.done $0x0  }
0x103: {  	[sflag:s13] =	ssyncadd.s32 $0xFFFFFC00  }
0x104: {  	_ =	swait.ge [sflag:s13], $0x400  }
0x105: {  	[sflag:s13] =	ssyncset.done $0x0  }
0x106: {  	[sflag:s13] =	ssyncadd.s32 $0xFFFFFC00  }
0x107: {  	_ =	swait.ge [sflag:s13], $0x400  }
0x108: {  	[sflag:s13] =	ssyncset.done $0x0  }
0x109: {  	[sflag:s13] =	ssyncadd.s32 $0xFFFFFC00  }
0x10a: {  	_ =	swait.ge [sflag:s13], $0x400  }
0x10b: {  	[sflag:s13] =	ssyncset.done $0x0  }
0x10c: {  	[sflag:s13] =	ssyncadd.s32 $0xFFFFFC00  }
0x10d: {  	_ =	swait.ge [sflag:s13], $0x400  }
0x10e: {  	[sflag:s13] =	ssyncset.done $0x0  }
0x10f: {  	[sflag:s13] =	ssyncadd.s32 $0xFFFFFC00  }
0x110: {  	_ =	swait.ge [sflag:s13], $0x400  }
0x111: {  	[sflag:s13] =	ssyncset.done $0x0  }
0x112: {  	[sflag:s13] =	ssyncadd.s32 $0xFFFFFC00  }
0x113: {  	_ =	swait.ge [sflag:s13], $0x400  }
0x114: {  	[sflag:s13] =	ssyncset.done $0x0  }
0x115: {  	[sflag:s13] =	ssyncadd.s32 $0xFFFFFC00  }
0x116: {  	_ =	swait.ge [sflag:s13], $0x400  }
0x117: {  	[sflag:s13] =	ssyncset.done $0x0  }
0x118: {  	[sflag:s13] =	ssyncadd.s32 $0xFFFFFC00  }
0x119: {  	_ =	swait.ge [sflag:s13], $0x400  }
0x11a: {  	[sflag:s13] =	ssyncset.done $0x0  }
0x11b: {  	[sflag:s13] =	ssyncadd.s32 $0xFFFFFC00  }
0x11c: {  	_ =	swait.ge [sflag:s13], $0x400  }
0x11d: {  	[sflag:s13] =	ssyncset.done $0x0  }
0x11e: {  	[sflag:s13] =	ssyncadd.s32 $0xFFFFFC00  }
0x11f: {  	_ =	swait.ge [sflag:s13], $0x400  }
0x120: {  	[sflag:s13] =	ssyncset.done $0x0  }
0x121: {  	[sflag:s13] =	ssyncadd.s32 $0xFFFFFC00  }
0x122: {  	_ =	swait.ge [sflag:s13], $0x400  }
0x123: {  	[sflag:s13] =	ssyncset.done $0x0  }
0x124: {  	[sflag:s13] =	ssyncadd.s32 $0xFFFFFC00  }
0x125: {  	_ =	swait.ge [sflag:s13], $0x400  }
0x126: {  	[sflag:s13] =	ssyncset.done $0x0  }
0x127: {  	[sflag:s13] =	ssyncadd.s32 $0xFFFFFC00  }
0x128: {  	_ =	swait.ge [sflag:s13], $0x400  }
0x129: {  	[sflag:s13] =	ssyncset.done $0x0  }
0x12a: {  	[sflag:s13] =	ssyncadd.s32 $0xFFFFFC00  }
0x12b: {  	_ =	swait.ge [sflag:s13], $0x400  }
0x12c: {  	[sflag:s13] =	ssyncset.done $0x0  }
0x12d: {  	[sflag:s13] =	ssyncadd.s32 $0xFFFFFC00  }
0x12e: {  	_ =	swait.ge [sflag:s13], $0x400  }
0x12f: {  	[sflag:s13] =	ssyncset.done $0x0  }
0x130: {  	[sflag:s13] =	ssyncadd.s32 $0xFFFFFC00  }
0x131: {  	_ =	swait.ge [sflag:s13], $0x400  }
0x132: {  	[sflag:s13] =	ssyncset.done $0x0  }
0x133: {  	[sflag:s13] =	ssyncadd.s32 $0xFFFFFC00  }
0x134: {  	_ =	swait.ge [sflag:s13], $0x400  }
0x135: {  	[sflag:s13] =	ssyncset.done $0x0  }
0x136: {  	[sflag:s13] =	ssyncadd.s32 $0xFFFFFC00  }
0x137: {  	_ =	swait.ge [sflag:s13], $0x400  }
0x138: {  	[sflag:s13] =	ssyncset.done $0x0  }
0x139: {  	[sflag:s13] =	ssyncadd.s32 $0xFFFFFC00  }
0x13a: {  	_ =	swait.ge [sflag:s13], $0x400  }
0x13b: {  	[sflag:s13] =	ssyncset.done $0x0  }
0x13c: {  	[sflag:s13] =	ssyncadd.s32 $0xFFFFFC00  }
0x13d: {  	_ =	swait.ge [sflag:s13], $0x400  }
0x13e: {  	s17 =	simm.s32 $0xF;
	[sflag:s13] =	ssyncset.done $0x0  }
0x13f: {  	s18 =	simm.s32 $0x200;
	s19 =	simm.s32 $0x10200;
	[sflag:s13] =	ssyncadd.s32 $0xFFFFFC00  }
.LBB2_6:
0x140: {  	v0 =	vld [tilespmem:s18+$0x0];
	_ =	sdelay $0x4  }
0x141: {  	(v2sf) =	vpush v0, $0x0;
	_ =	sdelay $0xd  }
0x142: {  	v2 =	vld [tilespmem:s19+$0xFFFFFC00]  }
0x143: {  	v4 =	vld [tilespmem:s19+$0xFFFFFC10];
	s0 =	spop (v2sf)  }
0x144: {  	v1 =	vld [tilespmem:s0+$0x400]  }
0x145: {  	v3 =	vld [tilespmem:s0+$0x410]  }
0x146: {  	v6 =	vld [tilespmem:s19+$0xFFFFFC20]  }
0x147: {  	v5 =	vld [tilespmem:s0+$0x420]  }
0x148: {  	v8 =	vld [tilespmem:s19+$0xFFFFFC30]  }
0x149: {  	v7 =	vld [tilespmem:s0+$0x430]  }
0x14a: {  	v1 =	vmul.f32 v2, v1;
	v52 =	vmul.f32 v4, v3;
	_ =	sdelay $0x1  }
0x14b: {  	v53 =	vmul.f32 v6, v5;
	v1 =	vadd.f32 v52, v1;
	_ =	sdelay $0x1  }
0x14c: {  	(v2sf) =	vpush v0, $0x1;
	v54 =	vmul.f32 v8, v7;
	v1 =	vadd.f32 v53, v1;
	_ =	sdelay $0x1  }
0x14d: {  	v1 =	vadd.f32 v54, v1;
	_ =	sdelay $0x1  }
0x14e: {  	(xrf2) =	vadd.scan.msk.f32 $0xffff, v1;
	_ =	sdelay $0x1  }
0x14f: {  	s10 =	sadd.s32 $0xFFFFFFF1, s17  }
0x150: {  	v55 =	vmov s10  }
0x151: {  	v1 =	vand.u32 $0xFFFFFFF0, v55  }
0x152: {  	v1 =	vbroadcast v1, $0x0;
	_ =	sdelay $0x4  }
0x153: {  	v56, _, _ =	vpop (xrf2)  }
0x154: {  	s11 =	spop (v2sf);
	[tilespmem:v1+s14+$0x0] =	vst.idx.msk vm0, v56  }
0x155: {  	v1 =	vld [tilespmem:s11+$0x400]  }
0x156: {  	v2 =	vld [tilespmem:s19+$0xFFFFFC80]  }
0x157: {  	v57 =	vld [tilespmem:s11+$0x410]  }
0x158: {  	v58 =	vld [tilespmem:s19+$0xFFFFFC90]  }
0x159: {  	v59 =	vld [tilespmem:s11+$0x420]  }
0x15a: {  	v60 =	vld [tilespmem:s19+$0xFFFFFCA0]  }
0x15b: {  	v61 =	vld [tilespmem:s11+$0x430]  }
0x15c: {  	v62 =	vld [tilespmem:s19+$0xFFFFFCB0]  }
0x15d: {  	v1 =	vmul.f32 v2, v1;
	v4 =	vmul.f32 v58, v57;
	_ =	sdelay $0x1  }
0x15e: {  	v9 =	vmul.f32 v60, v59;
	v1 =	vadd.f32 v4, v1;
	_ =	sdelay $0x1  }
0x15f: {  	(v2sf) =	vpush v0, $0x2;
	v10 =	vmul.f32 v62, v61;
	v1 =	vadd.f32 v9, v1;
	_ =	sdelay $0x1  }
0x160: {  	v1 =	vadd.f32 v10, v1;
	_ =	sdelay $0x1  }
0x161: {  	(xrf2) =	vadd.scan.msk.f32 $0xffff, v1;
	_ =	sdelay $0x1  }
0x162: {  	s20 =	sadd.s32 $0xFFFFFFF2, s17  }
0x163: {  	v11 =	vmov s20  }
0x164: {  	v1 =	vand.u32 $0xFFFFFFF1, v11  }
0x165: {  	v1 =	vbroadcast v1, $0x0;
	_ =	sdelay $0x4  }
0x166: {  	v12, _, _ =	vpop (xrf2)  }
0x167: {  	s21 =	spop (v2sf);
	[tilespmem:v1+s14+$0x0] =	vst.idx.msk vm0, v12  }
0x168: {  	v1 =	vld [tilespmem:s21+$0x400]  }
0x169: {  	v2 =	vld [tilespmem:s19+$0xFFFFFD00]  }
0x16a: {  	v13 =	vld [tilespmem:s21+$0x410]  }
0x16b: {  	v14 =	vld [tilespmem:s19+$0xFFFFFD10]  }
0x16c: {  	v15 =	vld [tilespmem:s21+$0x420]  }
0x16d: {  	v16 =	vld [tilespmem:s19+$0xFFFFFD20]  }
0x16e: {  	v17 =	vld [tilespmem:s21+$0x430]  }
0x16f: {  	v18 =	vld [tilespmem:s19+$0xFFFFFD30]  }
0x170: {  	v1 =	vmul.f32 v2, v1;
	v19 =	vmul.f32 v14, v13;
	_ =	sdelay $0x1  }
0x171: {  	v20 =	vmul.f32 v16, v15;
	v1 =	vadd.f32 v19, v1;
	_ =	sdelay $0x1  }
0x172: {  	(v2sf) =	vpush v0, $0x3;
	v21 =	vmul.f32 v18, v17;
	v1 =	vadd.f32 v20, v1;
	_ =	sdelay $0x1  }
0x173: {  	v1 =	vadd.f32 v21, v1;
	_ =	sdelay $0x1  }
0x174: {  	(xrf2) =	vadd.scan.msk.f32 $0xffff, v1;
	_ =	sdelay $0x1  }
0x175: {  	s22 =	sadd.s32 $0xFFFFFFF3, s17  }
0x176: {  	v22 =	vmov s22  }
0x177: {  	v1 =	vand.u32 $0xFFFFFFF2, v22  }
0x178: {  	v1 =	vbroadcast v1, $0x0;
	_ =	sdelay $0x4  }
0x179: {  	v23, _, _ =	vpop (xrf2)  }
0x17a: {  	s23 =	spop (v2sf);
	[tilespmem:v1+s14+$0x0] =	vst.idx.msk vm0, v23  }
0x17b: {  	v1 =	vld [tilespmem:s23+$0x400]  }
0x17c: {  	v2 =	vld [tilespmem:s19+$0xFFFFFD80]  }
0x17d: {  	v24 =	vld [tilespmem:s23+$0x410]  }
0x17e: {  	v25 =	vld [tilespmem:s19+$0xFFFFFD90]  }
0x17f: {  	v26 =	vld [tilespmem:s23+$0x420]  }
0x180: {  	v27 =	vld [tilespmem:s19+$0xFFFFFDA0]  }
0x181: {  	v28 =	vld [tilespmem:s23+$0x430]  }
0x182: {  	v29 =	vld [tilespmem:s19+$0xFFFFFDB0]  }
0x183: {  	v1 =	vmul.f32 v2, v1;
	v30 =	vmul.f32 v25, v24;
	_ =	sdelay $0x1  }
0x184: {  	v31 =	vmul.f32 v27, v26;
	v1 =	vadd.f32 v30, v1;
	_ =	sdelay $0x1  }
0x185: {  	(v2sf) =	vpush v0, $0x4;
	v32 =	vmul.f32 v29, v28;
	v1 =	vadd.f32 v31, v1;
	_ =	sdelay $0x1  }
0x186: {  	v1 =	vadd.f32 v32, v1;
	_ =	sdelay $0x1  }
0x187: {  	(xrf2) =	vadd.scan.msk.f32 $0xffff, v1;
	_ =	sdelay $0x1  }
0x188: {  	s24 =	sadd.s32 $0xFFFFFFF4, s17  }
0x189: {  	v33 =	vmov s24  }
0x18a: {  	v1 =	vand.u32 $0xFFFFFFF3, v33  }
0x18b: {  	v1 =	vbroadcast v1, $0x0;
	_ =	sdelay $0x4  }
0x18c: {  	v34, _, _ =	vpop (xrf2)  }
0x18d: {  	s25 =	spop (v2sf);
	[tilespmem:v1+s14+$0x0] =	vst.idx.msk vm0, v34  }
0x18e: {  	v1 =	vld [tilespmem:s25+$0x400]  }
0x18f: {  	v2 =	vld [tilespmem:s19+$0xFFFFFE00]  }
0x190: {  	v35 =	vld [tilespmem:s25+$0x410]  }
0x191: {  	v36 =	vld [tilespmem:s19+$0xFFFFFE10]  }
0x192: {  	v37 =	vld [tilespmem:s25+$0x420]  }
0x193: {  	v38 =	vld [tilespmem:s19+$0xFFFFFE20]  }
0x194: {  	v39 =	vld [tilespmem:s25+$0x430]  }
0x195: {  	v40 =	vld [tilespmem:s19+$0xFFFFFE30]  }
0x196: {  	v1 =	vmul.f32 v2, v1;
	v41 =	vmul.f32 v36, v35;
	_ =	sdelay $0x1  }
0x197: {  	v42 =	vmul.f32 v38, v37;
	v1 =	vadd.f32 v41, v1;
	_ =	sdelay $0x1  }
0x198: {  	(v2sf) =	vpush v0, $0x5;
	v43 =	vmul.f32 v40, v39;
	v1 =	vadd.f32 v42, v1;
	_ =	sdelay $0x1  }
0x199: {  	v1 =	vadd.f32 v43, v1;
	_ =	sdelay $0x1  }
0x19a: {  	(xrf2) =	vadd.scan.msk.f32 $0xffff, v1;
	_ =	sdelay $0x1  }
0x19b: {  	s26 =	sadd.s32 $0xFFFFFFF5, s17  }
0x19c: {  	v44 =	vmov s26  }
0x19d: {  	v1 =	vand.u32 $0xFFFFFFF4, v44  }
0x19e: {  	v1 =	vbroadcast v1, $0x0;
	_ =	sdelay $0x4  }
0x19f: {  	v45, _, _ =	vpop (xrf2)  }
0x1a0: {  	s28 =	spop (v2sf);
	[tilespmem:v1+s14+$0x0] =	vst.idx.msk vm0, v45  }
0x1a1: {  	v1 =	vld [tilespmem:s28+$0x400]  }
0x1a2: {  	v2 =	vld [tilespmem:s19+$0xFFFFFE80]  }
0x1a3: {  	v46 =	vld [tilespmem:s28+$0x410]  }
0x1a4: {  	v47 =	vld [tilespmem:s19+$0xFFFFFE90]  }
0x1a5: {  	v48 =	vld [tilespmem:s28+$0x420]  }
0x1a6: {  	v49 =	vld [tilespmem:s19+$0xFFFFFEA0]  }
0x1a7: {  	v50 =	vld [tilespmem:s28+$0x430]  }
0x1a8: {  	v51 =	vld [tilespmem:s19+$0xFFFFFEB0]  }
0x1a9: {  	v1 =	vmul.f32 v2, v1;
	v52 =	vmul.f32 v47, v46;
	_ =	sdelay $0x1  }
0x1aa: {  	v53 =	vmul.f32 v49, v48;
	v1 =	vadd.f32 v52, v1;
	_ =	sdelay $0x1  }
0x1ab: {  	(v2sf) =	vpush v0, $0x6;
	v54 =	vmul.f32 v51, v50;
	v1 =	vadd.f32 v53, v1;
	_ =	sdelay $0x1  }
0x1ac: {  	v1 =	vadd.f32 v54, v1;
	_ =	sdelay $0x1  }
0x1ad: {  	(xrf2) =	vadd.scan.msk.f32 $0xffff, v1;
	_ =	sdelay $0x1  }
0x1ae: {  	s29 =	sadd.s32 $0xFFFFFFF6, s17  }
0x1af: {  	v55 =	vmov s29  }
0x1b0: {  	v1 =	vand.u32 $0xFFFFFFF5, v55  }
0x1b1: {  	v1 =	vbroadcast v1, $0x0;
	_ =	sdelay $0x4  }
0x1b2: {  	v56, _, _ =	vpop (xrf2)  }
0x1b3: {  	s30 =	spop (v2sf);
	[tilespmem:v1+s14+$0x0] =	vst.idx.msk vm0, v56  }
0x1b4: {  	v1 =	vld [tilespmem:s30+$0x400]  }
0x1b5: {  	v2 =	vld [tilespmem:s19+$0xFFFFFF00]  }
0x1b6: {  	v57 =	vld [tilespmem:s30+$0x410]  }
0x1b7: {  	v58 =	vld [tilespmem:s19+$0xFFFFFF10]  }
0x1b8: {  	v59 =	vld [tilespmem:s30+$0x420]  }
0x1b9: {  	v60 =	vld [tilespmem:s19+$0xFFFFFF20]  }
0x1ba: {  	v61 =	vld [tilespmem:s30+$0x430]  }
0x1bb: {  	v62 =	vld [tilespmem:s19+$0xFFFFFF30]  }
0x1bc: {  	v1 =	vmul.f32 v2, v1;
	v9 =	vmul.f32 v58, v57;
	_ =	sdelay $0x1  }
0x1bd: {  	v10 =	vmul.f32 v60, v59;
	v1 =	vadd.f32 v9, v1;
	_ =	sdelay $0x1  }
0x1be: {  	(v2sf) =	vpush v0, $0x7;
	v11 =	vmul.f32 v62, v61;
	v1 =	vadd.f32 v10, v1;
	_ =	sdelay $0x1  }
0x1bf: {  	v1 =	vadd.f32 v11, v1;
	_ =	sdelay $0x1  }
0x1c0: {  	(xrf2) =	vadd.scan.msk.f32 $0xffff, v1;
	_ =	sdelay $0x1  }
0x1c1: {  	s31 =	sadd.s32 $0xFFFFFFF7, s17  }
0x1c2: {  	v12 =	vmov s31  }
0x1c3: {  	v1 =	vand.u32 $0xFFFFFFF6, v12  }
0x1c4: {  	v1 =	vbroadcast v1, $0x0;
	_ =	sdelay $0x4  }
0x1c5: {  	v13, _, _ =	vpop (xrf2)  }
0x1c6: {  	s1 =	spop (v2sf);
	[tilespmem:v1+s14+$0x0] =	vst.idx.msk vm0, v13  }
0x1c7: {  	v1 =	vld [tilespmem:s1+$0x400]  }
0x1c8: {  	v2 =	vld [tilespmem:s19+$0xFFFFFF80]  }
0x1c9: {  	v14 =	vld [tilespmem:s1+$0x410]  }
0x1ca: {  	v15 =	vld [tilespmem:s19+$0xFFFFFF90]  }
0x1cb: {  	v16 =	vld [tilespmem:s1+$0x420]  }
0x1cc: {  	v17 =	vld [tilespmem:s19+$0xFFFFFFA0]  }
0x1cd: {  	v18 =	vld [tilespmem:s1+$0x430]  }
0x1ce: {  	v19 =	vld [tilespmem:s19+$0xFFFFFFB0]  }
0x1cf: {  	v1 =	vmul.f32 v2, v1;
	v20 =	vmul.f32 v15, v14;
	_ =	sdelay $0x1  }
0x1d0: {  	v21 =	vmul.f32 v17, v16;
	v1 =	vadd.f32 v20, v1;
	_ =	sdelay $0x1  }
0x1d1: {  	(v2sf) =	vpush v0, $0x8;
	v22 =	vmul.f32 v19, v18;
	v1 =	vadd.f32 v21, v1;
	_ =	sdelay $0x1  }
0x1d2: {  	v1 =	vadd.f32 v22, v1;
	_ =	sdelay $0x1  }
0x1d3: {  	(xrf2) =	vadd.scan.msk.f32 $0xffff, v1;
	_ =	sdelay $0x1  }
0x1d4: {  	s3 =	sadd.s32 $0xFFFFFFF8, s17  }
0x1d5: {  	v23 =	vmov s3  }
0x1d6: {  	v1 =	vand.u32 $0xFFFFFFF7, v23  }
0x1d7: {  	v1 =	vbroadcast v1, $0x0;
	_ =	sdelay $0x4  }
0x1d8: {  	v24, _, _ =	vpop (xrf2)  }
0x1d9: {  	s5 =	spop (v2sf);
	[tilespmem:v1+s14+$0x0] =	vst.idx.msk vm0, v24  }
0x1da: {  	v1 =	vld [tilespmem:s5+$0x400]  }
0x1db: {  	v2 =	vld [tilespmem:s19+$0x0]  }
0x1dc: {  	v25 =	vld [tilespmem:s5+$0x410]  }
0x1dd: {  	v26 =	vld [tilespmem:s19+$0x10]  }
0x1de: {  	v27 =	vld [tilespmem:s5+$0x420]  }
0x1df: {  	v28 =	vld [tilespmem:s19+$0x20]  }
0x1e0: {  	v29 =	vld [tilespmem:s5+$0x430]  }
0x1e1: {  	v30 =	vld [tilespmem:s19+$0x30]  }
0x1e2: {  	v1 =	vmul.f32 v2, v1;
	v31 =	vmul.f32 v26, v25;
	_ =	sdelay $0x1  }
0x1e3: {  	v32 =	vmul.f32 v28, v27;
	v1 =	vadd.f32 v31, v1;
	_ =	sdelay $0x1  }
0x1e4: {  	(v2sf) =	vpush v0, $0x9;
	v33 =	vmul.f32 v30, v29;
	v1 =	vadd.f32 v32, v1;
	_ =	sdelay $0x1  }
0x1e5: {  	v1 =	vadd.f32 v33, v1;
	_ =	sdelay $0x1  }
0x1e6: {  	(xrf2) =	vadd.scan.msk.f32 $0xffff, v1;
	_ =	sdelay $0x1  }
0x1e7: {  	s6 =	sadd.s32 $0xFFFFFFF9, s17  }
0x1e8: {  	v34 =	vmov s6  }
0x1e9: {  	v1 =	vand.u32 $0xFFFFFFF8, v34  }
0x1ea: {  	v1 =	vbroadcast v1, $0x0;
	_ =	sdelay $0x4  }
0x1eb: {  	v35, _, _ =	vpop (xrf2)  }
0x1ec: {  	s10 =	spop (v2sf);
	[tilespmem:v1+s14+$0x0] =	vst.idx.msk vm0, v35  }
0x1ed: {  	v1 =	vld [tilespmem:s10+$0x400]  }
0x1ee: {  	v2 =	vld [tilespmem:s19+$0x80]  }
0x1ef: {  	v36 =	vld [tilespmem:s10+$0x410]  }
0x1f0: {  	v37 =	vld [tilespmem:s19+$0x90]  }
0x1f1: {  	v38 =	vld [tilespmem:s10+$0x420]  }
0x1f2: {  	v39 =	vld [tilespmem:s19+$0xA0]  }
0x1f3: {  	v40 =	vld [tilespmem:s10+$0x430]  }
0x1f4: {  	v41 =	vld [tilespmem:s19+$0xB0]  }
0x1f5: {  	v1 =	vmul.f32 v2, v1;
	v42 =	vmul.f32 v37, v36;
	_ =	sdelay $0x1  }
0x1f6: {  	v43 =	vmul.f32 v39, v38;
	v1 =	vadd.f32 v42, v1;
	_ =	sdelay $0x1  }
0x1f7: {  	(v2sf) =	vpush v0, $0xA;
	v44 =	vmul.f32 v41, v40;
	v1 =	vadd.f32 v43, v1;
	_ =	sdelay $0x1  }
0x1f8: {  	v1 =	vadd.f32 v44, v1;
	_ =	sdelay $0x1  }
0x1f9: {  	(xrf2) =	vadd.scan.msk.f32 $0xffff, v1;
	_ =	sdelay $0x1  }
0x1fa: {  	s11 =	sadd.s32 $0xFFFFFFFA, s17  }
0x1fb: {  	v45 =	vmov s11  }
0x1fc: {  	v1 =	vand.u32 $0xFFFFFFF9, v45  }
0x1fd: {  	v1 =	vbroadcast v1, $0x0;
	_ =	sdelay $0x4  }
0x1fe: {  	v46, _, _ =	vpop (xrf2)  }
0x1ff: {  	s20 =	spop (v2sf);
	[tilespmem:v1+s14+$0x0] =	vst.idx.msk vm0, v46  }
0x200: {  	v1 =	vld [tilespmem:s20+$0x400]  }
0x201: {  	v2 =	vld [tilespmem:s19+$0x100]  }
0x202: {  	v47 =	vld [tilespmem:s20+$0x410]  }
0x203: {  	v48 =	vld [tilespmem:s19+$0x110]  }
0x204: {  	v49 =	vld [tilespmem:s20+$0x420]  }
0x205: {  	v50 =	vld [tilespmem:s19+$0x120]  }
0x206: {  	v51 =	vld [tilespmem:s20+$0x430]  }
0x207: {  	v52 =	vld [tilespmem:s19+$0x130]  }
0x208: {  	v1 =	vmul.f32 v2, v1;
	v53 =	vmul.f32 v48, v47;
	_ =	sdelay $0x1  }
0x209: {  	v54 =	vmul.f32 v50, v49;
	v1 =	vadd.f32 v53, v1;
	_ =	sdelay $0x1  }
0x20a: {  	(v2sf) =	vpush v0, $0xB;
	v55 =	vmul.f32 v52, v51;
	v1 =	vadd.f32 v54, v1;
	_ =	sdelay $0x1  }
0x20b: {  	v1 =	vadd.f32 v55, v1;
	_ =	sdelay $0x1  }
0x20c: {  	(xrf2) =	vadd.scan.msk.f32 $0xffff, v1;
	_ =	sdelay $0x1  }
0x20d: {  	s21 =	sadd.s32 $0xFFFFFFFB, s17  }
0x20e: {  	v56 =	vmov s21  }
0x20f: {  	v1 =	vand.u32 $0xFFFFFFFA, v56  }
0x210: {  	v1 =	vbroadcast v1, $0x0;
	_ =	sdelay $0x4  }
0x211: {  	v57, _, _ =	vpop (xrf2)  }
0x212: {  	s22 =	spop (v2sf);
	[tilespmem:v1+s14+$0x0] =	vst.idx.msk vm0, v57  }
0x213: {  	v1 =	vld [tilespmem:s22+$0x400]  }
0x214: {  	v2 =	vld [tilespmem:s19+$0x180]  }
0x215: {  	v58 =	vld [tilespmem:s22+$0x410]  }
0x216: {  	v59 =	vld [tilespmem:s19+$0x190]  }
0x217: {  	v60 =	vld [tilespmem:s22+$0x420]  }
0x218: {  	v61 =	vld [tilespmem:s19+$0x1A0]  }
0x219: {  	v62 =	vld [tilespmem:s22+$0x430]  }
0x21a: {  	v12 =	vld [tilespmem:s19+$0x1B0]  }
0x21b: {  	v1 =	vmul.f32 v2, v1;
	v13 =	vmul.f32 v59, v58;
	_ =	sdelay $0x1  }
0x21c: {  	v14 =	vmul.f32 v61, v60;
	v1 =	vadd.f32 v13, v1;
	_ =	sdelay $0x1  }
0x21d: {  	(v2sf) =	vpush v0, $0xC;
	v15 =	vmul.f32 v12, v62;
	v1 =	vadd.f32 v14, v1;
	_ =	sdelay $0x1  }
0x21e: {  	v1 =	vadd.f32 v15, v1;
	_ =	sdelay $0x1  }
0x21f: {  	(xrf2) =	vadd.scan.msk.f32 $0xffff, v1;
	_ =	sdelay $0x1  }
0x220: {  	s23 =	sadd.s32 $0xFFFFFFFC, s17  }
0x221: {  	v16 =	vmov s23  }
0x222: {  	v1 =	vand.u32 $0xFFFFFFFB, v16  }
0x223: {  	v1 =	vbroadcast v1, $0x0;
	_ =	sdelay $0x4  }
0x224: {  	v17, _, _ =	vpop (xrf2)  }
0x225: {  	s24 =	spop (v2sf);
	[tilespmem:v1+s14+$0x0] =	vst.idx.msk vm0, v17  }
0x226: {  	v1 =	vld [tilespmem:s24+$0x400]  }
0x227: {  	v2 =	vld [tilespmem:s19+$0x200]  }
0x228: {  	v18 =	vld [tilespmem:s24+$0x410]  }
0x229: {  	v19 =	vld [tilespmem:s19+$0x210]  }
0x22a: {  	v20 =	vld [tilespmem:s24+$0x420]  }
0x22b: {  	v21 =	vld [tilespmem:s19+$0x220]  }
0x22c: {  	v22 =	vld [tilespmem:s24+$0x430]  }
0x22d: {  	v23 =	vld [tilespmem:s19+$0x230]  }
0x22e: {  	v1 =	vmul.f32 v2, v1;
	v24 =	vmul.f32 v19, v18;
	_ =	sdelay $0x1  }
0x22f: {  	v25 =	vmul.f32 v21, v20;
	v1 =	vadd.f32 v24, v1;
	_ =	sdelay $0x1  }
0x230: {  	(v2sf) =	vpush v0, $0xD;
	v26 =	vmul.f32 v23, v22;
	v1 =	vadd.f32 v25, v1;
	_ =	sdelay $0x1  }
0x231: {  	v1 =	vadd.f32 v26, v1;
	_ =	sdelay $0x1  }
0x232: {  	(xrf2) =	vadd.scan.msk.f32 $0xffff, v1;
	_ =	sdelay $0x1  }
0x233: {  	s25 =	sadd.s32 $0xFFFFFFFD, s17  }
0x234: {  	v27 =	vmov s25  }
0x235: {  	v1 =	vand.u32 $0xFFFFFFFC, v27  }
0x236: {  	v1 =	vbroadcast v1, $0x0;
	_ =	sdelay $0x4  }
0x237: {  	v28, _, _ =	vpop (xrf2)  }
0x238: {  	s26 =	spop (v2sf);
	[tilespmem:v1+s14+$0x0] =	vst.idx.msk vm0, v28  }
0x239: {  	v1 =	vld [tilespmem:s26+$0x400]  }
0x23a: {  	v2 =	vld [tilespmem:s19+$0x280]  }
0x23b: {  	v29 =	vld [tilespmem:s26+$0x410]  }
0x23c: {  	v30 =	vld [tilespmem:s19+$0x290]  }
0x23d: {  	v31 =	vld [tilespmem:s26+$0x420]  }
0x23e: {  	v32 =	vld [tilespmem:s19+$0x2A0]  }
0x23f: {  	v33 =	vld [tilespmem:s26+$0x430]  }
0x240: {  	v34 =	vld [tilespmem:s19+$0x2B0]  }
0x241: {  	v1 =	vmul.f32 v2, v1;
	v35 =	vmul.f32 v30, v29;
	_ =	sdelay $0x1  }
0x242: {  	v36 =	vmul.f32 v32, v31;
	v1 =	vadd.f32 v35, v1;
	_ =	sdelay $0x1  }
0x243: {  	(v2sf) =	vpush v0, $0xE;
	v37 =	vmul.f32 v34, v33;
	v1 =	vadd.f32 v36, v1;
	_ =	sdelay $0x1  }
0x244: {  	v1 =	vadd.f32 v37, v1;
	_ =	sdelay $0x1  }
0x245: {  	(xrf2) =	vadd.scan.msk.f32 $0xffff, v1;
	_ =	sdelay $0x1  }
0x246: {  	s28 =	sadd.s32 $0xFFFFFFFE, s17  }
0x247: {  	v38 =	vmov s28  }
0x248: {  	v1 =	vand.u32 $0xFFFFFFFD, v38  }
0x249: {  	v1 =	vbroadcast v1, $0x0;
	_ =	sdelay $0x4  }
0x24a: {  	v39, _, _ =	vpop (xrf2)  }
0x24b: {  	s29 =	spop (v2sf);
	[tilespmem:v1+s14+$0x0] =	vst.idx.msk vm0, v39  }
0x24c: {  	v1 =	vld [tilespmem:s29+$0x400]  }
0x24d: {  	v2 =	vld [tilespmem:s19+$0x300]  }
0x24e: {  	v40 =	vld [tilespmem:s29+$0x410]  }
0x24f: {  	v41 =	vld [tilespmem:s19+$0x310]  }
0x250: {  	v42 =	vld [tilespmem:s29+$0x420]  }
0x251: {  	v43 =	vld [tilespmem:s19+$0x320]  }
0x252: {  	v44 =	vld [tilespmem:s29+$0x430]  }
0x253: {  	v45 =	vld [tilespmem:s19+$0x330]  }
0x254: {  	v1 =	vmul.f32 v2, v1;
	v46 =	vmul.f32 v41, v40;
	_ =	sdelay $0x1  }
0x255: {  	v47 =	vmul.f32 v43, v42;
	v1 =	vadd.f32 v46, v1;
	_ =	sdelay $0x1  }
0x256: {  	(v2sf) =	vpush v0, $0xF;
	v48 =	vmul.f32 v45, v44;
	v1 =	vadd.f32 v47, v1;
	_ =	sdelay $0x1  }
0x257: {  	v49 =	vadd.f32 v48, v1;
	_ =	sdelay $0x1  }
0x258: {  	(xrf2) =	vadd.scan.msk.f32 $0xffff, v49;
	_ =	sdelay $0x1  }
0x259: {  	s30 =	sadd.s32 $0xFFFFFFFF, s17  }
0x25a: {  	v50 =	vmov s30  }
0x25b: {  	v0 =	vand.u32 $0xFFFFFFFE, v50  }
0x25c: {  	v0 =	vbroadcast v0, $0x0;
	_ =	sdelay $0x4  }
0x25d: {  	v51, _, _ =	vpop (xrf2)  }
0x25e: {  	s31 =	spop (v2sf);
	[tilespmem:v0+s14+$0x0] =	vst.idx.msk vm0, v51  }
0x25f: {  	v0 =	vld [tilespmem:s31+$0x400]  }
0x260: {  	v1 =	vld [tilespmem:s19+$0x380]  }
0x261: {  	v52 =	vld [tilespmem:s31+$0x410]  }
0x262: {  	v53 =	vld [tilespmem:s19+$0x390]  }
0x263: {  	v54 =	vld [tilespmem:s31+$0x420]  }
0x264: {  	v55 =	vld [tilespmem:s19+$0x3A0]  }
0x265: {  	v56 =	vld [tilespmem:s31+$0x430]  }
0x266: {  	v57 =	vld [tilespmem:s19+$0x3B0]  }
0x267: {  	v0 =	vmul.f32 v1, v0;
	v58 =	vmul.f32 v53, v52;
	_ =	sdelay $0x1  }
0x268: {  	v59 =	vmul.f32 v55, v54;
	v0 =	vadd.f32 v58, v0;
	_ =	sdelay $0x1  }
0x269: {  	v60 =	vmul.f32 v57, v56;
	v0 =	vadd.f32 v59, v0;
	_ =	sdelay $0x1  }
0x26a: {  	v0 =	vadd.f32 v60, v0;
	_ =	sdelay $0x1  }
0x26b: {  	(xrf2) =	vadd.scan.msk.f32 $0xffff, v0;
	_ =	sdelay $0x5  }
0x26c: {  	p0 =	sne.s32 s17, $0xFF;
	v61 =	vmov s17  }
.Ltmp2:
0x26d: {  	_ = 	snop;
	(pc) =	sbr.rel @p0 .LBB2_6-.Ltmp2, $3  }
0x26e: {  	_ =	sdelay $0x1  }
0x26f: {  	v62, _, _ =	vpop (xrf2)  }
0x270: {  	s18 =	sadd.s32 $0x10, s18;
	s17 =	sadd.s32 $0x10, s17;
	s19 =	sadd.s32 $0x800, s19;
	[tilespmem:v61+s14+$0x0] =	vst.idx.msk vm0, v62  }
0x271: {  	_ =	swait.ge [sflag:s15], $0x400  }
0x272: {  	[sflag:s15] =	ssyncset.done $0x0  }
0x273: {  	[sflag:s15] =	ssyncadd.s32 $0xFFFFFC00  }
0x274: {  	_ =	swait.ge [sflag:s15], $0x400  }
0x275: {  	[sflag:s15] =	ssyncset.done $0x0  }
0x276: {  	[sflag:s15] =	ssyncadd.s32 $0xFFFFFC00  }
0x277: {  	_ =	swait.ge [sflag:s15], $0x400  }
0x278: {  	[sflag:s15] =	ssyncset.done $0x0  }
0x279: {  	[sflag:s15] =	ssyncadd.s32 $0xFFFFFC00  }
0x27a: {  	_ =	swait.ge [sflag:s15], $0x400  }
0x27b: {  	[sflag:s15] =	ssyncset.done $0x0  }
0x27c: {  	[sflag:s15] =	ssyncadd.s32 $0xFFFFFC00  }
0x27d: {  	_ =	swait.ge [sflag:s15], $0x400  }
0x27e: {  	[sflag:s15] =	ssyncset.done $0x0  }
0x27f: {  	[sflag:s15] =	ssyncadd.s32 $0xFFFFFC00  }
0x280: {  	_ =	swait.ge [sflag:s15], $0x400  }
0x281: {  	[sflag:s15] =	ssyncset.done $0x0  }
0x282: {  	[sflag:s15] =	ssyncadd.s32 $0xFFFFFC00  }
0x283: {  	_ =	swait.ge [sflag:s15], $0x400  }
0x284: {  	[sflag:s15] =	ssyncset.done $0x0  }
0x285: {  	[sflag:s15] =	ssyncadd.s32 $0xFFFFFC00  }
0x286: {  	_ =	swait.ge [sflag:s15], $0x400  }
0x287: {  	[sflag:s15] =	ssyncset.done $0x0  }
0x288: {  	[sflag:s15] =	ssyncadd.s32 $0xFFFFFC00  }
0x289: {  	_ =	swait.ge [sflag:s15], $0x400  }
0x28a: {  	[sflag:s15] =	ssyncset.done $0x0  }
0x28b: {  	[sflag:s15] =	ssyncadd.s32 $0xFFFFFC00  }
0x28c: {  	_ =	swait.ge [sflag:s15], $0x400  }
0x28d: {  	[sflag:s15] =	ssyncset.done $0x0  }
0x28e: {  	[sflag:s15] =	ssyncadd.s32 $0xFFFFFC00  }
0x28f: {  	_ =	swait.ge [sflag:s15], $0x400  }
0x290: {  	[sflag:s15] =	ssyncset.done $0x0  }
0x291: {  	[sflag:s15] =	ssyncadd.s32 $0xFFFFFC00  }
0x292: {  	_ =	swait.ge [sflag:s15], $0x400  }
0x293: {  	[sflag:s15] =	ssyncset.done $0x0  }
0x294: {  	[sflag:s15] =	ssyncadd.s32 $0xFFFFFC00  }
0x295: {  	_ =	swait.ge [sflag:s15], $0x400  }
0x296: {  	[sflag:s15] =	ssyncset.done $0x0  }
0x297: {  	[sflag:s15] =	ssyncadd.s32 $0xFFFFFC00  }
0x298: {  	_ =	swait.ge [sflag:s15], $0x400  }
0x299: {  	[sflag:s15] =	ssyncset.done $0x0  }
0x29a: {  	[sflag:s15] =	ssyncadd.s32 $0xFFFFFC00  }
0x29b: {  	_ =	swait.ge [sflag:s15], $0x400  }
0x29c: {  	[sflag:s15] =	ssyncset.done $0x0  }
0x29d: {  	[sflag:s15] =	ssyncadd.s32 $0xFFFFFC00  }
0x29e: {  	_ =	swait.ge [sflag:s15], $0x400  }
0x29f: {  	[sflag:s15] =	ssyncset.done $0x0  }
0x2a0: {  	[sflag:s15] =	ssyncadd.s32 $0xFFFFFC00  }
0x2a1: {  	_ =	swait.ge [sflag:s15], $0x400  }
0x2a2: {  	[sflag:s15] =	ssyncset.done $0x0  }
0x2a3: {  	[sflag:s15] =	ssyncadd.s32 $0xFFFFFC00  }
0x2a4: {  	_ =	swait.ge [sflag:s15], $0x400  }
0x2a5: {  	[sflag:s15] =	ssyncset.done $0x0  }
0x2a6: {  	[sflag:s15] =	ssyncadd.s32 $0xFFFFFC00  }
0x2a7: {  	_ =	swait.ge [sflag:s15], $0x400  }
0x2a8: {  	[sflag:s15] =	ssyncset.done $0x0  }
0x2a9: {  	[sflag:s15] =	ssyncadd.s32 $0xFFFFFC00  }
0x2aa: {  	_ =	swait.ge [sflag:s15], $0x400  }
0x2ab: {  	[sflag:s15] =	ssyncset.done $0x0  }
0x2ac: {  	[sflag:s15] =	ssyncadd.s32 $0xFFFFFC00  }
0x2ad: {  	_ =	swait.ge [sflag:s15], $0x400  }
0x2ae: {  	[sflag:s15] =	ssyncset.done $0x0  }
0x2af: {  	[sflag:s15] =	ssyncadd.s32 $0xFFFFFC00  }
0x2b0: {  	_ =	swait.ge [sflag:s15], $0x400  }
0x2b1: {  	[sflag:s15] =	ssyncset.done $0x0  }
0x2b2: {  	[sflag:s15] =	ssyncadd.s32 $0xFFFFFC00  }
0x2b3: {  	_ =	swait.ge [sflag:s15], $0x400  }
0x2b4: {  	[sflag:s15] =	ssyncset.done $0x0  }
0x2b5: {  	[sflag:s15] =	ssyncadd.s32 $0xFFFFFC00  }
0x2b6: {  	_ =	swait.ge [sflag:s15], $0x400  }
0x2b7: {  	[sflag:s15] =	ssyncset.done $0x0  }
0x2b8: {  	[sflag:s15] =	ssyncadd.s32 $0xFFFFFC00  }
0x2b9: {  	_ =	swait.ge [sflag:s15], $0x400  }
0x2ba: {  	[sflag:s15] =	ssyncset.done $0x0  }
0x2bb: {  	[sflag:s15] =	ssyncadd.s32 $0xFFFFFC00  }
0x2bc: {  	_ =	swait.ge [sflag:s15], $0x400  }
0x2bd: {  	[sflag:s15] =	ssyncset.done $0x0  }
0x2be: {  	[sflag:s15] =	ssyncadd.s32 $0xFFFFFC00  }
0x2bf: {  	_ =	swait.ge [sflag:s15], $0x400  }
0x2c0: {  	[sflag:s15] =	ssyncset.done $0x0  }
0x2c1: {  	[sflag:s15] =	ssyncadd.s32 $0xFFFFFC00  }
0x2c2: {  	_ =	swait.ge [sflag:s15], $0x400  }
0x2c3: {  	[sflag:s15] =	ssyncset.done $0x0  }
0x2c4: {  	[sflag:s15] =	ssyncadd.s32 $0xFFFFFC00  }
0x2c5: {  	_ =	swait.ge [sflag:s15], $0x400  }
0x2c6: {  	[sflag:s15] =	ssyncset.done $0x0  }
0x2c7: {  	[sflag:s15] =	ssyncadd.s32 $0xFFFFFC00  }
0x2c8: {  	_ =	swait.ge [sflag:s15], $0x400  }
0x2c9: {  	[sflag:s15] =	ssyncset.done $0x0  }
0x2ca: {  	[sflag:s15] =	ssyncadd.s32 $0xFFFFFC00  }
0x2cb: {  	_ =	swait.ge [sflag:s15], $0x400  }
0x2cc: {  	[sflag:s15] =	ssyncset.done $0x0  }
0x2cd: {  	[sflag:s15] =	ssyncadd.s32 $0xFFFFFC00  }
0x2ce: {  	_ =	swait.ge [sflag:s15], $0x400  }
0x2cf: {  	s17 =	simm.s32 $0x0;
	[sflag:s15] =	ssyncset.done $0x0  }
0x2d0: {  	s18 =	simm.s32 $0x10F;
	s19 =	simm.s32 $0x300;
	[sflag:s15] =	ssyncadd.s32 $0xFFFFFC00  }
.LBB2_8:
0x2d1: {  	v0 =	vld [tilespmem:s19+$0x0];
	_ =	sdelay $0x4  }
0x2d2: {  	(v2sf) =	vpush v0, $0x0;
	_ =	sdelay $0xc  }
0x2d3: {  	s20 =	sshra.s32 s17, $0x2  }
0x2d4: {  	v2 =	vld [tilespmem:s20+$0x17E00]  }
0x2d5: {  	v4 =	vld [tilespmem:s20+$0x17E10];
	s0 =	spop (v2sf)  }
0x2d6: {  	v1 =	vld [tilespmem:s0+$0x400]  }
0x2d7: {  	v3 =	vld [tilespmem:s0+$0x410]  }
0x2d8: {  	v6 =	vld [tilespmem:s20+$0x17E20]  }
0x2d9: {  	v5 =	vld [tilespmem:s0+$0x420]  }
0x2da: {  	v8 =	vld [tilespmem:s20+$0x17E30]  }
0x2db: {  	v7 =	vld [tilespmem:s0+$0x430]  }
0x2dc: {  	v1 =	vmul.f32 v2, v1;
	v52 =	vmul.f32 v4, v3;
	_ =	sdelay $0x1  }
0x2dd: {  	v53 =	vmul.f32 v6, v5;
	v1 =	vadd.f32 v52, v1;
	_ =	sdelay $0x1  }
0x2de: {  	(v2sf) =	vpush v0, $0x1;
	v54 =	vmul.f32 v8, v7;
	v1 =	vadd.f32 v53, v1;
	_ =	sdelay $0x1  }
0x2df: {  	v1 =	vadd.f32 v54, v1;
	_ =	sdelay $0x1  }
0x2e0: {  	(xrf2) =	vadd.scan.msk.f32 $0xffff, v1;
	_ =	sdelay $0x1  }
0x2e1: {  	s5 =	sadd.s32 $0xFFFFFFF1, s18  }
0x2e2: {  	v55 =	vmov s5  }
0x2e3: {  	v1 =	vand.u32 $0xFFFFFFF0, v55  }
0x2e4: {  	v1 =	vbroadcast v1, $0x0;
	_ =	sdelay $0x4  }
0x2e5: {  	v56, _, _ =	vpop (xrf2)  }
0x2e6: {  	s6 =	spop (v2sf);
	[tilespmem:v1+s14+$0x0] =	vst.idx.msk vm0, v56  }
0x2e7: {  	v1 =	vld [tilespmem:s6+$0x400]  }
0x2e8: {  	v2 =	vld [tilespmem:s20+$0x17E80]  }
0x2e9: {  	v57 =	vld [tilespmem:s6+$0x410]  }
0x2ea: {  	v58 =	vld [tilespmem:s20+$0x17E90]  }
0x2eb: {  	v59 =	vld [tilespmem:s6+$0x420]  }
0x2ec: {  	v60 =	vld [tilespmem:s20+$0x17EA0]  }
0x2ed: {  	v61 =	vld [tilespmem:s6+$0x430]  }
0x2ee: {  	v62 =	vld [tilespmem:s20+$0x17EB0]  }
0x2ef: {  	v1 =	vmul.f32 v2, v1;
	v4 =	vmul.f32 v58, v57;
	_ =	sdelay $0x1  }
0x2f0: {  	v9 =	vmul.f32 v60, v59;
	v1 =	vadd.f32 v4, v1;
	_ =	sdelay $0x1  }
0x2f1: {  	(v2sf) =	vpush v0, $0x2;
	v10 =	vmul.f32 v62, v61;
	v1 =	vadd.f32 v9, v1;
	_ =	sdelay $0x1  }
0x2f2: {  	v1 =	vadd.f32 v10, v1;
	_ =	sdelay $0x1  }
0x2f3: {  	(xrf2) =	vadd.scan.msk.f32 $0xffff, v1;
	_ =	sdelay $0x1  }
0x2f4: {  	s10 =	sadd.s32 $0xFFFFFFF2, s18  }
0x2f5: {  	v11 =	vmov s10  }
0x2f6: {  	v1 =	vand.u32 $0xFFFFFFF1, v11  }
0x2f7: {  	v1 =	vbroadcast v1, $0x0;
	_ =	sdelay $0x4  }
0x2f8: {  	v12, _, _ =	vpop (xrf2)  }
0x2f9: {  	s11 =	spop (v2sf);
	[tilespmem:v1+s14+$0x0] =	vst.idx.msk vm0, v12  }
0x2fa: {  	v1 =	vld [tilespmem:s11+$0x400]  }
0x2fb: {  	v2 =	vld [tilespmem:s20+$0x17F00]  }
0x2fc: {  	v13 =	vld [tilespmem:s11+$0x410]  }
0x2fd: {  	v14 =	vld [tilespmem:s20+$0x17F10]  }
0x2fe: {  	v15 =	vld [tilespmem:s11+$0x420]  }
0x2ff: {  	v16 =	vld [tilespmem:s20+$0x17F20]  }
0x300: {  	v17 =	vld [tilespmem:s11+$0x430]  }
0x301: {  	v18 =	vld [tilespmem:s20+$0x17F30]  }
0x302: {  	v1 =	vmul.f32 v2, v1;
	v19 =	vmul.f32 v14, v13;
	_ =	sdelay $0x1  }
0x303: {  	v20 =	vmul.f32 v16, v15;
	v1 =	vadd.f32 v19, v1;
	_ =	sdelay $0x1  }
0x304: {  	(v2sf) =	vpush v0, $0x3;
	v21 =	vmul.f32 v18, v17;
	v1 =	vadd.f32 v20, v1;
	_ =	sdelay $0x1  }
0x305: {  	v1 =	vadd.f32 v21, v1;
	_ =	sdelay $0x1  }
0x306: {  	(xrf2) =	vadd.scan.msk.f32 $0xffff, v1;
	_ =	sdelay $0x1  }
0x307: {  	s21 =	sadd.s32 $0xFFFFFFF3, s18  }
0x308: {  	v22 =	vmov s21  }
0x309: {  	v1 =	vand.u32 $0xFFFFFFF2, v22  }
0x30a: {  	v1 =	vbroadcast v1, $0x0;
	_ =	sdelay $0x4  }
0x30b: {  	v23, _, _ =	vpop (xrf2)  }
0x30c: {  	s22 =	spop (v2sf);
	[tilespmem:v1+s14+$0x0] =	vst.idx.msk vm0, v23  }
0x30d: {  	v1 =	vld [tilespmem:s22+$0x400]  }
0x30e: {  	v2 =	vld [tilespmem:s20+$0x17F80]  }
0x30f: {  	v24 =	vld [tilespmem:s22+$0x410]  }
0x310: {  	v25 =	vld [tilespmem:s20+$0x17F90]  }
0x311: {  	v26 =	vld [tilespmem:s22+$0x420]  }
0x312: {  	v27 =	vld [tilespmem:s20+$0x17FA0]  }
0x313: {  	v28 =	vld [tilespmem:s22+$0x430]  }
0x314: {  	v29 =	vld [tilespmem:s20+$0x17FB0]  }
0x315: {  	v1 =	vmul.f32 v2, v1;
	v30 =	vmul.f32 v25, v24;
	_ =	sdelay $0x1  }
0x316: {  	v31 =	vmul.f32 v27, v26;
	v1 =	vadd.f32 v30, v1;
	_ =	sdelay $0x1  }
0x317: {  	(v2sf) =	vpush v0, $0x4;
	v32 =	vmul.f32 v29, v28;
	v1 =	vadd.f32 v31, v1;
	_ =	sdelay $0x1  }
0x318: {  	v1 =	vadd.f32 v32, v1;
	_ =	sdelay $0x1  }
0x319: {  	(xrf2) =	vadd.scan.msk.f32 $0xffff, v1;
	_ =	sdelay $0x1  }
0x31a: {  	s23 =	sadd.s32 $0xFFFFFFF4, s18  }
0x31b: {  	v33 =	vmov s23  }
0x31c: {  	v1 =	vand.u32 $0xFFFFFFF3, v33  }
0x31d: {  	v1 =	vbroadcast v1, $0x0;
	_ =	sdelay $0x4  }
0x31e: {  	v34, _, _ =	vpop (xrf2)  }
0x31f: {  	s24 =	spop (v2sf);
	[tilespmem:v1+s14+$0x0] =	vst.idx.msk vm0, v34  }
0x320: {  	v1 =	vld [tilespmem:s24+$0x400]  }
0x321: {  	v2 =	vld [tilespmem:s20+$0x18000]  }
0x322: {  	v35 =	vld [tilespmem:s24+$0x410]  }
0x323: {  	v36 =	vld [tilespmem:s20+$0x18010]  }
0x324: {  	v37 =	vld [tilespmem:s24+$0x420]  }
0x325: {  	v38 =	vld [tilespmem:s20+$0x18020]  }
0x326: {  	v39 =	vld [tilespmem:s24+$0x430]  }
0x327: {  	v40 =	vld [tilespmem:s20+$0x18030]  }
0x328: {  	v1 =	vmul.f32 v2, v1;
	v41 =	vmul.f32 v36, v35;
	_ =	sdelay $0x1  }
0x329: {  	v42 =	vmul.f32 v38, v37;
	v1 =	vadd.f32 v41, v1;
	_ =	sdelay $0x1  }
0x32a: {  	(v2sf) =	vpush v0, $0x5;
	v43 =	vmul.f32 v40, v39;
	v1 =	vadd.f32 v42, v1;
	_ =	sdelay $0x1  }
0x32b: {  	v1 =	vadd.f32 v43, v1;
	_ =	sdelay $0x1  }
0x32c: {  	(xrf2) =	vadd.scan.msk.f32 $0xffff, v1;
	_ =	sdelay $0x1  }
0x32d: {  	s25 =	sadd.s32 $0xFFFFFFF5, s18  }
0x32e: {  	v44 =	vmov s25  }
0x32f: {  	v1 =	vand.u32 $0xFFFFFFF4, v44  }
0x330: {  	v1 =	vbroadcast v1, $0x0;
	_ =	sdelay $0x4  }
0x331: {  	v45, _, _ =	vpop (xrf2)  }
0x332: {  	s26 =	spop (v2sf);
	[tilespmem:v1+s14+$0x0] =	vst.idx.msk vm0, v45  }
0x333: {  	v1 =	vld [tilespmem:s26+$0x400]  }
0x334: {  	v2 =	vld [tilespmem:s20+$0x18080]  }
0x335: {  	v46 =	vld [tilespmem:s26+$0x410]  }
0x336: {  	v47 =	vld [tilespmem:s20+$0x18090]  }
0x337: {  	v48 =	vld [tilespmem:s26+$0x420]  }
0x338: {  	v49 =	vld [tilespmem:s20+$0x180A0]  }
0x339: {  	v50 =	vld [tilespmem:s26+$0x430]  }
0x33a: {  	v51 =	vld [tilespmem:s20+$0x180B0]  }
0x33b: {  	v1 =	vmul.f32 v2, v1;
	v52 =	vmul.f32 v47, v46;
	_ =	sdelay $0x1  }
0x33c: {  	v53 =	vmul.f32 v49, v48;
	v1 =	vadd.f32 v52, v1;
	_ =	sdelay $0x1  }
0x33d: {  	(v2sf) =	vpush v0, $0x6;
	v54 =	vmul.f32 v51, v50;
	v1 =	vadd.f32 v53, v1;
	_ =	sdelay $0x1  }
0x33e: {  	v1 =	vadd.f32 v54, v1;
	_ =	sdelay $0x1  }
0x33f: {  	(xrf2) =	vadd.scan.msk.f32 $0xffff, v1;
	_ =	sdelay $0x1  }
0x340: {  	s28 =	sadd.s32 $0xFFFFFFF6, s18  }
0x341: {  	v55 =	vmov s28  }
0x342: {  	v1 =	vand.u32 $0xFFFFFFF5, v55  }
0x343: {  	v1 =	vbroadcast v1, $0x0;
	_ =	sdelay $0x4  }
0x344: {  	v56, _, _ =	vpop (xrf2)  }
0x345: {  	s29 =	spop (v2sf);
	[tilespmem:v1+s14+$0x0] =	vst.idx.msk vm0, v56  }
0x346: {  	v1 =	vld [tilespmem:s29+$0x400]  }
0x347: {  	v2 =	vld [tilespmem:s20+$0x18100]  }
0x348: {  	v57 =	vld [tilespmem:s29+$0x410]  }
0x349: {  	v58 =	vld [tilespmem:s20+$0x18110]  }
0x34a: {  	v59 =	vld [tilespmem:s29+$0x420]  }
0x34b: {  	v60 =	vld [tilespmem:s20+$0x18120]  }
0x34c: {  	v61 =	vld [tilespmem:s29+$0x430]  }
0x34d: {  	v62 =	vld [tilespmem:s20+$0x18130]  }
0x34e: {  	v1 =	vmul.f32 v2, v1;
	v9 =	vmul.f32 v58, v57;
	_ =	sdelay $0x1  }
0x34f: {  	v10 =	vmul.f32 v60, v59;
	v1 =	vadd.f32 v9, v1;
	_ =	sdelay $0x1  }
0x350: {  	(v2sf) =	vpush v0, $0x7;
	v11 =	vmul.f32 v62, v61;
	v1 =	vadd.f32 v10, v1;
	_ =	sdelay $0x1  }
0x351: {  	v1 =	vadd.f32 v11, v1;
	_ =	sdelay $0x1  }
0x352: {  	(xrf2) =	vadd.scan.msk.f32 $0xffff, v1;
	_ =	sdelay $0x1  }
0x353: {  	s30 =	sadd.s32 $0xFFFFFFF7, s18  }
0x354: {  	v12 =	vmov s30  }
0x355: {  	v1 =	vand.u32 $0xFFFFFFF6, v12  }
0x356: {  	v1 =	vbroadcast v1, $0x0;
	_ =	sdelay $0x4  }
0x357: {  	v13, _, _ =	vpop (xrf2)  }
0x358: {  	s31 =	spop (v2sf);
	[tilespmem:v1+s14+$0x0] =	vst.idx.msk vm0, v13  }
0x359: {  	v1 =	vld [tilespmem:s31+$0x400]  }
0x35a: {  	v2 =	vld [tilespmem:s20+$0x18180]  }
0x35b: {  	v14 =	vld [tilespmem:s31+$0x410]  }
0x35c: {  	v15 =	vld [tilespmem:s20+$0x18190]  }
0x35d: {  	v16 =	vld [tilespmem:s31+$0x420]  }
0x35e: {  	v17 =	vld [tilespmem:s20+$0x181A0]  }
0x35f: {  	v18 =	vld [tilespmem:s31+$0x430]  }
0x360: {  	v19 =	vld [tilespmem:s20+$0x181B0]  }
0x361: {  	v1 =	vmul.f32 v2, v1;
	v20 =	vmul.f32 v15, v14;
	_ =	sdelay $0x1  }
0x362: {  	v21 =	vmul.f32 v17, v16;
	v1 =	vadd.f32 v20, v1;
	_ =	sdelay $0x1  }
0x363: {  	(v2sf) =	vpush v0, $0x8;
	v22 =	vmul.f32 v19, v18;
	v1 =	vadd.f32 v21, v1;
	_ =	sdelay $0x1  }
0x364: {  	v1 =	vadd.f32 v22, v1;
	_ =	sdelay $0x1  }
0x365: {  	(xrf2) =	vadd.scan.msk.f32 $0xffff, v1;
	_ =	sdelay $0x1  }
0x366: {  	s1 =	sadd.s32 $0xFFFFFFF8, s18  }
0x367: {  	v23 =	vmov s1  }
0x368: {  	v1 =	vand.u32 $0xFFFFFFF7, v23  }
0x369: {  	v1 =	vbroadcast v1, $0x0;
	_ =	sdelay $0x4  }
0x36a: {  	v24, _, _ =	vpop (xrf2)  }
0x36b: {  	s3 =	spop (v2sf);
	[tilespmem:v1+s14+$0x0] =	vst.idx.msk vm0, v24  }
0x36c: {  	v1 =	vld [tilespmem:s3+$0x400]  }
0x36d: {  	v2 =	vld [tilespmem:s20+$0x18200]  }
0x36e: {  	v25 =	vld [tilespmem:s3+$0x410]  }
0x36f: {  	v26 =	vld [tilespmem:s20+$0x18210]  }
0x370: {  	v27 =	vld [tilespmem:s3+$0x420]  }
0x371: {  	v28 =	vld [tilespmem:s20+$0x18220]  }
0x372: {  	v29 =	vld [tilespmem:s3+$0x430]  }
0x373: {  	v30 =	vld [tilespmem:s20+$0x18230]  }
0x374: {  	v1 =	vmul.f32 v2, v1;
	v31 =	vmul.f32 v26, v25;
	_ =	sdelay $0x1  }
0x375: {  	v32 =	vmul.f32 v28, v27;
	v1 =	vadd.f32 v31, v1;
	_ =	sdelay $0x1  }
0x376: {  	(v2sf) =	vpush v0, $0x9;
	v33 =	vmul.f32 v30, v29;
	v1 =	vadd.f32 v32, v1;
	_ =	sdelay $0x1  }
0x377: {  	v1 =	vadd.f32 v33, v1;
	_ =	sdelay $0x1  }
0x378: {  	(xrf2) =	vadd.scan.msk.f32 $0xffff, v1;
	_ =	sdelay $0x1  }
0x379: {  	s5 =	sadd.s32 $0xFFFFFFF9, s18  }
0x37a: {  	v34 =	vmov s5  }
0x37b: {  	v1 =	vand.u32 $0xFFFFFFF8, v34  }
0x37c: {  	v1 =	vbroadcast v1, $0x0;
	_ =	sdelay $0x4  }
0x37d: {  	v35, _, _ =	vpop (xrf2)  }
0x37e: {  	s6 =	spop (v2sf);
	[tilespmem:v1+s14+$0x0] =	vst.idx.msk vm0, v35  }
0x37f: {  	v1 =	vld [tilespmem:s6+$0x400]  }
0x380: {  	v2 =	vld [tilespmem:s20+$0x18280]  }
0x381: {  	v36 =	vld [tilespmem:s6+$0x410]  }
0x382: {  	v37 =	vld [tilespmem:s20+$0x18290]  }
0x383: {  	v38 =	vld [tilespmem:s6+$0x420]  }
0x384: {  	v39 =	vld [tilespmem:s20+$0x182A0]  }
0x385: {  	v40 =	vld [tilespmem:s6+$0x430]  }
0x386: {  	v41 =	vld [tilespmem:s20+$0x182B0]  }
0x387: {  	v1 =	vmul.f32 v2, v1;
	v42 =	vmul.f32 v37, v36;
	_ =	sdelay $0x1  }
0x388: {  	v43 =	vmul.f32 v39, v38;
	v1 =	vadd.f32 v42, v1;
	_ =	sdelay $0x1  }
0x389: {  	(v2sf) =	vpush v0, $0xA;
	v44 =	vmul.f32 v41, v40;
	v1 =	vadd.f32 v43, v1;
	_ =	sdelay $0x1  }
0x38a: {  	v1 =	vadd.f32 v44, v1;
	_ =	sdelay $0x1  }
0x38b: {  	(xrf2) =	vadd.scan.msk.f32 $0xffff, v1;
	_ =	sdelay $0x1  }
0x38c: {  	s10 =	sadd.s32 $0xFFFFFFFA, s18  }
0x38d: {  	v45 =	vmov s10  }
0x38e: {  	v1 =	vand.u32 $0xFFFFFFF9, v45  }
0x38f: {  	v1 =	vbroadcast v1, $0x0;
	_ =	sdelay $0x4  }
0x390: {  	v46, _, _ =	vpop (xrf2)  }
0x391: {  	s11 =	spop (v2sf);
	[tilespmem:v1+s14+$0x0] =	vst.idx.msk vm0, v46  }
0x392: {  	v1 =	vld [tilespmem:s11+$0x400]  }
0x393: {  	v2 =	vld [tilespmem:s20+$0x18300]  }
0x394: {  	v47 =	vld [tilespmem:s11+$0x410]  }
0x395: {  	v48 =	vld [tilespmem:s20+$0x18310]  }
0x396: {  	v49 =	vld [tilespmem:s11+$0x420]  }
0x397: {  	v50 =	vld [tilespmem:s20+$0x18320]  }
0x398: {  	v51 =	vld [tilespmem:s11+$0x430]  }
0x399: {  	v52 =	vld [tilespmem:s20+$0x18330]  }
0x39a: {  	v1 =	vmul.f32 v2, v1;
	v53 =	vmul.f32 v48, v47;
	_ =	sdelay $0x1  }
0x39b: {  	v54 =	vmul.f32 v50, v49;
	v1 =	vadd.f32 v53, v1;
	_ =	sdelay $0x1  }
0x39c: {  	(v2sf) =	vpush v0, $0xB;
	v55 =	vmul.f32 v52, v51;
	v1 =	vadd.f32 v54, v1;
	_ =	sdelay $0x1  }
0x39d: {  	v1 =	vadd.f32 v55, v1;
	_ =	sdelay $0x1  }
0x39e: {  	(xrf2) =	vadd.scan.msk.f32 $0xffff, v1;
	_ =	sdelay $0x1  }
0x39f: {  	s21 =	sadd.s32 $0xFFFFFFFB, s18  }
0x3a0: {  	v56 =	vmov s21  }
0x3a1: {  	v1 =	vand.u32 $0xFFFFFFFA, v56  }
0x3a2: {  	v1 =	vbroadcast v1, $0x0;
	_ =	sdelay $0x4  }
0x3a3: {  	v57, _, _ =	vpop (xrf2)  }
0x3a4: {  	s22 =	spop (v2sf);
	[tilespmem:v1+s14+$0x0] =	vst.idx.msk vm0, v57  }
0x3a5: {  	v1 =	vld [tilespmem:s22+$0x400]  }
0x3a6: {  	v2 =	vld [tilespmem:s20+$0x18380]  }
0x3a7: {  	v58 =	vld [tilespmem:s22+$0x410]  }
0x3a8: {  	v59 =	vld [tilespmem:s20+$0x18390]  }
0x3a9: {  	v60 =	vld [tilespmem:s22+$0x420]  }
0x3aa: {  	v61 =	vld [tilespmem:s20+$0x183A0]  }
0x3ab: {  	v62 =	vld [tilespmem:s22+$0x430]  }
0x3ac: {  	v12 =	vld [tilespmem:s20+$0x183B0]  }
0x3ad: {  	v1 =	vmul.f32 v2, v1;
	v13 =	vmul.f32 v59, v58;
	_ =	sdelay $0x1  }
0x3ae: {  	v14 =	vmul.f32 v61, v60;
	v1 =	vadd.f32 v13, v1;
	_ =	sdelay $0x1  }
0x3af: {  	(v2sf) =	vpush v0, $0xC;
	v15 =	vmul.f32 v12, v62;
	v1 =	vadd.f32 v14, v1;
	_ =	sdelay $0x1  }
0x3b0: {  	v1 =	vadd.f32 v15, v1;
	_ =	sdelay $0x1  }
0x3b1: {  	(xrf2) =	vadd.scan.msk.f32 $0xffff, v1;
	_ =	sdelay $0x1  }
0x3b2: {  	s23 =	sadd.s32 $0xFFFFFFFC, s18  }
0x3b3: {  	v16 =	vmov s23  }
0x3b4: {  	v1 =	vand.u32 $0xFFFFFFFB, v16  }
0x3b5: {  	v1 =	vbroadcast v1, $0x0;
	_ =	sdelay $0x4  }
0x3b6: {  	v17, _, _ =	vpop (xrf2)  }
0x3b7: {  	s24 =	spop (v2sf);
	[tilespmem:v1+s14+$0x0] =	vst.idx.msk vm0, v17  }
0x3b8: {  	v1 =	vld [tilespmem:s24+$0x400]  }
0x3b9: {  	v2 =	vld [tilespmem:s20+$0x18400]  }
0x3ba: {  	v18 =	vld [tilespmem:s24+$0x410]  }
0x3bb: {  	v19 =	vld [tilespmem:s20+$0x18410]  }
0x3bc: {  	v20 =	vld [tilespmem:s24+$0x420]  }
0x3bd: {  	v21 =	vld [tilespmem:s20+$0x18420]  }
0x3be: {  	v22 =	vld [tilespmem:s24+$0x430]  }
0x3bf: {  	v23 =	vld [tilespmem:s20+$0x18430]  }
0x3c0: {  	v1 =	vmul.f32 v2, v1;
	v24 =	vmul.f32 v19, v18;
	_ =	sdelay $0x1  }
0x3c1: {  	v25 =	vmul.f32 v21, v20;
	v1 =	vadd.f32 v24, v1;
	_ =	sdelay $0x1  }
0x3c2: {  	(v2sf) =	vpush v0, $0xD;
	v26 =	vmul.f32 v23, v22;
	v1 =	vadd.f32 v25, v1;
	_ =	sdelay $0x1  }
0x3c3: {  	v1 =	vadd.f32 v26, v1;
	_ =	sdelay $0x1  }
0x3c4: {  	(xrf2) =	vadd.scan.msk.f32 $0xffff, v1;
	_ =	sdelay $0x1  }
0x3c5: {  	s25 =	sadd.s32 $0xFFFFFFFD, s18  }
0x3c6: {  	v27 =	vmov s25  }
0x3c7: {  	v1 =	vand.u32 $0xFFFFFFFC, v27  }
0x3c8: {  	v1 =	vbroadcast v1, $0x0;
	_ =	sdelay $0x4  }
0x3c9: {  	v28, _, _ =	vpop (xrf2)  }
0x3ca: {  	s26 =	spop (v2sf);
	[tilespmem:v1+s14+$0x0] =	vst.idx.msk vm0, v28  }
0x3cb: {  	v1 =	vld [tilespmem:s26+$0x400]  }
0x3cc: {  	v2 =	vld [tilespmem:s20+$0x18480]  }
0x3cd: {  	v29 =	vld [tilespmem:s26+$0x410]  }
0x3ce: {  	v30 =	vld [tilespmem:s20+$0x18490]  }
0x3cf: {  	v31 =	vld [tilespmem:s26+$0x420]  }
0x3d0: {  	v32 =	vld [tilespmem:s20+$0x184A0]  }
0x3d1: {  	v33 =	vld [tilespmem:s26+$0x430]  }
0x3d2: {  	v34 =	vld [tilespmem:s20+$0x184B0]  }
0x3d3: {  	v1 =	vmul.f32 v2, v1;
	v35 =	vmul.f32 v30, v29;
	_ =	sdelay $0x1  }
0x3d4: {  	v36 =	vmul.f32 v32, v31;
	v1 =	vadd.f32 v35, v1;
	_ =	sdelay $0x1  }
0x3d5: {  	(v2sf) =	vpush v0, $0xE;
	v37 =	vmul.f32 v34, v33;
	v1 =	vadd.f32 v36, v1;
	_ =	sdelay $0x1  }
0x3d6: {  	v1 =	vadd.f32 v37, v1;
	_ =	sdelay $0x1  }
0x3d7: {  	(xrf2) =	vadd.scan.msk.f32 $0xffff, v1;
	_ =	sdelay $0x1  }
0x3d8: {  	s28 =	sadd.s32 $0xFFFFFFFE, s18  }
0x3d9: {  	v38 =	vmov s28  }
0x3da: {  	v1 =	vand.u32 $0xFFFFFFFD, v38  }
0x3db: {  	v1 =	vbroadcast v1, $0x0;
	_ =	sdelay $0x4  }
0x3dc: {  	v39, _, _ =	vpop (xrf2)  }
0x3dd: {  	s29 =	spop (v2sf);
	[tilespmem:v1+s14+$0x0] =	vst.idx.msk vm0, v39  }
0x3de: {  	v1 =	vld [tilespmem:s29+$0x400]  }
0x3df: {  	v2 =	vld [tilespmem:s20+$0x18500]  }
0x3e0: {  	v40 =	vld [tilespmem:s29+$0x410]  }
0x3e1: {  	v41 =	vld [tilespmem:s20+$0x18510]  }
0x3e2: {  	v42 =	vld [tilespmem:s29+$0x420]  }
0x3e3: {  	v43 =	vld [tilespmem:s20+$0x18520]  }
0x3e4: {  	v44 =	vld [tilespmem:s29+$0x430]  }
0x3e5: {  	v45 =	vld [tilespmem:s20+$0x18530]  }
0x3e6: {  	v1 =	vmul.f32 v2, v1;
	v46 =	vmul.f32 v41, v40;
	_ =	sdelay $0x1  }
0x3e7: {  	v47 =	vmul.f32 v43, v42;
	v1 =	vadd.f32 v46, v1;
	_ =	sdelay $0x1  }
0x3e8: {  	(v2sf) =	vpush v0, $0xF;
	v48 =	vmul.f32 v45, v44;
	v1 =	vadd.f32 v47, v1;
	_ =	sdelay $0x1  }
0x3e9: {  	v49 =	vadd.f32 v48, v1;
	_ =	sdelay $0x1  }
0x3ea: {  	(xrf2) =	vadd.scan.msk.f32 $0xffff, v49;
	_ =	sdelay $0x1  }
0x3eb: {  	s30 =	sadd.s32 $0xFFFFFFFF, s18  }
0x3ec: {  	v50 =	vmov s30  }
0x3ed: {  	v0 =	vand.u32 $0xFFFFFFFE, v50  }
0x3ee: {  	v0 =	vbroadcast v0, $0x0;
	_ =	sdelay $0x4  }
0x3ef: {  	v51, _, _ =	vpop (xrf2)  }
0x3f0: {  	s31 =	spop (v2sf);
	[tilespmem:v0+s14+$0x0] =	vst.idx.msk vm0, v51  }
0x3f1: {  	v0 =	vld [tilespmem:s31+$0x400]  }
0x3f2: {  	v1 =	vld [tilespmem:s20+$0x18580]  }
0x3f3: {  	v52 =	vld [tilespmem:s31+$0x410]  }
0x3f4: {  	v53 =	vld [tilespmem:s20+$0x18590]  }
0x3f5: {  	v54 =	vld [tilespmem:s31+$0x420]  }
0x3f6: {  	v55 =	vld [tilespmem:s20+$0x185A0]  }
0x3f7: {  	v56 =	vld [tilespmem:s31+$0x430]  }
0x3f8: {  	v57 =	vld [tilespmem:s20+$0x185B0]  }
0x3f9: {  	v0 =	vmul.f32 v1, v0;
	v58 =	vmul.f32 v53, v52;
	_ =	sdelay $0x1  }
0x3fa: {  	v59 =	vmul.f32 v55, v54;
	v0 =	vadd.f32 v58, v0;
	_ =	sdelay $0x1  }
0x3fb: {  	v60 =	vmul.f32 v57, v56;
	v0 =	vadd.f32 v59, v0;
	_ =	sdelay $0x1  }
0x3fc: {  	v0 =	vadd.f32 v60, v0;
	_ =	sdelay $0x1  }
0x3fd: {  	(xrf2) =	vadd.scan.msk.f32 $0xffff, v0;
	_ =	sdelay $0x5  }
0x3fe: {  	p0 =	sne.s32 s17, $0x1E000;
	v61 =	vmov s18  }
.Ltmp3:
0x3ff: {  	_ = 	snop;
	(pc) =	sbr.rel @p0 .LBB2_8-.Ltmp3, $3  }
0x400: {  	_ =	sdelay $0x1  }
0x401: {  	v62, _, _ =	vpop (xrf2)  }
0x402: {  	s19 =	sadd.s32 $0x10, s19;
	s17 =	sadd.s32 $0x2000, s17;
	s18 =	sadd.s32 $0x10, s18;
	[tilespmem:v61+s14+$0x0] =	vst.idx.msk vm0, v62  }
0x403: {  	s16 =	sadd.s32 $0x1, s16  }
0x404: {  	p0 =	sne.s32 s16, s8  }
.Ltmp4:
0x405: {  	_ = 	snop;
	(pc) =	sbr.rel @p0 .LBB2_1-.Ltmp4, $4  }
0x406: {  	[hbm4b:s7+s2] =	stream.linear.scatter [tilespmem:s14], [sflag:$0x4], $0x200, $0x38;
	v63 =	vld [tilespmem:$0x0]  }
0x407: {  	_ =	swait.ge [sflag:s9], $0x200  }
0x408: {  	[sflag:s9] =	ssyncset.done $0x0  }
0x409: {  	[sflag:s9] =	ssyncadd.s32 $0xFFFFFE00  }
0x40a: {  	_ =	sfence.sel $0x180000  }
0x40b: {  	[bflag:$0x0] =	sbarrier.arrive $0xFFFF  }
0x40c: {  	_ =	strace $0x90000047  }
0x40d: {  	s0 =	stileid.u32;
	[bflag:$0x2] =	sbarrier.arrive $0xFFFF  }
0x40e: {  	p0 =	sne.s32 s0, $0x0;
	s0 =	rddreg [dreg:$0x3]  }
0x40f: {  	s0 =	sadd.s32 @!p0 $0x100000, s0  }
0x410: {  	[sflag:s0] =	ssyncadd.tile.s32 @!p0 $0x1;
	_ =	shalt  }
.Lfunc_end2:
_tile_overlayer_lowered:
.L_overlay_start_2:
0x411: {  	(tag) =	ssettag $0x2  }
0x412: {  	s0 =	rddreg [dreg:$0x0];
	s2 =	stileid.u32  }
0x413: {  	s1 =	rddreg [dreg:$0x1];
	p0 =	sne.s32 s2, $0x0  }
0x414: {  	s3 =	rddreg [dreg:$0x2];
	[bflag:$0x3] =	sbarrier.arrive $0xFFFF;
	s2 =	simm.s32 @!p0 $0x1C04  }
0x415: {  	[timem:s3], [sflag:s2] =	dma.local @!p0 [hbm:s0], s1  }
0x416: {  	s0 =	simm.s32 @!p0 $0x4  }
0x417: {  	_ =	swait.ge @!p0 [sflag:s0], s1  }
0x418: {  	s1 =	ssub.s32 @!p0 $0x0, s1;
	[sflag:s0] =	ssyncset.done @!p0 $0x0  }
0x419: {  	[sflag:s0] =	ssyncadd.s32 @!p0 s1  }
0x41a: {  	[bflag:$0x3] =	sbarrier.arrive $0xFFFF  }
0x41b: {  	_ =	shalt  }

</sc_bundles>
